<compile_context>
chip_gen: v7x
topology: tpu7x:2x2x1
jax: 0.10.2.dev20260603
libtpu: 0.0.44.dev20260713+nightly
codegen_flags: <defaults>
</compile_context>

<pallas_src>
import jax
import jax.numpy as jnp
from jax import lax
from jax.experimental import pallas as pl
from jax.experimental.pallas import tpu as pltpu
from jax.experimental.pallas import tpu_sc as plsc

N = 10000
E = 320000
D = 128

NC = 2
NS = 16
NW = NC * NS
L = 16

NP = 10240
EPT = E // NW
CHUNK = 32
NCH_TOT = E // CHUNK
NCH_BASE = NCH_TOT // NW
NCH_REM = NCH_TOT % NW
ROWS_PT = NP // NS

_mesh = plsc.VectorSubcoreMesh(core_axis_name="c", subcore_axis_name="s",
                               num_cores=NC, num_subcores=NS)
_sc_params = pltpu.CompilerParams(needs_layout_passes=False)


def _deg_body(ei_hbm, out_hbm, dst_v, hist_v):
    c = lax.axis_index("c")
    s = lax.axis_index("s")
    w = s * NC + c
    pltpu.sync_copy(ei_hbm.at[pl.ds(E + w * EPT, EPT)], dst_v)

    def _zero(i, carry):
        hist_v[pl.ds(i * L, L)] = jnp.zeros((L,), jnp.float32)
        return carry

    lax.fori_loop(0, NP // L, _zero, 0)

    ones = jnp.ones((L,), jnp.float32)

    def _count(i, carry):
        idx = dst_v[pl.ds(i * L, L)]
        plsc.addupdate_scatter(hist_v, [idx], ones)
        return carry

    lax.fori_loop(0, EPT // L, _count, 0)
    pltpu.sync_copy(hist_v, out_hbm.at[w])


_deg = pl.kernel(
    _deg_body,
    out_type=jax.ShapeDtypeStruct((NW, NP), jnp.float32),
    mesh=_mesh,
    scratch_types=[
        pltpu.VMEM((EPT,), jnp.int32),
        pltpu.VMEM((NP,), jnp.float32),
    ],
    compiler_params=_sc_params,
)


IBUF = 16
GLEAD = 7
SLAG = 4
GBUF = GLEAD + SLAG


def _scat_body(hs_hbm, ei_hbm, zeros_hbm, out_hbm,
               idx_v, buf, acc_sh, sem_i, sem_g, sem_s):
    c = lax.axis_index("c")
    s = lax.axis_index("s")
    w = s * NC + c
    base = w * NCH_BASE + jnp.minimum(w, NCH_REM)
    nch = NCH_BASE + jnp.where(w < NCH_REM, 1, 0)

    pltpu.sync_copy(zeros_hbm, acc_sh.at[pl.ds(s * ROWS_PT, ROWS_PT)])
    plsc.subcore_barrier()

    def _fetch_idx(i, slot):
        g = (base + i) * CHUNK
        pltpu.async_copy(ei_hbm.at[pl.ds(g, CHUNK)], idx_v.at[slot, 0],
                         sem_i)
        pltpu.async_copy(ei_hbm.at[pl.ds(E + g, CHUNK)], idx_v.at[slot, 1],
                         sem_i)

    def _wait_idx(i, slot):
        g = (base + i) * CHUNK
        pltpu.make_async_copy(ei_hbm.at[pl.ds(g, CHUNK)],
                              idx_v.at[slot, 0], sem_i).wait()
        pltpu.make_async_copy(ei_hbm.at[pl.ds(E + g, CHUNK)],
                              idx_v.at[slot, 1], sem_i).wait()

    for j in range(IBUF):
        _fetch_idx(j, j)
    for j in range(GLEAD):
        _wait_idx(j, j)
        pltpu.async_copy(hs_hbm.at[idx_v.at[j, 0]], buf.at[j], sem_g)

    def _chunk(i, carry):
        g = i % GBUF
        b = i % IBUF
        pltpu.make_async_copy(hs_hbm.at[idx_v.at[b, 0]], buf.at[g],
                              sem_g).wait()

        @pl.when(i >= SLAG)
        def _():
            pltpu.make_async_copy(buf.at[(i - SLAG) % GBUF],
                                  acc_sh.at[idx_v.at[b, 1]], sem_s).wait()

        pltpu.async_copy(buf.at[g], acc_sh.at[idx_v.at[b, 1]], sem_s,
                         add=True)

        @pl.when(i + GLEAD < nch)
        def _():
            bn = (i + GLEAD) % IBUF
            _wait_idx(i + GLEAD, bn)
            pltpu.async_copy(hs_hbm.at[idx_v.at[bn, 0]],
                             buf.at[(i + GLEAD) % GBUF], sem_g)

        @pl.when(i + IBUF < nch)
        def _():
            _fetch_idx(i + IBUF, (i + IBUF) % IBUF)

        return carry

    lax.fori_loop(0, nch, _chunk, 0)
    for _ in range(SLAG):
        pltpu.make_async_copy(buf.at[0], acc_sh.at[idx_v.at[0, 1]],
                              sem_s).wait()
    plsc.subcore_barrier()

    pltpu.sync_copy(acc_sh.at[pl.ds(s * ROWS_PT, ROWS_PT)],
                    out_hbm.at[c, pl.ds(s * ROWS_PT, ROWS_PT)])


_scat = pl.kernel(
    _scat_body,
    out_type=jax.ShapeDtypeStruct((NC, NP, D), jnp.float32),
    mesh=_mesh,
    scratch_types=[
        pltpu.VMEM((IBUF, 2, CHUNK), jnp.int32),
        pltpu.VMEM((GBUF, CHUNK, D), jnp.float32),
        pltpu.VMEM_SHARED((NP, D), jnp.float32),
        pltpu.SemaphoreType.DMA,
        pltpu.SemaphoreType.DMA,
        pltpu.SemaphoreType.DMA,
    ],
    compiler_params=_sc_params,
)


BN = 2048


def _mm0_body(x_ref, w1_ref, h_ref):
    h_ref[...] = jnp.dot(x_ref[...], w1_ref[...],
                         preferred_element_type=jnp.float32)


def _mm0(x_p, W1):
    return pl.pallas_call(
        _mm0_body,
        grid=(NP // BN,),
        in_specs=[
            pl.BlockSpec((BN, D), lambda i: (i, 0)),
            pl.BlockSpec((D, D), lambda i: (0, 0)),
        ],
        out_specs=pl.BlockSpec((BN, D), lambda i: (i, 0)),
        out_shape=jax.ShapeDtypeStruct((NP, D), jnp.float32),
    )(x_p, W1)


def _scale_body(degp_ref, h_ref, hs_ref, dis_ref):
    deg = jnp.sum(degp_ref[...], axis=0) + 1.0
    dis = lax.rsqrt(deg)
    hs_ref[...] = h_ref[...] * dis[:, None]
    dis_ref[...] = dis


def _scale(deg_parts, h1u):
    return pl.pallas_call(
        _scale_body,
        grid=(NP // BN,),
        in_specs=[
            pl.BlockSpec((NW, BN), lambda i: (0, i)),
            pl.BlockSpec((BN, D), lambda i: (i, 0)),
        ],
        out_specs=[
            pl.BlockSpec((BN, D), lambda i: (i, 0)),
            pl.BlockSpec((BN,), lambda i: (i,)),
        ],
        out_shape=[
            jax.ShapeDtypeStruct((NP, D), jnp.float32),
            jax.ShapeDtypeStruct((NP,), jnp.float32),
        ],
    )(deg_parts, h1u)


def _mid_body(part_ref, hs_ref, dis_ref, b_ref, w_ref, out_ref):
    acc = part_ref[0] + part_ref[1] + hs_ref[...]
    dis = dis_ref[...]
    t = jnp.maximum(acc * dis[:, None] + b_ref[...], 0.0)
    out_ref[...] = jnp.dot(t * dis[:, None], w_ref[...],
                           preferred_element_type=jnp.float32)


def _mid(part, hs, dis, b, W):
    return pl.pallas_call(
        _mid_body,
        grid=(NP // BN,),
        in_specs=[
            pl.BlockSpec((NC, BN, D), lambda i: (0, i, 0)),
            pl.BlockSpec((BN, D), lambda i: (i, 0)),
            pl.BlockSpec((BN,), lambda i: (i,)),
            pl.BlockSpec((D,), lambda i: (0,)),
            pl.BlockSpec((D, D), lambda i: (0, 0)),
        ],
        out_specs=pl.BlockSpec((BN, D), lambda i: (i, 0)),
        out_shape=jax.ShapeDtypeStruct((NP, D), jnp.float32),
    )(part, hs, dis, b, W)


def _fin_body(part_ref, hs_ref, dis_ref, b_ref, wl_ref, bl_ref, out_ref):
    acc = part_ref[0] + part_ref[1] + hs_ref[...]
    dis = dis_ref[...]
    t = jnp.maximum(acc * dis[:, None] + b_ref[...], 0.0)
    out_ref[...] = jnp.dot(t, wl_ref[...],
                           preferred_element_type=jnp.float32) + bl_ref[...]


def _fin(part, hs, dis, b2, Wl, bl):
    return pl.pallas_call(
        _fin_body,
        grid=(NP // BN,),
        in_specs=[
            pl.BlockSpec((NC, BN, D), lambda i: (0, i, 0)),
            pl.BlockSpec((BN, D), lambda i: (i, 0)),
            pl.BlockSpec((BN,), lambda i: (i,)),
            pl.BlockSpec((D,), lambda i: (0,)),
            pl.BlockSpec((D, D), lambda i: (0, 0)),
            pl.BlockSpec((D,), lambda i: (0,)),
        ],
        out_specs=pl.BlockSpec((BN, D), lambda i: (i, 0)),
        out_shape=jax.ShapeDtypeStruct((NP, D), jnp.float32),
    )(part, hs, dis, b2, Wl, bl)


@jax.jit
def kernel(x, edge_index, W1, b1, W2, b2, Wl, bl):
    x_p = jnp.pad(x, ((0, NP - N), (0, 0)))
    zeros_blk = jnp.zeros((ROWS_PT, D), jnp.float32)

    ei_flat = edge_index.reshape(2 * E)
    deg_parts = _deg(ei_flat)
    h1u = _mm0(x_p, W1)
    hs1, dis = _scale(deg_parts, h1u)
    part1 = _scat(hs1, ei_flat, zeros_blk)
    hs2 = _mid(part1, hs1, dis, b1, W2)
    part2 = _scat(hs2, ei_flat, zeros_blk)
    out = _fin(part2, hs2, dis, b2, Wl, bl)
    return out[:N]

# --- scband reference (transcript-rebuilt; emitter-appended) ---
"""Pipeline reference for scband-trivial-gnn-13365938225232 (READ-ONLY COPY).

The authoritative reference and input builder live on the scoring server;
editing this copy changes nothing except your own understanding.
"""

import jax, jax.numpy as jnp
import numpy as np

N = 10000
E = 320000
D_IN = 128
D_H = 128
D_OUT = 128


def setup_inputs(seed: int = 0) -> dict:
    key = jax.random.key(seed)
    ks = jax.random.split(key, 8)
    x = jax.random.normal(ks[0], (N, D_IN), dtype=jnp.float32)
    edge_index = jax.random.randint(ks[1], (2, E), 0, N, dtype=jnp.int32)
    # GCNConv layer 1 (lin has no bias; conv has its own bias)
    s1 = float(np.sqrt(6.0 / (D_IN + D_H)))
    W1 = jax.random.uniform(ks[2], (D_IN, D_H), dtype=jnp.float32, minval=-s1, maxval=s1)
    b1 = jnp.zeros((D_H,), dtype=jnp.float32)
    s2 = float(np.sqrt(6.0 / (D_H + D_H)))
    W2 = jax.random.uniform(ks[3], (D_H, D_H), dtype=jnp.float32, minval=-s2, maxval=s2)
    b2 = jnp.zeros((D_H,), dtype=jnp.float32)
    sl = float(np.sqrt(6.0 / (D_H + D_OUT)))
    Wl = jax.random.uniform(ks[4], (D_H, D_OUT), dtype=jnp.float32, minval=-sl, maxval=sl)
    bl = jax.random.uniform(ks[5], (D_OUT,), dtype=jnp.float32, minval=-sl, maxval=sl)
    return {"x": x, "edge_index": edge_index, "W1": W1, "b1": b1, "W2": W2, "b2": b2, "Wl": Wl, "bl": bl}


def _gcn_conv(x, src, dst, W, b, num_nodes):
    # PyG GCNConv with normalize=True, add_self_loops=True, eval mode.
    loop = jnp.arange(num_nodes, dtype=src.dtype)
    s = jnp.concatenate([src, loop])
    d = jnp.concatenate([dst, loop])
    ew = jnp.ones((s.shape[0],), dtype=x.dtype)
    deg = jnp.zeros((num_nodes,), dtype=x.dtype).at[d].add(ew)
    dis = jnp.where(deg > 0, jax.lax.rsqrt(jnp.maximum(deg, 1e-12)), 0.0)
    norm = dis[s] * dis[d]
    h = x @ W
    msg = h[s] * norm[:, None]
    out = jnp.zeros((num_nodes, W.shape[1]), dtype=x.dtype).at[d].add(msg)
    return out + b


def reference(x, edge_index, W1, b1, W2, b2, Wl, bl):
    src = edge_index[0]
    dst = edge_index[1]
    h = _gcn_conv(x, src, dst, W1, b1, N)
    h = jax.nn.relu(h)
    # dropout p=0.5 is identity in eval mode
    h = _gcn_conv(h, src, dst, W2, b2, N)
    h = jax.nn.relu(h)
    out = h @ Wl + bl
    return out

if __name__ == "__main__":
    import jax
    _d = setup_inputs()
    print(jax.jit(kernel)(*tuple(_d.values())))

</pallas_src>

<mosaic_0001>
#map = affine_map<(d0, d1) -> (0)>
#map1 = affine_map<(d0, d1) -> (0, 0)>
module attributes {stable_mosaic.version = 14 : i64} {
  func.func @_deg_body(%arg0: i32, %arg1: i32, %arg2: memref<640000xi32, #tpu.memory_space<hbm>>, %arg3: memref<32x10240xf32, #tpu.memory_space<hbm>>, %arg4: memref<10000xi32, #tpu.memory_space<vmem>>, %arg5: memref<10240xf32, #tpu.memory_space<vmem>>) attributes {dimension_semantics = [#tpu.dimension_semantics<core_parallel>, #tpu.dimension_semantics<subcore_parallel>], iteration_bounds = array<i64: 2, 16>, scalar_prefetch = 0 : i64, scratch_operands = 2 : i64, tpu.core_type = #tpu.core_type<sc_vector_subcore>, window_params = [{transform_indices = #map}, {transform_indices = #map1}]} {
    %mul3A = arith.constant 2 : i32
    %mul3A_0 = arith.muli %arg1, %mul3A : i32
    %add3A = arith.addi %mul3A_0, %arg0 : i32
    %mul3A_1 = arith.constant 10000 : i32
    %mul3A_2 = arith.muli %add3A, %mul3A_1 : i32
    %add3A_3 = arith.constant 320000 : i32
    %add3A_4 = arith.addi %add3A_3, %mul3A_2 : i32
    "tpu.region"() ({
      %run_scoped3A = tpu.sem_alloc : memref<!tpu.dma_semaphore, #tpu.memory_space<semaphore_mem>>
      %dma_start3A = tpu.memref_slice %arg2[%add3A_4] : memref<640000xi32, #tpu.memory_space<hbm>> -> memref<10000xi32, #tpu.memory_space<hbm>>
      %dma_start3A_17 = tpu.memref_slice %arg2[%add3A_4] : memref<640000xi32, #tpu.memory_space<hbm>> -> memref<10000xi32, #tpu.memory_space<hbm>>
      tpu.enqueue_dma source(%dma_start3A_17 : memref<10000xi32, #tpu.memory_space<hbm>>) target(%arg4 : memref<10000xi32, #tpu.memory_space<vmem>>) target_semaphore(%run_scoped3A : memref<!tpu.dma_semaphore, #tpu.memory_space<semaphore_mem>>)
      %dma_wait3A = tpu.memref_slice %arg2[%add3A_4] : memref<640000xi32, #tpu.memory_space<hbm>> -> memref<10000xi32, #tpu.memory_space<hbm>>
      %dma_wait3A_18 = tpu.memref_slice %arg2[%add3A_4] : memref<640000xi32, #tpu.memory_space<hbm>> -> memref<10000xi32, #tpu.memory_space<hbm>>
      tpu.wait_dma2 semaphore(%run_scoped3A : memref<!tpu.dma_semaphore, #tpu.memory_space<semaphore_mem>>) src(%dma_wait3A_18 : memref<10000xi32, #tpu.memory_space<hbm>>) dst(%arg4 : memref<10000xi32, #tpu.memory_space<vmem>>)
      tpu.yield
    }) : () -> ()
    %scan3A = arith.constant 0 : i32
    %scan3A_5 = arith.constant 0 : i32
    %scan3A_6 = arith.constant 640 : i32
    %scan3A_7 = arith.addi %scan3A_5, %scan3A_6 : i32
    %scan3A_8 = arith.constant 1 : i32
    scf.for %scan3A_17 = %scan3A_5 to %scan3A_7 step %scan3A_8  : i32 {
      %broadcast_in_dim3A_18 = arith.constant 0.000000e+00 : f32
      %broadcast_in_dim3A_19 = vector.broadcast %broadcast_in_dim3A_18 : f32 to vector<16xf32>
      %mul3A_20 = arith.constant 16 : i32
      %mul3A_21 = arith.muli %scan3A_17, %mul3A_20 : i32
      %swap3A = arith.index_cast %mul3A_21 : i32 to index
      %swap3A_22 = tpu.vector_load %arg5[%swap3A] {strides = array<i32>} : memref<10240xf32, #tpu.memory_space<vmem>>, vector<16xf32>,
      tpu.vector_store %arg5[%swap3A], %broadcast_in_dim3A_19 {strides = array<i32>} : memref<10240xf32, #tpu.memory_space<vmem>>, vector<16xf32>,
    }
    %scan3A_9 = arith.constant 640 : i32
    %broadcast_in_dim3A = arith.constant 1.000000e+00 : f32
    %broadcast_in_dim3A_10 = vector.broadcast %broadcast_in_dim3A : f32 to vector<16xf32>
    %scan3A_11 = arith.constant 0 : i32
    %scan3A_12 = arith.constant 0 : i32
    %scan3A_13 = arith.constant 625 : i32
    %scan3A_14 = arith.addi %scan3A_12, %scan3A_13 : i32
    %scan3A_15 = arith.constant 1 : i32
    scf.for %scan3A_17 = %scan3A_12 to %scan3A_14 step %scan3A_15  : i32 {
      %mul3A_18 = arith.constant 16 : i32
      %mul3A_19 = arith.muli %scan3A_17, %mul3A_18 : i32
      %get3A = arith.index_cast %mul3A_19 : i32 to index
      %get3A_20 = tpu.vector_load %arg4[%get3A] {strides = array<i32>} : memref<10000xi32, #tpu.memory_space<vmem>>, vector<16xi32>,
      tpu.vector_store_idx %arg5[%get3A_20], %broadcast_in_dim3A_10 {add = true} : memref<10240xf32, #tpu.memory_space<vmem>>[vector<16xi32>], vector<16xf32>,
    }
    %scan3A_16 = arith.constant 625 : i32
    "tpu.region"() ({
      %run_scoped3A = tpu.sem_alloc : memref<!tpu.dma_semaphore, #tpu.memory_space<semaphore_mem>>
      %dma_start3A = arith.constant 0 : i32
      %dma_start3A_17 = tpu.memref_slice %arg3[%add3A, %dma_start3A] : memref<32x10240xf32, #tpu.memory_space<hbm>> -> memref<1x10240xf32, #tpu.memory_space<hbm>>
      %dma_start3A_18 = tpu.memref_squeeze %dma_start3A_17 : memref<1x10240xf32, #tpu.memory_space<hbm>> -> memref<10240xf32, #tpu.memory_space<hbm>>
      %dma_start3A_19 = arith.constant 0 : i32
      %dma_start3A_20 = tpu.memref_slice %arg3[%add3A, %dma_start3A_19] : memref<32x10240xf32, #tpu.memory_space<hbm>> -> memref<1x10240xf32, #tpu.memory_space<hbm>>
      %dma_start3A_21 = tpu.memref_squeeze %dma_start3A_20 : memref<1x10240xf32, #tpu.memory_space<hbm>> -> memref<10240xf32, #tpu.memory_space<hbm>>
      tpu.enqueue_dma source(%arg5 : memref<10240xf32, #tpu.memory_space<vmem>>) target(%dma_start3A_21 : memref<10240xf32, #tpu.memory_space<hbm>>) target_semaphore(%run_scoped3A : memref<!tpu.dma_semaphore, #tpu.memory_space<semaphore_mem>>)
      %dma_wait3A = arith.constant 0 : i32
      %dma_wait3A_22 = tpu.memref_slice %arg3[%add3A, %dma_wait3A] : memref<32x10240xf32, #tpu.memory_space<hbm>> -> memref<1x10240xf32, #tpu.memory_space<hbm>>
      %dma_wait3A_23 = tpu.memref_squeeze %dma_wait3A_22 : memref<1x10240xf32, #tpu.memory_space<hbm>> -> memref<10240xf32, #tpu.memory_space<hbm>>
      %dma_wait3A_24 = arith.constant 0 : i32
      %dma_wait3A_25 = tpu.memref_slice %arg3[%add3A, %dma_wait3A_24] : memref<32x10240xf32, #tpu.memory_space<hbm>> -> memref<1x10240xf32, #tpu.memory_space<hbm>>
      %dma_wait3A_26 = tpu.memref_squeeze %dma_wait3A_25 : memref<1x10240xf32, #tpu.memory_space<hbm>> -> memref<10240xf32, #tpu.memory_space<hbm>>
      tpu.wait_dma2 semaphore(%run_scoped3A : memref<!tpu.dma_semaphore, #tpu.memory_space<semaphore_mem>>) src(%arg5 : memref<10240xf32, #tpu.memory_space<vmem>>) dst(%dma_wait3A_26 : memref<10240xf32, #tpu.memory_space<hbm>>)
      tpu.yield
    }) : () -> ()
    return
  }
}

#map = affine_map<(d0, d1) -> (0, 0)>
#map1 = affine_map<(d0, d1) -> (0)>
#map2 = affine_map<(d0, d1) -> (0, 0, 0)>
module attributes {stable_mosaic.version = 14 : i64} {
  func.func @_scat_body(%arg0: i32, %arg1: i32, %arg2: memref<10240x128xf32, #tpu.memory_space<hbm>>, %arg3: memref<640000xi32, #tpu.memory_space<hbm>>, %arg4: memref<640x128xf32, #tpu.memory_space<hbm>>, %arg5: memref<2x10240x128xf32, #tpu.memory_space<hbm>>, %arg6: memref<16x2x32xi32, #tpu.memory_space<vmem>>, %arg7: memref<11x32x128xf32, #tpu.memory_space<vmem>>, %arg8: memref<10240x128xf32, #tpu.memory_space<vmem_shared>>, %arg9: memref<!tpu.dma_semaphore, #tpu.memory_space<semaphore_mem>>, %arg10: memref<!tpu.dma_semaphore, #tpu.memory_space<semaphore_mem>>, %arg11: memref<!tpu.dma_semaphore, #tpu.memory_space<semaphore_mem>>) attributes {dimension_semantics = [#tpu.dimension_semantics<core_parallel>, #tpu.dimension_semantics<subcore_parallel>], iteration_bounds = array<i64: 2, 16>, scalar_prefetch = 0 : i64, scratch_operands = 6 : i64, tpu.core_type = #tpu.core_type<sc_vector_subcore>, window_params = [{transform_indices = #map}, {transform_indices = #map1}, {transform_indices = #map}, {transform_indices = #map2}]} {
    %mul3A = arith.constant 2 : i32
    %mul3A_0 = arith.muli %arg1, %mul3A : i32
    %add3A = arith.addi %mul3A_0, %arg0 : i32
    %mul3A_1 = arith.constant 312 : i32
    %mul3A_2 = arith.muli %add3A, %mul3A_1 : i32
    %min3A = arith.constant 16 : i32
    %min3A_3 = arith.minsi %add3A, %min3A : i32
    %add3A_4 = arith.addi %mul3A_2, %min3A_3 : i32
    %lt3A = arith.constant 16 : i32
    %lt3A_5 = arith.cmpi slt, %add3A, %lt3A : i32
    %jit3A = arith.constant 1 : i32
    %jit3A_6 = arith.constant 0 : i32
    %select_n3A = arith.select %lt3A_5, %jit3A, %jit3A_6 : i32
    %add3A_7 = arith.constant 312 : i32
    %add3A_8 = arith.addi %add3A_7, %select_n3A : i32
    %mul3A_9 = arith.constant 640 : i32
    %mul3A_10 = arith.muli %arg1, %mul3A_9 : i32
    "tpu.region"() ({
      %run_scoped3A = tpu.sem_alloc : memref<!tpu.dma_semaphore, #tpu.memory_space<semaphore_mem>>
      %dma_start3A_764 = arith.constant 0 : i32
      %dma_start3A_765 = tpu.memref_slice %arg8[%mul3A_10, %dma_start3A_764] : memref<10240x128xf32, #tpu.memory_space<vmem_shared>> -> memref<640x128xf32, #tpu.memory_space<vmem_shared>>
      tpu.enqueue_dma source(%arg4 : memref<640x128xf32, #tpu.memory_space<hbm>>) target(%dma_start3A_765 : memref<640x128xf32, #tpu.memory_space<vmem_shared>>) target_semaphore(%run_scoped3A : memref<!tpu.dma_semaphore, #tpu.memory_space<semaphore_mem>>)
      %dma_wait3A_766 = arith.constant 0 : i32
      %dma_wait3A_767 = tpu.memref_slice %arg8[%mul3A_10, %dma_wait3A_766] : memref<10240x128xf32, #tpu.memory_space<vmem_shared>> -> memref<640x128xf32, #tpu.memory_space<vmem_shared>>
      tpu.wait_dma2 semaphore(%run_scoped3A : memref<!tpu.dma_semaphore, #tpu.memory_space<semaphore_mem>>) src(%arg4 : memref<640x128xf32, #tpu.memory_space<hbm>>) dst(%dma_wait3A_767 : memref<640x128xf32, #tpu.memory_space<vmem_shared>>)
      tpu.yield
    }) : () -> ()
    %barrier3A = arith.constant 0 : index
    tpu.barrier barrier_id(%barrier3A)
    %add3A_11 = arith.constant 0 : i32
    %add3A_12 = arith.addi %add3A_4, %add3A_11 : i32
    %mul3A_13 = arith.constant 32 : i32
    %mul3A_14 = arith.muli %add3A_12, %mul3A_13 : i32
    %dma_start3A = arith.constant 0 : i32
    %dma_start3A_15 = arith.constant 0 : i32
    %dma_start3A_16 = arith.constant 0 : i32
    %dma_start3A_17 = tpu.memref_slice %arg6[%dma_start3A, %dma_start3A_15, %dma_start3A_16] : memref<16x2x32xi32, #tpu.memory_space<vmem>> -> memref<1x1x32xi32, #tpu.memory_space<vmem>>
    %dma_start3A_18 = tpu.memref_squeeze %dma_start3A_17 : memref<1x1x32xi32, #tpu.memory_space<vmem>> -> memref<32xi32, #tpu.memory_space<vmem>>
    %dma_start3A_19 = tpu.memref_slice %arg3[%mul3A_14] : memref<640000xi32, #tpu.memory_space<hbm>> -> memref<32xi32, #tpu.memory_space<hbm>>
    %dma_start3A_20 = arith.constant 0 : i32
    %dma_start3A_21 = tpu.memref_slice %arg6[%dma_start3A, %dma_start3A_15, %dma_start3A_20] : memref<16x2x32xi32, #tpu.memory_space<vmem>> -> memref<1x1x32xi32, #tpu.memory_space<vmem>>
    %dma_start3A_22 = tpu.memref_squeeze %dma_start3A_21 : memref<1x1x32xi32, #tpu.memory_space<vmem>> -> memref<32xi32, #tpu.memory_space<vmem>>
    %dma_start3A_23 = tpu.memref_slice %arg3[%mul3A_14] : memref<640000xi32, #tpu.memory_space<hbm>> -> memref<32xi32, #tpu.memory_space<hbm>>
    tpu.enqueue_dma source(%dma_start3A_23 : memref<32xi32, #tpu.memory_space<hbm>>) target(%dma_start3A_22 : memref<32xi32, #tpu.memory_space<vmem>>) target_semaphore(%arg9 : memref<!tpu.dma_semaphore, #tpu.memory_space<semaphore_mem>>)
    %add3A_24 = arith.constant 320000 : i32
    %add3A_25 = arith.addi %add3A_24, %mul3A_14 : i32
    %dma_start3A_26 = arith.constant 0 : i32
    %dma_start3A_27 = arith.constant 1 : i32
    %dma_start3A_28 = arith.constant 0 : i32
    %dma_start3A_29 = tpu.memref_slice %arg6[%dma_start3A_26, %dma_start3A_27, %dma_start3A_28] : memref<16x2x32xi32, #tpu.memory_space<vmem>> -> memref<1x1x32xi32, #tpu.memory_space<vmem>>
    %dma_start3A_30 = tpu.memref_squeeze %dma_start3A_29 : memref<1x1x32xi32, #tpu.memory_space<vmem>> -> memref<32xi32, #tpu.memory_space<vmem>>
    %dma_start3A_31 = tpu.memref_slice %arg3[%add3A_25] : memref<640000xi32, #tpu.memory_space<hbm>> -> memref<32xi32, #tpu.memory_space<hbm>>
    %dma_start3A_32 = arith.constant 0 : i32
    %dma_start3A_33 = tpu.memref_slice %arg6[%dma_start3A_26, %dma_start3A_27, %dma_start3A_32] : memref<16x2x32xi32, #tpu.memory_space<vmem>> -> memref<1x1x32xi32, #tpu.memory_space<vmem>>
    %dma_start3A_34 = tpu.memref_squeeze %dma_start3A_33 : memref<1x1x32xi32, #tpu.memory_space<vmem>> -> memref<32xi32, #tpu.memory_space<vmem>>
    %dma_start3A_35 = tpu.memref_slice %arg3[%add3A_25] : memref<640000xi32, #tpu.memory_space<hbm>> -> memref<32xi32, #tpu.memory_space<hbm>>
    tpu.enqueue_dma source(%dma_start3A_35 : memref<32xi32, #tpu.memory_space<hbm>>) target(%dma_start3A_34 : memref<32xi32, #tpu.memory_space<vmem>>) target_semaphore(%arg9 : memref<!tpu.dma_semaphore, #tpu.memory_space<semaphore_mem>>)
    %add3A_36 = arith.constant 1 : i32
    %add3A_37 = arith.addi %add3A_4, %add3A_36 : i32
    %mul3A_38 = arith.constant 32 : i32
    %mul3A_39 = arith.muli %add3A_37, %mul3A_38 : i32
    %dma_start3A_40 = arith.constant 1 : i32
    %dma_start3A_41 = arith.constant 0 : i32
    %dma_start3A_42 = arith.constant 0 : i32
    %dma_start3A_43 = tpu.memref_slice %arg6[%dma_start3A_40, %dma_start3A_41, %dma_start3A_42] : memref<16x2x32xi32, #tpu.memory_space<vmem>> -> memref<1x1x32xi32, #tpu.memory_space<vmem>>
    %dma_start3A_44 = tpu.memref_squeeze %dma_start3A_43 : memref<1x1x32xi32, #tpu.memory_space<vmem>> -> memref<32xi32, #tpu.memory_space<vmem>>
    %dma_start3A_45 = tpu.memref_slice %arg3[%mul3A_39] : memref<640000xi32, #tpu.memory_space<hbm>> -> memref<32xi32, #tpu.memory_space<hbm>>
    %dma_start3A_46 = arith.constant 0 : i32
    %dma_start3A_47 = tpu.memref_slice %arg6[%dma_start3A_40, %dma_start3A_41, %dma_start3A_46] : memref<16x2x32xi32, #tpu.memory_space<vmem>> -> memref<1x1x32xi32, #tpu.memory_space<vmem>>
    %dma_start3A_48 = tpu.memref_squeeze %dma_start3A_47 : memref<1x1x32xi32, #tpu.memory_space<vmem>> -> memref<32xi32, #tpu.memory_space<vmem>>
    %dma_start3A_49 = tpu.memref_slice %arg3[%mul3A_39] : memref<640000xi32, #tpu.memory_space<hbm>> -> memref<32xi32, #tpu.memory_space<hbm>>
    tpu.enqueue_dma source(%dma_start3A_49 : memref<32xi32, #tpu.memory_space<hbm>>) target(%dma_start3A_48 : memref<32xi32, #tpu.memory_space<vmem>>) target_semaphore(%arg9 : memref<!tpu.dma_semaphore, #tpu.memory_space<semaphore_mem>>)
    %add3A_50 = arith.constant 320000 : i32
    %add3A_51 = arith.addi %add3A_50, %mul3A_39 : i32
    %dma_start3A_52 = arith.constant 1 : i32
    %dma_start3A_53 = arith.constant 1 : i32
    %dma_start3A_54 = arith.constant 0 : i32
    %dma_start3A_55 = tpu.memref_slice %arg6[%dma_start3A_52, %dma_start3A_53, %dma_start3A_54] : memref<16x2x32xi32, #tpu.memory_space<vmem>> -> memref<1x1x32xi32, #tpu.memory_space<vmem>>
    %dma_start3A_56 = tpu.memref_squeeze %dma_start3A_55 : memref<1x1x32xi32, #tpu.memory_space<vmem>> -> memref<32xi32, #tpu.memory_space<vmem>>
    %dma_start3A_57 = tpu.memref_slice %arg3[%add3A_51] : memref<640000xi32, #tpu.memory_space<hbm>> -> memref<32xi32, #tpu.memory_space<hbm>>
    %dma_start3A_58 = arith.constant 0 : i32
    %dma_start3A_59 = tpu.memref_slice %arg6[%dma_start3A_52, %dma_start3A_53, %dma_start3A_58] : memref<16x2x32xi32, #tpu.memory_space<vmem>> -> memref<1x1x32xi32, #tpu.memory_space<vmem>>
    %dma_start3A_60 = tpu.memref_squeeze %dma_start3A_59 : memref<1x1x32xi32, #tpu.memory_space<vmem>> -> memref<32xi32, #tpu.memory_space<vmem>>
    %dma_start3A_61 = tpu.memref_slice %arg3[%add3A_51] : memref<640000xi32, #tpu.memory_space<hbm>> -> memref<32xi32, #tpu.memory_space<hbm>>
    tpu.enqueue_dma source(%dma_start3A_61 : memref<32xi32, #tpu.memory_space<hbm>>) target(%dma_start3A_60 : memref<32xi32, #tpu.memory_space<vmem>>) target_semaphore(%arg9 : memref<!tpu.dma_semaphore, #tpu.memory_space<semaphore_mem>>)
    %add3A_62 = arith.constant 2 : i32
    %add3A_63 = arith.addi %add3A_4, %add3A_62 : i32
    %mul3A_64 = arith.constant 32 : i32
    %mul3A_65 = arith.muli %add3A_63, %mul3A_64 : i32
    %dma_start3A_66 = arith.constant 2 : i32
    %dma_start3A_67 = arith.constant 0 : i32
    %dma_start3A_68 = arith.constant 0 : i32
    %dma_start3A_69 = tpu.memref_slice %arg6[%dma_start3A_66, %dma_start3A_67, %dma_start3A_68] : memref<16x2x32xi32, #tpu.memory_space<vmem>> -> memref<1x1x32xi32, #tpu.memory_space<vmem>>
    %dma_start3A_70 = tpu.memref_squeeze %dma_start3A_69 : memref<1x1x32xi32, #tpu.memory_space<vmem>> -> memref<32xi32, #tpu.memory_space<vmem>>
    %dma_start3A_71 = tpu.memref_slice %arg3[%mul3A_65] : memref<640000xi32, #tpu.memory_space<hbm>> -> memref<32xi32, #tpu.memory_space<hbm>>
    %dma_start3A_72 = arith.constant 0 : i32
    %dma_start3A_73 = tpu.memref_slice %arg6[%dma_start3A_66, %dma_start3A_67, %dma_start3A_72] : memref<16x2x32xi32, #tpu.memory_space<vmem>> -> memref<1x1x32xi32, #tpu.memory_space<vmem>>
    %dma_start3A_74 = tpu.memref_squeeze %dma_start3A_73 : memref<1x1x32xi32, #tpu.memory_space<vmem>> -> memref<32xi32, #tpu.memory_space<vmem>>
    %dma_start3A_75 = tpu.memref_slice %arg3[%mul3A_65] : memref<640000xi32, #tpu.memory_space<hbm>> -> memref<32xi32, #tpu.memory_space<hbm>>
    tpu.enqueue_dma source(%dma_start3A_75 : memref<32xi32, #tpu.memory_space<hbm>>) target(%dma_start3A_74 : memref<32xi32, #tpu.memory_space<vmem>>) target_semaphore(%arg9 : memref<!tpu.dma_semaphore, #tpu.memory_space<semaphore_mem>>)
    %add3A_76 = arith.constant 320000 : i32
    %add3A_77 = arith.addi %add3A_76, %mul3A_65 : i32
    %dma_start3A_78 = arith.constant 2 : i32
    %dma_start3A_79 = arith.constant 1 : i32
    %dma_start3A_80 = arith.constant 0 : i32
    %dma_start3A_81 = tpu.memref_slice %arg6[%dma_start3A_78, %dma_start3A_79, %dma_start3A_80] : memref<16x2x32xi32, #tpu.memory_space<vmem>> -> memref<1x1x32xi32, #tpu.memory_space<vmem>>
    %dma_start3A_82 = tpu.memref_squeeze %dma_start3A_81 : memref<1x1x32xi32, #tpu.memory_space<vmem>> -> memref<32xi32, #tpu.memory_space<vmem>>
    %dma_start3A_83 = tpu.memref_slice %arg3[%add3A_77] : memref<640000xi32, #tpu.memory_space<hbm>> -> memref<32xi32, #tpu.memory_space<hbm>>
    %dma_start3A_84 = arith.constant 0 : i32
    %dma_start3A_85 = tpu.memref_slice %arg6[%dma_start3A_78, %dma_start3A_79, %dma_start3A_84] : memref<16x2x32xi32, #tpu.memory_space<vmem>> -> memref<1x1x32xi32, #tpu.memory_space<vmem>>
    %dma_start3A_86 = tpu.memref_squeeze %dma_start3A_85 : memref<1x1x32xi32, #tpu.memory_space<vmem>> -> memref<32xi32, #tpu.memory_space<vmem>>
    %dma_start3A_87 = tpu.memref_slice %arg3[%add3A_77] : memref<640000xi32, #tpu.memory_space<hbm>> -> memref<32xi32, #tpu.memory_space<hbm>>
    tpu.enqueue_dma source(%dma_start3A_87 : memref<32xi32, #tpu.memory_space<hbm>>) target(%dma_start3A_86 : memref<32xi32, #tpu.memory_space<vmem>>) target_semaphore(%arg9 : memref<!tpu.dma_semaphore, #tpu.memory_space<semaphore_mem>>)
    %add3A_88 = arith.constant 3 : i32
    %add3A_89 = arith.addi %add3A_4, %add3A_88 : i32
    %mul3A_90 = arith.constant 32 : i32
    %mul3A_91 = arith.muli %add3A_89, %mul3A_90 : i32
    %dma_start3A_92 = arith.constant 3 : i32
    %dma_start3A_93 = arith.constant 0 : i32
    %dma_start3A_94 = arith.constant 0 : i32
    %dma_start3A_95 = tpu.memref_slice %arg6[%dma_start3A_92, %dma_start3A_93, %dma_start3A_94] : memref<16x2x32xi32, #tpu.memory_space<vmem>> -> memref<1x1x32xi32, #tpu.memory_space<vmem>>
    %dma_start3A_96 = tpu.memref_squeeze %dma_start3A_95 : memref<1x1x32xi32, #tpu.memory_space<vmem>> -> memref<32xi32, #tpu.memory_space<vmem>>
    %dma_start3A_97 = tpu.memref_slice %arg3[%mul3A_91] : memref<640000xi32, #tpu.memory_space<hbm>> -> memref<32xi32, #tpu.memory_space<hbm>>
    %dma_start3A_98 = arith.constant 0 : i32
    %dma_start3A_99 = tpu.memref_slice %arg6[%dma_start3A_92, %dma_start3A_93, %dma_start3A_98] : memref<16x2x32xi32, #tpu.memory_space<vmem>> -> memref<1x1x32xi32, #tpu.memory_space<vmem>>
    %dma_start3A_100 = tpu.memref_squeeze %dma_start3A_99 : memref<1x1x32xi32, #tpu.memory_space<vmem>> -> memref<32xi32, #tpu.memory_space<vmem>>
    %dma_start3A_101 = tpu.memref_slice %arg3[%mul3A_91] : memref<640000xi32, #tpu.memory_space<hbm>> -> memref<32xi32, #tpu.memory_space<hbm>>
    tpu.enqueue_dma source(%dma_start3A_101 : memref<32xi32, #tpu.memory_space<hbm>>) target(%dma_start3A_100 : memref<32xi32, #tpu.memory_space<vmem>>) target_semaphore(%arg9 : memref<!tpu.dma_semaphore, #tpu.memory_space<semaphore_mem>>)
    %add3A_102 = arith.constant 320000 : i32
    %add3A_103 = arith.addi %add3A_102, %mul3A_91 : i32
    %dma_start3A_104 = arith.constant 3 : i32
    %dma_start3A_105 = arith.constant 1 : i32
    %dma_start3A_106 = arith.constant 0 : i32
    %dma_start3A_107 = tpu.memref_slice %arg6[%dma_start3A_104, %dma_start3A_105, %dma_start3A_106] : memref<16x2x32xi32, #tpu.memory_space<vmem>> -> memref<1x1x32xi32, #tpu.memory_space<vmem>>
    %dma_start3A_108 = tpu.memref_squeeze %dma_start3A_107 : memref<1x1x32xi32, #tpu.memory_space<vmem>> -> memref<32xi32, #tpu.memory_space<vmem>>
    %dma_start3A_109 = tpu.memref_slice %arg3[%add3A_103] : memref<640000xi32, #tpu.memory_space<hbm>> -> memref<32xi32, #tpu.memory_space<hbm>>
    %dma_start3A_110 = arith.constant 0 : i32
    %dma_start3A_111 = tpu.memref_slice %arg6[%dma_start3A_104, %dma_start3A_105, %dma_start3A_110] : memref<16x2x32xi32, #tpu.memory_space<vmem>> -> memref<1x1x32xi32, #tpu.memory_space<vmem>>
    %dma_start3A_112 = tpu.memref_squeeze %dma_start3A_111 : memref<1x1x32xi32, #tpu.memory_space<vmem>> -> memref<32xi32, #tpu.memory_space<vmem>>
    %dma_start3A_113 = tpu.memref_slice %arg3[%add3A_103] : memref<640000xi32, #tpu.memory_space<hbm>> -> memref<32xi32, #tpu.memory_space<hbm>>
    tpu.enqueue_dma source(%dma_start3A_113 : memref<32xi32, #tpu.memory_space<hbm>>) target(%dma_start3A_112 : memref<32xi32, #tpu.memory_space<vmem>>) target_semaphore(%arg9 : memref<!tpu.dma_semaphore, #tpu.memory_space<semaphore_mem>>)
    %add3A_114 = arith.constant 4 : i32
    %add3A_115 = arith.addi %add3A_4, %add3A_114 : i32
    %mul3A_116 = arith.constant 32 : i32
    %mul3A_117 = arith.muli %add3A_115, %mul3A_116 : i32
    %dma_start3A_118 = arith.constant 4 : i32
    %dma_start3A_119 = arith.constant 0 : i32
    %dma_start3A_120 = arith.constant 0 : i32
    %dma_start3A_121 = tpu.memref_slice %arg6[%dma_start3A_118, %dma_start3A_119, %dma_start3A_120] : memref<16x2x32xi32, #tpu.memory_space<vmem>> -> memref<1x1x32xi32, #tpu.memory_space<vmem>>
    %dma_start3A_122 = tpu.memref_squeeze %dma_start3A_121 : memref<1x1x32xi32, #tpu.memory_space<vmem>> -> memref<32xi32, #tpu.memory_space<vmem>>
    %dma_start3A_123 = tpu.memref_slice %arg3[%mul3A_117] : memref<640000xi32, #tpu.memory_space<hbm>> -> memref<32xi32, #tpu.memory_space<hbm>>
    %dma_start3A_124 = arith.constant 0 : i32
    %dma_start3A_125 = tpu.memref_slice %arg6[%dma_start3A_118, %dma_start3A_119, %dma_start3A_124] : memref<16x2x32xi32, #tpu.memory_space<vmem>> -> memref<1x1x32xi32, #tpu.memory_space<vmem>>
    %dma_start3A_126 = tpu.memref_squeeze %dma_start3A_125 : memref<1x1x32xi32, #tpu.memory_space<vmem>> -> memref<32xi32, #tpu.memory_space<vmem>>
    %dma_start3A_127 = tpu.memref_slice %arg3[%mul3A_117] : memref<640000xi32, #tpu.memory_space<hbm>> -> memref<32xi32, #tpu.memory_space<hbm>>
    tpu.enqueue_dma source(%dma_start3A_127 : memref<32xi32, #tpu.memory_space<hbm>>) target(%dma_start3A_126 : memref<32xi32, #tpu.memory_space<vmem>>) target_semaphore(%arg9 : memref<!tpu.dma_semaphore, #tpu.memory_space<semaphore_mem>>)
    %add3A_128 = arith.constant 320000 : i32
    %add3A_129 = arith.addi %add3A_128, %mul3A_117 : i32
    %dma_start3A_130 = arith.constant 4 : i32
    %dma_start3A_131 = arith.constant 1 : i32
    %dma_start3A_132 = arith.constant 0 : i32
    %dma_start3A_133 = tpu.memref_slice %arg6[%dma_start3A_130, %dma_start3A_131, %dma_start3A_132] : memref<16x2x32xi32, #tpu.memory_space<vmem>> -> memref<1x1x32xi32, #tpu.memory_space<vmem>>
    %dma_start3A_134 = tpu.memref_squeeze %dma_start3A_133 : memref<1x1x32xi32, #tpu.memory_space<vmem>> -> memref<32xi32, #tpu.memory_space<vmem>>
    %dma_start3A_135 = tpu.memref_slice %arg3[%add3A_129] : memref<640000xi32, #tpu.memory_space<hbm>> -> memref<32xi32, #tpu.memory_space<hbm>>
    %dma_start3A_136 = arith.constant 0 : i32
    %dma_start3A_137 = tpu.memref_slice %arg6[%dma_start3A_130, %dma_start3A_131, %dma_start3A_136] : memref<16x2x32xi32, #tpu.memory_space<vmem>> -> memref<1x1x32xi32, #tpu.memory_space<vmem>>
    %dma_start3A_138 = tpu.memref_squeeze %dma_start3A_137 : memref<1x1x32xi32, #tpu.memory_space<vmem>> -> memref<32xi32, #tpu.memory_space<vmem>>
    %dma_start3A_139 = tpu.memref_slice %arg3[%add3A_129] : memref<640000xi32, #tpu.memory_space<hbm>> -> memref<32xi32, #tpu.memory_space<hbm>>
    tpu.enqueue_dma source(%dma_start3A_139 : memref<32xi32, #tpu.memory_space<hbm>>) target(%dma_start3A_138 : memref<32xi32, #tpu.memory_space<vmem>>) target_semaphore(%arg9 : memref<!tpu.dma_semaphore, #tpu.memory_space<semaphore_mem>>)
    %add3A_140 = arith.constant 5 : i32
    %add3A_141 = arith.addi %add3A_4, %add3A_140 : i32
    %mul3A_142 = arith.constant 32 : i32
    %mul3A_143 = arith.muli %add3A_141, %mul3A_142 : i32
    %dma_start3A_144 = arith.constant 5 : i32
    %dma_start3A_145 = arith.constant 0 : i32
    %dma_start3A_146 = arith.constant 0 : i32
    %dma_start3A_147 = tpu.memref_slice %arg6[%dma_start3A_144, %dma_start3A_145, %dma_start3A_146] : memref<16x2x32xi32, #tpu.memory_space<vmem>> -> memref<1x1x32xi32, #tpu.memory_space<vmem>>
    %dma_start3A_148 = tpu.memref_squeeze %dma_start3A_147 : memref<1x1x32xi32, #tpu.memory_space<vmem>> -> memref<32xi32, #tpu.memory_space<vmem>>
    %dma_start3A_149 = tpu.memref_slice %arg3[%mul3A_143] : memref<640000xi32, #tpu.memory_space<hbm>> -> memref<32xi32, #tpu.memory_space<hbm>>
    %dma_start3A_150 = arith.constant 0 : i32
    %dma_start3A_151 = tpu.memref_slice %arg6[%dma_start3A_144, %dma_start3A_145, %dma_start3A_150] : memref<16x2x32xi32, #tpu.memory_space<vmem>> -> memref<1x1x32xi32, #tpu.memory_space<vmem>>
    %dma_start3A_152 = tpu.memref_squeeze %dma_start3A_151 : memref<1x1x32xi32, #tpu.memory_space<vmem>> -> memref<32xi32, #tpu.memory_space<vmem>>
    %dma_start3A_153 = tpu.memref_slice %arg3[%mul3A_143] : memref<640000xi32, #tpu.memory_space<hbm>> -> memref<32xi32, #tpu.memory_space<hbm>>
    tpu.enqueue_dma source(%dma_start3A_153 : memref<32xi32, #tpu.memory_space<hbm>>) target(%dma_start3A_152 : memref<32xi32, #tpu.memory_space<vmem>>) target_semaphore(%arg9 : memref<!tpu.dma_semaphore, #tpu.memory_space<semaphore_mem>>)
    %add3A_154 = arith.constant 320000 : i32
    %add3A_155 = arith.addi %add3A_154, %mul3A_143 : i32
    %dma_start3A_156 = arith.constant 5 : i32
    %dma_start3A_157 = arith.constant 1 : i32
    %dma_start3A_158 = arith.constant 0 : i32
    %dma_start3A_159 = tpu.memref_slice %arg6[%dma_start3A_156, %dma_start3A_157, %dma_start3A_158] : memref<16x2x32xi32, #tpu.memory_space<vmem>> -> memref<1x1x32xi32, #tpu.memory_space<vmem>>
    %dma_start3A_160 = tpu.memref_squeeze %dma_start3A_159 : memref<1x1x32xi32, #tpu.memory_space<vmem>> -> memref<32xi32, #tpu.memory_space<vmem>>
    %dma_start3A_161 = tpu.memref_slice %arg3[%add3A_155] : memref<640000xi32, #tpu.memory_space<hbm>> -> memref<32xi32, #tpu.memory_space<hbm>>
    %dma_start3A_162 = arith.constant 0 : i32
    %dma_start3A_163 = tpu.memref_slice %arg6[%dma_start3A_156, %dma_start3A_157, %dma_start3A_162] : memref<16x2x32xi32, #tpu.memory_space<vmem>> -> memref<1x1x32xi32, #tpu.memory_space<vmem>>
    %dma_start3A_164 = tpu.memref_squeeze %dma_start3A_163 : memref<1x1x32xi32, #tpu.memory_space<vmem>> -> memref<32xi32, #tpu.memory_space<vmem>>
    %dma_start3A_165 = tpu.memref_slice %arg3[%add3A_155] : memref<640000xi32, #tpu.memory_space<hbm>> -> memref<32xi32, #tpu.memory_space<hbm>>
    tpu.enqueue_dma source(%dma_start3A_165 : memref<32xi32, #tpu.memory_space<hbm>>) target(%dma_start3A_164 : memref<32xi32, #tpu.memory_space<vmem>>) target_semaphore(%arg9 : memref<!tpu.dma_semaphore, #tpu.memory_space<semaphore_mem>>)
    %add3A_166 = arith.constant 6 : i32
    %add3A_167 = arith.addi %add3A_4, %add3A_166 : i32
    %mul3A_168 = arith.constant 32 : i32
    %mul3A_169 = arith.muli %add3A_167, %mul3A_168 : i32
    %dma_start3A_170 = arith.constant 6 : i32
    %dma_start3A_171 = arith.constant 0 : i32
    %dma_start3A_172 = arith.constant 0 : i32
    %dma_start3A_173 = tpu.memref_slice %arg6[%dma_start3A_170, %dma_start3A_171, %dma_start3A_172] : memref<16x2x32xi32, #tpu.memory_space<vmem>> -> memref<1x1x32xi32, #tpu.memory_space<vmem>>
    %dma_start3A_174 = tpu.memref_squeeze %dma_start3A_173 : memref<1x1x32xi32, #tpu.memory_space<vmem>> -> memref<32xi32, #tpu.memory_space<vmem>>
    %dma_start3A_175 = tpu.memref_slice %arg3[%mul3A_169] : memref<640000xi32, #tpu.memory_space<hbm>> -> memref<32xi32, #tpu.memory_space<hbm>>
    %dma_start3A_176 = arith.constant 0 : i32
    %dma_start3A_177 = tpu.memref_slice %arg6[%dma_start3A_170, %dma_start3A_171, %dma_start3A_176] : memref<16x2x32xi32, #tpu.memory_space<vmem>> -> memref<1x1x32xi32, #tpu.memory_space<vmem>>
    %dma_start3A_178 = tpu.memref_squeeze %dma_start3A_177 : memref<1x1x32xi32, #tpu.memory_space<vmem>> -> memref<32xi32, #tpu.memory_space<vmem>>
    %dma_start3A_179 = tpu.memref_slice %arg3[%mul3A_169] : memref<640000xi32, #tpu.memory_space<hbm>> -> memref<32xi32, #tpu.memory_space<hbm>>
    tpu.enqueue_dma source(%dma_start3A_179 : memref<32xi32, #tpu.memory_space<hbm>>) target(%dma_start3A_178 : memref<32xi32, #tpu.memory_space<vmem>>) target_semaphore(%arg9 : memref<!tpu.dma_semaphore, #tpu.memory_space<semaphore_mem>>)
    %add3A_180 = arith.constant 320000 : i32
    %add3A_181 = arith.addi %add3A_180, %mul3A_169 : i32
    %dma_start3A_182 = arith.constant 6 : i32
    %dma_start3A_183 = arith.constant 1 : i32
    %dma_start3A_184 = arith.constant 0 : i32
    %dma_start3A_185 = tpu.memref_slice %arg6[%dma_start3A_182, %dma_start3A_183, %dma_start3A_184] : memref<16x2x32xi32, #tpu.memory_space<vmem>> -> memref<1x1x32xi32, #tpu.memory_space<vmem>>
    %dma_start3A_186 = tpu.memref_squeeze %dma_start3A_185 : memref<1x1x32xi32, #tpu.memory_space<vmem>> -> memref<32xi32, #tpu.memory_space<vmem>>
    %dma_start3A_187 = tpu.memref_slice %arg3[%add3A_181] : memref<640000xi32, #tpu.memory_space<hbm>> -> memref<32xi32, #tpu.memory_space<hbm>>
    %dma_start3A_188 = arith.constant 0 : i32
    %dma_start3A_189 = tpu.memref_slice %arg6[%dma_start3A_182, %dma_start3A_183, %dma_start3A_188] : memref<16x2x32xi32, #tpu.memory_space<vmem>> -> memref<1x1x32xi32, #tpu.memory_space<vmem>>
    %dma_start3A_190 = tpu.memref_squeeze %dma_start3A_189 : memref<1x1x32xi32, #tpu.memory_space<vmem>> -> memref<32xi32, #tpu.memory_space<vmem>>
    %dma_start3A_191 = tpu.memref_slice %arg3[%add3A_181] : memref<640000xi32, #tpu.memory_space<hbm>> -> memref<32xi32, #tpu.memory_space<hbm>>
    tpu.enqueue_dma source(%dma_start3A_191 : memref<32xi32, #tpu.memory_space<hbm>>) target(%dma_start3A_190 : memref<32xi32, #tpu.memory_space<vmem>>) target_semaphore(%arg9 : memref<!tpu.dma_semaphore, #tpu.memory_space<semaphore_mem>>)
    %add3A_192 = arith.constant 7 : i32
    %add3A_193 = arith.addi %add3A_4, %add3A_192 : i32
    %mul3A_194 = arith.constant 32 : i32
    %mul3A_195 = arith.muli %add3A_193, %mul3A_194 : i32
    %dma_start3A_196 = arith.constant 7 : i32
    %dma_start3A_197 = arith.constant 0 : i32
    %dma_start3A_198 = arith.constant 0 : i32
    %dma_start3A_199 = tpu.memref_slice %arg6[%dma_start3A_196, %dma_start3A_197, %dma_start3A_198] : memref<16x2x32xi32, #tpu.memory_space<vmem>> -> memref<1x1x32xi32, #tpu.memory_space<vmem>>
    %dma_start3A_200 = tpu.memref_squeeze %dma_start3A_199 : memref<1x1x32xi32, #tpu.memory_space<vmem>> -> memref<32xi32, #tpu.memory_space<vmem>>
    %dma_start3A_201 = tpu.memref_slice %arg3[%mul3A_195] : memref<640000xi32, #tpu.memory_space<hbm>> -> memref<32xi32, #tpu.memory_space<hbm>>
    %dma_start3A_202 = arith.constant 0 : i32
    %dma_start3A_203 = tpu.memref_slice %arg6[%dma_start3A_196, %dma_start3A_197, %dma_start3A_202] : memref<16x2x32xi32, #tpu.memory_space<vmem>> -> memref<1x1x32xi32, #tpu.memory_space<vmem>>
    %dma_start3A_204 = tpu.memref_squeeze %dma_start3A_203 : memref<1x1x32xi32, #tpu.memory_space<vmem>> -> memref<32xi32, #tpu.memory_space<vmem>>
    %dma_start3A_205 = tpu.memref_slice %arg3[%mul3A_195] : memref<640000xi32, #tpu.memory_space<hbm>> -> memref<32xi32, #tpu.memory_space<hbm>>
    tpu.enqueue_dma source(%dma_start3A_205 : memref<32xi32, #tpu.memory_space<hbm>>) target(%dma_start3A_204 : memref<32xi32, #tpu.memory_space<vmem>>) target_semaphore(%arg9 : memref<!tpu.dma_semaphore, #tpu.memory_space<semaphore_mem>>)
    %add3A_206 = arith.constant 320000 : i32
    %add3A_207 = arith.addi %add3A_206, %mul3A_195 : i32
    %dma_start3A_208 = arith.constant 7 : i32
    %dma_start3A_209 = arith.constant 1 : i32
    %dma_start3A_210 = arith.constant 0 : i32
    %dma_start3A_211 = tpu.memref_slice %arg6[%dma_start3A_208, %dma_start3A_209, %dma_start3A_210] : memref<16x2x32xi32, #tpu.memory_space<vmem>> -> memref<1x1x32xi32, #tpu.memory_space<vmem>>
    %dma_start3A_212 = tpu.memref_squeeze %dma_start3A_211 : memref<1x1x32xi32, #tpu.memory_space<vmem>> -> memref<32xi32, #tpu.memory_space<vmem>>
    %dma_start3A_213 = tpu.memref_slice %arg3[%add3A_207] : memref<640000xi32, #tpu.memory_space<hbm>> -> memref<32xi32, #tpu.memory_space<hbm>>
    %dma_start3A_214 = arith.constant 0 : i32
    %dma_start3A_215 = tpu.memref_slice %arg6[%dma_start3A_208, %dma_start3A_209, %dma_start3A_214] : memref<16x2x32xi32, #tpu.memory_space<vmem>> -> memref<1x1x32xi32, #tpu.memory_space<vmem>>
    %dma_start3A_216 = tpu.memref_squeeze %dma_start3A_215 : memref<1x1x32xi32, #tpu.memory_space<vmem>> -> memref<32xi32, #tpu.memory_space<vmem>>
    %dma_start3A_217 = tpu.memref_slice %arg3[%add3A_207] : memref<640000xi32, #tpu.memory_space<hbm>> -> memref<32xi32, #tpu.memory_space<hbm>>
    tpu.enqueue_dma source(%dma_start3A_217 : memref<32xi32, #tpu.memory_space<hbm>>) target(%dma_start3A_216 : memref<32xi32, #tpu.memory_space<vmem>>) target_semaphore(%arg9 : memref<!tpu.dma_semaphore, #tpu.memory_space<semaphore_mem>>)
    %add3A_218 = arith.constant 8 : i32
    %add3A_219 = arith.addi %add3A_4, %add3A_218 : i32
    %mul3A_220 = arith.constant 32 : i32
    %mul3A_221 = arith.muli %add3A_219, %mul3A_220 : i32
    %dma_start3A_222 = arith.constant 8 : i32
    %dma_start3A_223 = arith.constant 0 : i32
    %dma_start3A_224 = arith.constant 0 : i32
    %dma_start3A_225 = tpu.memref_slice %arg6[%dma_start3A_222, %dma_start3A_223, %dma_start3A_224] : memref<16x2x32xi32, #tpu.memory_space<vmem>> -> memref<1x1x32xi32, #tpu.memory_space<vmem>>
    %dma_start3A_226 = tpu.memref_squeeze %dma_start3A_225 : memref<1x1x32xi32, #tpu.memory_space<vmem>> -> memref<32xi32, #tpu.memory_space<vmem>>
    %dma_start3A_227 = tpu.memref_slice %arg3[%mul3A_221] : memref<640000xi32, #tpu.memory_space<hbm>> -> memref<32xi32, #tpu.memory_space<hbm>>
    %dma_start3A_228 = arith.constant 0 : i32
    %dma_start3A_229 = tpu.memref_slice %arg6[%dma_start3A_222, %dma_start3A_223, %dma_start3A_228] : memref<16x2x32xi32, #tpu.memory_space<vmem>> -> memref<1x1x32xi32, #tpu.memory_space<vmem>>
    %dma_start3A_230 = tpu.memref_squeeze %dma_start3A_229 : memref<1x1x32xi32, #tpu.memory_space<vmem>> -> memref<32xi32, #tpu.memory_space<vmem>>
    %dma_start3A_231 = tpu.memref_slice %arg3[%mul3A_221] : memref<640000xi32, #tpu.memory_space<hbm>> -> memref<32xi32, #tpu.memory_space<hbm>>
    tpu.enqueue_dma source(%dma_start3A_231 : memref<32xi32, #tpu.memory_space<hbm>>) target(%dma_start3A_230 : memref<32xi32, #tpu.memory_space<vmem>>) target_semaphore(%arg9 : memref<!tpu.dma_semaphore, #tpu.memory_space<semaphore_mem>>)
    %add3A_232 = arith.constant 320000 : i32
    %add3A_233 = arith.addi %add3A_232, %mul3A_221 : i32
    %dma_start3A_234 = arith.constant 8 : i32
    %dma_start3A_235 = arith.constant 1 : i32
    %dma_start3A_236 = arith.constant 0 : i32
    %dma_start3A_237 = tpu.memref_slice %arg6[%dma_start3A_234, %dma_start3A_235, %dma_start3A_236] : memref<16x2x32xi32, #tpu.memory_space<vmem>> -> memref<1x1x32xi32, #tpu.memory_space<vmem>>
    %dma_start3A_238 = tpu.memref_squeeze %dma_start3A_237 : memref<1x1x32xi32, #tpu.memory_space<vmem>> -> memref<32xi32, #tpu.memory_space<vmem>>
    %dma_start3A_239 = tpu.memref_slice %arg3[%add3A_233] : memref<640000xi32, #tpu.memory_space<hbm>> -> memref<32xi32, #tpu.memory_space<hbm>>
    %dma_start3A_240 = arith.constant 0 : i32
    %dma_start3A_241 = tpu.memref_slice %arg6[%dma_start3A_234, %dma_start3A_235, %dma_start3A_240] : memref<16x2x32xi32, #tpu.memory_space<vmem>> -> memref<1x1x32xi32, #tpu.memory_space<vmem>>
    %dma_start3A_242 = tpu.memref_squeeze %dma_start3A_241 : memref<1x1x32xi32, #tpu.memory_space<vmem>> -> memref<32xi32, #tpu.memory_space<vmem>>
    %dma_start3A_243 = tpu.memref_slice %arg3[%add3A_233] : memref<640000xi32, #tpu.memory_space<hbm>> -> memref<32xi32, #tpu.memory_space<hbm>>
    tpu.enqueue_dma source(%dma_start3A_243 : memref<32xi32, #tpu.memory_space<hbm>>) target(%dma_start3A_242 : memref<32xi32, #tpu.memory_space<vmem>>) target_semaphore(%arg9 : memref<!tpu.dma_semaphore, #tpu.memory_space<semaphore_mem>>)
    %add3A_244 = arith.constant 9 : i32
    %add3A_245 = arith.addi %add3A_4, %add3A_244 : i32
    %mul3A_246 = arith.constant 32 : i32
    %mul3A_247 = arith.muli %add3A_245, %mul3A_246 : i32
    %dma_start3A_248 = arith.constant 9 : i32
    %dma_start3A_249 = arith.constant 0 : i32
    %dma_start3A_250 = arith.constant 0 : i32
    %dma_start3A_251 = tpu.memref_slice %arg6[%dma_start3A_248, %dma_start3A_249, %dma_start3A_250] : memref<16x2x32xi32, #tpu.memory_space<vmem>> -> memref<1x1x32xi32, #tpu.memory_space<vmem>>
    %dma_start3A_252 = tpu.memref_squeeze %dma_start3A_251 : memref<1x1x32xi32, #tpu.memory_space<vmem>> -> memref<32xi32, #tpu.memory_space<vmem>>
    %dma_start3A_253 = tpu.memref_slice %arg3[%mul3A_247] : memref<640000xi32, #tpu.memory_space<hbm>> -> memref<32xi32, #tpu.memory_space<hbm>>
    %dma_start3A_254 = arith.constant 0 : i32
    %dma_start3A_255 = tpu.memref_slice %arg6[%dma_start3A_248, %dma_start3A_249, %dma_start3A_254] : memref<16x2x32xi32, #tpu.memory_space<vmem>> -> memref<1x1x32xi32, #tpu.memory_space<vmem>>
    %dma_start3A_256 = tpu.memref_squeeze %dma_start3A_255 : memref<1x1x32xi32, #tpu.memory_space<vmem>> -> memref<32xi32, #tpu.memory_space<vmem>>
    %dma_start3A_257 = tpu.memref_slice %arg3[%mul3A_247] : memref<640000xi32, #tpu.memory_space<hbm>> -> memref<32xi32, #tpu.memory_space<hbm>>
    tpu.enqueue_dma source(%dma_start3A_257 : memref<32xi32, #tpu.memory_space<hbm>>) target(%dma_start3A_256 : memref<32xi32, #tpu.memory_space<vmem>>) target_semaphore(%arg9 : memref<!tpu.dma_semaphore, #tpu.memory_space<semaphore_mem>>)
    %add3A_258 = arith.constant 320000 : i32
    %add3A_259 = arith.addi %add3A_258, %mul3A_247 : i32
    %dma_start3A_260 = arith.constant 9 : i32
    %dma_start3A_261 = arith.constant 1 : i32
    %dma_start3A_262 = arith.constant 0 : i32
    %dma_start3A_263 = tpu.memref_slice %arg6[%dma_start3A_260, %dma_start3A_261, %dma_start3A_262] : memref<16x2x32xi32, #tpu.memory_space<vmem>> -> memref<1x1x32xi32, #tpu.memory_space<vmem>>
    %dma_start3A_264 = tpu.memref_squeeze %dma_start3A_263 : memref<1x1x32xi32, #tpu.memory_space<vmem>> -> memref<32xi32, #tpu.memory_space<vmem>>
    %dma_start3A_265 = tpu.memref_slice %arg3[%add3A_259] : memref<640000xi32, #tpu.memory_space<hbm>> -> memref<32xi32, #tpu.memory_space<hbm>>
    %dma_start3A_266 = arith.constant 0 : i32
    %dma_start3A_267 = tpu.memref_slice %arg6[%dma_start3A_260, %dma_start3A_261, %dma_start3A_266] : memref<16x2x32xi32, #tpu.memory_space<vmem>> -> memref<1x1x32xi32, #tpu.memory_space<vmem>>
    %dma_start3A_268 = tpu.memref_squeeze %dma_start3A_267 : memref<1x1x32xi32, #tpu.memory_space<vmem>> -> memref<32xi32, #tpu.memory_space<vmem>>
    %dma_start3A_269 = tpu.memref_slice %arg3[%add3A_259] : memref<640000xi32, #tpu.memory_space<hbm>> -> memref<32xi32, #tpu.memory_space<hbm>>
    tpu.enqueue_dma source(%dma_start3A_269 : memref<32xi32, #tpu.memory_space<hbm>>) target(%dma_start3A_268 : memref<32xi32, #tpu.memory_space<vmem>>) target_semaphore(%arg9 : memref<!tpu.dma_semaphore, #tpu.memory_space<semaphore_mem>>)
    %add3A_270 = arith.constant 10 : i32
    %add3A_271 = arith.addi %add3A_4, %add3A_270 : i32
    %mul3A_272 = arith.constant 32 : i32
    %mul3A_273 = arith.muli %add3A_271, %mul3A_272 : i32
    %dma_start3A_274 = arith.constant 10 : i32
    %dma_start3A_275 = arith.constant 0 : i32
    %dma_start3A_276 = arith.constant 0 : i32
    %dma_start3A_277 = tpu.memref_slice %arg6[%dma_start3A_274, %dma_start3A_275, %dma_start3A_276] : memref<16x2x32xi32, #tpu.memory_space<vmem>> -> memref<1x1x32xi32, #tpu.memory_space<vmem>>
    %dma_start3A_278 = tpu.memref_squeeze %dma_start3A_277 : memref<1x1x32xi32, #tpu.memory_space<vmem>> -> memref<32xi32, #tpu.memory_space<vmem>>
    %dma_start3A_279 = tpu.memref_slice %arg3[%mul3A_273] : memref<640000xi32, #tpu.memory_space<hbm>> -> memref<32xi32, #tpu.memory_space<hbm>>
    %dma_start3A_280 = arith.constant 0 : i32
    %dma_start3A_281 = tpu.memref_slice %arg6[%dma_start3A_274, %dma_start3A_275, %dma_start3A_280] : memref<16x2x32xi32, #tpu.memory_space<vmem>> -> memref<1x1x32xi32, #tpu.memory_space<vmem>>
    %dma_start3A_282 = tpu.memref_squeeze %dma_start3A_281 : memref<1x1x32xi32, #tpu.memory_space<vmem>> -> memref<32xi32, #tpu.memory_space<vmem>>
    %dma_start3A_283 = tpu.memref_slice %arg3[%mul3A_273] : memref<640000xi32, #tpu.memory_space<hbm>> -> memref<32xi32, #tpu.memory_space<hbm>>
    tpu.enqueue_dma source(%dma_start3A_283 : memref<32xi32, #tpu.memory_space<hbm>>) target(%dma_start3A_282 : memref<32xi32, #tpu.memory_space<vmem>>) target_semaphore(%arg9 : memref<!tpu.dma_semaphore, #tpu.memory_space<semaphore_mem>>)
    %add3A_284 = arith.constant 320000 : i32
    %add3A_285 = arith.addi %add3A_284, %mul3A_273 : i32
    %dma_start3A_286 = arith.constant 10 : i32
    %dma_start3A_287 = arith.constant 1 : i32
    %dma_start3A_288 = arith.constant 0 : i32
    %dma_start3A_289 = tpu.memref_slice %arg6[%dma_start3A_286, %dma_start3A_287, %dma_start3A_288] : memref<16x2x32xi32, #tpu.memory_space<vmem>> -> memref<1x1x32xi32, #tpu.memory_space<vmem>>
    %dma_start3A_290 = tpu.memref_squeeze %dma_start3A_289 : memref<1x1x32xi32, #tpu.memory_space<vmem>> -> memref<32xi32, #tpu.memory_space<vmem>>
    %dma_start3A_291 = tpu.memref_slice %arg3[%add3A_285] : memref<640000xi32, #tpu.memory_space<hbm>> -> memref<32xi32, #tpu.memory_space<hbm>>
    %dma_start3A_292 = arith.constant 0 : i32
    %dma_start3A_293 = tpu.memref_slice %arg6[%dma_start3A_286, %dma_start3A_287, %dma_start3A_292] : memref<16x2x32xi32, #tpu.memory_space<vmem>> -> memref<1x1x32xi32, #tpu.memory_space<vmem>>
    %dma_start3A_294 = tpu.memref_squeeze %dma_start3A_293 : memref<1x1x32xi32, #tpu.memory_space<vmem>> -> memref<32xi32, #tpu.memory_space<vmem>>
    %dma_start3A_295 = tpu.memref_slice %arg3[%add3A_285] : memref<640000xi32, #tpu.memory_space<hbm>> -> memref<32xi32, #tpu.memory_space<hbm>>
    tpu.enqueue_dma source(%dma_start3A_295 : memref<32xi32, #tpu.memory_space<hbm>>) target(%dma_start3A_294 : memref<32xi32, #tpu.memory_space<vmem>>) target_semaphore(%arg9 : memref<!tpu.dma_semaphore, #tpu.memory_space<semaphore_mem>>)
    %add3A_296 = arith.constant 11 : i32
    %add3A_297 = arith.addi %add3A_4, %add3A_296 : i32
    %mul3A_298 = arith.constant 32 : i32
    %mul3A_299 = arith.muli %add3A_297, %mul3A_298 : i32
    %dma_start3A_300 = arith.constant 11 : i32
    %dma_start3A_301 = arith.constant 0 : i32
    %dma_start3A_302 = arith.constant 0 : i32
    %dma_start3A_303 = tpu.memref_slice %arg6[%dma_start3A_300, %dma_start3A_301, %dma_start3A_302] : memref<16x2x32xi32, #tpu.memory_space<vmem>> -> memref<1x1x32xi32, #tpu.memory_space<vmem>>
    %dma_start3A_304 = tpu.memref_squeeze %dma_start3A_303 : memref<1x1x32xi32, #tpu.memory_space<vmem>> -> memref<32xi32, #tpu.memory_space<vmem>>
    %dma_start3A_305 = tpu.memref_slice %arg3[%mul3A_299] : memref<640000xi32, #tpu.memory_space<hbm>> -> memref<32xi32, #tpu.memory_space<hbm>>
    %dma_start3A_306 = arith.constant 0 : i32
    %dma_start3A_307 = tpu.memref_slice %arg6[%dma_start3A_300, %dma_start3A_301, %dma_start3A_306] : memref<16x2x32xi32, #tpu.memory_space<vmem>> -> memref<1x1x32xi32, #tpu.memory_space<vmem>>
    %dma_start3A_308 = tpu.memref_squeeze %dma_start3A_307 : memref<1x1x32xi32, #tpu.memory_space<vmem>> -> memref<32xi32, #tpu.memory_space<vmem>>
    %dma_start3A_309 = tpu.memref_slice %arg3[%mul3A_299] : memref<640000xi32, #tpu.memory_space<hbm>> -> memref<32xi32, #tpu.memory_space<hbm>>
    tpu.enqueue_dma source(%dma_start3A_309 : memref<32xi32, #tpu.memory_space<hbm>>) target(%dma_start3A_308 : memref<32xi32, #tpu.memory_space<vmem>>) target_semaphore(%arg9 : memref<!tpu.dma_semaphore, #tpu.memory_space<semaphore_mem>>)
    %add3A_310 = arith.constant 320000 : i32
    %add3A_311 = arith.addi %add3A_310, %mul3A_299 : i32
    %dma_start3A_312 = arith.constant 11 : i32
    %dma_start3A_313 = arith.constant 1 : i32
    %dma_start3A_314 = arith.constant 0 : i32
    %dma_start3A_315 = tpu.memref_slice %arg6[%dma_start3A_312, %dma_start3A_313, %dma_start3A_314] : memref<16x2x32xi32, #tpu.memory_space<vmem>> -> memref<1x1x32xi32, #tpu.memory_space<vmem>>
    %dma_start3A_316 = tpu.memref_squeeze %dma_start3A_315 : memref<1x1x32xi32, #tpu.memory_space<vmem>> -> memref<32xi32, #tpu.memory_space<vmem>>
    %dma_start3A_317 = tpu.memref_slice %arg3[%add3A_311] : memref<640000xi32, #tpu.memory_space<hbm>> -> memref<32xi32, #tpu.memory_space<hbm>>
    %dma_start3A_318 = arith.constant 0 : i32
    %dma_start3A_319 = tpu.memref_slice %arg6[%dma_start3A_312, %dma_start3A_313, %dma_start3A_318] : memref<16x2x32xi32, #tpu.memory_space<vmem>> -> memref<1x1x32xi32, #tpu.memory_space<vmem>>
    %dma_start3A_320 = tpu.memref_squeeze %dma_start3A_319 : memref<1x1x32xi32, #tpu.memory_space<vmem>> -> memref<32xi32, #tpu.memory_space<vmem>>
    %dma_start3A_321 = tpu.memref_slice %arg3[%add3A_311] : memref<640000xi32, #tpu.memory_space<hbm>> -> memref<32xi32, #tpu.memory_space<hbm>>
    tpu.enqueue_dma source(%dma_start3A_321 : memref<32xi32, #tpu.memory_space<hbm>>) target(%dma_start3A_320 : memref<32xi32, #tpu.memory_space<vmem>>) target_semaphore(%arg9 : memref<!tpu.dma_semaphore, #tpu.memory_space<semaphore_mem>>)
    %add3A_322 = arith.constant 12 : i32
    %add3A_323 = arith.addi %add3A_4, %add3A_322 : i32
    %mul3A_324 = arith.constant 32 : i32
    %mul3A_325 = arith.muli %add3A_323, %mul3A_324 : i32
    %dma_start3A_326 = arith.constant 12 : i32
    %dma_start3A_327 = arith.constant 0 : i32
    %dma_start3A_328 = arith.constant 0 : i32
    %dma_start3A_329 = tpu.memref_slice %arg6[%dma_start3A_326, %dma_start3A_327, %dma_start3A_328] : memref<16x2x32xi32, #tpu.memory_space<vmem>> -> memref<1x1x32xi32, #tpu.memory_space<vmem>>
    %dma_start3A_330 = tpu.memref_squeeze %dma_start3A_329 : memref<1x1x32xi32, #tpu.memory_space<vmem>> -> memref<32xi32, #tpu.memory_space<vmem>>
    %dma_start3A_331 = tpu.memref_slice %arg3[%mul3A_325] : memref<640000xi32, #tpu.memory_space<hbm>> -> memref<32xi32, #tpu.memory_space<hbm>>
    %dma_start3A_332 = arith.constant 0 : i32
    %dma_start3A_333 = tpu.memref_slice %arg6[%dma_start3A_326, %dma_start3A_327, %dma_start3A_332] : memref<16x2x32xi32, #tpu.memory_space<vmem>> -> memref<1x1x32xi32, #tpu.memory_space<vmem>>
    %dma_start3A_334 = tpu.memref_squeeze %dma_start3A_333 : memref<1x1x32xi32, #tpu.memory_space<vmem>> -> memref<32xi32, #tpu.memory_space<vmem>>
    %dma_start3A_335 = tpu.memref_slice %arg3[%mul3A_325] : memref<640000xi32, #tpu.memory_space<hbm>> -> memref<32xi32, #tpu.memory_space<hbm>>
    tpu.enqueue_dma source(%dma_start3A_335 : memref<32xi32, #tpu.memory_space<hbm>>) target(%dma_start3A_334 : memref<32xi32, #tpu.memory_space<vmem>>) target_semaphore(%arg9 : memref<!tpu.dma_semaphore, #tpu.memory_space<semaphore_mem>>)
    %add3A_336 = arith.constant 320000 : i32
    %add3A_337 = arith.addi %add3A_336, %mul3A_325 : i32
    %dma_start3A_338 = arith.constant 12 : i32
    %dma_start3A_339 = arith.constant 1 : i32
    %dma_start3A_340 = arith.constant 0 : i32
    %dma_start3A_341 = tpu.memref_slice %arg6[%dma_start3A_338, %dma_start3A_339, %dma_start3A_340] : memref<16x2x32xi32, #tpu.memory_space<vmem>> -> memref<1x1x32xi32, #tpu.memory_space<vmem>>
    %dma_start3A_342 = tpu.memref_squeeze %dma_start3A_341 : memref<1x1x32xi32, #tpu.memory_space<vmem>> -> memref<32xi32, #tpu.memory_space<vmem>>
    %dma_start3A_343 = tpu.memref_slice %arg3[%add3A_337] : memref<640000xi32, #tpu.memory_space<hbm>> -> memref<32xi32, #tpu.memory_space<hbm>>
    %dma_start3A_344 = arith.constant 0 : i32
    %dma_start3A_345 = tpu.memref_slice %arg6[%dma_start3A_338, %dma_start3A_339, %dma_start3A_344] : memref<16x2x32xi32, #tpu.memory_space<vmem>> -> memref<1x1x32xi32, #tpu.memory_space<vmem>>
    %dma_start3A_346 = tpu.memref_squeeze %dma_start3A_345 : memref<1x1x32xi32, #tpu.memory_space<vmem>> -> memref<32xi32, #tpu.memory_space<vmem>>
    %dma_start3A_347 = tpu.memref_slice %arg3[%add3A_337] : memref<640000xi32, #tpu.memory_space<hbm>> -> memref<32xi32, #tpu.memory_space<hbm>>
    tpu.enqueue_dma source(%dma_start3A_347 : memref<32xi32, #tpu.memory_space<hbm>>) target(%dma_start3A_346 : memref<32xi32, #tpu.memory_space<vmem>>) target_semaphore(%arg9 : memref<!tpu.dma_semaphore, #tpu.memory_space<semaphore_mem>>)
    %add3A_348 = arith.constant 13 : i32
    %add3A_349 = arith.addi %add3A_4, %add3A_348 : i32
    %mul3A_350 = arith.constant 32 : i32
    %mul3A_351 = arith.muli %add3A_349, %mul3A_350 : i32
    %dma_start3A_352 = arith.constant 13 : i32
    %dma_start3A_353 = arith.constant 0 : i32
    %dma_start3A_354 = arith.constant 0 : i32
    %dma_start3A_355 = tpu.memref_slice %arg6[%dma_start3A_352, %dma_start3A_353, %dma_start3A_354] : memref<16x2x32xi32, #tpu.memory_space<vmem>> -> memref<1x1x32xi32, #tpu.memory_space<vmem>>
    %dma_start3A_356 = tpu.memref_squeeze %dma_start3A_355 : memref<1x1x32xi32, #tpu.memory_space<vmem>> -> memref<32xi32, #tpu.memory_space<vmem>>
    %dma_start3A_357 = tpu.memref_slice %arg3[%mul3A_351] : memref<640000xi32, #tpu.memory_space<hbm>> -> memref<32xi32, #tpu.memory_space<hbm>>
    %dma_start3A_358 = arith.constant 0 : i32
    %dma_start3A_359 = tpu.memref_slice %arg6[%dma_start3A_352, %dma_start3A_353, %dma_start3A_358] : memref<16x2x32xi32, #tpu.memory_space<vmem>> -> memref<1x1x32xi32, #tpu.memory_space<vmem>>
    %dma_start3A_360 = tpu.memref_squeeze %dma_start3A_359 : memref<1x1x32xi32, #tpu.memory_space<vmem>> -> memref<32xi32, #tpu.memory_space<vmem>>
    %dma_start3A_361 = tpu.memref_slice %arg3[%mul3A_351] : memref<640000xi32, #tpu.memory_space<hbm>> -> memref<32xi32, #tpu.memory_space<hbm>>
    tpu.enqueue_dma source(%dma_start3A_361 : memref<32xi32, #tpu.memory_space<hbm>>) target(%dma_start3A_360 : memref<32xi32, #tpu.memory_space<vmem>>) target_semaphore(%arg9 : memref<!tpu.dma_semaphore, #tpu.memory_space<semaphore_mem>>)
    %add3A_362 = arith.constant 320000 : i32
    %add3A_363 = arith.addi %add3A_362, %mul3A_351 : i32
    %dma_start3A_364 = arith.constant 13 : i32
    %dma_start3A_365 = arith.constant 1 : i32
    %dma_start3A_366 = arith.constant 0 : i32
    %dma_start3A_367 = tpu.memref_slice %arg6[%dma_start3A_364, %dma_start3A_365, %dma_start3A_366] : memref<16x2x32xi32, #tpu.memory_space<vmem>> -> memref<1x1x32xi32, #tpu.memory_space<vmem>>
    %dma_start3A_368 = tpu.memref_squeeze %dma_start3A_367 : memref<1x1x32xi32, #tpu.memory_space<vmem>> -> memref<32xi32, #tpu.memory_space<vmem>>
    %dma_start3A_369 = tpu.memref_slice %arg3[%add3A_363] : memref<640000xi32, #tpu.memory_space<hbm>> -> memref<32xi32, #tpu.memory_space<hbm>>
    %dma_start3A_370 = arith.constant 0 : i32
    %dma_start3A_371 = tpu.memref_slice %arg6[%dma_start3A_364, %dma_start3A_365, %dma_start3A_370] : memref<16x2x32xi32, #tpu.memory_space<vmem>> -> memref<1x1x32xi32, #tpu.memory_space<vmem>>
    %dma_start3A_372 = tpu.memref_squeeze %dma_start3A_371 : memref<1x1x32xi32, #tpu.memory_space<vmem>> -> memref<32xi32, #tpu.memory_space<vmem>>
    %dma_start3A_373 = tpu.memref_slice %arg3[%add3A_363] : memref<640000xi32, #tpu.memory_space<hbm>> -> memref<32xi32, #tpu.memory_space<hbm>>
    tpu.enqueue_dma source(%dma_start3A_373 : memref<32xi32, #tpu.memory_space<hbm>>) target(%dma_start3A_372 : memref<32xi32, #tpu.memory_space<vmem>>) target_semaphore(%arg9 : memref<!tpu.dma_semaphore, #tpu.memory_space<semaphore_mem>>)
    %add3A_374 = arith.constant 14 : i32
    %add3A_375 = arith.addi %add3A_4, %add3A_374 : i32
    %mul3A_376 = arith.constant 32 : i32
    %mul3A_377 = arith.muli %add3A_375, %mul3A_376 : i32
    %dma_start3A_378 = arith.constant 14 : i32
    %dma_start3A_379 = arith.constant 0 : i32
    %dma_start3A_380 = arith.constant 0 : i32
    %dma_start3A_381 = tpu.memref_slice %arg6[%dma_start3A_378, %dma_start3A_379, %dma_start3A_380] : memref<16x2x32xi32, #tpu.memory_space<vmem>> -> memref<1x1x32xi32, #tpu.memory_space<vmem>>
    %dma_start3A_382 = tpu.memref_squeeze %dma_start3A_381 : memref<1x1x32xi32, #tpu.memory_space<vmem>> -> memref<32xi32, #tpu.memory_space<vmem>>
    %dma_start3A_383 = tpu.memref_slice %arg3[%mul3A_377] : memref<640000xi32, #tpu.memory_space<hbm>> -> memref<32xi32, #tpu.memory_space<hbm>>
    %dma_start3A_384 = arith.constant 0 : i32
    %dma_start3A_385 = tpu.memref_slice %arg6[%dma_start3A_378, %dma_start3A_379, %dma_start3A_384] : memref<16x2x32xi32, #tpu.memory_space<vmem>> -> memref<1x1x32xi32, #tpu.memory_space<vmem>>
    %dma_start3A_386 = tpu.memref_squeeze %dma_start3A_385 : memref<1x1x32xi32, #tpu.memory_space<vmem>> -> memref<32xi32, #tpu.memory_space<vmem>>
    %dma_start3A_387 = tpu.memref_slice %arg3[%mul3A_377] : memref<640000xi32, #tpu.memory_space<hbm>> -> memref<32xi32, #tpu.memory_space<hbm>>
    tpu.enqueue_dma source(%dma_start3A_387 : memref<32xi32, #tpu.memory_space<hbm>>) target(%dma_start3A_386 : memref<32xi32, #tpu.memory_space<vmem>>) target_semaphore(%arg9 : memref<!tpu.dma_semaphore, #tpu.memory_space<semaphore_mem>>)
    %add3A_388 = arith.constant 320000 : i32
    %add3A_389 = arith.addi %add3A_388, %mul3A_377 : i32
    %dma_start3A_390 = arith.constant 14 : i32
    %dma_start3A_391 = arith.constant 1 : i32
    %dma_start3A_392 = arith.constant 0 : i32
    %dma_start3A_393 = tpu.memref_slice %arg6[%dma_start3A_390, %dma_start3A_391, %dma_start3A_392] : memref<16x2x32xi32, #tpu.memory_space<vmem>> -> memref<1x1x32xi32, #tpu.memory_space<vmem>>
    %dma_start3A_394 = tpu.memref_squeeze %dma_start3A_393 : memref<1x1x32xi32, #tpu.memory_space<vmem>> -> memref<32xi32, #tpu.memory_space<vmem>>
    %dma_start3A_395 = tpu.memref_slice %arg3[%add3A_389] : memref<640000xi32, #tpu.memory_space<hbm>> -> memref<32xi32, #tpu.memory_space<hbm>>
    %dma_start3A_396 = arith.constant 0 : i32
    %dma_start3A_397 = tpu.memref_slice %arg6[%dma_start3A_390, %dma_start3A_391, %dma_start3A_396] : memref<16x2x32xi32, #tpu.memory_space<vmem>> -> memref<1x1x32xi32, #tpu.memory_space<vmem>>
    %dma_start3A_398 = tpu.memref_squeeze %dma_start3A_397 : memref<1x1x32xi32, #tpu.memory_space<vmem>> -> memref<32xi32, #tpu.memory_space<vmem>>
    %dma_start3A_399 = tpu.memref_slice %arg3[%add3A_389] : memref<640000xi32, #tpu.memory_space<hbm>> -> memref<32xi32, #tpu.memory_space<hbm>>
    tpu.enqueue_dma source(%dma_start3A_399 : memref<32xi32, #tpu.memory_space<hbm>>) target(%dma_start3A_398 : memref<32xi32, #tpu.memory_space<vmem>>) target_semaphore(%arg9 : memref<!tpu.dma_semaphore, #tpu.memory_space<semaphore_mem>>)
    %add3A_400 = arith.constant 15 : i32
    %add3A_401 = arith.addi %add3A_4, %add3A_400 : i32
    %mul3A_402 = arith.constant 32 : i32
    %mul3A_403 = arith.muli %add3A_401, %mul3A_402 : i32
    %dma_start3A_404 = arith.constant 15 : i32
    %dma_start3A_405 = arith.constant 0 : i32
    %dma_start3A_406 = arith.constant 0 : i32
    %dma_start3A_407 = tpu.memref_slice %arg6[%dma_start3A_404, %dma_start3A_405, %dma_start3A_406] : memref<16x2x32xi32, #tpu.memory_space<vmem>> -> memref<1x1x32xi32, #tpu.memory_space<vmem>>
    %dma_start3A_408 = tpu.memref_squeeze %dma_start3A_407 : memref<1x1x32xi32, #tpu.memory_space<vmem>> -> memref<32xi32, #tpu.memory_space<vmem>>
    %dma_start3A_409 = tpu.memref_slice %arg3[%mul3A_403] : memref<640000xi32, #tpu.memory_space<hbm>> -> memref<32xi32, #tpu.memory_space<hbm>>
    %dma_start3A_410 = arith.constant 0 : i32
    %dma_start3A_411 = tpu.memref_slice %arg6[%dma_start3A_404, %dma_start3A_405, %dma_start3A_410] : memref<16x2x32xi32, #tpu.memory_space<vmem>> -> memref<1x1x32xi32, #tpu.memory_space<vmem>>
    %dma_start3A_412 = tpu.memref_squeeze %dma_start3A_411 : memref<1x1x32xi32, #tpu.memory_space<vmem>> -> memref<32xi32, #tpu.memory_space<vmem>>
    %dma_start3A_413 = tpu.memref_slice %arg3[%mul3A_403] : memref<640000xi32, #tpu.memory_space<hbm>> -> memref<32xi32, #tpu.memory_space<hbm>>
    tpu.enqueue_dma source(%dma_start3A_413 : memref<32xi32, #tpu.memory_space<hbm>>) target(%dma_start3A_412 : memref<32xi32, #tpu.memory_space<vmem>>) target_semaphore(%arg9 : memref<!tpu.dma_semaphore, #tpu.memory_space<semaphore_mem>>)
    %add3A_414 = arith.constant 320000 : i32
    %add3A_415 = arith.addi %add3A_414, %mul3A_403 : i32
    %dma_start3A_416 = arith.constant 15 : i32
    %dma_start3A_417 = arith.constant 1 : i32
    %dma_start3A_418 = arith.constant 0 : i32
    %dma_start3A_419 = tpu.memref_slice %arg6[%dma_start3A_416, %dma_start3A_417, %dma_start3A_418] : memref<16x2x32xi32, #tpu.memory_space<vmem>> -> memref<1x1x32xi32, #tpu.memory_space<vmem>>
    %dma_start3A_420 = tpu.memref_squeeze %dma_start3A_419 : memref<1x1x32xi32, #tpu.memory_space<vmem>> -> memref<32xi32, #tpu.memory_space<vmem>>
    %dma_start3A_421 = tpu.memref_slice %arg3[%add3A_415] : memref<640000xi32, #tpu.memory_space<hbm>> -> memref<32xi32, #tpu.memory_space<hbm>>
    %dma_start3A_422 = arith.constant 0 : i32
    %dma_start3A_423 = tpu.memref_slice %arg6[%dma_start3A_416, %dma_start3A_417, %dma_start3A_422] : memref<16x2x32xi32, #tpu.memory_space<vmem>> -> memref<1x1x32xi32, #tpu.memory_space<vmem>>
    %dma_start3A_424 = tpu.memref_squeeze %dma_start3A_423 : memref<1x1x32xi32, #tpu.memory_space<vmem>> -> memref<32xi32, #tpu.memory_space<vmem>>
    %dma_start3A_425 = tpu.memref_slice %arg3[%add3A_415] : memref<640000xi32, #tpu.memory_space<hbm>> -> memref<32xi32, #tpu.memory_space<hbm>>
    tpu.enqueue_dma source(%dma_start3A_425 : memref<32xi32, #tpu.memory_space<hbm>>) target(%dma_start3A_424 : memref<32xi32, #tpu.memory_space<vmem>>) target_semaphore(%arg9 : memref<!tpu.dma_semaphore, #tpu.memory_space<semaphore_mem>>)
    %add3A_426 = arith.constant 0 : i32
    %add3A_427 = arith.addi %add3A_4, %add3A_426 : i32
    %mul3A_428 = arith.constant 32 : i32
    %mul3A_429 = arith.muli %add3A_427, %mul3A_428 : i32
    %dma_wait3A = arith.constant 0 : i32
    %dma_wait3A_430 = arith.constant 0 : i32
    %dma_wait3A_431 = arith.constant 0 : i32
    %dma_wait3A_432 = tpu.memref_slice %arg6[%dma_wait3A, %dma_wait3A_430, %dma_wait3A_431] : memref<16x2x32xi32, #tpu.memory_space<vmem>> -> memref<1x1x32xi32, #tpu.memory_space<vmem>>
    %dma_wait3A_433 = tpu.memref_squeeze %dma_wait3A_432 : memref<1x1x32xi32, #tpu.memory_space<vmem>> -> memref<32xi32, #tpu.memory_space<vmem>>
    %dma_wait3A_434 = tpu.memref_slice %arg3[%mul3A_429] : memref<640000xi32, #tpu.memory_space<hbm>> -> memref<32xi32, #tpu.memory_space<hbm>>
    %dma_wait3A_435 = arith.constant 0 : i32
    %dma_wait3A_436 = tpu.memref_slice %arg6[%dma_wait3A, %dma_wait3A_430, %dma_wait3A_435] : memref<16x2x32xi32, #tpu.memory_space<vmem>> -> memref<1x1x32xi32, #tpu.memory_space<vmem>>
    %dma_wait3A_437 = tpu.memref_squeeze %dma_wait3A_436 : memref<1x1x32xi32, #tpu.memory_space<vmem>> -> memref<32xi32, #tpu.memory_space<vmem>>
    %dma_wait3A_438 = tpu.memref_slice %arg3[%mul3A_429] : memref<640000xi32, #tpu.memory_space<hbm>> -> memref<32xi32, #tpu.memory_space<hbm>>
    tpu.wait_dma2 semaphore(%arg9 : memref<!tpu.dma_semaphore, #tpu.memory_space<semaphore_mem>>) src(%dma_wait3A_438 : memref<32xi32, #tpu.memory_space<hbm>>) dst(%dma_wait3A_437 : memref<32xi32, #tpu.memory_space<vmem>>)
    %add3A_439 = arith.constant 320000 : i32
    %add3A_440 = arith.addi %add3A_439, %mul3A_429 : i32
    %dma_wait3A_441 = arith.constant 0 : i32
    %dma_wait3A_442 = arith.constant 1 : i32
    %dma_wait3A_443 = arith.constant 0 : i32
    %dma_wait3A_444 = tpu.memref_slice %arg6[%dma_wait3A_441, %dma_wait3A_442, %dma_wait3A_443] : memref<16x2x32xi32, #tpu.memory_space<vmem>> -> memref<1x1x32xi32, #tpu.memory_space<vmem>>
    %dma_wait3A_445 = tpu.memref_squeeze %dma_wait3A_444 : memref<1x1x32xi32, #tpu.memory_space<vmem>> -> memref<32xi32, #tpu.memory_space<vmem>>
    %dma_wait3A_446 = tpu.memref_slice %arg3[%add3A_440] : memref<640000xi32, #tpu.memory_space<hbm>> -> memref<32xi32, #tpu.memory_space<hbm>>
    %dma_wait3A_447 = arith.constant 0 : i32
    %dma_wait3A_448 = tpu.memref_slice %arg6[%dma_wait3A_441, %dma_wait3A_442, %dma_wait3A_447] : memref<16x2x32xi32, #tpu.memory_space<vmem>> -> memref<1x1x32xi32, #tpu.memory_space<vmem>>
    %dma_wait3A_449 = tpu.memref_squeeze %dma_wait3A_448 : memref<1x1x32xi32, #tpu.memory_space<vmem>> -> memref<32xi32, #tpu.memory_space<vmem>>
    %dma_wait3A_450 = tpu.memref_slice %arg3[%add3A_440] : memref<640000xi32, #tpu.memory_space<hbm>> -> memref<32xi32, #tpu.memory_space<hbm>>
    tpu.wait_dma2 semaphore(%arg9 : memref<!tpu.dma_semaphore, #tpu.memory_space<semaphore_mem>>) src(%dma_wait3A_450 : memref<32xi32, #tpu.memory_space<hbm>>) dst(%dma_wait3A_449 : memref<32xi32, #tpu.memory_space<vmem>>)
    %dma_start3A_451 = arith.constant 0 : i32
    %dma_start3A_452 = arith.constant 0 : i32
    %dma_start3A_453 = arith.constant 0 : i32
    %dma_start3A_454 = arith.constant 0 : i32
    %dma_start3A_455 = arith.constant 0 : i32
    %dma_start3A_456 = tpu.memref_slice %arg7[%dma_start3A_453, %dma_start3A_454, %dma_start3A_455] : memref<11x32x128xf32, #tpu.memory_space<vmem>> -> memref<1x32x128xf32, #tpu.memory_space<vmem>>
    %dma_start3A_457 = tpu.memref_squeeze %dma_start3A_456 : memref<1x32x128xf32, #tpu.memory_space<vmem>> -> memref<32x128xf32, #tpu.memory_space<vmem>>
    %dma_start3A_458 = arith.constant 0 : i32
    %dma_start3A_459 = tpu.memref_slice %arg6[%dma_start3A_451, %dma_start3A_452, %dma_start3A_458] : memref<16x2x32xi32, #tpu.memory_space<vmem>> -> memref<1x1x32xi32, #tpu.memory_space<vmem>>
    %dma_start3A_460 = tpu.memref_squeeze %dma_start3A_459 : memref<1x1x32xi32, #tpu.memory_space<vmem>> -> memref<32xi32, #tpu.memory_space<vmem>>
    %dma_start3A_461 = arith.constant 0 : i32
    %dma_start3A_462 = arith.constant 0 : i32
    %dma_start3A_463 = tpu.memref_slice %arg2[%dma_start3A_461, %dma_start3A_462] : memref<10240x128xf32, #tpu.memory_space<hbm>> -> memref<10240x128xf32, #tpu.memory_space<hbm>>
    tpu.enqueue_indirect_dma source(%dma_start3A_463 : memref<10240x128xf32, #tpu.memory_space<hbm>>) target(%dma_start3A_457 : memref<32x128xf32, #tpu.memory_space<vmem>>) offsets(%dma_start3A_460 : memref<32xi32, #tpu.memory_space<vmem>>) semaphore(%arg10 : memref<!tpu.dma_semaphore, #tpu.memory_space<semaphore_mem>>)
    %add3A_464 = arith.constant 1 : i32
    %add3A_465 = arith.addi %add3A_4, %add3A_464 : i32
    %mul3A_466 = arith.constant 32 : i32
    %mul3A_467 = arith.muli %add3A_465, %mul3A_466 : i32
    %dma_wait3A_468 = arith.constant 1 : i32
    %dma_wait3A_469 = arith.constant 0 : i32
    %dma_wait3A_470 = arith.constant 0 : i32
    %dma_wait3A_471 = tpu.memref_slice %arg6[%dma_wait3A_468, %dma_wait3A_469, %dma_wait3A_470] : memref<16x2x32xi32, #tpu.memory_space<vmem>> -> memref<1x1x32xi32, #tpu.memory_space<vmem>>
    %dma_wait3A_472 = tpu.memref_squeeze %dma_wait3A_471 : memref<1x1x32xi32, #tpu.memory_space<vmem>> -> memref<32xi32, #tpu.memory_space<vmem>>
    %dma_wait3A_473 = tpu.memref_slice %arg3[%mul3A_467] : memref<640000xi32, #tpu.memory_space<hbm>> -> memref<32xi32, #tpu.memory_space<hbm>>
    %dma_wait3A_474 = arith.constant 0 : i32
    %dma_wait3A_475 = tpu.memref_slice %arg6[%dma_wait3A_468, %dma_wait3A_469, %dma_wait3A_474] : memref<16x2x32xi32, #tpu.memory_space<vmem>> -> memref<1x1x32xi32, #tpu.memory_space<vmem>>
    %dma_wait3A_476 = tpu.memref_squeeze %dma_wait3A_475 : memref<1x1x32xi32, #tpu.memory_space<vmem>> -> memref<32xi32, #tpu.memory_space<vmem>>
    %dma_wait3A_477 = tpu.memref_slice %arg3[%mul3A_467] : memref<640000xi32, #tpu.memory_space<hbm>> -> memref<32xi32, #tpu.memory_space<hbm>>
    tpu.wait_dma2 semaphore(%arg9 : memref<!tpu.dma_semaphore, #tpu.memory_space<semaphore_mem>>) src(%dma_wait3A_477 : memref<32xi32, #tpu.memory_space<hbm>>) dst(%dma_wait3A_476 : memref<32xi32, #tpu.memory_space<vmem>>)
    %add3A_478 = arith.constant 320000 : i32
    %add3A_479 = arith.addi %add3A_478, %mul3A_467 : i32
    %dma_wait3A_480 = arith.constant 1 : i32
    %dma_wait3A_481 = arith.constant 1 : i32
    %dma_wait3A_482 = arith.constant 0 : i32
    %dma_wait3A_483 = tpu.memref_slice %arg6[%dma_wait3A_480, %dma_wait3A_481, %dma_wait3A_482] : memref<16x2x32xi32, #tpu.memory_space<vmem>> -> memref<1x1x32xi32, #tpu.memory_space<vmem>>
    %dma_wait3A_484 = tpu.memref_squeeze %dma_wait3A_483 : memref<1x1x32xi32, #tpu.memory_space<vmem>> -> memref<32xi32, #tpu.memory_space<vmem>>
    %dma_wait3A_485 = tpu.memref_slice %arg3[%add3A_479] : memref<640000xi32, #tpu.memory_space<hbm>> -> memref<32xi32, #tpu.memory_space<hbm>>
    %dma_wait3A_486 = arith.constant 0 : i32
    %dma_wait3A_487 = tpu.memref_slice %arg6[%dma_wait3A_480, %dma_wait3A_481, %dma_wait3A_486] : memref<16x2x32xi32, #tpu.memory_space<vmem>> -> memref<1x1x32xi32, #tpu.memory_space<vmem>>
    %dma_wait3A_488 = tpu.memref_squeeze %dma_wait3A_487 : memref<1x1x32xi32, #tpu.memory_space<vmem>> -> memref<32xi32, #tpu.memory_space<vmem>>
    %dma_wait3A_489 = tpu.memref_slice %arg3[%add3A_479] : memref<640000xi32, #tpu.memory_space<hbm>> -> memref<32xi32, #tpu.memory_space<hbm>>
    tpu.wait_dma2 semaphore(%arg9 : memref<!tpu.dma_semaphore, #tpu.memory_space<semaphore_mem>>) src(%dma_wait3A_489 : memref<32xi32, #tpu.memory_space<hbm>>) dst(%dma_wait3A_488 : memref<32xi32, #tpu.memory_space<vmem>>)
    %dma_start3A_490 = arith.constant 1 : i32
    %dma_start3A_491 = arith.constant 0 : i32
    %dma_start3A_492 = arith.constant 1 : i32
    %dma_start3A_493 = arith.constant 0 : i32
    %dma_start3A_494 = arith.constant 0 : i32
    %dma_start3A_495 = tpu.memref_slice %arg7[%dma_start3A_492, %dma_start3A_493, %dma_start3A_494] : memref<11x32x128xf32, #tpu.memory_space<vmem>> -> memref<1x32x128xf32, #tpu.memory_space<vmem>>
    %dma_start3A_496 = tpu.memref_squeeze %dma_start3A_495 : memref<1x32x128xf32, #tpu.memory_space<vmem>> -> memref<32x128xf32, #tpu.memory_space<vmem>>
    %dma_start3A_497 = arith.constant 0 : i32
    %dma_start3A_498 = tpu.memref_slice %arg6[%dma_start3A_490, %dma_start3A_491, %dma_start3A_497] : memref<16x2x32xi32, #tpu.memory_space<vmem>> -> memref<1x1x32xi32, #tpu.memory_space<vmem>>
    %dma_start3A_499 = tpu.memref_squeeze %dma_start3A_498 : memref<1x1x32xi32, #tpu.memory_space<vmem>> -> memref<32xi32, #tpu.memory_space<vmem>>
    %dma_start3A_500 = arith.constant 0 : i32
    %dma_start3A_501 = arith.constant 0 : i32
    %dma_start3A_502 = tpu.memref_slice %arg2[%dma_start3A_500, %dma_start3A_501] : memref<10240x128xf32, #tpu.memory_space<hbm>> -> memref<10240x128xf32, #tpu.memory_space<hbm>>
    tpu.enqueue_indirect_dma source(%dma_start3A_502 : memref<10240x128xf32, #tpu.memory_space<hbm>>) target(%dma_start3A_496 : memref<32x128xf32, #tpu.memory_space<vmem>>) offsets(%dma_start3A_499 : memref<32xi32, #tpu.memory_space<vmem>>) semaphore(%arg10 : memref<!tpu.dma_semaphore, #tpu.memory_space<semaphore_mem>>)
    %add3A_503 = arith.constant 2 : i32
    %add3A_504 = arith.addi %add3A_4, %add3A_503 : i32
    %mul3A_505 = arith.constant 32 : i32
    %mul3A_506 = arith.muli %add3A_504, %mul3A_505 : i32
    %dma_wait3A_507 = arith.constant 2 : i32
    %dma_wait3A_508 = arith.constant 0 : i32
    %dma_wait3A_509 = arith.constant 0 : i32
    %dma_wait3A_510 = tpu.memref_slice %arg6[%dma_wait3A_507, %dma_wait3A_508, %dma_wait3A_509] : memref<16x2x32xi32, #tpu.memory_space<vmem>> -> memref<1x1x32xi32, #tpu.memory_space<vmem>>
    %dma_wait3A_511 = tpu.memref_squeeze %dma_wait3A_510 : memref<1x1x32xi32, #tpu.memory_space<vmem>> -> memref<32xi32, #tpu.memory_space<vmem>>
    %dma_wait3A_512 = tpu.memref_slice %arg3[%mul3A_506] : memref<640000xi32, #tpu.memory_space<hbm>> -> memref<32xi32, #tpu.memory_space<hbm>>
    %dma_wait3A_513 = arith.constant 0 : i32
    %dma_wait3A_514 = tpu.memref_slice %arg6[%dma_wait3A_507, %dma_wait3A_508, %dma_wait3A_513] : memref<16x2x32xi32, #tpu.memory_space<vmem>> -> memref<1x1x32xi32, #tpu.memory_space<vmem>>
    %dma_wait3A_515 = tpu.memref_squeeze %dma_wait3A_514 : memref<1x1x32xi32, #tpu.memory_space<vmem>> -> memref<32xi32, #tpu.memory_space<vmem>>
    %dma_wait3A_516 = tpu.memref_slice %arg3[%mul3A_506] : memref<640000xi32, #tpu.memory_space<hbm>> -> memref<32xi32, #tpu.memory_space<hbm>>
    tpu.wait_dma2 semaphore(%arg9 : memref<!tpu.dma_semaphore, #tpu.memory_space<semaphore_mem>>) src(%dma_wait3A_516 : memref<32xi32, #tpu.memory_space<hbm>>) dst(%dma_wait3A_515 : memref<32xi32, #tpu.memory_space<vmem>>)
    %add3A_517 = arith.constant 320000 : i32
    %add3A_518 = arith.addi %add3A_517, %mul3A_506 : i32
    %dma_wait3A_519 = arith.constant 2 : i32
    %dma_wait3A_520 = arith.constant 1 : i32
    %dma_wait3A_521 = arith.constant 0 : i32
    %dma_wait3A_522 = tpu.memref_slice %arg6[%dma_wait3A_519, %dma_wait3A_520, %dma_wait3A_521] : memref<16x2x32xi32, #tpu.memory_space<vmem>> -> memref<1x1x32xi32, #tpu.memory_space<vmem>>
    %dma_wait3A_523 = tpu.memref_squeeze %dma_wait3A_522 : memref<1x1x32xi32, #tpu.memory_space<vmem>> -> memref<32xi32, #tpu.memory_space<vmem>>
    %dma_wait3A_524 = tpu.memref_slice %arg3[%add3A_518] : memref<640000xi32, #tpu.memory_space<hbm>> -> memref<32xi32, #tpu.memory_space<hbm>>
    %dma_wait3A_525 = arith.constant 0 : i32
    %dma_wait3A_526 = tpu.memref_slice %arg6[%dma_wait3A_519, %dma_wait3A_520, %dma_wait3A_525] : memref<16x2x32xi32, #tpu.memory_space<vmem>> -> memref<1x1x32xi32, #tpu.memory_space<vmem>>
    %dma_wait3A_527 = tpu.memref_squeeze %dma_wait3A_526 : memref<1x1x32xi32, #tpu.memory_space<vmem>> -> memref<32xi32, #tpu.memory_space<vmem>>
    %dma_wait3A_528 = tpu.memref_slice %arg3[%add3A_518] : memref<640000xi32, #tpu.memory_space<hbm>> -> memref<32xi32, #tpu.memory_space<hbm>>
    tpu.wait_dma2 semaphore(%arg9 : memref<!tpu.dma_semaphore, #tpu.memory_space<semaphore_mem>>) src(%dma_wait3A_528 : memref<32xi32, #tpu.memory_space<hbm>>) dst(%dma_wait3A_527 : memref<32xi32, #tpu.memory_space<vmem>>)
    %dma_start3A_529 = arith.constant 2 : i32
    %dma_start3A_530 = arith.constant 0 : i32
    %dma_start3A_531 = arith.constant 2 : i32
    %dma_start3A_532 = arith.constant 0 : i32
    %dma_start3A_533 = arith.constant 0 : i32
    %dma_start3A_534 = tpu.memref_slice %arg7[%dma_start3A_531, %dma_start3A_532, %dma_start3A_533] : memref<11x32x128xf32, #tpu.memory_space<vmem>> -> memref<1x32x128xf32, #tpu.memory_space<vmem>>
    %dma_start3A_535 = tpu.memref_squeeze %dma_start3A_534 : memref<1x32x128xf32, #tpu.memory_space<vmem>> -> memref<32x128xf32, #tpu.memory_space<vmem>>
    %dma_start3A_536 = arith.constant 0 : i32
    %dma_start3A_537 = tpu.memref_slice %arg6[%dma_start3A_529, %dma_start3A_530, %dma_start3A_536] : memref<16x2x32xi32, #tpu.memory_space<vmem>> -> memref<1x1x32xi32, #tpu.memory_space<vmem>>
    %dma_start3A_538 = tpu.memref_squeeze %dma_start3A_537 : memref<1x1x32xi32, #tpu.memory_space<vmem>> -> memref<32xi32, #tpu.memory_space<vmem>>
    %dma_start3A_539 = arith.constant 0 : i32
    %dma_start3A_540 = arith.constant 0 : i32
    %dma_start3A_541 = tpu.memref_slice %arg2[%dma_start3A_539, %dma_start3A_540] : memref<10240x128xf32, #tpu.memory_space<hbm>> -> memref<10240x128xf32, #tpu.memory_space<hbm>>
    tpu.enqueue_indirect_dma source(%dma_start3A_541 : memref<10240x128xf32, #tpu.memory_space<hbm>>) target(%dma_start3A_535 : memref<32x128xf32, #tpu.memory_space<vmem>>) offsets(%dma_start3A_538 : memref<32xi32, #tpu.memory_space<vmem>>) semaphore(%arg10 : memref<!tpu.dma_semaphore, #tpu.memory_space<semaphore_mem>>)
    %add3A_542 = arith.constant 3 : i32
    %add3A_543 = arith.addi %add3A_4, %add3A_542 : i32
    %mul3A_544 = arith.constant 32 : i32
    %mul3A_545 = arith.muli %add3A_543, %mul3A_544 : i32
    %dma_wait3A_546 = arith.constant 3 : i32
    %dma_wait3A_547 = arith.constant 0 : i32
    %dma_wait3A_548 = arith.constant 0 : i32
    %dma_wait3A_549 = tpu.memref_slice %arg6[%dma_wait3A_546, %dma_wait3A_547, %dma_wait3A_548] : memref<16x2x32xi32, #tpu.memory_space<vmem>> -> memref<1x1x32xi32, #tpu.memory_space<vmem>>
    %dma_wait3A_550 = tpu.memref_squeeze %dma_wait3A_549 : memref<1x1x32xi32, #tpu.memory_space<vmem>> -> memref<32xi32, #tpu.memory_space<vmem>>
    %dma_wait3A_551 = tpu.memref_slice %arg3[%mul3A_545] : memref<640000xi32, #tpu.memory_space<hbm>> -> memref<32xi32, #tpu.memory_space<hbm>>
    %dma_wait3A_552 = arith.constant 0 : i32
    %dma_wait3A_553 = tpu.memref_slice %arg6[%dma_wait3A_546, %dma_wait3A_547, %dma_wait3A_552] : memref<16x2x32xi32, #tpu.memory_space<vmem>> -> memref<1x1x32xi32, #tpu.memory_space<vmem>>
    %dma_wait3A_554 = tpu.memref_squeeze %dma_wait3A_553 : memref<1x1x32xi32, #tpu.memory_space<vmem>> -> memref<32xi32, #tpu.memory_space<vmem>>
    %dma_wait3A_555 = tpu.memref_slice %arg3[%mul3A_545] : memref<640000xi32, #tpu.memory_space<hbm>> -> memref<32xi32, #tpu.memory_space<hbm>>
    tpu.wait_dma2 semaphore(%arg9 : memref<!tpu.dma_semaphore, #tpu.memory_space<semaphore_mem>>) src(%dma_wait3A_555 : memref<32xi32, #tpu.memory_space<hbm>>) dst(%dma_wait3A_554 : memref<32xi32, #tpu.memory_space<vmem>>)
    %add3A_556 = arith.constant 320000 : i32
    %add3A_557 = arith.addi %add3A_556, %mul3A_545 : i32
    %dma_wait3A_558 = arith.constant 3 : i32
    %dma_wait3A_559 = arith.constant 1 : i32
    %dma_wait3A_560 = arith.constant 0 : i32
    %dma_wait3A_561 = tpu.memref_slice %arg6[%dma_wait3A_558, %dma_wait3A_559, %dma_wait3A_560] : memref<16x2x32xi32, #tpu.memory_space<vmem>> -> memref<1x1x32xi32, #tpu.memory_space<vmem>>
    %dma_wait3A_562 = tpu.memref_squeeze %dma_wait3A_561 : memref<1x1x32xi32, #tpu.memory_space<vmem>> -> memref<32xi32, #tpu.memory_space<vmem>>
    %dma_wait3A_563 = tpu.memref_slice %arg3[%add3A_557] : memref<640000xi32, #tpu.memory_space<hbm>> -> memref<32xi32, #tpu.memory_space<hbm>>
    %dma_wait3A_564 = arith.constant 0 : i32
    %dma_wait3A_565 = tpu.memref_slice %arg6[%dma_wait3A_558, %dma_wait3A_559, %dma_wait3A_564] : memref<16x2x32xi32, #tpu.memory_space<vmem>> -> memref<1x1x32xi32, #tpu.memory_space<vmem>>
    %dma_wait3A_566 = tpu.memref_squeeze %dma_wait3A_565 : memref<1x1x32xi32, #tpu.memory_space<vmem>> -> memref<32xi32, #tpu.memory_space<vmem>>
    %dma_wait3A_567 = tpu.memref_slice %arg3[%add3A_557] : memref<640000xi32, #tpu.memory_space<hbm>> -> memref<32xi32, #tpu.memory_space<hbm>>
    tpu.wait_dma2 semaphore(%arg9 : memref<!tpu.dma_semaphore, #tpu.memory_space<semaphore_mem>>) src(%dma_wait3A_567 : memref<32xi32, #tpu.memory_space<hbm>>) dst(%dma_wait3A_566 : memref<32xi32, #tpu.memory_space<vmem>>)
    %dma_start3A_568 = arith.constant 3 : i32
    %dma_start3A_569 = arith.constant 0 : i32
    %dma_start3A_570 = arith.constant 3 : i32
    %dma_start3A_571 = arith.constant 0 : i32
    %dma_start3A_572 = arith.constant 0 : i32
    %dma_start3A_573 = tpu.memref_slice %arg7[%dma_start3A_570, %dma_start3A_571, %dma_start3A_572] : memref<11x32x128xf32, #tpu.memory_space<vmem>> -> memref<1x32x128xf32, #tpu.memory_space<vmem>>
    %dma_start3A_574 = tpu.memref_squeeze %dma_start3A_573 : memref<1x32x128xf32, #tpu.memory_space<vmem>> -> memref<32x128xf32, #tpu.memory_space<vmem>>
    %dma_start3A_575 = arith.constant 0 : i32
    %dma_start3A_576 = tpu.memref_slice %arg6[%dma_start3A_568, %dma_start3A_569, %dma_start3A_575] : memref<16x2x32xi32, #tpu.memory_space<vmem>> -> memref<1x1x32xi32, #tpu.memory_space<vmem>>
    %dma_start3A_577 = tpu.memref_squeeze %dma_start3A_576 : memref<1x1x32xi32, #tpu.memory_space<vmem>> -> memref<32xi32, #tpu.memory_space<vmem>>
    %dma_start3A_578 = arith.constant 0 : i32
    %dma_start3A_579 = arith.constant 0 : i32
    %dma_start3A_580 = tpu.memref_slice %arg2[%dma_start3A_578, %dma_start3A_579] : memref<10240x128xf32, #tpu.memory_space<hbm>> -> memref<10240x128xf32, #tpu.memory_space<hbm>>
    tpu.enqueue_indirect_dma source(%dma_start3A_580 : memref<10240x128xf32, #tpu.memory_space<hbm>>) target(%dma_start3A_574 : memref<32x128xf32, #tpu.memory_space<vmem>>) offsets(%dma_start3A_577 : memref<32xi32, #tpu.memory_space<vmem>>) semaphore(%arg10 : memref<!tpu.dma_semaphore, #tpu.memory_space<semaphore_mem>>)
    %add3A_581 = arith.constant 4 : i32
    %add3A_582 = arith.addi %add3A_4, %add3A_581 : i32
    %mul3A_583 = arith.constant 32 : i32
    %mul3A_584 = arith.muli %add3A_582, %mul3A_583 : i32
    %dma_wait3A_585 = arith.constant 4 : i32
    %dma_wait3A_586 = arith.constant 0 : i32
    %dma_wait3A_587 = arith.constant 0 : i32
    %dma_wait3A_588 = tpu.memref_slice %arg6[%dma_wait3A_585, %dma_wait3A_586, %dma_wait3A_587] : memref<16x2x32xi32, #tpu.memory_space<vmem>> -> memref<1x1x32xi32, #tpu.memory_space<vmem>>
    %dma_wait3A_589 = tpu.memref_squeeze %dma_wait3A_588 : memref<1x1x32xi32, #tpu.memory_space<vmem>> -> memref<32xi32, #tpu.memory_space<vmem>>
    %dma_wait3A_590 = tpu.memref_slice %arg3[%mul3A_584] : memref<640000xi32, #tpu.memory_space<hbm>> -> memref<32xi32, #tpu.memory_space<hbm>>
    %dma_wait3A_591 = arith.constant 0 : i32
    %dma_wait3A_592 = tpu.memref_slice %arg6[%dma_wait3A_585, %dma_wait3A_586, %dma_wait3A_591] : memref<16x2x32xi32, #tpu.memory_space<vmem>> -> memref<1x1x32xi32, #tpu.memory_space<vmem>>
    %dma_wait3A_593 = tpu.memref_squeeze %dma_wait3A_592 : memref<1x1x32xi32, #tpu.memory_space<vmem>> -> memref<32xi32, #tpu.memory_space<vmem>>
    %dma_wait3A_594 = tpu.memref_slice %arg3[%mul3A_584] : memref<640000xi32, #tpu.memory_space<hbm>> -> memref<32xi32, #tpu.memory_space<hbm>>
    tpu.wait_dma2 semaphore(%arg9 : memref<!tpu.dma_semaphore, #tpu.memory_space<semaphore_mem>>) src(%dma_wait3A_594 : memref<32xi32, #tpu.memory_space<hbm>>) dst(%dma_wait3A_593 : memref<32xi32, #tpu.memory_space<vmem>>)
    %add3A_595 = arith.constant 320000 : i32
    %add3A_596 = arith.addi %add3A_595, %mul3A_584 : i32
    %dma_wait3A_597 = arith.constant 4 : i32
    %dma_wait3A_598 = arith.constant 1 : i32
    %dma_wait3A_599 = arith.constant 0 : i32
    %dma_wait3A_600 = tpu.memref_slice %arg6[%dma_wait3A_597, %dma_wait3A_598, %dma_wait3A_599] : memref<16x2x32xi32, #tpu.memory_space<vmem>> -> memref<1x1x32xi32, #tpu.memory_space<vmem>>
    %dma_wait3A_601 = tpu.memref_squeeze %dma_wait3A_600 : memref<1x1x32xi32, #tpu.memory_space<vmem>> -> memref<32xi32, #tpu.memory_space<vmem>>
    %dma_wait3A_602 = tpu.memref_slice %arg3[%add3A_596] : memref<640000xi32, #tpu.memory_space<hbm>> -> memref<32xi32, #tpu.memory_space<hbm>>
    %dma_wait3A_603 = arith.constant 0 : i32
    %dma_wait3A_604 = tpu.memref_slice %arg6[%dma_wait3A_597, %dma_wait3A_598, %dma_wait3A_603] : memref<16x2x32xi32, #tpu.memory_space<vmem>> -> memref<1x1x32xi32, #tpu.memory_space<vmem>>
    %dma_wait3A_605 = tpu.memref_squeeze %dma_wait3A_604 : memref<1x1x32xi32, #tpu.memory_space<vmem>> -> memref<32xi32, #tpu.memory_space<vmem>>
    %dma_wait3A_606 = tpu.memref_slice %arg3[%add3A_596] : memref<640000xi32, #tpu.memory_space<hbm>> -> memref<32xi32, #tpu.memory_space<hbm>>
    tpu.wait_dma2 semaphore(%arg9 : memref<!tpu.dma_semaphore, #tpu.memory_space<semaphore_mem>>) src(%dma_wait3A_606 : memref<32xi32, #tpu.memory_space<hbm>>) dst(%dma_wait3A_605 : memref<32xi32, #tpu.memory_space<vmem>>)
    %dma_start3A_607 = arith.constant 4 : i32
    %dma_start3A_608 = arith.constant 0 : i32
    %dma_start3A_609 = arith.constant 4 : i32
    %dma_start3A_610 = arith.constant 0 : i32
    %dma_start3A_611 = arith.constant 0 : i32
    %dma_start3A_612 = tpu.memref_slice %arg7[%dma_start3A_609, %dma_start3A_610, %dma_start3A_611] : memref<11x32x128xf32, #tpu.memory_space<vmem>> -> memref<1x32x128xf32, #tpu.memory_space<vmem>>
    %dma_start3A_613 = tpu.memref_squeeze %dma_start3A_612 : memref<1x32x128xf32, #tpu.memory_space<vmem>> -> memref<32x128xf32, #tpu.memory_space<vmem>>
    %dma_start3A_614 = arith.constant 0 : i32
    %dma_start3A_615 = tpu.memref_slice %arg6[%dma_start3A_607, %dma_start3A_608, %dma_start3A_614] : memref<16x2x32xi32, #tpu.memory_space<vmem>> -> memref<1x1x32xi32, #tpu.memory_space<vmem>>
    %dma_start3A_616 = tpu.memref_squeeze %dma_start3A_615 : memref<1x1x32xi32, #tpu.memory_space<vmem>> -> memref<32xi32, #tpu.memory_space<vmem>>
    %dma_start3A_617 = arith.constant 0 : i32
    %dma_start3A_618 = arith.constant 0 : i32
    %dma_start3A_619 = tpu.memref_slice %arg2[%dma_start3A_617, %dma_start3A_618] : memref<10240x128xf32, #tpu.memory_space<hbm>> -> memref<10240x128xf32, #tpu.memory_space<hbm>>
    tpu.enqueue_indirect_dma source(%dma_start3A_619 : memref<10240x128xf32, #tpu.memory_space<hbm>>) target(%dma_start3A_613 : memref<32x128xf32, #tpu.memory_space<vmem>>) offsets(%dma_start3A_616 : memref<32xi32, #tpu.memory_space<vmem>>) semaphore(%arg10 : memref<!tpu.dma_semaphore, #tpu.memory_space<semaphore_mem>>)
    %add3A_620 = arith.constant 5 : i32
    %add3A_621 = arith.addi %add3A_4, %add3A_620 : i32
    %mul3A_622 = arith.constant 32 : i32
    %mul3A_623 = arith.muli %add3A_621, %mul3A_622 : i32
    %dma_wait3A_624 = arith.constant 5 : i32
    %dma_wait3A_625 = arith.constant 0 : i32
    %dma_wait3A_626 = arith.constant 0 : i32
    %dma_wait3A_627 = tpu.memref_slice %arg6[%dma_wait3A_624, %dma_wait3A_625, %dma_wait3A_626] : memref<16x2x32xi32, #tpu.memory_space<vmem>> -> memref<1x1x32xi32, #tpu.memory_space<vmem>>
    %dma_wait3A_628 = tpu.memref_squeeze %dma_wait3A_627 : memref<1x1x32xi32, #tpu.memory_space<vmem>> -> memref<32xi32, #tpu.memory_space<vmem>>
    %dma_wait3A_629 = tpu.memref_slice %arg3[%mul3A_623] : memref<640000xi32, #tpu.memory_space<hbm>> -> memref<32xi32, #tpu.memory_space<hbm>>
    %dma_wait3A_630 = arith.constant 0 : i32
    %dma_wait3A_631 = tpu.memref_slice %arg6[%dma_wait3A_624, %dma_wait3A_625, %dma_wait3A_630] : memref<16x2x32xi32, #tpu.memory_space<vmem>> -> memref<1x1x32xi32, #tpu.memory_space<vmem>>
    %dma_wait3A_632 = tpu.memref_squeeze %dma_wait3A_631 : memref<1x1x32xi32, #tpu.memory_space<vmem>> -> memref<32xi32, #tpu.memory_space<vmem>>
    %dma_wait3A_633 = tpu.memref_slice %arg3[%mul3A_623] : memref<640000xi32, #tpu.memory_space<hbm>> -> memref<32xi32, #tpu.memory_space<hbm>>
    tpu.wait_dma2 semaphore(%arg9 : memref<!tpu.dma_semaphore, #tpu.memory_space<semaphore_mem>>) src(%dma_wait3A_633 : memref<32xi32, #tpu.memory_space<hbm>>) dst(%dma_wait3A_632 : memref<32xi32, #tpu.memory_space<vmem>>)
    %add3A_634 = arith.constant 320000 : i32
    %add3A_635 = arith.addi %add3A_634, %mul3A_623 : i32
    %dma_wait3A_636 = arith.constant 5 : i32
    %dma_wait3A_637 = arith.constant 1 : i32
    %dma_wait3A_638 = arith.constant 0 : i32
    %dma_wait3A_639 = tpu.memref_slice %arg6[%dma_wait3A_636, %dma_wait3A_637, %dma_wait3A_638] : memref<16x2x32xi32, #tpu.memory_space<vmem>> -> memref<1x1x32xi32, #tpu.memory_space<vmem>>
    %dma_wait3A_640 = tpu.memref_squeeze %dma_wait3A_639 : memref<1x1x32xi32, #tpu.memory_space<vmem>> -> memref<32xi32, #tpu.memory_space<vmem>>
    %dma_wait3A_641 = tpu.memref_slice %arg3[%add3A_635] : memref<640000xi32, #tpu.memory_space<hbm>> -> memref<32xi32, #tpu.memory_space<hbm>>
    %dma_wait3A_642 = arith.constant 0 : i32
    %dma_wait3A_643 = tpu.memref_slice %arg6[%dma_wait3A_636, %dma_wait3A_637, %dma_wait3A_642] : memref<16x2x32xi32, #tpu.memory_space<vmem>> -> memref<1x1x32xi32, #tpu.memory_space<vmem>>
    %dma_wait3A_644 = tpu.memref_squeeze %dma_wait3A_643 : memref<1x1x32xi32, #tpu.memory_space<vmem>> -> memref<32xi32, #tpu.memory_space<vmem>>
    %dma_wait3A_645 = tpu.memref_slice %arg3[%add3A_635] : memref<640000xi32, #tpu.memory_space<hbm>> -> memref<32xi32, #tpu.memory_space<hbm>>
    tpu.wait_dma2 semaphore(%arg9 : memref<!tpu.dma_semaphore, #tpu.memory_space<semaphore_mem>>) src(%dma_wait3A_645 : memref<32xi32, #tpu.memory_space<hbm>>) dst(%dma_wait3A_644 : memref<32xi32, #tpu.memory_space<vmem>>)
    %dma_start3A_646 = arith.constant 5 : i32
    %dma_start3A_647 = arith.constant 0 : i32
    %dma_start3A_648 = arith.constant 5 : i32
    %dma_start3A_649 = arith.constant 0 : i32
    %dma_start3A_650 = arith.constant 0 : i32
    %dma_start3A_651 = tpu.memref_slice %arg7[%dma_start3A_648, %dma_start3A_649, %dma_start3A_650] : memref<11x32x128xf32, #tpu.memory_space<vmem>> -> memref<1x32x128xf32, #tpu.memory_space<vmem>>
    %dma_start3A_652 = tpu.memref_squeeze %dma_start3A_651 : memref<1x32x128xf32, #tpu.memory_space<vmem>> -> memref<32x128xf32, #tpu.memory_space<vmem>>
    %dma_start3A_653 = arith.constant 0 : i32
    %dma_start3A_654 = tpu.memref_slice %arg6[%dma_start3A_646, %dma_start3A_647, %dma_start3A_653] : memref<16x2x32xi32, #tpu.memory_space<vmem>> -> memref<1x1x32xi32, #tpu.memory_space<vmem>>
    %dma_start3A_655 = tpu.memref_squeeze %dma_start3A_654 : memref<1x1x32xi32, #tpu.memory_space<vmem>> -> memref<32xi32, #tpu.memory_space<vmem>>
    %dma_start3A_656 = arith.constant 0 : i32
    %dma_start3A_657 = arith.constant 0 : i32
    %dma_start3A_658 = tpu.memref_slice %arg2[%dma_start3A_656, %dma_start3A_657] : memref<10240x128xf32, #tpu.memory_space<hbm>> -> memref<10240x128xf32, #tpu.memory_space<hbm>>
    tpu.enqueue_indirect_dma source(%dma_start3A_658 : memref<10240x128xf32, #tpu.memory_space<hbm>>) target(%dma_start3A_652 : memref<32x128xf32, #tpu.memory_space<vmem>>) offsets(%dma_start3A_655 : memref<32xi32, #tpu.memory_space<vmem>>) semaphore(%arg10 : memref<!tpu.dma_semaphore, #tpu.memory_space<semaphore_mem>>)
    %add3A_659 = arith.constant 6 : i32
    %add3A_660 = arith.addi %add3A_4, %add3A_659 : i32
    %mul3A_661 = arith.constant 32 : i32
    %mul3A_662 = arith.muli %add3A_660, %mul3A_661 : i32
    %dma_wait3A_663 = arith.constant 6 : i32
    %dma_wait3A_664 = arith.constant 0 : i32
    %dma_wait3A_665 = arith.constant 0 : i32
    %dma_wait3A_666 = tpu.memref_slice %arg6[%dma_wait3A_663, %dma_wait3A_664, %dma_wait3A_665] : memref<16x2x32xi32, #tpu.memory_space<vmem>> -> memref<1x1x32xi32, #tpu.memory_space<vmem>>
    %dma_wait3A_667 = tpu.memref_squeeze %dma_wait3A_666 : memref<1x1x32xi32, #tpu.memory_space<vmem>> -> memref<32xi32, #tpu.memory_space<vmem>>
    %dma_wait3A_668 = tpu.memref_slice %arg3[%mul3A_662] : memref<640000xi32, #tpu.memory_space<hbm>> -> memref<32xi32, #tpu.memory_space<hbm>>
    %dma_wait3A_669 = arith.constant 0 : i32
    %dma_wait3A_670 = tpu.memref_slice %arg6[%dma_wait3A_663, %dma_wait3A_664, %dma_wait3A_669] : memref<16x2x32xi32, #tpu.memory_space<vmem>> -> memref<1x1x32xi32, #tpu.memory_space<vmem>>
    %dma_wait3A_671 = tpu.memref_squeeze %dma_wait3A_670 : memref<1x1x32xi32, #tpu.memory_space<vmem>> -> memref<32xi32, #tpu.memory_space<vmem>>
    %dma_wait3A_672 = tpu.memref_slice %arg3[%mul3A_662] : memref<640000xi32, #tpu.memory_space<hbm>> -> memref<32xi32, #tpu.memory_space<hbm>>
    tpu.wait_dma2 semaphore(%arg9 : memref<!tpu.dma_semaphore, #tpu.memory_space<semaphore_mem>>) src(%dma_wait3A_672 : memref<32xi32, #tpu.memory_space<hbm>>) dst(%dma_wait3A_671 : memref<32xi32, #tpu.memory_space<vmem>>)
    %add3A_673 = arith.constant 320000 : i32
    %add3A_674 = arith.addi %add3A_673, %mul3A_662 : i32
    %dma_wait3A_675 = arith.constant 6 : i32
    %dma_wait3A_676 = arith.constant 1 : i32
    %dma_wait3A_677 = arith.constant 0 : i32
    %dma_wait3A_678 = tpu.memref_slice %arg6[%dma_wait3A_675, %dma_wait3A_676, %dma_wait3A_677] : memref<16x2x32xi32, #tpu.memory_space<vmem>> -> memref<1x1x32xi32, #tpu.memory_space<vmem>>
    %dma_wait3A_679 = tpu.memref_squeeze %dma_wait3A_678 : memref<1x1x32xi32, #tpu.memory_space<vmem>> -> memref<32xi32, #tpu.memory_space<vmem>>
    %dma_wait3A_680 = tpu.memref_slice %arg3[%add3A_674] : memref<640000xi32, #tpu.memory_space<hbm>> -> memref<32xi32, #tpu.memory_space<hbm>>
    %dma_wait3A_681 = arith.constant 0 : i32
    %dma_wait3A_682 = tpu.memref_slice %arg6[%dma_wait3A_675, %dma_wait3A_676, %dma_wait3A_681] : memref<16x2x32xi32, #tpu.memory_space<vmem>> -> memref<1x1x32xi32, #tpu.memory_space<vmem>>
    %dma_wait3A_683 = tpu.memref_squeeze %dma_wait3A_682 : memref<1x1x32xi32, #tpu.memory_space<vmem>> -> memref<32xi32, #tpu.memory_space<vmem>>
    %dma_wait3A_684 = tpu.memref_slice %arg3[%add3A_674] : memref<640000xi32, #tpu.memory_space<hbm>> -> memref<32xi32, #tpu.memory_space<hbm>>
    tpu.wait_dma2 semaphore(%arg9 : memref<!tpu.dma_semaphore, #tpu.memory_space<semaphore_mem>>) src(%dma_wait3A_684 : memref<32xi32, #tpu.memory_space<hbm>>) dst(%dma_wait3A_683 : memref<32xi32, #tpu.memory_space<vmem>>)
    %dma_start3A_685 = arith.constant 6 : i32
    %dma_start3A_686 = arith.constant 0 : i32
    %dma_start3A_687 = arith.constant 6 : i32
    %dma_start3A_688 = arith.constant 0 : i32
    %dma_start3A_689 = arith.constant 0 : i32
    %dma_start3A_690 = tpu.memref_slice %arg7[%dma_start3A_687, %dma_start3A_688, %dma_start3A_689] : memref<11x32x128xf32, #tpu.memory_space<vmem>> -> memref<1x32x128xf32, #tpu.memory_space<vmem>>
    %dma_start3A_691 = tpu.memref_squeeze %dma_start3A_690 : memref<1x32x128xf32, #tpu.memory_space<vmem>> -> memref<32x128xf32, #tpu.memory_space<vmem>>
    %dma_start3A_692 = arith.constant 0 : i32
    %dma_start3A_693 = tpu.memref_slice %arg6[%dma_start3A_685, %dma_start3A_686, %dma_start3A_692] : memref<16x2x32xi32, #tpu.memory_space<vmem>> -> memref<1x1x32xi32, #tpu.memory_space<vmem>>
    %dma_start3A_694 = tpu.memref_squeeze %dma_start3A_693 : memref<1x1x32xi32, #tpu.memory_space<vmem>> -> memref<32xi32, #tpu.memory_space<vmem>>
    %dma_start3A_695 = arith.constant 0 : i32
    %dma_start3A_696 = arith.constant 0 : i32
    %dma_start3A_697 = tpu.memref_slice %arg2[%dma_start3A_695, %dma_start3A_696] : memref<10240x128xf32, #tpu.memory_space<hbm>> -> memref<10240x128xf32, #tpu.memory_space<hbm>>
    tpu.enqueue_indirect_dma source(%dma_start3A_697 : memref<10240x128xf32, #tpu.memory_space<hbm>>) target(%dma_start3A_691 : memref<32x128xf32, #tpu.memory_space<vmem>>) offsets(%dma_start3A_694 : memref<32xi32, #tpu.memory_space<vmem>>) semaphore(%arg10 : memref<!tpu.dma_semaphore, #tpu.memory_space<semaphore_mem>>)
    %while3A = arith.constant 0 : i32
    %while3A_698 = arith.constant 0 : i32
    %while3A_699 = arith.subi %add3A_8, %while3A_698 : i32
    %while3A_700 = arith.addi %while3A_698, %while3A_699 : i32
    %while3A_701 = arith.constant 1 : i32
    %while3A_702 = arith.divsi %while3A_699, %while3A_701 : i32
    %while3A_703 = arith.muli %while3A_702, %while3A_701 : i32
    %while3A_704 = arith.addi %while3A_698, %while3A_703 : i32
    %while3A_705 = arith.constant 1 : i32
    scf.for %while3A_764 = %while3A_698 to %while3A_704 step %while3A_705  : i32 {
      %jit3A_765 = arith.constant 11 : i32
      %eq3A = arith.constant 0 : i32
      %eq3A_766 = arith.cmpi eq, %jit3A_765, %eq3A : i32
      %jit3A_767 = arith.constant 1 : i32
      %select_n3A_768 = arith.select %eq3A_766, %jit3A_767, %jit3A_765 : i32
      %rem3A = arith.remsi %while3A_764, %select_n3A_768 : i32
      %ne3A = arith.constant 0 : i32
      %ne3A_769 = arith.cmpi ne, %rem3A, %ne3A : i32
      %lt3A_770 = arith.constant 0 : i32
      %lt3A_771 = arith.cmpi slt, %rem3A, %lt3A_770 : i32
      %lt3A_772 = arith.constant 0 : i32
      %lt3A_773 = arith.cmpi slt, %select_n3A_768, %lt3A_772 : i32
      %ne3A_774 = arith.xori %lt3A_771, %lt3A_773 : i1
      %and3A = arith.andi %ne3A_774, %ne3A_769 : i1
      %add3A_775 = arith.addi %rem3A, %select_n3A_768 : i32
      %select_n3A_776 = arith.select %and3A, %add3A_775, %rem3A : i32
      %jit3A_777 = arith.constant 16 : i32
      %eq3A_778 = arith.constant 0 : i32
      %eq3A_779 = arith.cmpi eq, %jit3A_777, %eq3A_778 : i32
      %jit3A_780 = arith.constant 1 : i32
      %select_n3A_781 = arith.select %eq3A_779, %jit3A_780, %jit3A_777 : i32
      %rem3A_782 = arith.remsi %while3A_764, %select_n3A_781 : i32
      %ne3A_783 = arith.constant 0 : i32
      %ne3A_784 = arith.cmpi ne, %rem3A_782, %ne3A_783 : i32
      %lt3A_785 = arith.constant 0 : i32
      %lt3A_786 = arith.cmpi slt, %rem3A_782, %lt3A_785 : i32
      %lt3A_787 = arith.constant 0 : i32
      %lt3A_788 = arith.cmpi slt, %select_n3A_781, %lt3A_787 : i32
      %ne3A_789 = arith.xori %lt3A_786, %lt3A_788 : i1
      %and3A_790 = arith.andi %ne3A_789, %ne3A_784 : i1
      %add3A_791 = arith.addi %rem3A_782, %select_n3A_781 : i32
      %select_n3A_792 = arith.select %and3A_790, %add3A_791, %rem3A_782 : i32
      %dma_wait3A_793 = arith.constant 0 : i32
      %dma_wait3A_794 = arith.constant 0 : i32
      %dma_wait3A_795 = arith.constant 0 : i32
      %dma_wait3A_796 = tpu.memref_slice %arg7[%select_n3A_776, %dma_wait3A_794, %dma_wait3A_795] : memref<11x32x128xf32, #tpu.memory_space<vmem>> -> memref<1x32x128xf32, #tpu.memory_space<vmem>>
      %dma_wait3A_797 = tpu.memref_squeeze %dma_wait3A_796 : memref<1x32x128xf32, #tpu.memory_space<vmem>> -> memref<32x128xf32, #tpu.memory_space<vmem>>
      %dma_wait3A_798 = arith.constant 0 : i32
      %dma_wait3A_799 = tpu.memref_slice %arg6[%select_n3A_792, %dma_wait3A_793, %dma_wait3A_798] : memref<16x2x32xi32, #tpu.memory_space<vmem>> -> memref<1x1x32xi32, #tpu.memory_space<vmem>>
      %dma_wait3A_800 = tpu.memref_squeeze %dma_wait3A_799 : memref<1x1x32xi32, #tpu.memory_space<vmem>> -> memref<32xi32, #tpu.memory_space<vmem>>
      %dma_wait3A_801 = arith.constant 0 : i32
      %dma_wait3A_802 = arith.constant 0 : i32
      %dma_wait3A_803 = tpu.memref_slice %arg2[%dma_wait3A_801, %dma_wait3A_802] : memref<10240x128xf32, #tpu.memory_space<hbm>> -> memref<10240x128xf32, #tpu.memory_space<hbm>>
      tpu.wait_indirect_dma semaphore(%arg10 : memref<!tpu.dma_semaphore, #tpu.memory_space<semaphore_mem>>) src(%dma_wait3A_803 : memref<10240x128xf32, #tpu.memory_space<hbm>>) dst(%dma_wait3A_797 : memref<32x128xf32, #tpu.memory_space<vmem>>)
      %ge3A = arith.constant 4 : i32
      %ge3A_804 = arith.cmpi sge, %while3A_764, %ge3A : i32
      %convert_element_type3A = arith.extui %ge3A_804 : i1 to i32
      %cond3A = arith.constant 0 : i32
      %cond3A_805 = arith.cmpi ne, %convert_element_type3A, %cond3A : i32
      scf.if %cond3A_805 {
        %sub3A = arith.constant 4 : i32
        %sub3A_829 = arith.subi %while3A_764, %sub3A : i32
        %jit3A_830 = arith.constant 11 : i32
        %eq3A_831 = arith.constant 0 : i32
        %eq3A_832 = arith.cmpi eq, %jit3A_830, %eq3A_831 : i32
        %jit3A_833 = arith.constant 1 : i32
        %select_n3A_834 = arith.select %eq3A_832, %jit3A_833, %jit3A_830 : i32
        %rem3A_835 = arith.remsi %sub3A_829, %select_n3A_834 : i32
        %ne3A_836 = arith.constant 0 : i32
        %ne3A_837 = arith.cmpi ne, %rem3A_835, %ne3A_836 : i32
        %lt3A_838 = arith.constant 0 : i32
        %lt3A_839 = arith.cmpi slt, %rem3A_835, %lt3A_838 : i32
        %lt3A_840 = arith.constant 0 : i32
        %lt3A_841 = arith.cmpi slt, %select_n3A_834, %lt3A_840 : i32
        %ne3A_842 = arith.xori %lt3A_839, %lt3A_841 : i1
        %and3A_843 = arith.andi %ne3A_842, %ne3A_837 : i1
        %add3A_844 = arith.addi %rem3A_835, %select_n3A_834 : i32
        %select_n3A_845 = arith.select %and3A_843, %add3A_844, %rem3A_835 : i32
        %dma_wait3A_846 = arith.constant 1 : i32
        %dma_wait3A_847 = arith.constant 0 : i32
        %dma_wait3A_848 = arith.constant 0 : i32
        %dma_wait3A_849 = tpu.memref_slice %arg7[%select_n3A_845, %dma_wait3A_847, %dma_wait3A_848] : memref<11x32x128xf32, #tpu.memory_space<vmem>> -> memref<1x32x128xf32, #tpu.memory_space<vmem>>
        %dma_wait3A_850 = tpu.memref_squeeze %dma_wait3A_849 : memref<1x32x128xf32, #tpu.memory_space<vmem>> -> memref<32x128xf32, #tpu.memory_space<vmem>>
        %dma_wait3A_851 = arith.constant 0 : i32
        %dma_wait3A_852 = tpu.memref_slice %arg6[%select_n3A_792, %dma_wait3A_846, %dma_wait3A_851] : memref<16x2x32xi32, #tpu.memory_space<vmem>> -> memref<1x1x32xi32, #tpu.memory_space<vmem>>
        %dma_wait3A_853 = tpu.memref_squeeze %dma_wait3A_852 : memref<1x1x32xi32, #tpu.memory_space<vmem>> -> memref<32xi32, #tpu.memory_space<vmem>>
        %dma_wait3A_854 = arith.constant 0 : i32
        %dma_wait3A_855 = arith.constant 0 : i32
        %dma_wait3A_856 = tpu.memref_slice %arg8[%dma_wait3A_854, %dma_wait3A_855] : memref<10240x128xf32, #tpu.memory_space<vmem_shared>> -> memref<10240x128xf32, #tpu.memory_space<vmem_shared>>
        tpu.wait_indirect_dma semaphore(%arg11 : memref<!tpu.dma_semaphore, #tpu.memory_space<semaphore_mem>>) src(%dma_wait3A_850 : memref<32x128xf32, #tpu.memory_space<vmem>>) dst(%dma_wait3A_856 : memref<10240x128xf32, #tpu.memory_space<vmem_shared>>)
      } else {
      }
      %dma_start3A_806 = arith.constant 1 : i32
      %dma_start3A_807 = arith.constant 0 : i32
      %dma_start3A_808 = arith.constant 0 : i32
      %dma_start3A_809 = tpu.memref_slice %arg7[%select_n3A_776, %dma_start3A_807, %dma_start3A_808] : memref<11x32x128xf32, #tpu.memory_space<vmem>> -> memref<1x32x128xf32, #tpu.memory_space<vmem>>
      %dma_start3A_810 = tpu.memref_squeeze %dma_start3A_809 : memref<1x32x128xf32, #tpu.memory_space<vmem>> -> memref<32x128xf32, #tpu.memory_space<vmem>>
      %dma_start3A_811 = arith.constant 0 : i32
      %dma_start3A_812 = tpu.memref_slice %arg6[%select_n3A_792, %dma_start3A_806, %dma_start3A_811] : memref<16x2x32xi32, #tpu.memory_space<vmem>> -> memref<1x1x32xi32, #tpu.memory_space<vmem>>
      %dma_start3A_813 = tpu.memref_squeeze %dma_start3A_812 : memref<1x1x32xi32, #tpu.memory_space<vmem>> -> memref<32xi32, #tpu.memory_space<vmem>>
      %dma_start3A_814 = arith.constant 0 : i32
      %dma_start3A_815 = arith.constant 0 : i32
      %dma_start3A_816 = tpu.memref_slice %arg8[%dma_start3A_814, %dma_start3A_815] : memref<10240x128xf32, #tpu.memory_space<vmem_shared>> -> memref<10240x128xf32, #tpu.memory_space<vmem_shared>>
      tpu.enqueue_indirect_dma source(%dma_start3A_810 : memref<32x128xf32, #tpu.memory_space<vmem>>) target(%dma_start3A_816 : memref<10240x128xf32, #tpu.memory_space<vmem_shared>>) offsets(%dma_start3A_813 : memref<32xi32, #tpu.memory_space<vmem>>) semaphore(%arg11 : memref<!tpu.dma_semaphore, #tpu.memory_space<semaphore_mem>>) {add = true}
      %add3A_817 = arith.constant 7 : i32
      %add3A_818 = arith.addi %while3A_764, %add3A_817 : i32
      %lt3A_819 = arith.cmpi slt, %add3A_818, %add3A_8 : i32
      %convert_element_type3A_820 = arith.extui %lt3A_819 : i1 to i32
      %cond3A_821 = arith.constant 0 : i32
      %cond3A_822 = arith.cmpi ne, %convert_element_type3A_820, %cond3A_821 : i32
      scf.if %cond3A_822 {
        %add3A_829 = arith.constant 7 : i32
        %add3A_830 = arith.addi %while3A_764, %add3A_829 : i32
        %jit3A_831 = arith.constant 16 : i32
        %eq3A_832 = arith.constant 0 : i32
        %eq3A_833 = arith.cmpi eq, %jit3A_831, %eq3A_832 : i32
        %jit3A_834 = arith.constant 1 : i32
        %select_n3A_835 = arith.select %eq3A_833, %jit3A_834, %jit3A_831 : i32
        %rem3A_836 = arith.remsi %add3A_830, %select_n3A_835 : i32
        %ne3A_837 = arith.constant 0 : i32
        %ne3A_838 = arith.cmpi ne, %rem3A_836, %ne3A_837 : i32
        %lt3A_839 = arith.constant 0 : i32
        %lt3A_840 = arith.cmpi slt, %rem3A_836, %lt3A_839 : i32
        %lt3A_841 = arith.constant 0 : i32
        %lt3A_842 = arith.cmpi slt, %select_n3A_835, %lt3A_841 : i32
        %ne3A_843 = arith.xori %lt3A_840, %lt3A_842 : i1
        %and3A_844 = arith.andi %ne3A_843, %ne3A_838 : i1
        %add3A_845 = arith.addi %rem3A_836, %select_n3A_835 : i32
        %select_n3A_846 = arith.select %and3A_844, %add3A_845, %rem3A_836 : i32
        %add3A_847 = arith.constant 7 : i32
        %add3A_848 = arith.addi %while3A_764, %add3A_847 : i32
        %add3A_849 = arith.addi %add3A_4, %add3A_848 : i32
        %mul3A_850 = arith.constant 32 : i32
        %mul3A_851 = arith.muli %add3A_849, %mul3A_850 : i32
        %dma_wait3A_852 = arith.constant 0 : i32
        %dma_wait3A_853 = arith.constant 0 : i32
        %dma_wait3A_854 = tpu.memref_slice %arg6[%select_n3A_846, %dma_wait3A_852, %dma_wait3A_853] : memref<16x2x32xi32, #tpu.memory_space<vmem>> -> memref<1x1x32xi32, #tpu.memory_space<vmem>>
        %dma_wait3A_855 = tpu.memref_squeeze %dma_wait3A_854 : memref<1x1x32xi32, #tpu.memory_space<vmem>> -> memref<32xi32, #tpu.memory_space<vmem>>
        %dma_wait3A_856 = tpu.memref_slice %arg3[%mul3A_851] : memref<640000xi32, #tpu.memory_space<hbm>> -> memref<32xi32, #tpu.memory_space<hbm>>
        %dma_wait3A_857 = arith.constant 0 : i32
        %dma_wait3A_858 = tpu.memref_slice %arg6[%select_n3A_846, %dma_wait3A_852, %dma_wait3A_857] : memref<16x2x32xi32, #tpu.memory_space<vmem>> -> memref<1x1x32xi32, #tpu.memory_space<vmem>>
        %dma_wait3A_859 = tpu.memref_squeeze %dma_wait3A_858 : memref<1x1x32xi32, #tpu.memory_space<vmem>> -> memref<32xi32, #tpu.memory_space<vmem>>
        %dma_wait3A_860 = tpu.memref_slice %arg3[%mul3A_851] : memref<640000xi32, #tpu.memory_space<hbm>> -> memref<32xi32, #tpu.memory_space<hbm>>
        tpu.wait_dma2 semaphore(%arg9 : memref<!tpu.dma_semaphore, #tpu.memory_space<semaphore_mem>>) src(%dma_wait3A_860 : memref<32xi32, #tpu.memory_space<hbm>>) dst(%dma_wait3A_859 : memref<32xi32, #tpu.memory_space<vmem>>)
        %add3A_861 = arith.constant 320000 : i32
        %add3A_862 = arith.addi %add3A_861, %mul3A_851 : i32
        %dma_wait3A_863 = arith.constant 1 : i32
        %dma_wait3A_864 = arith.constant 0 : i32
        %dma_wait3A_865 = tpu.memref_slice %arg6[%select_n3A_846, %dma_wait3A_863, %dma_wait3A_864] : memref<16x2x32xi32, #tpu.memory_space<vmem>> -> memref<1x1x32xi32, #tpu.memory_space<vmem>>
        %dma_wait3A_866 = tpu.memref_squeeze %dma_wait3A_865 : memref<1x1x32xi32, #tpu.memory_space<vmem>> -> memref<32xi32, #tpu.memory_space<vmem>>
        %dma_wait3A_867 = tpu.memref_slice %arg3[%add3A_862] : memref<640000xi32, #tpu.memory_space<hbm>> -> memref<32xi32, #tpu.memory_space<hbm>>
        %dma_wait3A_868 = arith.constant 0 : i32
        %dma_wait3A_869 = tpu.memref_slice %arg6[%select_n3A_846, %dma_wait3A_863, %dma_wait3A_868] : memref<16x2x32xi32, #tpu.memory_space<vmem>> -> memref<1x1x32xi32, #tpu.memory_space<vmem>>
        %dma_wait3A_870 = tpu.memref_squeeze %dma_wait3A_869 : memref<1x1x32xi32, #tpu.memory_space<vmem>> -> memref<32xi32, #tpu.memory_space<vmem>>
        %dma_wait3A_871 = tpu.memref_slice %arg3[%add3A_862] : memref<640000xi32, #tpu.memory_space<hbm>> -> memref<32xi32, #tpu.memory_space<hbm>>
        tpu.wait_dma2 semaphore(%arg9 : memref<!tpu.dma_semaphore, #tpu.memory_space<semaphore_mem>>) src(%dma_wait3A_871 : memref<32xi32, #tpu.memory_space<hbm>>) dst(%dma_wait3A_870 : memref<32xi32, #tpu.memory_space<vmem>>)
        %add3A_872 = arith.constant 7 : i32
        %add3A_873 = arith.addi %while3A_764, %add3A_872 : i32
        %jit3A_874 = arith.constant 11 : i32
        %eq3A_875 = arith.constant 0 : i32
        %eq3A_876 = arith.cmpi eq, %jit3A_874, %eq3A_875 : i32
        %jit3A_877 = arith.constant 1 : i32
        %select_n3A_878 = arith.select %eq3A_876, %jit3A_877, %jit3A_874 : i32
        %rem3A_879 = arith.remsi %add3A_873, %select_n3A_878 : i32
        %ne3A_880 = arith.constant 0 : i32
        %ne3A_881 = arith.cmpi ne, %rem3A_879, %ne3A_880 : i32
        %lt3A_882 = arith.constant 0 : i32
        %lt3A_883 = arith.cmpi slt, %rem3A_879, %lt3A_882 : i32
        %lt3A_884 = arith.constant 0 : i32
        %lt3A_885 = arith.cmpi slt, %select_n3A_878, %lt3A_884 : i32
        %ne3A_886 = arith.xori %lt3A_883, %lt3A_885 : i1
        %and3A_887 = arith.andi %ne3A_886, %ne3A_881 : i1
        %add3A_888 = arith.addi %rem3A_879, %select_n3A_878 : i32
        %select_n3A_889 = arith.select %and3A_887, %add3A_888, %rem3A_879 : i32
        %dma_start3A_890 = arith.constant 0 : i32
        %dma_start3A_891 = arith.constant 0 : i32
        %dma_start3A_892 = arith.constant 0 : i32
        %dma_start3A_893 = tpu.memref_slice %arg7[%select_n3A_889, %dma_start3A_891, %dma_start3A_892] : memref<11x32x128xf32, #tpu.memory_space<vmem>> -> memref<1x32x128xf32, #tpu.memory_space<vmem>>
        %dma_start3A_894 = tpu.memref_squeeze %dma_start3A_893 : memref<1x32x128xf32, #tpu.memory_space<vmem>> -> memref<32x128xf32, #tpu.memory_space<vmem>>
        %dma_start3A_895 = arith.constant 0 : i32
        %dma_start3A_896 = tpu.memref_slice %arg6[%select_n3A_846, %dma_start3A_890, %dma_start3A_895] : memref<16x2x32xi32, #tpu.memory_space<vmem>> -> memref<1x1x32xi32, #tpu.memory_space<vmem>>
        %dma_start3A_897 = tpu.memref_squeeze %dma_start3A_896 : memref<1x1x32xi32, #tpu.memory_space<vmem>> -> memref<32xi32, #tpu.memory_space<vmem>>
        %dma_start3A_898 = arith.constant 0 : i32
        %dma_start3A_899 = arith.constant 0 : i32
        %dma_start3A_900 = tpu.memref_slice %arg2[%dma_start3A_898, %dma_start3A_899] : memref<10240x128xf32, #tpu.memory_space<hbm>> -> memref<10240x128xf32, #tpu.memory_space<hbm>>
        tpu.enqueue_indirect_dma source(%dma_start3A_900 : memref<10240x128xf32, #tpu.memory_space<hbm>>) target(%dma_start3A_894 : memref<32x128xf32, #tpu.memory_space<vmem>>) offsets(%dma_start3A_897 : memref<32xi32, #tpu.memory_space<vmem>>) semaphore(%arg10 : memref<!tpu.dma_semaphore, #tpu.memory_space<semaphore_mem>>)
      } else {
      }
      %add3A_823 = arith.constant 16 : i32
      %add3A_824 = arith.addi %while3A_764, %add3A_823 : i32
      %lt3A_825 = arith.cmpi slt, %add3A_824, %add3A_8 : i32
      %convert_element_type3A_826 = arith.extui %lt3A_825 : i1 to i32
      %cond3A_827 = arith.constant 0 : i32
      %cond3A_828 = arith.cmpi ne, %convert_element_type3A_826, %cond3A_827 : i32
      scf.if %cond3A_828 {
        %add3A_829 = arith.constant 16 : i32
        %add3A_830 = arith.addi %while3A_764, %add3A_829 : i32
        %add3A_831 = arith.constant 16 : i32
        %add3A_832 = arith.addi %while3A_764, %add3A_831 : i32
        %jit3A_833 = arith.constant 16 : i32
        %eq3A_834 = arith.constant 0 : i32
        %eq3A_835 = arith.cmpi eq, %jit3A_833, %eq3A_834 : i32
        %jit3A_836 = arith.constant 1 : i32
        %select_n3A_837 = arith.select %eq3A_835, %jit3A_836, %jit3A_833 : i32
        %rem3A_838 = arith.remsi %add3A_832, %select_n3A_837 : i32
        %ne3A_839 = arith.constant 0 : i32
        %ne3A_840 = arith.cmpi ne, %rem3A_838, %ne3A_839 : i32
        %lt3A_841 = arith.constant 0 : i32
        %lt3A_842 = arith.cmpi slt, %rem3A_838, %lt3A_841 : i32
        %lt3A_843 = arith.constant 0 : i32
        %lt3A_844 = arith.cmpi slt, %select_n3A_837, %lt3A_843 : i32
        %ne3A_845 = arith.xori %lt3A_842, %lt3A_844 : i1
        %and3A_846 = arith.andi %ne3A_845, %ne3A_840 : i1
        %add3A_847 = arith.addi %rem3A_838, %select_n3A_837 : i32
        %select_n3A_848 = arith.select %and3A_846, %add3A_847, %rem3A_838 : i32
        %add3A_849 = arith.addi %add3A_4, %add3A_830 : i32
        %mul3A_850 = arith.constant 32 : i32
        %mul3A_851 = arith.muli %add3A_849, %mul3A_850 : i32
        %dma_start3A_852 = arith.constant 0 : i32
        %dma_start3A_853 = arith.constant 0 : i32
        %dma_start3A_854 = tpu.memref_slice %arg6[%select_n3A_848, %dma_start3A_852, %dma_start3A_853] : memref<16x2x32xi32, #tpu.memory_space<vmem>> -> memref<1x1x32xi32, #tpu.memory_space<vmem>>
        %dma_start3A_855 = tpu.memref_squeeze %dma_start3A_854 : memref<1x1x32xi32, #tpu.memory_space<vmem>> -> memref<32xi32, #tpu.memory_space<vmem>>
        %dma_start3A_856 = tpu.memref_slice %arg3[%mul3A_851] : memref<640000xi32, #tpu.memory_space<hbm>> -> memref<32xi32, #tpu.memory_space<hbm>>
        %dma_start3A_857 = arith.constant 0 : i32
        %dma_start3A_858 = tpu.memref_slice %arg6[%select_n3A_848, %dma_start3A_852, %dma_start3A_857] : memref<16x2x32xi32, #tpu.memory_space<vmem>> -> memref<1x1x32xi32, #tpu.memory_space<vmem>>
        %dma_start3A_859 = tpu.memref_squeeze %dma_start3A_858 : memref<1x1x32xi32, #tpu.memory_space<vmem>> -> memref<32xi32, #tpu.memory_space<vmem>>
        %dma_start3A_860 = tpu.memref_slice %arg3[%mul3A_851] : memref<640000xi32, #tpu.memory_space<hbm>> -> memref<32xi32, #tpu.memory_space<hbm>>
        tpu.enqueue_dma source(%dma_start3A_860 : memref<32xi32, #tpu.memory_space<hbm>>) target(%dma_start3A_859 : memref<32xi32, #tpu.memory_space<vmem>>) target_semaphore(%arg9 : memref<!tpu.dma_semaphore, #tpu.memory_space<semaphore_mem>>)
        %add3A_861 = arith.constant 320000 : i32
        %add3A_862 = arith.addi %add3A_861, %mul3A_851 : i32
        %dma_start3A_863 = arith.constant 1 : i32
        %dma_start3A_864 = arith.constant 0 : i32
        %dma_start3A_865 = tpu.memref_slice %arg6[%select_n3A_848, %dma_start3A_863, %dma_start3A_864] : memref<16x2x32xi32, #tpu.memory_space<vmem>> -> memref<1x1x32xi32, #tpu.memory_space<vmem>>
        %dma_start3A_866 = tpu.memref_squeeze %dma_start3A_865 : memref<1x1x32xi32, #tpu.memory_space<vmem>> -> memref<32xi32, #tpu.memory_space<vmem>>
        %dma_start3A_867 = tpu.memref_slice %arg3[%add3A_862] : memref<640000xi32, #tpu.memory_space<hbm>> -> memref<32xi32, #tpu.memory_space<hbm>>
        %dma_start3A_868 = arith.constant 0 : i32
        %dma_start3A_869 = tpu.memref_slice %arg6[%select_n3A_848, %dma_start3A_863, %dma_start3A_868] : memref<16x2x32xi32, #tpu.memory_space<vmem>> -> memref<1x1x32xi32, #tpu.memory_space<vmem>>
        %dma_start3A_870 = tpu.memref_squeeze %dma_start3A_869 : memref<1x1x32xi32, #tpu.memory_space<vmem>> -> memref<32xi32, #tpu.memory_space<vmem>>
        %dma_start3A_871 = tpu.memref_slice %arg3[%add3A_862] : memref<640000xi32, #tpu.memory_space<hbm>> -> memref<32xi32, #tpu.memory_space<hbm>>
        tpu.enqueue_dma source(%dma_start3A_871 : memref<32xi32, #tpu.memory_space<hbm>>) target(%dma_start3A_870 : memref<32xi32, #tpu.memory_space<vmem>>) target_semaphore(%arg9 : memref<!tpu.dma_semaphore, #tpu.memory_space<semaphore_mem>>)
      } else {
      }
    }
    %while3A_706 = arith.constant 1 : i32
    scf.for %while3A_764 = %while3A_704 to %while3A_700 step %while3A_706  : i32 {
      %jit3A_765 = arith.constant 11 : i32
      %eq3A = arith.constant 0 : i32
      %eq3A_766 = arith.cmpi eq, %jit3A_765, %eq3A : i32
      %jit3A_767 = arith.constant 1 : i32
      %select_n3A_768 = arith.select %eq3A_766, %jit3A_767, %jit3A_765 : i32
      %rem3A = arith.remsi %while3A_764, %select_n3A_768 : i32
      %ne3A = arith.constant 0 : i32
      %ne3A_769 = arith.cmpi ne, %rem3A, %ne3A : i32
      %lt3A_770 = arith.constant 0 : i32
      %lt3A_771 = arith.cmpi slt, %rem3A, %lt3A_770 : i32
      %lt3A_772 = arith.constant 0 : i32
      %lt3A_773 = arith.cmpi slt, %select_n3A_768, %lt3A_772 : i32
      %ne3A_774 = arith.xori %lt3A_771, %lt3A_773 : i1
      %and3A = arith.andi %ne3A_774, %ne3A_769 : i1
      %add3A_775 = arith.addi %rem3A, %select_n3A_768 : i32
      %select_n3A_776 = arith.select %and3A, %add3A_775, %rem3A : i32
      %jit3A_777 = arith.constant 16 : i32
      %eq3A_778 = arith.constant 0 : i32
      %eq3A_779 = arith.cmpi eq, %jit3A_777, %eq3A_778 : i32
      %jit3A_780 = arith.constant 1 : i32
      %select_n3A_781 = arith.select %eq3A_779, %jit3A_780, %jit3A_777 : i32
      %rem3A_782 = arith.remsi %while3A_764, %select_n3A_781 : i32
      %ne3A_783 = arith.constant 0 : i32
      %ne3A_784 = arith.cmpi ne, %rem3A_782, %ne3A_783 : i32
      %lt3A_785 = arith.constant 0 : i32
      %lt3A_786 = arith.cmpi slt, %rem3A_782, %lt3A_785 : i32
      %lt3A_787 = arith.constant 0 : i32
      %lt3A_788 = arith.cmpi slt, %select_n3A_781, %lt3A_787 : i32
      %ne3A_789 = arith.xori %lt3A_786, %lt3A_788 : i1
      %and3A_790 = arith.andi %ne3A_789, %ne3A_784 : i1
      %add3A_791 = arith.addi %rem3A_782, %select_n3A_781 : i32
      %select_n3A_792 = arith.select %and3A_790, %add3A_791, %rem3A_782 : i32
      %dma_wait3A_793 = arith.constant 0 : i32
      %dma_wait3A_794 = arith.constant 0 : i32
      %dma_wait3A_795 = arith.constant 0 : i32
      %dma_wait3A_796 = tpu.memref_slice %arg7[%select_n3A_776, %dma_wait3A_794, %dma_wait3A_795] : memref<11x32x128xf32, #tpu.memory_space<vmem>> -> memref<1x32x128xf32, #tpu.memory_space<vmem>>
      %dma_wait3A_797 = tpu.memref_squeeze %dma_wait3A_796 : memref<1x32x128xf32, #tpu.memory_space<vmem>> -> memref<32x128xf32, #tpu.memory_space<vmem>>
      %dma_wait3A_798 = arith.constant 0 : i32
      %dma_wait3A_799 = tpu.memref_slice %arg6[%select_n3A_792, %dma_wait3A_793, %dma_wait3A_798] : memref<16x2x32xi32, #tpu.memory_space<vmem>> -> memref<1x1x32xi32, #tpu.memory_space<vmem>>
      %dma_wait3A_800 = tpu.memref_squeeze %dma_wait3A_799 : memref<1x1x32xi32, #tpu.memory_space<vmem>> -> memref<32xi32, #tpu.memory_space<vmem>>
      %dma_wait3A_801 = arith.constant 0 : i32
      %dma_wait3A_802 = arith.constant 0 : i32
      %dma_wait3A_803 = tpu.memref_slice %arg2[%dma_wait3A_801, %dma_wait3A_802] : memref<10240x128xf32, #tpu.memory_space<hbm>> -> memref<10240x128xf32, #tpu.memory_space<hbm>>
      tpu.wait_indirect_dma semaphore(%arg10 : memref<!tpu.dma_semaphore, #tpu.memory_space<semaphore_mem>>) src(%dma_wait3A_803 : memref<10240x128xf32, #tpu.memory_space<hbm>>) dst(%dma_wait3A_797 : memref<32x128xf32, #tpu.memory_space<vmem>>)
      %ge3A = arith.constant 4 : i32
      %ge3A_804 = arith.cmpi sge, %while3A_764, %ge3A : i32
      %convert_element_type3A = arith.extui %ge3A_804 : i1 to i32
      %cond3A = arith.constant 0 : i32
      %cond3A_805 = arith.cmpi ne, %convert_element_type3A, %cond3A : i32
      scf.if %cond3A_805 {
        %sub3A = arith.constant 4 : i32
        %sub3A_829 = arith.subi %while3A_764, %sub3A : i32
        %jit3A_830 = arith.constant 11 : i32
        %eq3A_831 = arith.constant 0 : i32
        %eq3A_832 = arith.cmpi eq, %jit3A_830, %eq3A_831 : i32
        %jit3A_833 = arith.constant 1 : i32
        %select_n3A_834 = arith.select %eq3A_832, %jit3A_833, %jit3A_830 : i32
        %rem3A_835 = arith.remsi %sub3A_829, %select_n3A_834 : i32
        %ne3A_836 = arith.constant 0 : i32
        %ne3A_837 = arith.cmpi ne, %rem3A_835, %ne3A_836 : i32
        %lt3A_838 = arith.constant 0 : i32
        %lt3A_839 = arith.cmpi slt, %rem3A_835, %lt3A_838 : i32
        %lt3A_840 = arith.constant 0 : i32
        %lt3A_841 = arith.cmpi slt, %select_n3A_834, %lt3A_840 : i32
        %ne3A_842 = arith.xori %lt3A_839, %lt3A_841 : i1
        %and3A_843 = arith.andi %ne3A_842, %ne3A_837 : i1
        %add3A_844 = arith.addi %rem3A_835, %select_n3A_834 : i32
        %select_n3A_845 = arith.select %and3A_843, %add3A_844, %rem3A_835 : i32
        %dma_wait3A_846 = arith.constant 1 : i32
        %dma_wait3A_847 = arith.constant 0 : i32
        %dma_wait3A_848 = arith.constant 0 : i32
        %dma_wait3A_849 = tpu.memref_slice %arg7[%select_n3A_845, %dma_wait3A_847, %dma_wait3A_848] : memref<11x32x128xf32, #tpu.memory_space<vmem>> -> memref<1x32x128xf32, #tpu.memory_space<vmem>>
        %dma_wait3A_850 = tpu.memref_squeeze %dma_wait3A_849 : memref<1x32x128xf32, #tpu.memory_space<vmem>> -> memref<32x128xf32, #tpu.memory_space<vmem>>
        %dma_wait3A_851 = arith.constant 0 : i32
        %dma_wait3A_852 = tpu.memref_slice %arg6[%select_n3A_792, %dma_wait3A_846, %dma_wait3A_851] : memref<16x2x32xi32, #tpu.memory_space<vmem>> -> memref<1x1x32xi32, #tpu.memory_space<vmem>>
        %dma_wait3A_853 = tpu.memref_squeeze %dma_wait3A_852 : memref<1x1x32xi32, #tpu.memory_space<vmem>> -> memref<32xi32, #tpu.memory_space<vmem>>
        %dma_wait3A_854 = arith.constant 0 : i32
        %dma_wait3A_855 = arith.constant 0 : i32
        %dma_wait3A_856 = tpu.memref_slice %arg8[%dma_wait3A_854, %dma_wait3A_855] : memref<10240x128xf32, #tpu.memory_space<vmem_shared>> -> memref<10240x128xf32, #tpu.memory_space<vmem_shared>>
        tpu.wait_indirect_dma semaphore(%arg11 : memref<!tpu.dma_semaphore, #tpu.memory_space<semaphore_mem>>) src(%dma_wait3A_850 : memref<32x128xf32, #tpu.memory_space<vmem>>) dst(%dma_wait3A_856 : memref<10240x128xf32, #tpu.memory_space<vmem_shared>>)
      } else {
      }
      %dma_start3A_806 = arith.constant 1 : i32
      %dma_start3A_807 = arith.constant 0 : i32
      %dma_start3A_808 = arith.constant 0 : i32
      %dma_start3A_809 = tpu.memref_slice %arg7[%select_n3A_776, %dma_start3A_807, %dma_start3A_808] : memref<11x32x128xf32, #tpu.memory_space<vmem>> -> memref<1x32x128xf32, #tpu.memory_space<vmem>>
      %dma_start3A_810 = tpu.memref_squeeze %dma_start3A_809 : memref<1x32x128xf32, #tpu.memory_space<vmem>> -> memref<32x128xf32, #tpu.memory_space<vmem>>
      %dma_start3A_811 = arith.constant 0 : i32
      %dma_start3A_812 = tpu.memref_slice %arg6[%select_n3A_792, %dma_start3A_806, %dma_start3A_811] : memref<16x2x32xi32, #tpu.memory_space<vmem>> -> memref<1x1x32xi32, #tpu.memory_space<vmem>>
      %dma_start3A_813 = tpu.memref_squeeze %dma_start3A_812 : memref<1x1x32xi32, #tpu.memory_space<vmem>> -> memref<32xi32, #tpu.memory_space<vmem>>
      %dma_start3A_814 = arith.constant 0 : i32
      %dma_start3A_815 = arith.constant 0 : i32
      %dma_start3A_816 = tpu.memref_slice %arg8[%dma_start3A_814, %dma_start3A_815] : memref<10240x128xf32, #tpu.memory_space<vmem_shared>> -> memref<10240x128xf32, #tpu.memory_space<vmem_shared>>
      tpu.enqueue_indirect_dma source(%dma_start3A_810 : memref<32x128xf32, #tpu.memory_space<vmem>>) target(%dma_start3A_816 : memref<10240x128xf32, #tpu.memory_space<vmem_shared>>) offsets(%dma_start3A_813 : memref<32xi32, #tpu.memory_space<vmem>>) semaphore(%arg11 : memref<!tpu.dma_semaphore, #tpu.memory_space<semaphore_mem>>) {add = true}
      %add3A_817 = arith.constant 7 : i32
      %add3A_818 = arith.addi %while3A_764, %add3A_817 : i32
      %lt3A_819 = arith.cmpi slt, %add3A_818, %add3A_8 : i32
      %convert_element_type3A_820 = arith.extui %lt3A_819 : i1 to i32
      %cond3A_821 = arith.constant 0 : i32
      %cond3A_822 = arith.cmpi ne, %convert_element_type3A_820, %cond3A_821 : i32
      scf.if %cond3A_822 {
        %add3A_829 = arith.constant 7 : i32
        %add3A_830 = arith.addi %while3A_764, %add3A_829 : i32
        %jit3A_831 = arith.constant 16 : i32
        %eq3A_832 = arith.constant 0 : i32
        %eq3A_833 = arith.cmpi eq, %jit3A_831, %eq3A_832 : i32
        %jit3A_834 = arith.constant 1 : i32
        %select_n3A_835 = arith.select %eq3A_833, %jit3A_834, %jit3A_831 : i32
        %rem3A_836 = arith.remsi %add3A_830, %select_n3A_835 : i32
        %ne3A_837 = arith.constant 0 : i32
        %ne3A_838 = arith.cmpi ne, %rem3A_836, %ne3A_837 : i32
        %lt3A_839 = arith.constant 0 : i32
        %lt3A_840 = arith.cmpi slt, %rem3A_836, %lt3A_839 : i32
        %lt3A_841 = arith.constant 0 : i32
        %lt3A_842 = arith.cmpi slt, %select_n3A_835, %lt3A_841 : i32
        %ne3A_843 = arith.xori %lt3A_840, %lt3A_842 : i1
        %and3A_844 = arith.andi %ne3A_843, %ne3A_838 : i1
        %add3A_845 = arith.addi %rem3A_836, %select_n3A_835 : i32
        %select_n3A_846 = arith.select %and3A_844, %add3A_845, %rem3A_836 : i32
        %add3A_847 = arith.constant 7 : i32
        %add3A_848 = arith.addi %while3A_764, %add3A_847 : i32
        %add3A_849 = arith.addi %add3A_4, %add3A_848 : i32
        %mul3A_850 = arith.constant 32 : i32
        %mul3A_851 = arith.muli %add3A_849, %mul3A_850 : i32
        %dma_wait3A_852 = arith.constant 0 : i32
        %dma_wait3A_853 = arith.constant 0 : i32
        %dma_wait3A_854 = tpu.memref_slice %arg6[%select_n3A_846, %dma_wait3A_852, %dma_wait3A_853] : memref<16x2x32xi32, #tpu.memory_space<vmem>> -> memref<1x1x32xi32, #tpu.memory_space<vmem>>
        %dma_wait3A_855 = tpu.memref_squeeze %dma_wait3A_854 : memref<1x1x32xi32, #tpu.memory_space<vmem>> -> memref<32xi32, #tpu.memory_space<vmem>>
        %dma_wait3A_856 = tpu.memref_slice %arg3[%mul3A_851] : memref<640000xi32, #tpu.memory_space<hbm>> -> memref<32xi32, #tpu.memory_space<hbm>>
        %dma_wait3A_857 = arith.constant 0 : i32
        %dma_wait3A_858 = tpu.memref_slice %arg6[%select_n3A_846, %dma_wait3A_852, %dma_wait3A_857] : memref<16x2x32xi32, #tpu.memory_space<vmem>> -> memref<1x1x32xi32, #tpu.memory_space<vmem>>
        %dma_wait3A_859 = tpu.memref_squeeze %dma_wait3A_858 : memref<1x1x32xi32, #tpu.memory_space<vmem>> -> memref<32xi32, #tpu.memory_space<vmem>>
        %dma_wait3A_860 = tpu.memref_slice %arg3[%mul3A_851] : memref<640000xi32, #tpu.memory_space<hbm>> -> memref<32xi32, #tpu.memory_space<hbm>>
        tpu.wait_dma2 semaphore(%arg9 : memref<!tpu.dma_semaphore, #tpu.memory_space<semaphore_mem>>) src(%dma_wait3A_860 : memref<32xi32, #tpu.memory_space<hbm>>) dst(%dma_wait3A_859 : memref<32xi32, #tpu.memory_space<vmem>>)
        %add3A_861 = arith.constant 320000 : i32
        %add3A_862 = arith.addi %add3A_861, %mul3A_851 : i32
        %dma_wait3A_863 = arith.constant 1 : i32
        %dma_wait3A_864 = arith.constant 0 : i32
        %dma_wait3A_865 = tpu.memref_slice %arg6[%select_n3A_846, %dma_wait3A_863, %dma_wait3A_864] : memref<16x2x32xi32, #tpu.memory_space<vmem>> -> memref<1x1x32xi32, #tpu.memory_space<vmem>>
        %dma_wait3A_866 = tpu.memref_squeeze %dma_wait3A_865 : memref<1x1x32xi32, #tpu.memory_space<vmem>> -> memref<32xi32, #tpu.memory_space<vmem>>
        %dma_wait3A_867 = tpu.memref_slice %arg3[%add3A_862] : memref<640000xi32, #tpu.memory_space<hbm>> -> memref<32xi32, #tpu.memory_space<hbm>>
        %dma_wait3A_868 = arith.constant 0 : i32
        %dma_wait3A_869 = tpu.memref_slice %arg6[%select_n3A_846, %dma_wait3A_863, %dma_wait3A_868] : memref<16x2x32xi32, #tpu.memory_space<vmem>> -> memref<1x1x32xi32, #tpu.memory_space<vmem>>
        %dma_wait3A_870 = tpu.memref_squeeze %dma_wait3A_869 : memref<1x1x32xi32, #tpu.memory_space<vmem>> -> memref<32xi32, #tpu.memory_space<vmem>>
        %dma_wait3A_871 = tpu.memref_slice %arg3[%add3A_862] : memref<640000xi32, #tpu.memory_space<hbm>> -> memref<32xi32, #tpu.memory_space<hbm>>
        tpu.wait_dma2 semaphore(%arg9 : memref<!tpu.dma_semaphore, #tpu.memory_space<semaphore_mem>>) src(%dma_wait3A_871 : memref<32xi32, #tpu.memory_space<hbm>>) dst(%dma_wait3A_870 : memref<32xi32, #tpu.memory_space<vmem>>)
        %add3A_872 = arith.constant 7 : i32
        %add3A_873 = arith.addi %while3A_764, %add3A_872 : i32
        %jit3A_874 = arith.constant 11 : i32
        %eq3A_875 = arith.constant 0 : i32
        %eq3A_876 = arith.cmpi eq, %jit3A_874, %eq3A_875 : i32
        %jit3A_877 = arith.constant 1 : i32
        %select_n3A_878 = arith.select %eq3A_876, %jit3A_877, %jit3A_874 : i32
        %rem3A_879 = arith.remsi %add3A_873, %select_n3A_878 : i32
        %ne3A_880 = arith.constant 0 : i32
        %ne3A_881 = arith.cmpi ne, %rem3A_879, %ne3A_880 : i32
        %lt3A_882 = arith.constant 0 : i32
        %lt3A_883 = arith.cmpi slt, %rem3A_879, %lt3A_882 : i32
        %lt3A_884 = arith.constant 0 : i32
        %lt3A_885 = arith.cmpi slt, %select_n3A_878, %lt3A_884 : i32
        %ne3A_886 = arith.xori %lt3A_883, %lt3A_885 : i1
        %and3A_887 = arith.andi %ne3A_886, %ne3A_881 : i1
        %add3A_888 = arith.addi %rem3A_879, %select_n3A_878 : i32
        %select_n3A_889 = arith.select %and3A_887, %add3A_888, %rem3A_879 : i32
        %dma_start3A_890 = arith.constant 0 : i32
        %dma_start3A_891 = arith.constant 0 : i32
        %dma_start3A_892 = arith.constant 0 : i32
        %dma_start3A_893 = tpu.memref_slice %arg7[%select_n3A_889, %dma_start3A_891, %dma_start3A_892] : memref<11x32x128xf32, #tpu.memory_space<vmem>> -> memref<1x32x128xf32, #tpu.memory_space<vmem>>
        %dma_start3A_894 = tpu.memref_squeeze %dma_start3A_893 : memref<1x32x128xf32, #tpu.memory_space<vmem>> -> memref<32x128xf32, #tpu.memory_space<vmem>>
        %dma_start3A_895 = arith.constant 0 : i32
        %dma_start3A_896 = tpu.memref_slice %arg6[%select_n3A_846, %dma_start3A_890, %dma_start3A_895] : memref<16x2x32xi32, #tpu.memory_space<vmem>> -> memref<1x1x32xi32, #tpu.memory_space<vmem>>
        %dma_start3A_897 = tpu.memref_squeeze %dma_start3A_896 : memref<1x1x32xi32, #tpu.memory_space<vmem>> -> memref<32xi32, #tpu.memory_space<vmem>>
        %dma_start3A_898 = arith.constant 0 : i32
        %dma_start3A_899 = arith.constant 0 : i32
        %dma_start3A_900 = tpu.memref_slice %arg2[%dma_start3A_898, %dma_start3A_899] : memref<10240x128xf32, #tpu.memory_space<hbm>> -> memref<10240x128xf32, #tpu.memory_space<hbm>>
        tpu.enqueue_indirect_dma source(%dma_start3A_900 : memref<10240x128xf32, #tpu.memory_space<hbm>>) target(%dma_start3A_894 : memref<32x128xf32, #tpu.memory_space<vmem>>) offsets(%dma_start3A_897 : memref<32xi32, #tpu.memory_space<vmem>>) semaphore(%arg10 : memref<!tpu.dma_semaphore, #tpu.memory_space<semaphore_mem>>)
      } else {
      }
      %add3A_823 = arith.constant 16 : i32
      %add3A_824 = arith.addi %while3A_764, %add3A_823 : i32
      %lt3A_825 = arith.cmpi slt, %add3A_824, %add3A_8 : i32
      %convert_element_type3A_826 = arith.extui %lt3A_825 : i1 to i32
      %cond3A_827 = arith.constant 0 : i32
      %cond3A_828 = arith.cmpi ne, %convert_element_type3A_826, %cond3A_827 : i32
      scf.if %cond3A_828 {
        %add3A_829 = arith.constant 16 : i32
        %add3A_830 = arith.addi %while3A_764, %add3A_829 : i32
        %add3A_831 = arith.constant 16 : i32
        %add3A_832 = arith.addi %while3A_764, %add3A_831 : i32
        %jit3A_833 = arith.constant 16 : i32
        %eq3A_834 = arith.constant 0 : i32
        %eq3A_835 = arith.cmpi eq, %jit3A_833, %eq3A_834 : i32
        %jit3A_836 = arith.constant 1 : i32
        %select_n3A_837 = arith.select %eq3A_835, %jit3A_836, %jit3A_833 : i32
        %rem3A_838 = arith.remsi %add3A_832, %select_n3A_837 : i32
        %ne3A_839 = arith.constant 0 : i32
        %ne3A_840 = arith.cmpi ne, %rem3A_838, %ne3A_839 : i32
        %lt3A_841 = arith.constant 0 : i32
        %lt3A_842 = arith.cmpi slt, %rem3A_838, %lt3A_841 : i32
        %lt3A_843 = arith.constant 0 : i32
        %lt3A_844 = arith.cmpi slt, %select_n3A_837, %lt3A_843 : i32
        %ne3A_845 = arith.xori %lt3A_842, %lt3A_844 : i1
        %and3A_846 = arith.andi %ne3A_845, %ne3A_840 : i1
        %add3A_847 = arith.addi %rem3A_838, %select_n3A_837 : i32
        %select_n3A_848 = arith.select %and3A_846, %add3A_847, %rem3A_838 : i32
        %add3A_849 = arith.addi %add3A_4, %add3A_830 : i32
        %mul3A_850 = arith.constant 32 : i32
        %mul3A_851 = arith.muli %add3A_849, %mul3A_850 : i32
        %dma_start3A_852 = arith.constant 0 : i32
        %dma_start3A_853 = arith.constant 0 : i32
        %dma_start3A_854 = tpu.memref_slice %arg6[%select_n3A_848, %dma_start3A_852, %dma_start3A_853] : memref<16x2x32xi32, #tpu.memory_space<vmem>> -> memref<1x1x32xi32, #tpu.memory_space<vmem>>
        %dma_start3A_855 = tpu.memref_squeeze %dma_start3A_854 : memref<1x1x32xi32, #tpu.memory_space<vmem>> -> memref<32xi32, #tpu.memory_space<vmem>>
        %dma_start3A_856 = tpu.memref_slice %arg3[%mul3A_851] : memref<640000xi32, #tpu.memory_space<hbm>> -> memref<32xi32, #tpu.memory_space<hbm>>
        %dma_start3A_857 = arith.constant 0 : i32
        %dma_start3A_858 = tpu.memref_slice %arg6[%select_n3A_848, %dma_start3A_852, %dma_start3A_857] : memref<16x2x32xi32, #tpu.memory_space<vmem>> -> memref<1x1x32xi32, #tpu.memory_space<vmem>>
        %dma_start3A_859 = tpu.memref_squeeze %dma_start3A_858 : memref<1x1x32xi32, #tpu.memory_space<vmem>> -> memref<32xi32, #tpu.memory_space<vmem>>
        %dma_start3A_860 = tpu.memref_slice %arg3[%mul3A_851] : memref<640000xi32, #tpu.memory_space<hbm>> -> memref<32xi32, #tpu.memory_space<hbm>>
        tpu.enqueue_dma source(%dma_start3A_860 : memref<32xi32, #tpu.memory_space<hbm>>) target(%dma_start3A_859 : memref<32xi32, #tpu.memory_space<vmem>>) target_semaphore(%arg9 : memref<!tpu.dma_semaphore, #tpu.memory_space<semaphore_mem>>)
        %add3A_861 = arith.constant 320000 : i32
        %add3A_862 = arith.addi %add3A_861, %mul3A_851 : i32
        %dma_start3A_863 = arith.constant 1 : i32
        %dma_start3A_864 = arith.constant 0 : i32
        %dma_start3A_865 = tpu.memref_slice %arg6[%select_n3A_848, %dma_start3A_863, %dma_start3A_864] : memref<16x2x32xi32, #tpu.memory_space<vmem>> -> memref<1x1x32xi32, #tpu.memory_space<vmem>>
        %dma_start3A_866 = tpu.memref_squeeze %dma_start3A_865 : memref<1x1x32xi32, #tpu.memory_space<vmem>> -> memref<32xi32, #tpu.memory_space<vmem>>
        %dma_start3A_867 = tpu.memref_slice %arg3[%add3A_862] : memref<640000xi32, #tpu.memory_space<hbm>> -> memref<32xi32, #tpu.memory_space<hbm>>
        %dma_start3A_868 = arith.constant 0 : i32
        %dma_start3A_869 = tpu.memref_slice %arg6[%select_n3A_848, %dma_start3A_863, %dma_start3A_868] : memref<16x2x32xi32, #tpu.memory_space<vmem>> -> memref<1x1x32xi32, #tpu.memory_space<vmem>>
        %dma_start3A_870 = tpu.memref_squeeze %dma_start3A_869 : memref<1x1x32xi32, #tpu.memory_space<vmem>> -> memref<32xi32, #tpu.memory_space<vmem>>
        %dma_start3A_871 = tpu.memref_slice %arg3[%add3A_862] : memref<640000xi32, #tpu.memory_space<hbm>> -> memref<32xi32, #tpu.memory_space<hbm>>
        tpu.enqueue_dma source(%dma_start3A_871 : memref<32xi32, #tpu.memory_space<hbm>>) target(%dma_start3A_870 : memref<32xi32, #tpu.memory_space<vmem>>) target_semaphore(%arg9 : memref<!tpu.dma_semaphore, #tpu.memory_space<semaphore_mem>>)
      } else {
      }
    }
    %dma_wait3A_707 = arith.constant 0 : i32
    %dma_wait3A_708 = arith.constant 0 : i32
    %dma_wait3A_709 = arith.constant 1 : i32
    %dma_wait3A_710 = arith.constant 0 : i32
    %dma_wait3A_711 = arith.constant 0 : i32
    %dma_wait3A_712 = tpu.memref_slice %arg7[%dma_wait3A_707, %dma_wait3A_710, %dma_wait3A_711] : memref<11x32x128xf32, #tpu.memory_space<vmem>> -> memref<1x32x128xf32, #tpu.memory_space<vmem>>
    %dma_wait3A_713 = tpu.memref_squeeze %dma_wait3A_712 : memref<1x32x128xf32, #tpu.memory_space<vmem>> -> memref<32x128xf32, #tpu.memory_space<vmem>>
    %dma_wait3A_714 = arith.constant 0 : i32
    %dma_wait3A_715 = tpu.memref_slice %arg6[%dma_wait3A_708, %dma_wait3A_709, %dma_wait3A_714] : memref<16x2x32xi32, #tpu.memory_space<vmem>> -> memref<1x1x32xi32, #tpu.memory_space<vmem>>
    %dma_wait3A_716 = tpu.memref_squeeze %dma_wait3A_715 : memref<1x1x32xi32, #tpu.memory_space<vmem>> -> memref<32xi32, #tpu.memory_space<vmem>>
    %dma_wait3A_717 = arith.constant 0 : i32
    %dma_wait3A_718 = arith.constant 0 : i32
    %dma_wait3A_719 = tpu.memref_slice %arg8[%dma_wait3A_717, %dma_wait3A_718] : memref<10240x128xf32, #tpu.memory_space<vmem_shared>> -> memref<10240x128xf32, #tpu.memory_space<vmem_shared>>
    tpu.wait_indirect_dma semaphore(%arg11 : memref<!tpu.dma_semaphore, #tpu.memory_space<semaphore_mem>>) src(%dma_wait3A_713 : memref<32x128xf32, #tpu.memory_space<vmem>>) dst(%dma_wait3A_719 : memref<10240x128xf32, #tpu.memory_space<vmem_shared>>)
    %dma_wait3A_720 = arith.constant 0 : i32
    %dma_wait3A_721 = arith.constant 0 : i32
    %dma_wait3A_722 = arith.constant 1 : i32
    %dma_wait3A_723 = arith.constant 0 : i32
    %dma_wait3A_724 = arith.constant 0 : i32
    %dma_wait3A_725 = tpu.memref_slice %arg7[%dma_wait3A_720, %dma_wait3A_723, %dma_wait3A_724] : memref<11x32x128xf32, #tpu.memory_space<vmem>> -> memref<1x32x128xf32, #tpu.memory_space<vmem>>
    %dma_wait3A_726 = tpu.memref_squeeze %dma_wait3A_725 : memref<1x32x128xf32, #tpu.memory_space<vmem>> -> memref<32x128xf32, #tpu.memory_space<vmem>>
    %dma_wait3A_727 = arith.constant 0 : i32
    %dma_wait3A_728 = tpu.memref_slice %arg6[%dma_wait3A_721, %dma_wait3A_722, %dma_wait3A_727] : memref<16x2x32xi32, #tpu.memory_space<vmem>> -> memref<1x1x32xi32, #tpu.memory_space<vmem>>
    %dma_wait3A_729 = tpu.memref_squeeze %dma_wait3A_728 : memref<1x1x32xi32, #tpu.memory_space<vmem>> -> memref<32xi32, #tpu.memory_space<vmem>>
    %dma_wait3A_730 = arith.constant 0 : i32
    %dma_wait3A_731 = arith.constant 0 : i32
    %dma_wait3A_732 = tpu.memref_slice %arg8[%dma_wait3A_730, %dma_wait3A_731] : memref<10240x128xf32, #tpu.memory_space<vmem_shared>> -> memref<10240x128xf32, #tpu.memory_space<vmem_shared>>
    tpu.wait_indirect_dma semaphore(%arg11 : memref<!tpu.dma_semaphore, #tpu.memory_space<semaphore_mem>>) src(%dma_wait3A_726 : memref<32x128xf32, #tpu.memory_space<vmem>>) dst(%dma_wait3A_732 : memref<10240x128xf32, #tpu.memory_space<vmem_shared>>)
    %dma_wait3A_733 = arith.constant 0 : i32
    %dma_wait3A_734 = arith.constant 0 : i32
    %dma_wait3A_735 = arith.constant 1 : i32
    %dma_wait3A_736 = arith.constant 0 : i32
    %dma_wait3A_737 = arith.constant 0 : i32
    %dma_wait3A_738 = tpu.memref_slice %arg7[%dma_wait3A_733, %dma_wait3A_736, %dma_wait3A_737] : memref<11x32x128xf32, #tpu.memory_space<vmem>> -> memref<1x32x128xf32, #tpu.memory_space<vmem>>
    %dma_wait3A_739 = tpu.memref_squeeze %dma_wait3A_738 : memref<1x32x128xf32, #tpu.memory_space<vmem>> -> memref<32x128xf32, #tpu.memory_space<vmem>>
    %dma_wait3A_740 = arith.constant 0 : i32
    %dma_wait3A_741 = tpu.memref_slice %arg6[%dma_wait3A_734, %dma_wait3A_735, %dma_wait3A_740] : memref<16x2x32xi32, #tpu.memory_space<vmem>> -> memref<1x1x32xi32, #tpu.memory_space<vmem>>
    %dma_wait3A_742 = tpu.memref_squeeze %dma_wait3A_741 : memref<1x1x32xi32, #tpu.memory_space<vmem>> -> memref<32xi32, #tpu.memory_space<vmem>>
    %dma_wait3A_743 = arith.constant 0 : i32
    %dma_wait3A_744 = arith.constant 0 : i32
    %dma_wait3A_745 = tpu.memref_slice %arg8[%dma_wait3A_743, %dma_wait3A_744] : memref<10240x128xf32, #tpu.memory_space<vmem_shared>> -> memref<10240x128xf32, #tpu.memory_space<vmem_shared>>
    tpu.wait_indirect_dma semaphore(%arg11 : memref<!tpu.dma_semaphore, #tpu.memory_space<semaphore_mem>>) src(%dma_wait3A_739 : memref<32x128xf32, #tpu.memory_space<vmem>>) dst(%dma_wait3A_745 : memref<10240x128xf32, #tpu.memory_space<vmem_shared>>)
    %dma_wait3A_746 = arith.constant 0 : i32
    %dma_wait3A_747 = arith.constant 0 : i32
    %dma_wait3A_748 = arith.constant 1 : i32
    %dma_wait3A_749 = arith.constant 0 : i32
    %dma_wait3A_750 = arith.constant 0 : i32
    %dma_wait3A_751 = tpu.memref_slice %arg7[%dma_wait3A_746, %dma_wait3A_749, %dma_wait3A_750] : memref<11x32x128xf32, #tpu.memory_space<vmem>> -> memref<1x32x128xf32, #tpu.memory_space<vmem>>
    %dma_wait3A_752 = tpu.memref_squeeze %dma_wait3A_751 : memref<1x32x128xf32, #tpu.memory_space<vmem>> -> memref<32x128xf32, #tpu.memory_space<vmem>>
    %dma_wait3A_753 = arith.constant 0 : i32
    %dma_wait3A_754 = tpu.memref_slice %arg6[%dma_wait3A_747, %dma_wait3A_748, %dma_wait3A_753] : memref<16x2x32xi32, #tpu.memory_space<vmem>> -> memref<1x1x32xi32, #tpu.memory_space<vmem>>
    %dma_wait3A_755 = tpu.memref_squeeze %dma_wait3A_754 : memref<1x1x32xi32, #tpu.memory_space<vmem>> -> memref<32xi32, #tpu.memory_space<vmem>>
    %dma_wait3A_756 = arith.constant 0 : i32
    %dma_wait3A_757 = arith.constant 0 : i32
    %dma_wait3A_758 = tpu.memref_slice %arg8[%dma_wait3A_756, %dma_wait3A_757] : memref<10240x128xf32, #tpu.memory_space<vmem_shared>> -> memref<10240x128xf32, #tpu.memory_space<vmem_shared>>
    tpu.wait_indirect_dma semaphore(%arg11 : memref<!tpu.dma_semaphore, #tpu.memory_space<semaphore_mem>>) src(%dma_wait3A_752 : memref<32x128xf32, #tpu.memory_space<vmem>>) dst(%dma_wait3A_758 : memref<10240x128xf32, #tpu.memory_space<vmem_shared>>)
    %barrier3A_759 = arith.constant 0 : index
    tpu.barrier barrier_id(%barrier3A_759)
    %mul3A_760 = arith.constant 640 : i32
    %mul3A_761 = arith.muli %arg1, %mul3A_760 : i32
    %mul3A_762 = arith.constant 640 : i32
    %mul3A_763 = arith.muli %arg1, %mul3A_762 : i32
    "tpu.region"() ({
      %run_scoped3A = tpu.sem_alloc : memref<!tpu.dma_semaphore, #tpu.memory_space<semaphore_mem>>
      %dma_start3A_764 = arith.constant 0 : i32
      %dma_start3A_765 = tpu.memref_slice %arg5[%arg0, %mul3A_763, %dma_start3A_764] : memref<2x10240x128xf32, #tpu.memory_space<hbm>> -> memref<1x640x128xf32, #tpu.memory_space<hbm>>
      %dma_start3A_766 = tpu.memref_squeeze %dma_start3A_765 : memref<1x640x128xf32, #tpu.memory_space<hbm>> -> memref<640x128xf32, #tpu.memory_space<hbm>>
      %dma_start3A_767 = arith.constant 0 : i32
      %dma_start3A_768 = tpu.memref_slice %arg8[%mul3A_761, %dma_start3A_767] : memref<10240x128xf32, #tpu.memory_space<vmem_shared>> -> memref<640x128xf32, #tpu.memory_space<vmem_shared>>
      tpu.enqueue_dma source(%dma_start3A_768 : memref<640x128xf32, #tpu.memory_space<vmem_shared>>) target(%dma_start3A_766 : memref<640x128xf32, #tpu.memory_space<hbm>>) target_semaphore(%run_scoped3A : memref<!tpu.dma_semaphore, #tpu.memory_space<semaphore_mem>>)
      %dma_wait3A_769 = arith.constant 0 : i32
      %dma_wait3A_770 = tpu.memref_slice %arg5[%arg0, %mul3A_763, %dma_wait3A_769] : memref<2x10240x128xf32, #tpu.memory_space<hbm>> -> memref<1x640x128xf32, #tpu.memory_space<hbm>>
      %dma_wait3A_771 = tpu.memref_squeeze %dma_wait3A_770 : memref<1x640x128xf32, #tpu.memory_space<hbm>> -> memref<640x128xf32, #tpu.memory_space<hbm>>
      %dma_wait3A_772 = arith.constant 0 : i32
      %dma_wait3A_773 = tpu.memref_slice %arg8[%mul3A_761, %dma_wait3A_772] : memref<10240x128xf32, #tpu.memory_space<vmem_shared>> -> memref<640x128xf32, #tpu.memory_space<vmem_shared>>
      tpu.wait_dma2 semaphore(%run_scoped3A : memref<!tpu.dma_semaphore, #tpu.memory_space<semaphore_mem>>) src(%dma_wait3A_773 : memref<640x128xf32, #tpu.memory_space<vmem_shared>>) dst(%dma_wait3A_771 : memref<640x128xf32, #tpu.memory_space<hbm>>)
      tpu.yield
    }) : () -> ()
    return
  }
}

#map = affine_map<(d0, d1) -> (0, 0)>
#map1 = affine_map<(d0, d1) -> (0)>
#map2 = affine_map<(d0, d1) -> (0, 0, 0)>
module attributes {stable_mosaic.version = 14 : i64} {
  func.func @_scat_body(%arg0: i32, %arg1: i32, %arg2: memref<10240x128xf32, #tpu.memory_space<hbm>>, %arg3: memref<640000xi32, #tpu.memory_space<hbm>>, %arg4: memref<640x128xf32, #tpu.memory_space<hbm>>, %arg5: memref<2x10240x128xf32, #tpu.memory_space<hbm>>, %arg6: memref<16x2x32xi32, #tpu.memory_space<vmem>>, %arg7: memref<11x32x128xf32, #tpu.memory_space<vmem>>, %arg8: memref<10240x128xf32, #tpu.memory_space<vmem_shared>>, %arg9: memref<!tpu.dma_semaphore, #tpu.memory_space<semaphore_mem>>, %arg10: memref<!tpu.dma_semaphore, #tpu.memory_space<semaphore_mem>>, %arg11: memref<!tpu.dma_semaphore, #tpu.memory_space<semaphore_mem>>) attributes {dimension_semantics = [#tpu.dimension_semantics<core_parallel>, #tpu.dimension_semantics<subcore_parallel>], iteration_bounds = array<i64: 2, 16>, scalar_prefetch = 0 : i64, scratch_operands = 6 : i64, tpu.core_type = #tpu.core_type<sc_vector_subcore>, window_params = [{transform_indices = #map}, {transform_indices = #map1}, {transform_indices = #map}, {transform_indices = #map2}]} {
    %mul3A = arith.constant 2 : i32
    %mul3A_0 = arith.muli %arg1, %mul3A : i32
    %add3A = arith.addi %mul3A_0, %arg0 : i32
    %mul3A_1 = arith.constant 312 : i32
    %mul3A_2 = arith.muli %add3A, %mul3A_1 : i32
    %min3A = arith.constant 16 : i32
    %min3A_3 = arith.minsi %add3A, %min3A : i32
    %add3A_4 = arith.addi %mul3A_2, %min3A_3 : i32
    %lt3A = arith.constant 16 : i32
    %lt3A_5 = arith.cmpi slt, %add3A, %lt3A : i32
    %jit3A = arith.constant 1 : i32
    %jit3A_6 = arith.constant 0 : i32
    %select_n3A = arith.select %lt3A_5, %jit3A, %jit3A_6 : i32
    %add3A_7 = arith.constant 312 : i32
    %add3A_8 = arith.addi %add3A_7, %select_n3A : i32
    %mul3A_9 = arith.constant 640 : i32
    %mul3A_10 = arith.muli %arg1, %mul3A_9 : i32
    "tpu.region"() ({
      %run_scoped3A = tpu.sem_alloc : memref<!tpu.dma_semaphore, #tpu.memory_space<semaphore_mem>>
      %dma_start3A_764 = arith.constant 0 : i32
      %dma_start3A_765 = tpu.memref_slice %arg8[%mul3A_10, %dma_start3A_764] : memref<10240x128xf32, #tpu.memory_space<vmem_shared>> -> memref<640x128xf32, #tpu.memory_space<vmem_shared>>
      tpu.enqueue_dma source(%arg4 : memref<640x128xf32, #tpu.memory_space<hbm>>) target(%dma_start3A_765 : memref<640x128xf32, #tpu.memory_space<vmem_shared>>) target_semaphore(%run_scoped3A : memref<!tpu.dma_semaphore, #tpu.memory_space<semaphore_mem>>)
      %dma_wait3A_766 = arith.constant 0 : i32
      %dma_wait3A_767 = tpu.memref_slice %arg8[%mul3A_10, %dma_wait3A_766] : memref<10240x128xf32, #tpu.memory_space<vmem_shared>> -> memref<640x128xf32, #tpu.memory_space<vmem_shared>>
      tpu.wait_dma2 semaphore(%run_scoped3A : memref<!tpu.dma_semaphore, #tpu.memory_space<semaphore_mem>>) src(%arg4 : memref<640x128xf32, #tpu.memory_space<hbm>>) dst(%dma_wait3A_767 : memref<640x128xf32, #tpu.memory_space<vmem_shared>>)
      tpu.yield
    }) : () -> ()
    %barrier3A = arith.constant 0 : index
    tpu.barrier barrier_id(%barrier3A)
    %add3A_11 = arith.constant 0 : i32
    %add3A_12 = arith.addi %add3A_4, %add3A_11 : i32
    %mul3A_13 = arith.constant 32 : i32
    %mul3A_14 = arith.muli %add3A_12, %mul3A_13 : i32
    %dma_start3A = arith.constant 0 : i32
    %dma_start3A_15 = arith.constant 0 : i32
    %dma_start3A_16 = arith.constant 0 : i32
    %dma_start3A_17 = tpu.memref_slice %arg6[%dma_start3A, %dma_start3A_15, %dma_start3A_16] : memref<16x2x32xi32, #tpu.memory_space<vmem>> -> memref<1x1x32xi32, #tpu.memory_space<vmem>>
    %dma_start3A_18 = tpu.memref_squeeze %dma_start3A_17 : memref<1x1x32xi32, #tpu.memory_space<vmem>> -> memref<32xi32, #tpu.memory_space<vmem>>
    %dma_start3A_19 = tpu.memref_slice %arg3[%mul3A_14] : memref<640000xi32, #tpu.memory_space<hbm>> -> memref<32xi32, #tpu.memory_space<hbm>>
    %dma_start3A_20 = arith.constant 0 : i32
    %dma_start3A_21 = tpu.memref_slice %arg6[%dma_start3A, %dma_start3A_15, %dma_start3A_20] : memref<16x2x32xi32, #tpu.memory_space<vmem>> -> memref<1x1x32xi32, #tpu.memory_space<vmem>>
    %dma_start3A_22 = tpu.memref_squeeze %dma_start3A_21 : memref<1x1x32xi32, #tpu.memory_space<vmem>> -> memref<32xi32, #tpu.memory_space<vmem>>
    %dma_start3A_23 = tpu.memref_slice %arg3[%mul3A_14] : memref<640000xi32, #tpu.memory_space<hbm>> -> memref<32xi32, #tpu.memory_space<hbm>>
    tpu.enqueue_dma source(%dma_start3A_23 : memref<32xi32, #tpu.memory_space<hbm>>) target(%dma_start3A_22 : memref<32xi32, #tpu.memory_space<vmem>>) target_semaphore(%arg9 : memref<!tpu.dma_semaphore, #tpu.memory_space<semaphore_mem>>)
    %add3A_24 = arith.constant 320000 : i32
    %add3A_25 = arith.addi %add3A_24, %mul3A_14 : i32
    %dma_start3A_26 = arith.constant 0 : i32
    %dma_start3A_27 = arith.constant 1 : i32
    %dma_start3A_28 = arith.constant 0 : i32
    %dma_start3A_29 = tpu.memref_slice %arg6[%dma_start3A_26, %dma_start3A_27, %dma_start3A_28] : memref<16x2x32xi32, #tpu.memory_space<vmem>> -> memref<1x1x32xi32, #tpu.memory_space<vmem>>
    %dma_start3A_30 = tpu.memref_squeeze %dma_start3A_29 : memref<1x1x32xi32, #tpu.memory_space<vmem>> -> memref<32xi32, #tpu.memory_space<vmem>>
    %dma_start3A_31 = tpu.memref_slice %arg3[%add3A_25] : memref<640000xi32, #tpu.memory_space<hbm>> -> memref<32xi32, #tpu.memory_space<hbm>>
    %dma_start3A_32 = arith.constant 0 : i32
    %dma_start3A_33 = tpu.memref_slice %arg6[%dma_start3A_26, %dma_start3A_27, %dma_start3A_32] : memref<16x2x32xi32, #tpu.memory_space<vmem>> -> memref<1x1x32xi32, #tpu.memory_space<vmem>>
    %dma_start3A_34 = tpu.memref_squeeze %dma_start3A_33 : memref<1x1x32xi32, #tpu.memory_space<vmem>> -> memref<32xi32, #tpu.memory_space<vmem>>
    %dma_start3A_35 = tpu.memref_slice %arg3[%add3A_25] : memref<640000xi32, #tpu.memory_space<hbm>> -> memref<32xi32, #tpu.memory_space<hbm>>
    tpu.enqueue_dma source(%dma_start3A_35 : memref<32xi32, #tpu.memory_space<hbm>>) target(%dma_start3A_34 : memref<32xi32, #tpu.memory_space<vmem>>) target_semaphore(%arg9 : memref<!tpu.dma_semaphore, #tpu.memory_space<semaphore_mem>>)
    %add3A_36 = arith.constant 1 : i32
    %add3A_37 = arith.addi %add3A_4, %add3A_36 : i32
    %mul3A_38 = arith.constant 32 : i32
    %mul3A_39 = arith.muli %add3A_37, %mul3A_38 : i32
    %dma_start3A_40 = arith.constant 1 : i32
    %dma_start3A_41 = arith.constant 0 : i32
    %dma_start3A_42 = arith.constant 0 : i32
    %dma_start3A_43 = tpu.memref_slice %arg6[%dma_start3A_40, %dma_start3A_41, %dma_start3A_42] : memref<16x2x32xi32, #tpu.memory_space<vmem>> -> memref<1x1x32xi32, #tpu.memory_space<vmem>>
    %dma_start3A_44 = tpu.memref_squeeze %dma_start3A_43 : memref<1x1x32xi32, #tpu.memory_space<vmem>> -> memref<32xi32, #tpu.memory_space<vmem>>
    %dma_start3A_45 = tpu.memref_slice %arg3[%mul3A_39] : memref<640000xi32, #tpu.memory_space<hbm>> -> memref<32xi32, #tpu.memory_space<hbm>>
    %dma_start3A_46 = arith.constant 0 : i32
    %dma_start3A_47 = tpu.memref_slice %arg6[%dma_start3A_40, %dma_start3A_41, %dma_start3A_46] : memref<16x2x32xi32, #tpu.memory_space<vmem>> -> memref<1x1x32xi32, #tpu.memory_space<vmem>>
    %dma_start3A_48 = tpu.memref_squeeze %dma_start3A_47 : memref<1x1x32xi32, #tpu.memory_space<vmem>> -> memref<32xi32, #tpu.memory_space<vmem>>
    %dma_start3A_49 = tpu.memref_slice %arg3[%mul3A_39] : memref<640000xi32, #tpu.memory_space<hbm>> -> memref<32xi32, #tpu.memory_space<hbm>>
    tpu.enqueue_dma source(%dma_start3A_49 : memref<32xi32, #tpu.memory_space<hbm>>) target(%dma_start3A_48 : memref<32xi32, #tpu.memory_space<vmem>>) target_semaphore(%arg9 : memref<!tpu.dma_semaphore, #tpu.memory_space<semaphore_mem>>)
    %add3A_50 = arith.constant 320000 : i32
    %add3A_51 = arith.addi %add3A_50, %mul3A_39 : i32
    %dma_start3A_52 = arith.constant 1 : i32
    %dma_start3A_53 = arith.constant 1 : i32
    %dma_start3A_54 = arith.constant 0 : i32
    %dma_start3A_55 = tpu.memref_slice %arg6[%dma_start3A_52, %dma_start3A_53, %dma_start3A_54] : memref<16x2x32xi32, #tpu.memory_space<vmem>> -> memref<1x1x32xi32, #tpu.memory_space<vmem>>
    %dma_start3A_56 = tpu.memref_squeeze %dma_start3A_55 : memref<1x1x32xi32, #tpu.memory_space<vmem>> -> memref<32xi32, #tpu.memory_space<vmem>>
    %dma_start3A_57 = tpu.memref_slice %arg3[%add3A_51] : memref<640000xi32, #tpu.memory_space<hbm>> -> memref<32xi32, #tpu.memory_space<hbm>>
    %dma_start3A_58 = arith.constant 0 : i32
    %dma_start3A_59 = tpu.memref_slice %arg6[%dma_start3A_52, %dma_start3A_53, %dma_start3A_58] : memref<16x2x32xi32, #tpu.memory_space<vmem>> -> memref<1x1x32xi32, #tpu.memory_space<vmem>>
    %dma_start3A_60 = tpu.memref_squeeze %dma_start3A_59 : memref<1x1x32xi32, #tpu.memory_space<vmem>> -> memref<32xi32, #tpu.memory_space<vmem>>
    %dma_start3A_61 = tpu.memref_slice %arg3[%add3A_51] : memref<640000xi32, #tpu.memory_space<hbm>> -> memref<32xi32, #tpu.memory_space<hbm>>
    tpu.enqueue_dma source(%dma_start3A_61 : memref<32xi32, #tpu.memory_space<hbm>>) target(%dma_start3A_60 : memref<32xi32, #tpu.memory_space<vmem>>) target_semaphore(%arg9 : memref<!tpu.dma_semaphore, #tpu.memory_space<semaphore_mem>>)
    %add3A_62 = arith.constant 2 : i32
    %add3A_63 = arith.addi %add3A_4, %add3A_62 : i32
    %mul3A_64 = arith.constant 32 : i32
    %mul3A_65 = arith.muli %add3A_63, %mul3A_64 : i32
    %dma_start3A_66 = arith.constant 2 : i32
    %dma_start3A_67 = arith.constant 0 : i32
    %dma_start3A_68 = arith.constant 0 : i32
    %dma_start3A_69 = tpu.memref_slice %arg6[%dma_start3A_66, %dma_start3A_67, %dma_start3A_68] : memref<16x2x32xi32, #tpu.memory_space<vmem>> -> memref<1x1x32xi32, #tpu.memory_space<vmem>>
    %dma_start3A_70 = tpu.memref_squeeze %dma_start3A_69 : memref<1x1x32xi32, #tpu.memory_space<vmem>> -> memref<32xi32, #tpu.memory_space<vmem>>
    %dma_start3A_71 = tpu.memref_slice %arg3[%mul3A_65] : memref<640000xi32, #tpu.memory_space<hbm>> -> memref<32xi32, #tpu.memory_space<hbm>>
    %dma_start3A_72 = arith.constant 0 : i32
    %dma_start3A_73 = tpu.memref_slice %arg6[%dma_start3A_66, %dma_start3A_67, %dma_start3A_72] : memref<16x2x32xi32, #tpu.memory_space<vmem>> -> memref<1x1x32xi32, #tpu.memory_space<vmem>>
    %dma_start3A_74 = tpu.memref_squeeze %dma_start3A_73 : memref<1x1x32xi32, #tpu.memory_space<vmem>> -> memref<32xi32, #tpu.memory_space<vmem>>
    %dma_start3A_75 = tpu.memref_slice %arg3[%mul3A_65] : memref<640000xi32, #tpu.memory_space<hbm>> -> memref<32xi32, #tpu.memory_space<hbm>>
    tpu.enqueue_dma source(%dma_start3A_75 : memref<32xi32, #tpu.memory_space<hbm>>) target(%dma_start3A_74 : memref<32xi32, #tpu.memory_space<vmem>>) target_semaphore(%arg9 : memref<!tpu.dma_semaphore, #tpu.memory_space<semaphore_mem>>)
    %add3A_76 = arith.constant 320000 : i32
    %add3A_77 = arith.addi %add3A_76, %mul3A_65 : i32
    %dma_start3A_78 = arith.constant 2 : i32
    %dma_start3A_79 = arith.constant 1 : i32
    %dma_start3A_80 = arith.constant 0 : i32
    %dma_start3A_81 = tpu.memref_slice %arg6[%dma_start3A_78, %dma_start3A_79, %dma_start3A_80] : memref<16x2x32xi32, #tpu.memory_space<vmem>> -> memref<1x1x32xi32, #tpu.memory_space<vmem>>
    %dma_start3A_82 = tpu.memref_squeeze %dma_start3A_81 : memref<1x1x32xi32, #tpu.memory_space<vmem>> -> memref<32xi32, #tpu.memory_space<vmem>>
    %dma_start3A_83 = tpu.memref_slice %arg3[%add3A_77] : memref<640000xi32, #tpu.memory_space<hbm>> -> memref<32xi32, #tpu.memory_space<hbm>>
    %dma_start3A_84 = arith.constant 0 : i32
    %dma_start3A_85 = tpu.memref_slice %arg6[%dma_start3A_78, %dma_start3A_79, %dma_start3A_84] : memref<16x2x32xi32, #tpu.memory_space<vmem>> -> memref<1x1x32xi32, #tpu.memory_space<vmem>>
    %dma_start3A_86 = tpu.memref_squeeze %dma_start3A_85 : memref<1x1x32xi32, #tpu.memory_space<vmem>> -> memref<32xi32, #tpu.memory_space<vmem>>
    %dma_start3A_87 = tpu.memref_slice %arg3[%add3A_77] : memref<640000xi32, #tpu.memory_space<hbm>> -> memref<32xi32, #tpu.memory_space<hbm>>
    tpu.enqueue_dma source(%dma_start3A_87 : memref<32xi32, #tpu.memory_space<hbm>>) target(%dma_start3A_86 : memref<32xi32, #tpu.memory_space<vmem>>) target_semaphore(%arg9 : memref<!tpu.dma_semaphore, #tpu.memory_space<semaphore_mem>>)
    %add3A_88 = arith.constant 3 : i32
    %add3A_89 = arith.addi %add3A_4, %add3A_88 : i32
    %mul3A_90 = arith.constant 32 : i32
    %mul3A_91 = arith.muli %add3A_89, %mul3A_90 : i32
    %dma_start3A_92 = arith.constant 3 : i32
    %dma_start3A_93 = arith.constant 0 : i32
    %dma_start3A_94 = arith.constant 0 : i32
    %dma_start3A_95 = tpu.memref_slice %arg6[%dma_start3A_92, %dma_start3A_93, %dma_start3A_94] : memref<16x2x32xi32, #tpu.memory_space<vmem>> -> memref<1x1x32xi32, #tpu.memory_space<vmem>>
    %dma_start3A_96 = tpu.memref_squeeze %dma_start3A_95 : memref<1x1x32xi32, #tpu.memory_space<vmem>> -> memref<32xi32, #tpu.memory_space<vmem>>
    %dma_start3A_97 = tpu.memref_slice %arg3[%mul3A_91] : memref<640000xi32, #tpu.memory_space<hbm>> -> memref<32xi32, #tpu.memory_space<hbm>>
    %dma_start3A_98 = arith.constant 0 : i32
    %dma_start3A_99 = tpu.memref_slice %arg6[%dma_start3A_92, %dma_start3A_93, %dma_start3A_98] : memref<16x2x32xi32, #tpu.memory_space<vmem>> -> memref<1x1x32xi32, #tpu.memory_space<vmem>>
    %dma_start3A_100 = tpu.memref_squeeze %dma_start3A_99 : memref<1x1x32xi32, #tpu.memory_space<vmem>> -> memref<32xi32, #tpu.memory_space<vmem>>
    %dma_start3A_101 = tpu.memref_slice %arg3[%mul3A_91] : memref<640000xi32, #tpu.memory_space<hbm>> -> memref<32xi32, #tpu.memory_space<hbm>>
    tpu.enqueue_dma source(%dma_start3A_101 : memref<32xi32, #tpu.memory_space<hbm>>) target(%dma_start3A_100 : memref<32xi32, #tpu.memory_space<vmem>>) target_semaphore(%arg9 : memref<!tpu.dma_semaphore, #tpu.memory_space<semaphore_mem>>)
    %add3A_102 = arith.constant 320000 : i32
    %add3A_103 = arith.addi %add3A_102, %mul3A_91 : i32
    %dma_start3A_104 = arith.constant 3 : i32
    %dma_start3A_105 = arith.constant 1 : i32
    %dma_start3A_106 = arith.constant 0 : i32
    %dma_start3A_107 = tpu.memref_slice %arg6[%dma_start3A_104, %dma_start3A_105, %dma_start3A_106] : memref<16x2x32xi32, #tpu.memory_space<vmem>> -> memref<1x1x32xi32, #tpu.memory_space<vmem>>
    %dma_start3A_108 = tpu.memref_squeeze %dma_start3A_107 : memref<1x1x32xi32, #tpu.memory_space<vmem>> -> memref<32xi32, #tpu.memory_space<vmem>>
    %dma_start3A_109 = tpu.memref_slice %arg3[%add3A_103] : memref<640000xi32, #tpu.memory_space<hbm>> -> memref<32xi32, #tpu.memory_space<hbm>>
    %dma_start3A_110 = arith.constant 0 : i32
    %dma_start3A_111 = tpu.memref_slice %arg6[%dma_start3A_104, %dma_start3A_105, %dma_start3A_110] : memref<16x2x32xi32, #tpu.memory_space<vmem>> -> memref<1x1x32xi32, #tpu.memory_space<vmem>>
    %dma_start3A_112 = tpu.memref_squeeze %dma_start3A_111 : memref<1x1x32xi32, #tpu.memory_space<vmem>> -> memref<32xi32, #tpu.memory_space<vmem>>
    %dma_start3A_113 = tpu.memref_slice %arg3[%add3A_103] : memref<640000xi32, #tpu.memory_space<hbm>> -> memref<32xi32, #tpu.memory_space<hbm>>
    tpu.enqueue_dma source(%dma_start3A_113 : memref<32xi32, #tpu.memory_space<hbm>>) target(%dma_start3A_112 : memref<32xi32, #tpu.memory_space<vmem>>) target_semaphore(%arg9 : memref<!tpu.dma_semaphore, #tpu.memory_space<semaphore_mem>>)
    %add3A_114 = arith.constant 4 : i32
    %add3A_115 = arith.addi %add3A_4, %add3A_114 : i32
    %mul3A_116 = arith.constant 32 : i32
    %mul3A_117 = arith.muli %add3A_115, %mul3A_116 : i32
    %dma_start3A_118 = arith.constant 4 : i32
    %dma_start3A_119 = arith.constant 0 : i32
    %dma_start3A_120 = arith.constant 0 : i32
    %dma_start3A_121 = tpu.memref_slice %arg6[%dma_start3A_118, %dma_start3A_119, %dma_start3A_120] : memref<16x2x32xi32, #tpu.memory_space<vmem>> -> memref<1x1x32xi32, #tpu.memory_space<vmem>>
    %dma_start3A_122 = tpu.memref_squeeze %dma_start3A_121 : memref<1x1x32xi32, #tpu.memory_space<vmem>> -> memref<32xi32, #tpu.memory_space<vmem>>
    %dma_start3A_123 = tpu.memref_slice %arg3[%mul3A_117] : memref<640000xi32, #tpu.memory_space<hbm>> -> memref<32xi32, #tpu.memory_space<hbm>>
    %dma_start3A_124 = arith.constant 0 : i32
    %dma_start3A_125 = tpu.memref_slice %arg6[%dma_start3A_118, %dma_start3A_119, %dma_start3A_124] : memref<16x2x32xi32, #tpu.memory_space<vmem>> -> memref<1x1x32xi32, #tpu.memory_space<vmem>>
    %dma_start3A_126 = tpu.memref_squeeze %dma_start3A_125 : memref<1x1x32xi32, #tpu.memory_space<vmem>> -> memref<32xi32, #tpu.memory_space<vmem>>
    %dma_start3A_127 = tpu.memref_slice %arg3[%mul3A_117] : memref<640000xi32, #tpu.memory_space<hbm>> -> memref<32xi32, #tpu.memory_space<hbm>>
    tpu.enqueue_dma source(%dma_start3A_127 : memref<32xi32, #tpu.memory_space<hbm>>) target(%dma_start3A_126 : memref<32xi32, #tpu.memory_space<vmem>>) target_semaphore(%arg9 : memref<!tpu.dma_semaphore, #tpu.memory_space<semaphore_mem>>)
    %add3A_128 = arith.constant 320000 : i32
    %add3A_129 = arith.addi %add3A_128, %mul3A_117 : i32
    %dma_start3A_130 = arith.constant 4 : i32
    %dma_start3A_131 = arith.constant 1 : i32
    %dma_start3A_132 = arith.constant 0 : i32
    %dma_start3A_133 = tpu.memref_slice %arg6[%dma_start3A_130, %dma_start3A_131, %dma_start3A_132] : memref<16x2x32xi32, #tpu.memory_space<vmem>> -> memref<1x1x32xi32, #tpu.memory_space<vmem>>
    %dma_start3A_134 = tpu.memref_squeeze %dma_start3A_133 : memref<1x1x32xi32, #tpu.memory_space<vmem>> -> memref<32xi32, #tpu.memory_space<vmem>>
    %dma_start3A_135 = tpu.memref_slice %arg3[%add3A_129] : memref<640000xi32, #tpu.memory_space<hbm>> -> memref<32xi32, #tpu.memory_space<hbm>>
    %dma_start3A_136 = arith.constant 0 : i32
    %dma_start3A_137 = tpu.memref_slice %arg6[%dma_start3A_130, %dma_start3A_131, %dma_start3A_136] : memref<16x2x32xi32, #tpu.memory_space<vmem>> -> memref<1x1x32xi32, #tpu.memory_space<vmem>>
    %dma_start3A_138 = tpu.memref_squeeze %dma_start3A_137 : memref<1x1x32xi32, #tpu.memory_space<vmem>> -> memref<32xi32, #tpu.memory_space<vmem>>
    %dma_start3A_139 = tpu.memref_slice %arg3[%add3A_129] : memref<640000xi32, #tpu.memory_space<hbm>> -> memref<32xi32, #tpu.memory_space<hbm>>
    tpu.enqueue_dma source(%dma_start3A_139 : memref<32xi32, #tpu.memory_space<hbm>>) target(%dma_start3A_138 : memref<32xi32, #tpu.memory_space<vmem>>) target_semaphore(%arg9 : memref<!tpu.dma_semaphore, #tpu.memory_space<semaphore_mem>>)
    %add3A_140 = arith.constant 5 : i32
    %add3A_141 = arith.addi %add3A_4, %add3A_140 : i32
    %mul3A_142 = arith.constant 32 : i32
    %mul3A_143 = arith.muli %add3A_141, %mul3A_142 : i32
    %dma_start3A_144 = arith.constant 5 : i32
    %dma_start3A_145 = arith.constant 0 : i32
    %dma_start3A_146 = arith.constant 0 : i32
    %dma_start3A_147 = tpu.memref_slice %arg6[%dma_start3A_144, %dma_start3A_145, %dma_start3A_146] : memref<16x2x32xi32, #tpu.memory_space<vmem>> -> memref<1x1x32xi32, #tpu.memory_space<vmem>>
    %dma_start3A_148 = tpu.memref_squeeze %dma_start3A_147 : memref<1x1x32xi32, #tpu.memory_space<vmem>> -> memref<32xi32, #tpu.memory_space<vmem>>
    %dma_start3A_149 = tpu.memref_slice %arg3[%mul3A_143] : memref<640000xi32, #tpu.memory_space<hbm>> -> memref<32xi32, #tpu.memory_space<hbm>>
    %dma_start3A_150 = arith.constant 0 : i32
    %dma_start3A_151 = tpu.memref_slice %arg6[%dma_start3A_144, %dma_start3A_145, %dma_start3A_150] : memref<16x2x32xi32, #tpu.memory_space<vmem>> -> memref<1x1x32xi32, #tpu.memory_space<vmem>>
    %dma_start3A_152 = tpu.memref_squeeze %dma_start3A_151 : memref<1x1x32xi32, #tpu.memory_space<vmem>> -> memref<32xi32, #tpu.memory_space<vmem>>
    %dma_start3A_153 = tpu.memref_slice %arg3[%mul3A_143] : memref<640000xi32, #tpu.memory_space<hbm>> -> memref<32xi32, #tpu.memory_space<hbm>>
    tpu.enqueue_dma source(%dma_start3A_153 : memref<32xi32, #tpu.memory_space<hbm>>) target(%dma_start3A_152 : memref<32xi32, #tpu.memory_space<vmem>>) target_semaphore(%arg9 : memref<!tpu.dma_semaphore, #tpu.memory_space<semaphore_mem>>)
    %add3A_154 = arith.constant 320000 : i32
    %add3A_155 = arith.addi %add3A_154, %mul3A_143 : i32
    %dma_start3A_156 = arith.constant 5 : i32
    %dma_start3A_157 = arith.constant 1 : i32
    %dma_start3A_158 = arith.constant 0 : i32
    %dma_start3A_159 = tpu.memref_slice %arg6[%dma_start3A_156, %dma_start3A_157, %dma_start3A_158] : memref<16x2x32xi32, #tpu.memory_space<vmem>> -> memref<1x1x32xi32, #tpu.memory_space<vmem>>
    %dma_start3A_160 = tpu.memref_squeeze %dma_start3A_159 : memref<1x1x32xi32, #tpu.memory_space<vmem>> -> memref<32xi32, #tpu.memory_space<vmem>>
    %dma_start3A_161 = tpu.memref_slice %arg3[%add3A_155] : memref<640000xi32, #tpu.memory_space<hbm>> -> memref<32xi32, #tpu.memory_space<hbm>>
    %dma_start3A_162 = arith.constant 0 : i32
    %dma_start3A_163 = tpu.memref_slice %arg6[%dma_start3A_156, %dma_start3A_157, %dma_start3A_162] : memref<16x2x32xi32, #tpu.memory_space<vmem>> -> memref<1x1x32xi32, #tpu.memory_space<vmem>>
    %dma_start3A_164 = tpu.memref_squeeze %dma_start3A_163 : memref<1x1x32xi32, #tpu.memory_space<vmem>> -> memref<32xi32, #tpu.memory_space<vmem>>
    %dma_start3A_165 = tpu.memref_slice %arg3[%add3A_155] : memref<640000xi32, #tpu.memory_space<hbm>> -> memref<32xi32, #tpu.memory_space<hbm>>
    tpu.enqueue_dma source(%dma_start3A_165 : memref<32xi32, #tpu.memory_space<hbm>>) target(%dma_start3A_164 : memref<32xi32, #tpu.memory_space<vmem>>) target_semaphore(%arg9 : memref<!tpu.dma_semaphore, #tpu.memory_space<semaphore_mem>>)
    %add3A_166 = arith.constant 6 : i32
    %add3A_167 = arith.addi %add3A_4, %add3A_166 : i32
    %mul3A_168 = arith.constant 32 : i32
    %mul3A_169 = arith.muli %add3A_167, %mul3A_168 : i32
    %dma_start3A_170 = arith.constant 6 : i32
    %dma_start3A_171 = arith.constant 0 : i32
    %dma_start3A_172 = arith.constant 0 : i32
    %dma_start3A_173 = tpu.memref_slice %arg6[%dma_start3A_170, %dma_start3A_171, %dma_start3A_172] : memref<16x2x32xi32, #tpu.memory_space<vmem>> -> memref<1x1x32xi32, #tpu.memory_space<vmem>>
    %dma_start3A_174 = tpu.memref_squeeze %dma_start3A_173 : memref<1x1x32xi32, #tpu.memory_space<vmem>> -> memref<32xi32, #tpu.memory_space<vmem>>
    %dma_start3A_175 = tpu.memref_slice %arg3[%mul3A_169] : memref<640000xi32, #tpu.memory_space<hbm>> -> memref<32xi32, #tpu.memory_space<hbm>>
    %dma_start3A_176 = arith.constant 0 : i32
    %dma_start3A_177 = tpu.memref_slice %arg6[%dma_start3A_170, %dma_start3A_171, %dma_start3A_176] : memref<16x2x32xi32, #tpu.memory_space<vmem>> -> memref<1x1x32xi32, #tpu.memory_space<vmem>>
    %dma_start3A_178 = tpu.memref_squeeze %dma_start3A_177 : memref<1x1x32xi32, #tpu.memory_space<vmem>> -> memref<32xi32, #tpu.memory_space<vmem>>
    %dma_start3A_179 = tpu.memref_slice %arg3[%mul3A_169] : memref<640000xi32, #tpu.memory_space<hbm>> -> memref<32xi32, #tpu.memory_space<hbm>>
    tpu.enqueue_dma source(%dma_start3A_179 : memref<32xi32, #tpu.memory_space<hbm>>) target(%dma_start3A_178 : memref<32xi32, #tpu.memory_space<vmem>>) target_semaphore(%arg9 : memref<!tpu.dma_semaphore, #tpu.memory_space<semaphore_mem>>)
    %add3A_180 = arith.constant 320000 : i32
    %add3A_181 = arith.addi %add3A_180, %mul3A_169 : i32
    %dma_start3A_182 = arith.constant 6 : i32
    %dma_start3A_183 = arith.constant 1 : i32
    %dma_start3A_184 = arith.constant 0 : i32
    %dma_start3A_185 = tpu.memref_slice %arg6[%dma_start3A_182, %dma_start3A_183, %dma_start3A_184] : memref<16x2x32xi32, #tpu.memory_space<vmem>> -> memref<1x1x32xi32, #tpu.memory_space<vmem>>
    %dma_start3A_186 = tpu.memref_squeeze %dma_start3A_185 : memref<1x1x32xi32, #tpu.memory_space<vmem>> -> memref<32xi32, #tpu.memory_space<vmem>>
    %dma_start3A_187 = tpu.memref_slice %arg3[%add3A_181] : memref<640000xi32, #tpu.memory_space<hbm>> -> memref<32xi32, #tpu.memory_space<hbm>>
    %dma_start3A_188 = arith.constant 0 : i32
    %dma_start3A_189 = tpu.memref_slice %arg6[%dma_start3A_182, %dma_start3A_183, %dma_start3A_188] : memref<16x2x32xi32, #tpu.memory_space<vmem>> -> memref<1x1x32xi32, #tpu.memory_space<vmem>>
    %dma_start3A_190 = tpu.memref_squeeze %dma_start3A_189 : memref<1x1x32xi32, #tpu.memory_space<vmem>> -> memref<32xi32, #tpu.memory_space<vmem>>
    %dma_start3A_191 = tpu.memref_slice %arg3[%add3A_181] : memref<640000xi32, #tpu.memory_space<hbm>> -> memref<32xi32, #tpu.memory_space<hbm>>
    tpu.enqueue_dma source(%dma_start3A_191 : memref<32xi32, #tpu.memory_space<hbm>>) target(%dma_start3A_190 : memref<32xi32, #tpu.memory_space<vmem>>) target_semaphore(%arg9 : memref<!tpu.dma_semaphore, #tpu.memory_space<semaphore_mem>>)
    %add3A_192 = arith.constant 7 : i32
    %add3A_193 = arith.addi %add3A_4, %add3A_192 : i32
    %mul3A_194 = arith.constant 32 : i32
    %mul3A_195 = arith.muli %add3A_193, %mul3A_194 : i32
    %dma_start3A_196 = arith.constant 7 : i32
    %dma_start3A_197 = arith.constant 0 : i32
    %dma_start3A_198 = arith.constant 0 : i32
    %dma_start3A_199 = tpu.memref_slice %arg6[%dma_start3A_196, %dma_start3A_197, %dma_start3A_198] : memref<16x2x32xi32, #tpu.memory_space<vmem>> -> memref<1x1x32xi32, #tpu.memory_space<vmem>>
    %dma_start3A_200 = tpu.memref_squeeze %dma_start3A_199 : memref<1x1x32xi32, #tpu.memory_space<vmem>> -> memref<32xi32, #tpu.memory_space<vmem>>
    %dma_start3A_201 = tpu.memref_slice %arg3[%mul3A_195] : memref<640000xi32, #tpu.memory_space<hbm>> -> memref<32xi32, #tpu.memory_space<hbm>>
    %dma_start3A_202 = arith.constant 0 : i32
    %dma_start3A_203 = tpu.memref_slice %arg6[%dma_start3A_196, %dma_start3A_197, %dma_start3A_202] : memref<16x2x32xi32, #tpu.memory_space<vmem>> -> memref<1x1x32xi32, #tpu.memory_space<vmem>>
    %dma_start3A_204 = tpu.memref_squeeze %dma_start3A_203 : memref<1x1x32xi32, #tpu.memory_space<vmem>> -> memref<32xi32, #tpu.memory_space<vmem>>
    %dma_start3A_205 = tpu.memref_slice %arg3[%mul3A_195] : memref<640000xi32, #tpu.memory_space<hbm>> -> memref<32xi32, #tpu.memory_space<hbm>>
    tpu.enqueue_dma source(%dma_start3A_205 : memref<32xi32, #tpu.memory_space<hbm>>) target(%dma_start3A_204 : memref<32xi32, #tpu.memory_space<vmem>>) target_semaphore(%arg9 : memref<!tpu.dma_semaphore, #tpu.memory_space<semaphore_mem>>)
    %add3A_206 = arith.constant 320000 : i32
    %add3A_207 = arith.addi %add3A_206, %mul3A_195 : i32
    %dma_start3A_208 = arith.constant 7 : i32
    %dma_start3A_209 = arith.constant 1 : i32
    %dma_start3A_210 = arith.constant 0 : i32
    %dma_start3A_211 = tpu.memref_slice %arg6[%dma_start3A_208, %dma_start3A_209, %dma_start3A_210] : memref<16x2x32xi32, #tpu.memory_space<vmem>> -> memref<1x1x32xi32, #tpu.memory_space<vmem>>
    %dma_start3A_212 = tpu.memref_squeeze %dma_start3A_211 : memref<1x1x32xi32, #tpu.memory_space<vmem>> -> memref<32xi32, #tpu.memory_space<vmem>>
    %dma_start3A_213 = tpu.memref_slice %arg3[%add3A_207] : memref<640000xi32, #tpu.memory_space<hbm>> -> memref<32xi32, #tpu.memory_space<hbm>>
    %dma_start3A_214 = arith.constant 0 : i32
    %dma_start3A_215 = tpu.memref_slice %arg6[%dma_start3A_208, %dma_start3A_209, %dma_start3A_214] : memref<16x2x32xi32, #tpu.memory_space<vmem>> -> memref<1x1x32xi32, #tpu.memory_space<vmem>>
    %dma_start3A_216 = tpu.memref_squeeze %dma_start3A_215 : memref<1x1x32xi32, #tpu.memory_space<vmem>> -> memref<32xi32, #tpu.memory_space<vmem>>
    %dma_start3A_217 = tpu.memref_slice %arg3[%add3A_207] : memref<640000xi32, #tpu.memory_space<hbm>> -> memref<32xi32, #tpu.memory_space<hbm>>
    tpu.enqueue_dma source(%dma_start3A_217 : memref<32xi32, #tpu.memory_space<hbm>>) target(%dma_start3A_216 : memref<32xi32, #tpu.memory_space<vmem>>) target_semaphore(%arg9 : memref<!tpu.dma_semaphore, #tpu.memory_space<semaphore_mem>>)
    %add3A_218 = arith.constant 8 : i32
    %add3A_219 = arith.addi %add3A_4, %add3A_218 : i32
    %mul3A_220 = arith.constant 32 : i32
    %mul3A_221 = arith.muli %add3A_219, %mul3A_220 : i32
    %dma_start3A_222 = arith.constant 8 : i32
    %dma_start3A_223 = arith.constant 0 : i32
    %dma_start3A_224 = arith.constant 0 : i32
    %dma_start3A_225 = tpu.memref_slice %arg6[%dma_start3A_222, %dma_start3A_223, %dma_start3A_224] : memref<16x2x32xi32, #tpu.memory_space<vmem>> -> memref<1x1x32xi32, #tpu.memory_space<vmem>>
    %dma_start3A_226 = tpu.memref_squeeze %dma_start3A_225 : memref<1x1x32xi32, #tpu.memory_space<vmem>> -> memref<32xi32, #tpu.memory_space<vmem>>
    %dma_start3A_227 = tpu.memref_slice %arg3[%mul3A_221] : memref<640000xi32, #tpu.memory_space<hbm>> -> memref<32xi32, #tpu.memory_space<hbm>>
    %dma_start3A_228 = arith.constant 0 : i32
    %dma_start3A_229 = tpu.memref_slice %arg6[%dma_start3A_222, %dma_start3A_223, %dma_start3A_228] : memref<16x2x32xi32, #tpu.memory_space<vmem>> -> memref<1x1x32xi32, #tpu.memory_space<vmem>>
    %dma_start3A_230 = tpu.memref_squeeze %dma_start3A_229 : memref<1x1x32xi32, #tpu.memory_space<vmem>> -> memref<32xi32, #tpu.memory_space<vmem>>
    %dma_start3A_231 = tpu.memref_slice %arg3[%mul3A_221] : memref<640000xi32, #tpu.memory_space<hbm>> -> memref<32xi32, #tpu.memory_space<hbm>>
    tpu.enqueue_dma source(%dma_start3A_231 : memref<32xi32, #tpu.memory_space<hbm>>) target(%dma_start3A_230 : memref<32xi32, #tpu.memory_space<vmem>>) target_semaphore(%arg9 : memref<!tpu.dma_semaphore, #tpu.memory_space<semaphore_mem>>)
    %add3A_232 = arith.constant 320000 : i32
    %add3A_233 = arith.addi %add3A_232, %mul3A_221 : i32
    %dma_start3A_234 = arith.constant 8 : i32
    %dma_start3A_235 = arith.constant 1 : i32
    %dma_start3A_236 = arith.constant 0 : i32
    %dma_start3A_237 = tpu.memref_slice %arg6[%dma_start3A_234, %dma_start3A_235, %dma_start3A_236] : memref<16x2x32xi32, #tpu.memory_space<vmem>> -> memref<1x1x32xi32, #tpu.memory_space<vmem>>
    %dma_start3A_238 = tpu.memref_squeeze %dma_start3A_237 : memref<1x1x32xi32, #tpu.memory_space<vmem>> -> memref<32xi32, #tpu.memory_space<vmem>>
    %dma_start3A_239 = tpu.memref_slice %arg3[%add3A_233] : memref<640000xi32, #tpu.memory_space<hbm>> -> memref<32xi32, #tpu.memory_space<hbm>>
    %dma_start3A_240 = arith.constant 0 : i32
    %dma_start3A_241 = tpu.memref_slice %arg6[%dma_start3A_234, %dma_start3A_235, %dma_start3A_240] : memref<16x2x32xi32, #tpu.memory_space<vmem>> -> memref<1x1x32xi32, #tpu.memory_space<vmem>>
    %dma_start3A_242 = tpu.memref_squeeze %dma_start3A_241 : memref<1x1x32xi32, #tpu.memory_space<vmem>> -> memref<32xi32, #tpu.memory_space<vmem>>
    %dma_start3A_243 = tpu.memref_slice %arg3[%add3A_233] : memref<640000xi32, #tpu.memory_space<hbm>> -> memref<32xi32, #tpu.memory_space<hbm>>
    tpu.enqueue_dma source(%dma_start3A_243 : memref<32xi32, #tpu.memory_space<hbm>>) target(%dma_start3A_242 : memref<32xi32, #tpu.memory_space<vmem>>) target_semaphore(%arg9 : memref<!tpu.dma_semaphore, #tpu.memory_space<semaphore_mem>>)
    %add3A_244 = arith.constant 9 : i32
    %add3A_245 = arith.addi %add3A_4, %add3A_244 : i32
    %mul3A_246 = arith.constant 32 : i32
    %mul3A_247 = arith.muli %add3A_245, %mul3A_246 : i32
    %dma_start3A_248 = arith.constant 9 : i32
    %dma_start3A_249 = arith.constant 0 : i32
    %dma_start3A_250 = arith.constant 0 : i32
    %dma_start3A_251 = tpu.memref_slice %arg6[%dma_start3A_248, %dma_start3A_249, %dma_start3A_250] : memref<16x2x32xi32, #tpu.memory_space<vmem>> -> memref<1x1x32xi32, #tpu.memory_space<vmem>>
    %dma_start3A_252 = tpu.memref_squeeze %dma_start3A_251 : memref<1x1x32xi32, #tpu.memory_space<vmem>> -> memref<32xi32, #tpu.memory_space<vmem>>
    %dma_start3A_253 = tpu.memref_slice %arg3[%mul3A_247] : memref<640000xi32, #tpu.memory_space<hbm>> -> memref<32xi32, #tpu.memory_space<hbm>>
    %dma_start3A_254 = arith.constant 0 : i32
    %dma_start3A_255 = tpu.memref_slice %arg6[%dma_start3A_248, %dma_start3A_249, %dma_start3A_254] : memref<16x2x32xi32, #tpu.memory_space<vmem>> -> memref<1x1x32xi32, #tpu.memory_space<vmem>>
    %dma_start3A_256 = tpu.memref_squeeze %dma_start3A_255 : memref<1x1x32xi32, #tpu.memory_space<vmem>> -> memref<32xi32, #tpu.memory_space<vmem>>
    %dma_start3A_257 = tpu.memref_slice %arg3[%mul3A_247] : memref<640000xi32, #tpu.memory_space<hbm>> -> memref<32xi32, #tpu.memory_space<hbm>>
    tpu.enqueue_dma source(%dma_start3A_257 : memref<32xi32, #tpu.memory_space<hbm>>) target(%dma_start3A_256 : memref<32xi32, #tpu.memory_space<vmem>>) target_semaphore(%arg9 : memref<!tpu.dma_semaphore, #tpu.memory_space<semaphore_mem>>)
    %add3A_258 = arith.constant 320000 : i32
    %add3A_259 = arith.addi %add3A_258, %mul3A_247 : i32
    %dma_start3A_260 = arith.constant 9 : i32
    %dma_start3A_261 = arith.constant 1 : i32
    %dma_start3A_262 = arith.constant 0 : i32
    %dma_start3A_263 = tpu.memref_slice %arg6[%dma_start3A_260, %dma_start3A_261, %dma_start3A_262] : memref<16x2x32xi32, #tpu.memory_space<vmem>> -> memref<1x1x32xi32, #tpu.memory_space<vmem>>
    %dma_start3A_264 = tpu.memref_squeeze %dma_start3A_263 : memref<1x1x32xi32, #tpu.memory_space<vmem>> -> memref<32xi32, #tpu.memory_space<vmem>>
    %dma_start3A_265 = tpu.memref_slice %arg3[%add3A_259] : memref<640000xi32, #tpu.memory_space<hbm>> -> memref<32xi32, #tpu.memory_space<hbm>>
    %dma_start3A_266 = arith.constant 0 : i32
    %dma_start3A_267 = tpu.memref_slice %arg6[%dma_start3A_260, %dma_start3A_261, %dma_start3A_266] : memref<16x2x32xi32, #tpu.memory_space<vmem>> -> memref<1x1x32xi32, #tpu.memory_space<vmem>>
    %dma_start3A_268 = tpu.memref_squeeze %dma_start3A_267 : memref<1x1x32xi32, #tpu.memory_space<vmem>> -> memref<32xi32, #tpu.memory_space<vmem>>
    %dma_start3A_269 = tpu.memref_slice %arg3[%add3A_259] : memref<640000xi32, #tpu.memory_space<hbm>> -> memref<32xi32, #tpu.memory_space<hbm>>
    tpu.enqueue_dma source(%dma_start3A_269 : memref<32xi32, #tpu.memory_space<hbm>>) target(%dma_start3A_268 : memref<32xi32, #tpu.memory_space<vmem>>) target_semaphore(%arg9 : memref<!tpu.dma_semaphore, #tpu.memory_space<semaphore_mem>>)
    %add3A_270 = arith.constant 10 : i32
    %add3A_271 = arith.addi %add3A_4, %add3A_270 : i32
    %mul3A_272 = arith.constant 32 : i32
    %mul3A_273 = arith.muli %add3A_271, %mul3A_272 : i32
    %dma_start3A_274 = arith.constant 10 : i32
    %dma_start3A_275 = arith.constant 0 : i32
    %dma_start3A_276 = arith.constant 0 : i32
    %dma_start3A_277 = tpu.memref_slice %arg6[%dma_start3A_274, %dma_start3A_275, %dma_start3A_276] : memref<16x2x32xi32, #tpu.memory_space<vmem>> -> memref<1x1x32xi32, #tpu.memory_space<vmem>>
    %dma_start3A_278 = tpu.memref_squeeze %dma_start3A_277 : memref<1x1x32xi32, #tpu.memory_space<vmem>> -> memref<32xi32, #tpu.memory_space<vmem>>
    %dma_start3A_279 = tpu.memref_slice %arg3[%mul3A_273] : memref<640000xi32, #tpu.memory_space<hbm>> -> memref<32xi32, #tpu.memory_space<hbm>>
    %dma_start3A_280 = arith.constant 0 : i32
    %dma_start3A_281 = tpu.memref_slice %arg6[%dma_start3A_274, %dma_start3A_275, %dma_start3A_280] : memref<16x2x32xi32, #tpu.memory_space<vmem>> -> memref<1x1x32xi32, #tpu.memory_space<vmem>>
    %dma_start3A_282 = tpu.memref_squeeze %dma_start3A_281 : memref<1x1x32xi32, #tpu.memory_space<vmem>> -> memref<32xi32, #tpu.memory_space<vmem>>
    %dma_start3A_283 = tpu.memref_slice %arg3[%mul3A_273] : memref<640000xi32, #tpu.memory_space<hbm>> -> memref<32xi32, #tpu.memory_space<hbm>>
    tpu.enqueue_dma source(%dma_start3A_283 : memref<32xi32, #tpu.memory_space<hbm>>) target(%dma_start3A_282 : memref<32xi32, #tpu.memory_space<vmem>>) target_semaphore(%arg9 : memref<!tpu.dma_semaphore, #tpu.memory_space<semaphore_mem>>)
    %add3A_284 = arith.constant 320000 : i32
    %add3A_285 = arith.addi %add3A_284, %mul3A_273 : i32
    %dma_start3A_286 = arith.constant 10 : i32
    %dma_start3A_287 = arith.constant 1 : i32
    %dma_start3A_288 = arith.constant 0 : i32
    %dma_start3A_289 = tpu.memref_slice %arg6[%dma_start3A_286, %dma_start3A_287, %dma_start3A_288] : memref<16x2x32xi32, #tpu.memory_space<vmem>> -> memref<1x1x32xi32, #tpu.memory_space<vmem>>
    %dma_start3A_290 = tpu.memref_squeeze %dma_start3A_289 : memref<1x1x32xi32, #tpu.memory_space<vmem>> -> memref<32xi32, #tpu.memory_space<vmem>>
    %dma_start3A_291 = tpu.memref_slice %arg3[%add3A_285] : memref<640000xi32, #tpu.memory_space<hbm>> -> memref<32xi32, #tpu.memory_space<hbm>>
    %dma_start3A_292 = arith.constant 0 : i32
    %dma_start3A_293 = tpu.memref_slice %arg6[%dma_start3A_286, %dma_start3A_287, %dma_start3A_292] : memref<16x2x32xi32, #tpu.memory_space<vmem>> -> memref<1x1x32xi32, #tpu.memory_space<vmem>>
    %dma_start3A_294 = tpu.memref_squeeze %dma_start3A_293 : memref<1x1x32xi32, #tpu.memory_space<vmem>> -> memref<32xi32, #tpu.memory_space<vmem>>
    %dma_start3A_295 = tpu.memref_slice %arg3[%add3A_285] : memref<640000xi32, #tpu.memory_space<hbm>> -> memref<32xi32, #tpu.memory_space<hbm>>
    tpu.enqueue_dma source(%dma_start3A_295 : memref<32xi32, #tpu.memory_space<hbm>>) target(%dma_start3A_294 : memref<32xi32, #tpu.memory_space<vmem>>) target_semaphore(%arg9 : memref<!tpu.dma_semaphore, #tpu.memory_space<semaphore_mem>>)
    %add3A_296 = arith.constant 11 : i32
    %add3A_297 = arith.addi %add3A_4, %add3A_296 : i32
    %mul3A_298 = arith.constant 32 : i32
    %mul3A_299 = arith.muli %add3A_297, %mul3A_298 : i32
    %dma_start3A_300 = arith.constant 11 : i32
    %dma_start3A_301 = arith.constant 0 : i32
    %dma_start3A_302 = arith.constant 0 : i32
    %dma_start3A_303 = tpu.memref_slice %arg6[%dma_start3A_300, %dma_start3A_301, %dma_start3A_302] : memref<16x2x32xi32, #tpu.memory_space<vmem>> -> memref<1x1x32xi32, #tpu.memory_space<vmem>>
    %dma_start3A_304 = tpu.memref_squeeze %dma_start3A_303 : memref<1x1x32xi32, #tpu.memory_space<vmem>> -> memref<32xi32, #tpu.memory_space<vmem>>
    %dma_start3A_305 = tpu.memref_slice %arg3[%mul3A_299] : memref<640000xi32, #tpu.memory_space<hbm>> -> memref<32xi32, #tpu.memory_space<hbm>>
    %dma_start3A_306 = arith.constant 0 : i32
    %dma_start3A_307 = tpu.memref_slice %arg6[%dma_start3A_300, %dma_start3A_301, %dma_start3A_306] : memref<16x2x32xi32, #tpu.memory_space<vmem>> -> memref<1x1x32xi32, #tpu.memory_space<vmem>>
    %dma_start3A_308 = tpu.memref_squeeze %dma_start3A_307 : memref<1x1x32xi32, #tpu.memory_space<vmem>> -> memref<32xi32, #tpu.memory_space<vmem>>
    %dma_start3A_309 = tpu.memref_slice %arg3[%mul3A_299] : memref<640000xi32, #tpu.memory_space<hbm>> -> memref<32xi32, #tpu.memory_space<hbm>>
    tpu.enqueue_dma source(%dma_start3A_309 : memref<32xi32, #tpu.memory_space<hbm>>) target(%dma_start3A_308 : memref<32xi32, #tpu.memory_space<vmem>>) target_semaphore(%arg9 : memref<!tpu.dma_semaphore, #tpu.memory_space<semaphore_mem>>)
    %add3A_310 = arith.constant 320000 : i32
    %add3A_311 = arith.addi %add3A_310, %mul3A_299 : i32
    %dma_start3A_312 = arith.constant 11 : i32
    %dma_start3A_313 = arith.constant 1 : i32
    %dma_start3A_314 = arith.constant 0 : i32
    %dma_start3A_315 = tpu.memref_slice %arg6[%dma_start3A_312, %dma_start3A_313, %dma_start3A_314] : memref<16x2x32xi32, #tpu.memory_space<vmem>> -> memref<1x1x32xi32, #tpu.memory_space<vmem>>
    %dma_start3A_316 = tpu.memref_squeeze %dma_start3A_315 : memref<1x1x32xi32, #tpu.memory_space<vmem>> -> memref<32xi32, #tpu.memory_space<vmem>>
    %dma_start3A_317 = tpu.memref_slice %arg3[%add3A_311] : memref<640000xi32, #tpu.memory_space<hbm>> -> memref<32xi32, #tpu.memory_space<hbm>>
    %dma_start3A_318 = arith.constant 0 : i32
    %dma_start3A_319 = tpu.memref_slice %arg6[%dma_start3A_312, %dma_start3A_313, %dma_start3A_318] : memref<16x2x32xi32, #tpu.memory_space<vmem>> -> memref<1x1x32xi32, #tpu.memory_space<vmem>>
    %dma_start3A_320 = tpu.memref_squeeze %dma_start3A_319 : memref<1x1x32xi32, #tpu.memory_space<vmem>> -> memref<32xi32, #tpu.memory_space<vmem>>
    %dma_start3A_321 = tpu.memref_slice %arg3[%add3A_311] : memref<640000xi32, #tpu.memory_space<hbm>> -> memref<32xi32, #tpu.memory_space<hbm>>
    tpu.enqueue_dma source(%dma_start3A_321 : memref<32xi32, #tpu.memory_space<hbm>>) target(%dma_start3A_320 : memref<32xi32, #tpu.memory_space<vmem>>) target_semaphore(%arg9 : memref<!tpu.dma_semaphore, #tpu.memory_space<semaphore_mem>>)
    %add3A_322 = arith.constant 12 : i32
    %add3A_323 = arith.addi %add3A_4, %add3A_322 : i32
    %mul3A_324 = arith.constant 32 : i32
    %mul3A_325 = arith.muli %add3A_323, %mul3A_324 : i32
    %dma_start3A_326 = arith.constant 12 : i32
    %dma_start3A_327 = arith.constant 0 : i32
    %dma_start3A_328 = arith.constant 0 : i32
    %dma_start3A_329 = tpu.memref_slice %arg6[%dma_start3A_326, %dma_start3A_327, %dma_start3A_328] : memref<16x2x32xi32, #tpu.memory_space<vmem>> -> memref<1x1x32xi32, #tpu.memory_space<vmem>>
    %dma_start3A_330 = tpu.memref_squeeze %dma_start3A_329 : memref<1x1x32xi32, #tpu.memory_space<vmem>> -> memref<32xi32, #tpu.memory_space<vmem>>
    %dma_start3A_331 = tpu.memref_slice %arg3[%mul3A_325] : memref<640000xi32, #tpu.memory_space<hbm>> -> memref<32xi32, #tpu.memory_space<hbm>>
    %dma_start3A_332 = arith.constant 0 : i32
    %dma_start3A_333 = tpu.memref_slice %arg6[%dma_start3A_326, %dma_start3A_327, %dma_start3A_332] : memref<16x2x32xi32, #tpu.memory_space<vmem>> -> memref<1x1x32xi32, #tpu.memory_space<vmem>>
    %dma_start3A_334 = tpu.memref_squeeze %dma_start3A_333 : memref<1x1x32xi32, #tpu.memory_space<vmem>> -> memref<32xi32, #tpu.memory_space<vmem>>
    %dma_start3A_335 = tpu.memref_slice %arg3[%mul3A_325] : memref<640000xi32, #tpu.memory_space<hbm>> -> memref<32xi32, #tpu.memory_space<hbm>>
    tpu.enqueue_dma source(%dma_start3A_335 : memref<32xi32, #tpu.memory_space<hbm>>) target(%dma_start3A_334 : memref<32xi32, #tpu.memory_space<vmem>>) target_semaphore(%arg9 : memref<!tpu.dma_semaphore, #tpu.memory_space<semaphore_mem>>)
    %add3A_336 = arith.constant 320000 : i32
    %add3A_337 = arith.addi %add3A_336, %mul3A_325 : i32
    %dma_start3A_338 = arith.constant 12 : i32
    %dma_start3A_339 = arith.constant 1 : i32
    %dma_start3A_340 = arith.constant 0 : i32
    %dma_start3A_341 = tpu.memref_slice %arg6[%dma_start3A_338, %dma_start3A_339, %dma_start3A_340] : memref<16x2x32xi32, #tpu.memory_space<vmem>> -> memref<1x1x32xi32, #tpu.memory_space<vmem>>
    %dma_start3A_342 = tpu.memref_squeeze %dma_start3A_341 : memref<1x1x32xi32, #tpu.memory_space<vmem>> -> memref<32xi32, #tpu.memory_space<vmem>>
    %dma_start3A_343 = tpu.memref_slice %arg3[%add3A_337] : memref<640000xi32, #tpu.memory_space<hbm>> -> memref<32xi32, #tpu.memory_space<hbm>>
    %dma_start3A_344 = arith.constant 0 : i32
    %dma_start3A_345 = tpu.memref_slice %arg6[%dma_start3A_338, %dma_start3A_339, %dma_start3A_344] : memref<16x2x32xi32, #tpu.memory_space<vmem>> -> memref<1x1x32xi32, #tpu.memory_space<vmem>>
    %dma_start3A_346 = tpu.memref_squeeze %dma_start3A_345 : memref<1x1x32xi32, #tpu.memory_space<vmem>> -> memref<32xi32, #tpu.memory_space<vmem>>
    %dma_start3A_347 = tpu.memref_slice %arg3[%add3A_337] : memref<640000xi32, #tpu.memory_space<hbm>> -> memref<32xi32, #tpu.memory_space<hbm>>
    tpu.enqueue_dma source(%dma_start3A_347 : memref<32xi32, #tpu.memory_space<hbm>>) target(%dma_start3A_346 : memref<32xi32, #tpu.memory_space<vmem>>) target_semaphore(%arg9 : memref<!tpu.dma_semaphore, #tpu.memory_space<semaphore_mem>>)
    %add3A_348 = arith.constant 13 : i32
    %add3A_349 = arith.addi %add3A_4, %add3A_348 : i32
    %mul3A_350 = arith.constant 32 : i32
    %mul3A_351 = arith.muli %add3A_349, %mul3A_350 : i32
    %dma_start3A_352 = arith.constant 13 : i32
    %dma_start3A_353 = arith.constant 0 : i32
    %dma_start3A_354 = arith.constant 0 : i32
    %dma_start3A_355 = tpu.memref_slice %arg6[%dma_start3A_352, %dma_start3A_353, %dma_start3A_354] : memref<16x2x32xi32, #tpu.memory_space<vmem>> -> memref<1x1x32xi32, #tpu.memory_space<vmem>>
    %dma_start3A_356 = tpu.memref_squeeze %dma_start3A_355 : memref<1x1x32xi32, #tpu.memory_space<vmem>> -> memref<32xi32, #tpu.memory_space<vmem>>
    %dma_start3A_357 = tpu.memref_slice %arg3[%mul3A_351] : memref<640000xi32, #tpu.memory_space<hbm>> -> memref<32xi32, #tpu.memory_space<hbm>>
    %dma_start3A_358 = arith.constant 0 : i32
    %dma_start3A_359 = tpu.memref_slice %arg6[%dma_start3A_352, %dma_start3A_353, %dma_start3A_358] : memref<16x2x32xi32, #tpu.memory_space<vmem>> -> memref<1x1x32xi32, #tpu.memory_space<vmem>>
    %dma_start3A_360 = tpu.memref_squeeze %dma_start3A_359 : memref<1x1x32xi32, #tpu.memory_space<vmem>> -> memref<32xi32, #tpu.memory_space<vmem>>
    %dma_start3A_361 = tpu.memref_slice %arg3[%mul3A_351] : memref<640000xi32, #tpu.memory_space<hbm>> -> memref<32xi32, #tpu.memory_space<hbm>>
    tpu.enqueue_dma source(%dma_start3A_361 : memref<32xi32, #tpu.memory_space<hbm>>) target(%dma_start3A_360 : memref<32xi32, #tpu.memory_space<vmem>>) target_semaphore(%arg9 : memref<!tpu.dma_semaphore, #tpu.memory_space<semaphore_mem>>)
    %add3A_362 = arith.constant 320000 : i32
    %add3A_363 = arith.addi %add3A_362, %mul3A_351 : i32
    %dma_start3A_364 = arith.constant 13 : i32
    %dma_start3A_365 = arith.constant 1 : i32
    %dma_start3A_366 = arith.constant 0 : i32
    %dma_start3A_367 = tpu.memref_slice %arg6[%dma_start3A_364, %dma_start3A_365, %dma_start3A_366] : memref<16x2x32xi32, #tpu.memory_space<vmem>> -> memref<1x1x32xi32, #tpu.memory_space<vmem>>
    %dma_start3A_368 = tpu.memref_squeeze %dma_start3A_367 : memref<1x1x32xi32, #tpu.memory_space<vmem>> -> memref<32xi32, #tpu.memory_space<vmem>>
    %dma_start3A_369 = tpu.memref_slice %arg3[%add3A_363] : memref<640000xi32, #tpu.memory_space<hbm>> -> memref<32xi32, #tpu.memory_space<hbm>>
    %dma_start3A_370 = arith.constant 0 : i32
    %dma_start3A_371 = tpu.memref_slice %arg6[%dma_start3A_364, %dma_start3A_365, %dma_start3A_370] : memref<16x2x32xi32, #tpu.memory_space<vmem>> -> memref<1x1x32xi32, #tpu.memory_space<vmem>>
    %dma_start3A_372 = tpu.memref_squeeze %dma_start3A_371 : memref<1x1x32xi32, #tpu.memory_space<vmem>> -> memref<32xi32, #tpu.memory_space<vmem>>
    %dma_start3A_373 = tpu.memref_slice %arg3[%add3A_363] : memref<640000xi32, #tpu.memory_space<hbm>> -> memref<32xi32, #tpu.memory_space<hbm>>
    tpu.enqueue_dma source(%dma_start3A_373 : memref<32xi32, #tpu.memory_space<hbm>>) target(%dma_start3A_372 : memref<32xi32, #tpu.memory_space<vmem>>) target_semaphore(%arg9 : memref<!tpu.dma_semaphore, #tpu.memory_space<semaphore_mem>>)
    %add3A_374 = arith.constant 14 : i32
    %add3A_375 = arith.addi %add3A_4, %add3A_374 : i32
    %mul3A_376 = arith.constant 32 : i32
    %mul3A_377 = arith.muli %add3A_375, %mul3A_376 : i32
    %dma_start3A_378 = arith.constant 14 : i32
    %dma_start3A_379 = arith.constant 0 : i32
    %dma_start3A_380 = arith.constant 0 : i32
    %dma_start3A_381 = tpu.memref_slice %arg6[%dma_start3A_378, %dma_start3A_379, %dma_start3A_380] : memref<16x2x32xi32, #tpu.memory_space<vmem>> -> memref<1x1x32xi32, #tpu.memory_space<vmem>>
    %dma_start3A_382 = tpu.memref_squeeze %dma_start3A_381 : memref<1x1x32xi32, #tpu.memory_space<vmem>> -> memref<32xi32, #tpu.memory_space<vmem>>
    %dma_start3A_383 = tpu.memref_slice %arg3[%mul3A_377] : memref<640000xi32, #tpu.memory_space<hbm>> -> memref<32xi32, #tpu.memory_space<hbm>>
    %dma_start3A_384 = arith.constant 0 : i32
    %dma_start3A_385 = tpu.memref_slice %arg6[%dma_start3A_378, %dma_start3A_379, %dma_start3A_384] : memref<16x2x32xi32, #tpu.memory_space<vmem>> -> memref<1x1x32xi32, #tpu.memory_space<vmem>>
    %dma_start3A_386 = tpu.memref_squeeze %dma_start3A_385 : memref<1x1x32xi32, #tpu.memory_space<vmem>> -> memref<32xi32, #tpu.memory_space<vmem>>
    %dma_start3A_387 = tpu.memref_slice %arg3[%mul3A_377] : memref<640000xi32, #tpu.memory_space<hbm>> -> memref<32xi32, #tpu.memory_space<hbm>>
    tpu.enqueue_dma source(%dma_start3A_387 : memref<32xi32, #tpu.memory_space<hbm>>) target(%dma_start3A_386 : memref<32xi32, #tpu.memory_space<vmem>>) target_semaphore(%arg9 : memref<!tpu.dma_semaphore, #tpu.memory_space<semaphore_mem>>)
    %add3A_388 = arith.constant 320000 : i32
    %add3A_389 = arith.addi %add3A_388, %mul3A_377 : i32
    %dma_start3A_390 = arith.constant 14 : i32
    %dma_start3A_391 = arith.constant 1 : i32
    %dma_start3A_392 = arith.constant 0 : i32
    %dma_start3A_393 = tpu.memref_slice %arg6[%dma_start3A_390, %dma_start3A_391, %dma_start3A_392] : memref<16x2x32xi32, #tpu.memory_space<vmem>> -> memref<1x1x32xi32, #tpu.memory_space<vmem>>
    %dma_start3A_394 = tpu.memref_squeeze %dma_start3A_393 : memref<1x1x32xi32, #tpu.memory_space<vmem>> -> memref<32xi32, #tpu.memory_space<vmem>>
    %dma_start3A_395 = tpu.memref_slice %arg3[%add3A_389] : memref<640000xi32, #tpu.memory_space<hbm>> -> memref<32xi32, #tpu.memory_space<hbm>>
    %dma_start3A_396 = arith.constant 0 : i32
    %dma_start3A_397 = tpu.memref_slice %arg6[%dma_start3A_390, %dma_start3A_391, %dma_start3A_396] : memref<16x2x32xi32, #tpu.memory_space<vmem>> -> memref<1x1x32xi32, #tpu.memory_space<vmem>>
    %dma_start3A_398 = tpu.memref_squeeze %dma_start3A_397 : memref<1x1x32xi32, #tpu.memory_space<vmem>> -> memref<32xi32, #tpu.memory_space<vmem>>
    %dma_start3A_399 = tpu.memref_slice %arg3[%add3A_389] : memref<640000xi32, #tpu.memory_space<hbm>> -> memref<32xi32, #tpu.memory_space<hbm>>
    tpu.enqueue_dma source(%dma_start3A_399 : memref<32xi32, #tpu.memory_space<hbm>>) target(%dma_start3A_398 : memref<32xi32, #tpu.memory_space<vmem>>) target_semaphore(%arg9 : memref<!tpu.dma_semaphore, #tpu.memory_space<semaphore_mem>>)
    %add3A_400 = arith.constant 15 : i32
    %add3A_401 = arith.addi %add3A_4, %add3A_400 : i32
    %mul3A_402 = arith.constant 32 : i32
    %mul3A_403 = arith.muli %add3A_401, %mul3A_402 : i32
    %dma_start3A_404 = arith.constant 15 : i32
    %dma_start3A_405 = arith.constant 0 : i32
    %dma_start3A_406 = arith.constant 0 : i32
    %dma_start3A_407 = tpu.memref_slice %arg6[%dma_start3A_404, %dma_start3A_405, %dma_start3A_406] : memref<16x2x32xi32, #tpu.memory_space<vmem>> -> memref<1x1x32xi32, #tpu.memory_space<vmem>>
    %dma_start3A_408 = tpu.memref_squeeze %dma_start3A_407 : memref<1x1x32xi32, #tpu.memory_space<vmem>> -> memref<32xi32, #tpu.memory_space<vmem>>
    %dma_start3A_409 = tpu.memref_slice %arg3[%mul3A_403] : memref<640000xi32, #tpu.memory_space<hbm>> -> memref<32xi32, #tpu.memory_space<hbm>>
    %dma_start3A_410 = arith.constant 0 : i32
    %dma_start3A_411 = tpu.memref_slice %arg6[%dma_start3A_404, %dma_start3A_405, %dma_start3A_410] : memref<16x2x32xi32, #tpu.memory_space<vmem>> -> memref<1x1x32xi32, #tpu.memory_space<vmem>>
    %dma_start3A_412 = tpu.memref_squeeze %dma_start3A_411 : memref<1x1x32xi32, #tpu.memory_space<vmem>> -> memref<32xi32, #tpu.memory_space<vmem>>
    %dma_start3A_413 = tpu.memref_slice %arg3[%mul3A_403] : memref<640000xi32, #tpu.memory_space<hbm>> -> memref<32xi32, #tpu.memory_space<hbm>>
    tpu.enqueue_dma source(%dma_start3A_413 : memref<32xi32, #tpu.memory_space<hbm>>) target(%dma_start3A_412 : memref<32xi32, #tpu.memory_space<vmem>>) target_semaphore(%arg9 : memref<!tpu.dma_semaphore, #tpu.memory_space<semaphore_mem>>)
    %add3A_414 = arith.constant 320000 : i32
    %add3A_415 = arith.addi %add3A_414, %mul3A_403 : i32
    %dma_start3A_416 = arith.constant 15 : i32
    %dma_start3A_417 = arith.constant 1 : i32
    %dma_start3A_418 = arith.constant 0 : i32
    %dma_start3A_419 = tpu.memref_slice %arg6[%dma_start3A_416, %dma_start3A_417, %dma_start3A_418] : memref<16x2x32xi32, #tpu.memory_space<vmem>> -> memref<1x1x32xi32, #tpu.memory_space<vmem>>
    %dma_start3A_420 = tpu.memref_squeeze %dma_start3A_419 : memref<1x1x32xi32, #tpu.memory_space<vmem>> -> memref<32xi32, #tpu.memory_space<vmem>>
    %dma_start3A_421 = tpu.memref_slice %arg3[%add3A_415] : memref<640000xi32, #tpu.memory_space<hbm>> -> memref<32xi32, #tpu.memory_space<hbm>>
    %dma_start3A_422 = arith.constant 0 : i32
    %dma_start3A_423 = tpu.memref_slice %arg6[%dma_start3A_416, %dma_start3A_417, %dma_start3A_422] : memref<16x2x32xi32, #tpu.memory_space<vmem>> -> memref<1x1x32xi32, #tpu.memory_space<vmem>>
    %dma_start3A_424 = tpu.memref_squeeze %dma_start3A_423 : memref<1x1x32xi32, #tpu.memory_space<vmem>> -> memref<32xi32, #tpu.memory_space<vmem>>
    %dma_start3A_425 = tpu.memref_slice %arg3[%add3A_415] : memref<640000xi32, #tpu.memory_space<hbm>> -> memref<32xi32, #tpu.memory_space<hbm>>
    tpu.enqueue_dma source(%dma_start3A_425 : memref<32xi32, #tpu.memory_space<hbm>>) target(%dma_start3A_424 : memref<32xi32, #tpu.memory_space<vmem>>) target_semaphore(%arg9 : memref<!tpu.dma_semaphore, #tpu.memory_space<semaphore_mem>>)
    %add3A_426 = arith.constant 0 : i32
    %add3A_427 = arith.addi %add3A_4, %add3A_426 : i32
    %mul3A_428 = arith.constant 32 : i32
    %mul3A_429 = arith.muli %add3A_427, %mul3A_428 : i32
    %dma_wait3A = arith.constant 0 : i32
    %dma_wait3A_430 = arith.constant 0 : i32
    %dma_wait3A_431 = arith.constant 0 : i32
    %dma_wait3A_432 = tpu.memref_slice %arg6[%dma_wait3A, %dma_wait3A_430, %dma_wait3A_431] : memref<16x2x32xi32, #tpu.memory_space<vmem>> -> memref<1x1x32xi32, #tpu.memory_space<vmem>>
    %dma_wait3A_433 = tpu.memref_squeeze %dma_wait3A_432 : memref<1x1x32xi32, #tpu.memory_space<vmem>> -> memref<32xi32, #tpu.memory_space<vmem>>
    %dma_wait3A_434 = tpu.memref_slice %arg3[%mul3A_429] : memref<640000xi32, #tpu.memory_space<hbm>> -> memref<32xi32, #tpu.memory_space<hbm>>
    %dma_wait3A_435 = arith.constant 0 : i32
    %dma_wait3A_436 = tpu.memref_slice %arg6[%dma_wait3A, %dma_wait3A_430, %dma_wait3A_435] : memref<16x2x32xi32, #tpu.memory_space<vmem>> -> memref<1x1x32xi32, #tpu.memory_space<vmem>>
    %dma_wait3A_437 = tpu.memref_squeeze %dma_wait3A_436 : memref<1x1x32xi32, #tpu.memory_space<vmem>> -> memref<32xi32, #tpu.memory_space<vmem>>
    %dma_wait3A_438 = tpu.memref_slice %arg3[%mul3A_429] : memref<640000xi32, #tpu.memory_space<hbm>> -> memref<32xi32, #tpu.memory_space<hbm>>
    tpu.wait_dma2 semaphore(%arg9 : memref<!tpu.dma_semaphore, #tpu.memory_space<semaphore_mem>>) src(%dma_wait3A_438 : memref<32xi32, #tpu.memory_space<hbm>>) dst(%dma_wait3A_437 : memref<32xi32, #tpu.memory_space<vmem>>)
    %add3A_439 = arith.constant 320000 : i32
    %add3A_440 = arith.addi %add3A_439, %mul3A_429 : i32
    %dma_wait3A_441 = arith.constant 0 : i32
    %dma_wait3A_442 = arith.constant 1 : i32
    %dma_wait3A_443 = arith.constant 0 : i32
    %dma_wait3A_444 = tpu.memref_slice %arg6[%dma_wait3A_441, %dma_wait3A_442, %dma_wait3A_443] : memref<16x2x32xi32, #tpu.memory_space<vmem>> -> memref<1x1x32xi32, #tpu.memory_space<vmem>>
    %dma_wait3A_445 = tpu.memref_squeeze %dma_wait3A_444 : memref<1x1x32xi32, #tpu.memory_space<vmem>> -> memref<32xi32, #tpu.memory_space<vmem>>
    %dma_wait3A_446 = tpu.memref_slice %arg3[%add3A_440] : memref<640000xi32, #tpu.memory_space<hbm>> -> memref<32xi32, #tpu.memory_space<hbm>>
    %dma_wait3A_447 = arith.constant 0 : i32
    %dma_wait3A_448 = tpu.memref_slice %arg6[%dma_wait3A_441, %dma_wait3A_442, %dma_wait3A_447] : memref<16x2x32xi32, #tpu.memory_space<vmem>> -> memref<1x1x32xi32, #tpu.memory_space<vmem>>
    %dma_wait3A_449 = tpu.memref_squeeze %dma_wait3A_448 : memref<1x1x32xi32, #tpu.memory_space<vmem>> -> memref<32xi32, #tpu.memory_space<vmem>>
    %dma_wait3A_450 = tpu.memref_slice %arg3[%add3A_440] : memref<640000xi32, #tpu.memory_space<hbm>> -> memref<32xi32, #tpu.memory_space<hbm>>
    tpu.wait_dma2 semaphore(%arg9 : memref<!tpu.dma_semaphore, #tpu.memory_space<semaphore_mem>>) src(%dma_wait3A_450 : memref<32xi32, #tpu.memory_space<hbm>>) dst(%dma_wait3A_449 : memref<32xi32, #tpu.memory_space<vmem>>)
    %dma_start3A_451 = arith.constant 0 : i32
    %dma_start3A_452 = arith.constant 0 : i32
    %dma_start3A_453 = arith.constant 0 : i32
    %dma_start3A_454 = arith.constant 0 : i32
    %dma_start3A_455 = arith.constant 0 : i32
    %dma_start3A_456 = tpu.memref_slice %arg7[%dma_start3A_453, %dma_start3A_454, %dma_start3A_455] : memref<11x32x128xf32, #tpu.memory_space<vmem>> -> memref<1x32x128xf32, #tpu.memory_space<vmem>>
    %dma_start3A_457 = tpu.memref_squeeze %dma_start3A_456 : memref<1x32x128xf32, #tpu.memory_space<vmem>> -> memref<32x128xf32, #tpu.memory_space<vmem>>
    %dma_start3A_458 = arith.constant 0 : i32
    %dma_start3A_459 = tpu.memref_slice %arg6[%dma_start3A_451, %dma_start3A_452, %dma_start3A_458] : memref<16x2x32xi32, #tpu.memory_space<vmem>> -> memref<1x1x32xi32, #tpu.memory_space<vmem>>
    %dma_start3A_460 = tpu.memref_squeeze %dma_start3A_459 : memref<1x1x32xi32, #tpu.memory_space<vmem>> -> memref<32xi32, #tpu.memory_space<vmem>>
    %dma_start3A_461 = arith.constant 0 : i32
    %dma_start3A_462 = arith.constant 0 : i32
    %dma_start3A_463 = tpu.memref_slice %arg2[%dma_start3A_461, %dma_start3A_462] : memref<10240x128xf32, #tpu.memory_space<hbm>> -> memref<10240x128xf32, #tpu.memory_space<hbm>>
    tpu.enqueue_indirect_dma source(%dma_start3A_463 : memref<10240x128xf32, #tpu.memory_space<hbm>>) target(%dma_start3A_457 : memref<32x128xf32, #tpu.memory_space<vmem>>) offsets(%dma_start3A_460 : memref<32xi32, #tpu.memory_space<vmem>>) semaphore(%arg10 : memref<!tpu.dma_semaphore, #tpu.memory_space<semaphore_mem>>)
    %add3A_464 = arith.constant 1 : i32
    %add3A_465 = arith.addi %add3A_4, %add3A_464 : i32
    %mul3A_466 = arith.constant 32 : i32
    %mul3A_467 = arith.muli %add3A_465, %mul3A_466 : i32
    %dma_wait3A_468 = arith.constant 1 : i32
    %dma_wait3A_469 = arith.constant 0 : i32
    %dma_wait3A_470 = arith.constant 0 : i32
    %dma_wait3A_471 = tpu.memref_slice %arg6[%dma_wait3A_468, %dma_wait3A_469, %dma_wait3A_470] : memref<16x2x32xi32, #tpu.memory_space<vmem>> -> memref<1x1x32xi32, #tpu.memory_space<vmem>>
    %dma_wait3A_472 = tpu.memref_squeeze %dma_wait3A_471 : memref<1x1x32xi32, #tpu.memory_space<vmem>> -> memref<32xi32, #tpu.memory_space<vmem>>
    %dma_wait3A_473 = tpu.memref_slice %arg3[%mul3A_467] : memref<640000xi32, #tpu.memory_space<hbm>> -> memref<32xi32, #tpu.memory_space<hbm>>
    %dma_wait3A_474 = arith.constant 0 : i32
    %dma_wait3A_475 = tpu.memref_slice %arg6[%dma_wait3A_468, %dma_wait3A_469, %dma_wait3A_474] : memref<16x2x32xi32, #tpu.memory_space<vmem>> -> memref<1x1x32xi32, #tpu.memory_space<vmem>>
    %dma_wait3A_476 = tpu.memref_squeeze %dma_wait3A_475 : memref<1x1x32xi32, #tpu.memory_space<vmem>> -> memref<32xi32, #tpu.memory_space<vmem>>
    %dma_wait3A_477 = tpu.memref_slice %arg3[%mul3A_467] : memref<640000xi32, #tpu.memory_space<hbm>> -> memref<32xi32, #tpu.memory_space<hbm>>
    tpu.wait_dma2 semaphore(%arg9 : memref<!tpu.dma_semaphore, #tpu.memory_space<semaphore_mem>>) src(%dma_wait3A_477 : memref<32xi32, #tpu.memory_space<hbm>>) dst(%dma_wait3A_476 : memref<32xi32, #tpu.memory_space<vmem>>)
    %add3A_478 = arith.constant 320000 : i32
    %add3A_479 = arith.addi %add3A_478, %mul3A_467 : i32
    %dma_wait3A_480 = arith.constant 1 : i32
    %dma_wait3A_481 = arith.constant 1 : i32
    %dma_wait3A_482 = arith.constant 0 : i32
    %dma_wait3A_483 = tpu.memref_slice %arg6[%dma_wait3A_480, %dma_wait3A_481, %dma_wait3A_482] : memref<16x2x32xi32, #tpu.memory_space<vmem>> -> memref<1x1x32xi32, #tpu.memory_space<vmem>>
    %dma_wait3A_484 = tpu.memref_squeeze %dma_wait3A_483 : memref<1x1x32xi32, #tpu.memory_space<vmem>> -> memref<32xi32, #tpu.memory_space<vmem>>
    %dma_wait3A_485 = tpu.memref_slice %arg3[%add3A_479] : memref<640000xi32, #tpu.memory_space<hbm>> -> memref<32xi32, #tpu.memory_space<hbm>>
    %dma_wait3A_486 = arith.constant 0 : i32
    %dma_wait3A_487 = tpu.memref_slice %arg6[%dma_wait3A_480, %dma_wait3A_481, %dma_wait3A_486] : memref<16x2x32xi32, #tpu.memory_space<vmem>> -> memref<1x1x32xi32, #tpu.memory_space<vmem>>
    %dma_wait3A_488 = tpu.memref_squeeze %dma_wait3A_487 : memref<1x1x32xi32, #tpu.memory_space<vmem>> -> memref<32xi32, #tpu.memory_space<vmem>>
    %dma_wait3A_489 = tpu.memref_slice %arg3[%add3A_479] : memref<640000xi32, #tpu.memory_space<hbm>> -> memref<32xi32, #tpu.memory_space<hbm>>
    tpu.wait_dma2 semaphore(%arg9 : memref<!tpu.dma_semaphore, #tpu.memory_space<semaphore_mem>>) src(%dma_wait3A_489 : memref<32xi32, #tpu.memory_space<hbm>>) dst(%dma_wait3A_488 : memref<32xi32, #tpu.memory_space<vmem>>)
    %dma_start3A_490 = arith.constant 1 : i32
    %dma_start3A_491 = arith.constant 0 : i32
    %dma_start3A_492 = arith.constant 1 : i32
    %dma_start3A_493 = arith.constant 0 : i32
    %dma_start3A_494 = arith.constant 0 : i32
    %dma_start3A_495 = tpu.memref_slice %arg7[%dma_start3A_492, %dma_start3A_493, %dma_start3A_494] : memref<11x32x128xf32, #tpu.memory_space<vmem>> -> memref<1x32x128xf32, #tpu.memory_space<vmem>>
    %dma_start3A_496 = tpu.memref_squeeze %dma_start3A_495 : memref<1x32x128xf32, #tpu.memory_space<vmem>> -> memref<32x128xf32, #tpu.memory_space<vmem>>
    %dma_start3A_497 = arith.constant 0 : i32
    %dma_start3A_498 = tpu.memref_slice %arg6[%dma_start3A_490, %dma_start3A_491, %dma_start3A_497] : memref<16x2x32xi32, #tpu.memory_space<vmem>> -> memref<1x1x32xi32, #tpu.memory_space<vmem>>
    %dma_start3A_499 = tpu.memref_squeeze %dma_start3A_498 : memref<1x1x32xi32, #tpu.memory_space<vmem>> -> memref<32xi32, #tpu.memory_space<vmem>>
    %dma_start3A_500 = arith.constant 0 : i32
    %dma_start3A_501 = arith.constant 0 : i32
    %dma_start3A_502 = tpu.memref_slice %arg2[%dma_start3A_500, %dma_start3A_501] : memref<10240x128xf32, #tpu.memory_space<hbm>> -> memref<10240x128xf32, #tpu.memory_space<hbm>>
    tpu.enqueue_indirect_dma source(%dma_start3A_502 : memref<10240x128xf32, #tpu.memory_space<hbm>>) target(%dma_start3A_496 : memref<32x128xf32, #tpu.memory_space<vmem>>) offsets(%dma_start3A_499 : memref<32xi32, #tpu.memory_space<vmem>>) semaphore(%arg10 : memref<!tpu.dma_semaphore, #tpu.memory_space<semaphore_mem>>)
    %add3A_503 = arith.constant 2 : i32
    %add3A_504 = arith.addi %add3A_4, %add3A_503 : i32
    %mul3A_505 = arith.constant 32 : i32
    %mul3A_506 = arith.muli %add3A_504, %mul3A_505 : i32
    %dma_wait3A_507 = arith.constant 2 : i32
    %dma_wait3A_508 = arith.constant 0 : i32
    %dma_wait3A_509 = arith.constant 0 : i32
    %dma_wait3A_510 = tpu.memref_slice %arg6[%dma_wait3A_507, %dma_wait3A_508, %dma_wait3A_509] : memref<16x2x32xi32, #tpu.memory_space<vmem>> -> memref<1x1x32xi32, #tpu.memory_space<vmem>>
    %dma_wait3A_511 = tpu.memref_squeeze %dma_wait3A_510 : memref<1x1x32xi32, #tpu.memory_space<vmem>> -> memref<32xi32, #tpu.memory_space<vmem>>
    %dma_wait3A_512 = tpu.memref_slice %arg3[%mul3A_506] : memref<640000xi32, #tpu.memory_space<hbm>> -> memref<32xi32, #tpu.memory_space<hbm>>
    %dma_wait3A_513 = arith.constant 0 : i32
    %dma_wait3A_514 = tpu.memref_slice %arg6[%dma_wait3A_507, %dma_wait3A_508, %dma_wait3A_513] : memref<16x2x32xi32, #tpu.memory_space<vmem>> -> memref<1x1x32xi32, #tpu.memory_space<vmem>>
    %dma_wait3A_515 = tpu.memref_squeeze %dma_wait3A_514 : memref<1x1x32xi32, #tpu.memory_space<vmem>> -> memref<32xi32, #tpu.memory_space<vmem>>
    %dma_wait3A_516 = tpu.memref_slice %arg3[%mul3A_506] : memref<640000xi32, #tpu.memory_space<hbm>> -> memref<32xi32, #tpu.memory_space<hbm>>
    tpu.wait_dma2 semaphore(%arg9 : memref<!tpu.dma_semaphore, #tpu.memory_space<semaphore_mem>>) src(%dma_wait3A_516 : memref<32xi32, #tpu.memory_space<hbm>>) dst(%dma_wait3A_515 : memref<32xi32, #tpu.memory_space<vmem>>)
    %add3A_517 = arith.constant 320000 : i32
    %add3A_518 = arith.addi %add3A_517, %mul3A_506 : i32
    %dma_wait3A_519 = arith.constant 2 : i32
    %dma_wait3A_520 = arith.constant 1 : i32
    %dma_wait3A_521 = arith.constant 0 : i32
    %dma_wait3A_522 = tpu.memref_slice %arg6[%dma_wait3A_519, %dma_wait3A_520, %dma_wait3A_521] : memref<16x2x32xi32, #tpu.memory_space<vmem>> -> memref<1x1x32xi32, #tpu.memory_space<vmem>>
    %dma_wait3A_523 = tpu.memref_squeeze %dma_wait3A_522 : memref<1x1x32xi32, #tpu.memory_space<vmem>> -> memref<32xi32, #tpu.memory_space<vmem>>
    %dma_wait3A_524 = tpu.memref_slice %arg3[%add3A_518] : memref<640000xi32, #tpu.memory_space<hbm>> -> memref<32xi32, #tpu.memory_space<hbm>>
    %dma_wait3A_525 = arith.constant 0 : i32
    %dma_wait3A_526 = tpu.memref_slice %arg6[%dma_wait3A_519, %dma_wait3A_520, %dma_wait3A_525] : memref<16x2x32xi32, #tpu.memory_space<vmem>> -> memref<1x1x32xi32, #tpu.memory_space<vmem>>
    %dma_wait3A_527 = tpu.memref_squeeze %dma_wait3A_526 : memref<1x1x32xi32, #tpu.memory_space<vmem>> -> memref<32xi32, #tpu.memory_space<vmem>>
    %dma_wait3A_528 = tpu.memref_slice %arg3[%add3A_518] : memref<640000xi32, #tpu.memory_space<hbm>> -> memref<32xi32, #tpu.memory_space<hbm>>
    tpu.wait_dma2 semaphore(%arg9 : memref<!tpu.dma_semaphore, #tpu.memory_space<semaphore_mem>>) src(%dma_wait3A_528 : memref<32xi32, #tpu.memory_space<hbm>>) dst(%dma_wait3A_527 : memref<32xi32, #tpu.memory_space<vmem>>)
    %dma_start3A_529 = arith.constant 2 : i32
    %dma_start3A_530 = arith.constant 0 : i32
    %dma_start3A_531 = arith.constant 2 : i32
    %dma_start3A_532 = arith.constant 0 : i32
    %dma_start3A_533 = arith.constant 0 : i32
    %dma_start3A_534 = tpu.memref_slice %arg7[%dma_start3A_531, %dma_start3A_532, %dma_start3A_533] : memref<11x32x128xf32, #tpu.memory_space<vmem>> -> memref<1x32x128xf32, #tpu.memory_space<vmem>>
    %dma_start3A_535 = tpu.memref_squeeze %dma_start3A_534 : memref<1x32x128xf32, #tpu.memory_space<vmem>> -> memref<32x128xf32, #tpu.memory_space<vmem>>
    %dma_start3A_536 = arith.constant 0 : i32
    %dma_start3A_537 = tpu.memref_slice %arg6[%dma_start3A_529, %dma_start3A_530, %dma_start3A_536] : memref<16x2x32xi32, #tpu.memory_space<vmem>> -> memref<1x1x32xi32, #tpu.memory_space<vmem>>
    %dma_start3A_538 = tpu.memref_squeeze %dma_start3A_537 : memref<1x1x32xi32, #tpu.memory_space<vmem>> -> memref<32xi32, #tpu.memory_space<vmem>>
    %dma_start3A_539 = arith.constant 0 : i32
    %dma_start3A_540 = arith.constant 0 : i32
    %dma_start3A_541 = tpu.memref_slice %arg2[%dma_start3A_539, %dma_start3A_540] : memref<10240x128xf32, #tpu.memory_space<hbm>> -> memref<10240x128xf32, #tpu.memory_space<hbm>>
    tpu.enqueue_indirect_dma source(%dma_start3A_541 : memref<10240x128xf32, #tpu.memory_space<hbm>>) target(%dma_start3A_535 : memref<32x128xf32, #tpu.memory_space<vmem>>) offsets(%dma_start3A_538 : memref<32xi32, #tpu.memory_space<vmem>>) semaphore(%arg10 : memref<!tpu.dma_semaphore, #tpu.memory_space<semaphore_mem>>)
    %add3A_542 = arith.constant 3 : i32
    %add3A_543 = arith.addi %add3A_4, %add3A_542 : i32
    %mul3A_544 = arith.constant 32 : i32
    %mul3A_545 = arith.muli %add3A_543, %mul3A_544 : i32
    %dma_wait3A_546 = arith.constant 3 : i32
    %dma_wait3A_547 = arith.constant 0 : i32
    %dma_wait3A_548 = arith.constant 0 : i32
    %dma_wait3A_549 = tpu.memref_slice %arg6[%dma_wait3A_546, %dma_wait3A_547, %dma_wait3A_548] : memref<16x2x32xi32, #tpu.memory_space<vmem>> -> memref<1x1x32xi32, #tpu.memory_space<vmem>>
    %dma_wait3A_550 = tpu.memref_squeeze %dma_wait3A_549 : memref<1x1x32xi32, #tpu.memory_space<vmem>> -> memref<32xi32, #tpu.memory_space<vmem>>
    %dma_wait3A_551 = tpu.memref_slice %arg3[%mul3A_545] : memref<640000xi32, #tpu.memory_space<hbm>> -> memref<32xi32, #tpu.memory_space<hbm>>
    %dma_wait3A_552 = arith.constant 0 : i32
    %dma_wait3A_553 = tpu.memref_slice %arg6[%dma_wait3A_546, %dma_wait3A_547, %dma_wait3A_552] : memref<16x2x32xi32, #tpu.memory_space<vmem>> -> memref<1x1x32xi32, #tpu.memory_space<vmem>>
    %dma_wait3A_554 = tpu.memref_squeeze %dma_wait3A_553 : memref<1x1x32xi32, #tpu.memory_space<vmem>> -> memref<32xi32, #tpu.memory_space<vmem>>
    %dma_wait3A_555 = tpu.memref_slice %arg3[%mul3A_545] : memref<640000xi32, #tpu.memory_space<hbm>> -> memref<32xi32, #tpu.memory_space<hbm>>
    tpu.wait_dma2 semaphore(%arg9 : memref<!tpu.dma_semaphore, #tpu.memory_space<semaphore_mem>>) src(%dma_wait3A_555 : memref<32xi32, #tpu.memory_space<hbm>>) dst(%dma_wait3A_554 : memref<32xi32, #tpu.memory_space<vmem>>)
    %add3A_556 = arith.constant 320000 : i32
    %add3A_557 = arith.addi %add3A_556, %mul3A_545 : i32
    %dma_wait3A_558 = arith.constant 3 : i32
    %dma_wait3A_559 = arith.constant 1 : i32
    %dma_wait3A_560 = arith.constant 0 : i32
    %dma_wait3A_561 = tpu.memref_slice %arg6[%dma_wait3A_558, %dma_wait3A_559, %dma_wait3A_560] : memref<16x2x32xi32, #tpu.memory_space<vmem>> -> memref<1x1x32xi32, #tpu.memory_space<vmem>>
    %dma_wait3A_562 = tpu.memref_squeeze %dma_wait3A_561 : memref<1x1x32xi32, #tpu.memory_space<vmem>> -> memref<32xi32, #tpu.memory_space<vmem>>
    %dma_wait3A_563 = tpu.memref_slice %arg3[%add3A_557] : memref<640000xi32, #tpu.memory_space<hbm>> -> memref<32xi32, #tpu.memory_space<hbm>>
    %dma_wait3A_564 = arith.constant 0 : i32
    %dma_wait3A_565 = tpu.memref_slice %arg6[%dma_wait3A_558, %dma_wait3A_559, %dma_wait3A_564] : memref<16x2x32xi32, #tpu.memory_space<vmem>> -> memref<1x1x32xi32, #tpu.memory_space<vmem>>
    %dma_wait3A_566 = tpu.memref_squeeze %dma_wait3A_565 : memref<1x1x32xi32, #tpu.memory_space<vmem>> -> memref<32xi32, #tpu.memory_space<vmem>>
    %dma_wait3A_567 = tpu.memref_slice %arg3[%add3A_557] : memref<640000xi32, #tpu.memory_space<hbm>> -> memref<32xi32, #tpu.memory_space<hbm>>
    tpu.wait_dma2 semaphore(%arg9 : memref<!tpu.dma_semaphore, #tpu.memory_space<semaphore_mem>>) src(%dma_wait3A_567 : memref<32xi32, #tpu.memory_space<hbm>>) dst(%dma_wait3A_566 : memref<32xi32, #tpu.memory_space<vmem>>)
    %dma_start3A_568 = arith.constant 3 : i32
    %dma_start3A_569 = arith.constant 0 : i32
    %dma_start3A_570 = arith.constant 3 : i32
    %dma_start3A_571 = arith.constant 0 : i32
    %dma_start3A_572 = arith.constant 0 : i32
    %dma_start3A_573 = tpu.memref_slice %arg7[%dma_start3A_570, %dma_start3A_571, %dma_start3A_572] : memref<11x32x128xf32, #tpu.memory_space<vmem>> -> memref<1x32x128xf32, #tpu.memory_space<vmem>>
    %dma_start3A_574 = tpu.memref_squeeze %dma_start3A_573 : memref<1x32x128xf32, #tpu.memory_space<vmem>> -> memref<32x128xf32, #tpu.memory_space<vmem>>
    %dma_start3A_575 = arith.constant 0 : i32
    %dma_start3A_576 = tpu.memref_slice %arg6[%dma_start3A_568, %dma_start3A_569, %dma_start3A_575] : memref<16x2x32xi32, #tpu.memory_space<vmem>> -> memref<1x1x32xi32, #tpu.memory_space<vmem>>
    %dma_start3A_577 = tpu.memref_squeeze %dma_start3A_576 : memref<1x1x32xi32, #tpu.memory_space<vmem>> -> memref<32xi32, #tpu.memory_space<vmem>>
    %dma_start3A_578 = arith.constant 0 : i32
    %dma_start3A_579 = arith.constant 0 : i32
    %dma_start3A_580 = tpu.memref_slice %arg2[%dma_start3A_578, %dma_start3A_579] : memref<10240x128xf32, #tpu.memory_space<hbm>> -> memref<10240x128xf32, #tpu.memory_space<hbm>>
    tpu.enqueue_indirect_dma source(%dma_start3A_580 : memref<10240x128xf32, #tpu.memory_space<hbm>>) target(%dma_start3A_574 : memref<32x128xf32, #tpu.memory_space<vmem>>) offsets(%dma_start3A_577 : memref<32xi32, #tpu.memory_space<vmem>>) semaphore(%arg10 : memref<!tpu.dma_semaphore, #tpu.memory_space<semaphore_mem>>)
    %add3A_581 = arith.constant 4 : i32
    %add3A_582 = arith.addi %add3A_4, %add3A_581 : i32
    %mul3A_583 = arith.constant 32 : i32
    %mul3A_584 = arith.muli %add3A_582, %mul3A_583 : i32
    %dma_wait3A_585 = arith.constant 4 : i32
    %dma_wait3A_586 = arith.constant 0 : i32
    %dma_wait3A_587 = arith.constant 0 : i32
    %dma_wait3A_588 = tpu.memref_slice %arg6[%dma_wait3A_585, %dma_wait3A_586, %dma_wait3A_587] : memref<16x2x32xi32, #tpu.memory_space<vmem>> -> memref<1x1x32xi32, #tpu.memory_space<vmem>>
    %dma_wait3A_589 = tpu.memref_squeeze %dma_wait3A_588 : memref<1x1x32xi32, #tpu.memory_space<vmem>> -> memref<32xi32, #tpu.memory_space<vmem>>
    %dma_wait3A_590 = tpu.memref_slice %arg3[%mul3A_584] : memref<640000xi32, #tpu.memory_space<hbm>> -> memref<32xi32, #tpu.memory_space<hbm>>
    %dma_wait3A_591 = arith.constant 0 : i32
    %dma_wait3A_592 = tpu.memref_slice %arg6[%dma_wait3A_585, %dma_wait3A_586, %dma_wait3A_591] : memref<16x2x32xi32, #tpu.memory_space<vmem>> -> memref<1x1x32xi32, #tpu.memory_space<vmem>>
    %dma_wait3A_593 = tpu.memref_squeeze %dma_wait3A_592 : memref<1x1x32xi32, #tpu.memory_space<vmem>> -> memref<32xi32, #tpu.memory_space<vmem>>
    %dma_wait3A_594 = tpu.memref_slice %arg3[%mul3A_584] : memref<640000xi32, #tpu.memory_space<hbm>> -> memref<32xi32, #tpu.memory_space<hbm>>
    tpu.wait_dma2 semaphore(%arg9 : memref<!tpu.dma_semaphore, #tpu.memory_space<semaphore_mem>>) src(%dma_wait3A_594 : memref<32xi32, #tpu.memory_space<hbm>>) dst(%dma_wait3A_593 : memref<32xi32, #tpu.memory_space<vmem>>)
    %add3A_595 = arith.constant 320000 : i32
    %add3A_596 = arith.addi %add3A_595, %mul3A_584 : i32
    %dma_wait3A_597 = arith.constant 4 : i32
    %dma_wait3A_598 = arith.constant 1 : i32
    %dma_wait3A_599 = arith.constant 0 : i32
    %dma_wait3A_600 = tpu.memref_slice %arg6[%dma_wait3A_597, %dma_wait3A_598, %dma_wait3A_599] : memref<16x2x32xi32, #tpu.memory_space<vmem>> -> memref<1x1x32xi32, #tpu.memory_space<vmem>>
    %dma_wait3A_601 = tpu.memref_squeeze %dma_wait3A_600 : memref<1x1x32xi32, #tpu.memory_space<vmem>> -> memref<32xi32, #tpu.memory_space<vmem>>
    %dma_wait3A_602 = tpu.memref_slice %arg3[%add3A_596] : memref<640000xi32, #tpu.memory_space<hbm>> -> memref<32xi32, #tpu.memory_space<hbm>>
    %dma_wait3A_603 = arith.constant 0 : i32
    %dma_wait3A_604 = tpu.memref_slice %arg6[%dma_wait3A_597, %dma_wait3A_598, %dma_wait3A_603] : memref<16x2x32xi32, #tpu.memory_space<vmem>> -> memref<1x1x32xi32, #tpu.memory_space<vmem>>
    %dma_wait3A_605 = tpu.memref_squeeze %dma_wait3A_604 : memref<1x1x32xi32, #tpu.memory_space<vmem>> -> memref<32xi32, #tpu.memory_space<vmem>>
    %dma_wait3A_606 = tpu.memref_slice %arg3[%add3A_596] : memref<640000xi32, #tpu.memory_space<hbm>> -> memref<32xi32, #tpu.memory_space<hbm>>
    tpu.wait_dma2 semaphore(%arg9 : memref<!tpu.dma_semaphore, #tpu.memory_space<semaphore_mem>>) src(%dma_wait3A_606 : memref<32xi32, #tpu.memory_space<hbm>>) dst(%dma_wait3A_605 : memref<32xi32, #tpu.memory_space<vmem>>)
    %dma_start3A_607 = arith.constant 4 : i32
    %dma_start3A_608 = arith.constant 0 : i32
    %dma_start3A_609 = arith.constant 4 : i32
    %dma_start3A_610 = arith.constant 0 : i32
    %dma_start3A_611 = arith.constant 0 : i32
    %dma_start3A_612 = tpu.memref_slice %arg7[%dma_start3A_609, %dma_start3A_610, %dma_start3A_611] : memref<11x32x128xf32, #tpu.memory_space<vmem>> -> memref<1x32x128xf32, #tpu.memory_space<vmem>>
    %dma_start3A_613 = tpu.memref_squeeze %dma_start3A_612 : memref<1x32x128xf32, #tpu.memory_space<vmem>> -> memref<32x128xf32, #tpu.memory_space<vmem>>
    %dma_start3A_614 = arith.constant 0 : i32
    %dma_start3A_615 = tpu.memref_slice %arg6[%dma_start3A_607, %dma_start3A_608, %dma_start3A_614] : memref<16x2x32xi32, #tpu.memory_space<vmem>> -> memref<1x1x32xi32, #tpu.memory_space<vmem>>
    %dma_start3A_616 = tpu.memref_squeeze %dma_start3A_615 : memref<1x1x32xi32, #tpu.memory_space<vmem>> -> memref<32xi32, #tpu.memory_space<vmem>>
    %dma_start3A_617 = arith.constant 0 : i32
    %dma_start3A_618 = arith.constant 0 : i32
    %dma_start3A_619 = tpu.memref_slice %arg2[%dma_start3A_617, %dma_start3A_618] : memref<10240x128xf32, #tpu.memory_space<hbm>> -> memref<10240x128xf32, #tpu.memory_space<hbm>>
    tpu.enqueue_indirect_dma source(%dma_start3A_619 : memref<10240x128xf32, #tpu.memory_space<hbm>>) target(%dma_start3A_613 : memref<32x128xf32, #tpu.memory_space<vmem>>) offsets(%dma_start3A_616 : memref<32xi32, #tpu.memory_space<vmem>>) semaphore(%arg10 : memref<!tpu.dma_semaphore, #tpu.memory_space<semaphore_mem>>)
    %add3A_620 = arith.constant 5 : i32
    %add3A_621 = arith.addi %add3A_4, %add3A_620 : i32
    %mul3A_622 = arith.constant 32 : i32
    %mul3A_623 = arith.muli %add3A_621, %mul3A_622 : i32
    %dma_wait3A_624 = arith.constant 5 : i32
    %dma_wait3A_625 = arith.constant 0 : i32
    %dma_wait3A_626 = arith.constant 0 : i32
    %dma_wait3A_627 = tpu.memref_slice %arg6[%dma_wait3A_624, %dma_wait3A_625, %dma_wait3A_626] : memref<16x2x32xi32, #tpu.memory_space<vmem>> -> memref<1x1x32xi32, #tpu.memory_space<vmem>>
    %dma_wait3A_628 = tpu.memref_squeeze %dma_wait3A_627 : memref<1x1x32xi32, #tpu.memory_space<vmem>> -> memref<32xi32, #tpu.memory_space<vmem>>
    %dma_wait3A_629 = tpu.memref_slice %arg3[%mul3A_623] : memref<640000xi32, #tpu.memory_space<hbm>> -> memref<32xi32, #tpu.memory_space<hbm>>
    %dma_wait3A_630 = arith.constant 0 : i32
    %dma_wait3A_631 = tpu.memref_slice %arg6[%dma_wait3A_624, %dma_wait3A_625, %dma_wait3A_630] : memref<16x2x32xi32, #tpu.memory_space<vmem>> -> memref<1x1x32xi32, #tpu.memory_space<vmem>>
    %dma_wait3A_632 = tpu.memref_squeeze %dma_wait3A_631 : memref<1x1x32xi32, #tpu.memory_space<vmem>> -> memref<32xi32, #tpu.memory_space<vmem>>
    %dma_wait3A_633 = tpu.memref_slice %arg3[%mul3A_623] : memref<640000xi32, #tpu.memory_space<hbm>> -> memref<32xi32, #tpu.memory_space<hbm>>
    tpu.wait_dma2 semaphore(%arg9 : memref<!tpu.dma_semaphore, #tpu.memory_space<semaphore_mem>>) src(%dma_wait3A_633 : memref<32xi32, #tpu.memory_space<hbm>>) dst(%dma_wait3A_632 : memref<32xi32, #tpu.memory_space<vmem>>)
    %add3A_634 = arith.constant 320000 : i32
    %add3A_635 = arith.addi %add3A_634, %mul3A_623 : i32
    %dma_wait3A_636 = arith.constant 5 : i32
    %dma_wait3A_637 = arith.constant 1 : i32
    %dma_wait3A_638 = arith.constant 0 : i32
    %dma_wait3A_639 = tpu.memref_slice %arg6[%dma_wait3A_636, %dma_wait3A_637, %dma_wait3A_638] : memref<16x2x32xi32, #tpu.memory_space<vmem>> -> memref<1x1x32xi32, #tpu.memory_space<vmem>>
    %dma_wait3A_640 = tpu.memref_squeeze %dma_wait3A_639 : memref<1x1x32xi32, #tpu.memory_space<vmem>> -> memref<32xi32, #tpu.memory_space<vmem>>
    %dma_wait3A_641 = tpu.memref_slice %arg3[%add3A_635] : memref<640000xi32, #tpu.memory_space<hbm>> -> memref<32xi32, #tpu.memory_space<hbm>>
    %dma_wait3A_642 = arith.constant 0 : i32
    %dma_wait3A_643 = tpu.memref_slice %arg6[%dma_wait3A_636, %dma_wait3A_637, %dma_wait3A_642] : memref<16x2x32xi32, #tpu.memory_space<vmem>> -> memref<1x1x32xi32, #tpu.memory_space<vmem>>
    %dma_wait3A_644 = tpu.memref_squeeze %dma_wait3A_643 : memref<1x1x32xi32, #tpu.memory_space<vmem>> -> memref<32xi32, #tpu.memory_space<vmem>>
    %dma_wait3A_645 = tpu.memref_slice %arg3[%add3A_635] : memref<640000xi32, #tpu.memory_space<hbm>> -> memref<32xi32, #tpu.memory_space<hbm>>
    tpu.wait_dma2 semaphore(%arg9 : memref<!tpu.dma_semaphore, #tpu.memory_space<semaphore_mem>>) src(%dma_wait3A_645 : memref<32xi32, #tpu.memory_space<hbm>>) dst(%dma_wait3A_644 : memref<32xi32, #tpu.memory_space<vmem>>)
    %dma_start3A_646 = arith.constant 5 : i32
    %dma_start3A_647 = arith.constant 0 : i32
    %dma_start3A_648 = arith.constant 5 : i32
    %dma_start3A_649 = arith.constant 0 : i32
    %dma_start3A_650 = arith.constant 0 : i32
    %dma_start3A_651 = tpu.memref_slice %arg7[%dma_start3A_648, %dma_start3A_649, %dma_start3A_650] : memref<11x32x128xf32, #tpu.memory_space<vmem>> -> memref<1x32x128xf32, #tpu.memory_space<vmem>>
    %dma_start3A_652 = tpu.memref_squeeze %dma_start3A_651 : memref<1x32x128xf32, #tpu.memory_space<vmem>> -> memref<32x128xf32, #tpu.memory_space<vmem>>
    %dma_start3A_653 = arith.constant 0 : i32
    %dma_start3A_654 = tpu.memref_slice %arg6[%dma_start3A_646, %dma_start3A_647, %dma_start3A_653] : memref<16x2x32xi32, #tpu.memory_space<vmem>> -> memref<1x1x32xi32, #tpu.memory_space<vmem>>
    %dma_start3A_655 = tpu.memref_squeeze %dma_start3A_654 : memref<1x1x32xi32, #tpu.memory_space<vmem>> -> memref<32xi32, #tpu.memory_space<vmem>>
    %dma_start3A_656 = arith.constant 0 : i32
    %dma_start3A_657 = arith.constant 0 : i32
    %dma_start3A_658 = tpu.memref_slice %arg2[%dma_start3A_656, %dma_start3A_657] : memref<10240x128xf32, #tpu.memory_space<hbm>> -> memref<10240x128xf32, #tpu.memory_space<hbm>>
    tpu.enqueue_indirect_dma source(%dma_start3A_658 : memref<10240x128xf32, #tpu.memory_space<hbm>>) target(%dma_start3A_652 : memref<32x128xf32, #tpu.memory_space<vmem>>) offsets(%dma_start3A_655 : memref<32xi32, #tpu.memory_space<vmem>>) semaphore(%arg10 : memref<!tpu.dma_semaphore, #tpu.memory_space<semaphore_mem>>)
    %add3A_659 = arith.constant 6 : i32
    %add3A_660 = arith.addi %add3A_4, %add3A_659 : i32
    %mul3A_661 = arith.constant 32 : i32
    %mul3A_662 = arith.muli %add3A_660, %mul3A_661 : i32
    %dma_wait3A_663 = arith.constant 6 : i32
    %dma_wait3A_664 = arith.constant 0 : i32
    %dma_wait3A_665 = arith.constant 0 : i32
    %dma_wait3A_666 = tpu.memref_slice %arg6[%dma_wait3A_663, %dma_wait3A_664, %dma_wait3A_665] : memref<16x2x32xi32, #tpu.memory_space<vmem>> -> memref<1x1x32xi32, #tpu.memory_space<vmem>>
    %dma_wait3A_667 = tpu.memref_squeeze %dma_wait3A_666 : memref<1x1x32xi32, #tpu.memory_space<vmem>> -> memref<32xi32, #tpu.memory_space<vmem>>
    %dma_wait3A_668 = tpu.memref_slice %arg3[%mul3A_662] : memref<640000xi32, #tpu.memory_space<hbm>> -> memref<32xi32, #tpu.memory_space<hbm>>
    %dma_wait3A_669 = arith.constant 0 : i32
    %dma_wait3A_670 = tpu.memref_slice %arg6[%dma_wait3A_663, %dma_wait3A_664, %dma_wait3A_669] : memref<16x2x32xi32, #tpu.memory_space<vmem>> -> memref<1x1x32xi32, #tpu.memory_space<vmem>>
    %dma_wait3A_671 = tpu.memref_squeeze %dma_wait3A_670 : memref<1x1x32xi32, #tpu.memory_space<vmem>> -> memref<32xi32, #tpu.memory_space<vmem>>
    %dma_wait3A_672 = tpu.memref_slice %arg3[%mul3A_662] : memref<640000xi32, #tpu.memory_space<hbm>> -> memref<32xi32, #tpu.memory_space<hbm>>
    tpu.wait_dma2 semaphore(%arg9 : memref<!tpu.dma_semaphore, #tpu.memory_space<semaphore_mem>>) src(%dma_wait3A_672 : memref<32xi32, #tpu.memory_space<hbm>>) dst(%dma_wait3A_671 : memref<32xi32, #tpu.memory_space<vmem>>)
    %add3A_673 = arith.constant 320000 : i32
    %add3A_674 = arith.addi %add3A_673, %mul3A_662 : i32
    %dma_wait3A_675 = arith.constant 6 : i32
    %dma_wait3A_676 = arith.constant 1 : i32
    %dma_wait3A_677 = arith.constant 0 : i32
    %dma_wait3A_678 = tpu.memref_slice %arg6[%dma_wait3A_675, %dma_wait3A_676, %dma_wait3A_677] : memref<16x2x32xi32, #tpu.memory_space<vmem>> -> memref<1x1x32xi32, #tpu.memory_space<vmem>>
    %dma_wait3A_679 = tpu.memref_squeeze %dma_wait3A_678 : memref<1x1x32xi32, #tpu.memory_space<vmem>> -> memref<32xi32, #tpu.memory_space<vmem>>
    %dma_wait3A_680 = tpu.memref_slice %arg3[%add3A_674] : memref<640000xi32, #tpu.memory_space<hbm>> -> memref<32xi32, #tpu.memory_space<hbm>>
    %dma_wait3A_681 = arith.constant 0 : i32
    %dma_wait3A_682 = tpu.memref_slice %arg6[%dma_wait3A_675, %dma_wait3A_676, %dma_wait3A_681] : memref<16x2x32xi32, #tpu.memory_space<vmem>> -> memref<1x1x32xi32, #tpu.memory_space<vmem>>
    %dma_wait3A_683 = tpu.memref_squeeze %dma_wait3A_682 : memref<1x1x32xi32, #tpu.memory_space<vmem>> -> memref<32xi32, #tpu.memory_space<vmem>>
    %dma_wait3A_684 = tpu.memref_slice %arg3[%add3A_674] : memref<640000xi32, #tpu.memory_space<hbm>> -> memref<32xi32, #tpu.memory_space<hbm>>
    tpu.wait_dma2 semaphore(%arg9 : memref<!tpu.dma_semaphore, #tpu.memory_space<semaphore_mem>>) src(%dma_wait3A_684 : memref<32xi32, #tpu.memory_space<hbm>>) dst(%dma_wait3A_683 : memref<32xi32, #tpu.memory_space<vmem>>)
    %dma_start3A_685 = arith.constant 6 : i32
    %dma_start3A_686 = arith.constant 0 : i32
    %dma_start3A_687 = arith.constant 6 : i32
    %dma_start3A_688 = arith.constant 0 : i32
    %dma_start3A_689 = arith.constant 0 : i32
    %dma_start3A_690 = tpu.memref_slice %arg7[%dma_start3A_687, %dma_start3A_688, %dma_start3A_689] : memref<11x32x128xf32, #tpu.memory_space<vmem>> -> memref<1x32x128xf32, #tpu.memory_space<vmem>>
    %dma_start3A_691 = tpu.memref_squeeze %dma_start3A_690 : memref<1x32x128xf32, #tpu.memory_space<vmem>> -> memref<32x128xf32, #tpu.memory_space<vmem>>
    %dma_start3A_692 = arith.constant 0 : i32
    %dma_start3A_693 = tpu.memref_slice %arg6[%dma_start3A_685, %dma_start3A_686, %dma_start3A_692] : memref<16x2x32xi32, #tpu.memory_space<vmem>> -> memref<1x1x32xi32, #tpu.memory_space<vmem>>
    %dma_start3A_694 = tpu.memref_squeeze %dma_start3A_693 : memref<1x1x32xi32, #tpu.memory_space<vmem>> -> memref<32xi32, #tpu.memory_space<vmem>>
    %dma_start3A_695 = arith.constant 0 : i32
    %dma_start3A_696 = arith.constant 0 : i32
    %dma_start3A_697 = tpu.memref_slice %arg2[%dma_start3A_695, %dma_start3A_696] : memref<10240x128xf32, #tpu.memory_space<hbm>> -> memref<10240x128xf32, #tpu.memory_space<hbm>>
    tpu.enqueue_indirect_dma source(%dma_start3A_697 : memref<10240x128xf32, #tpu.memory_space<hbm>>) target(%dma_start3A_691 : memref<32x128xf32, #tpu.memory_space<vmem>>) offsets(%dma_start3A_694 : memref<32xi32, #tpu.memory_space<vmem>>) semaphore(%arg10 : memref<!tpu.dma_semaphore, #tpu.memory_space<semaphore_mem>>)
    %while3A = arith.constant 0 : i32
    %while3A_698 = arith.constant 0 : i32
    %while3A_699 = arith.subi %add3A_8, %while3A_698 : i32
    %while3A_700 = arith.addi %while3A_698, %while3A_699 : i32
    %while3A_701 = arith.constant 1 : i32
    %while3A_702 = arith.divsi %while3A_699, %while3A_701 : i32
    %while3A_703 = arith.muli %while3A_702, %while3A_701 : i32
    %while3A_704 = arith.addi %while3A_698, %while3A_703 : i32
    %while3A_705 = arith.constant 1 : i32
    scf.for %while3A_764 = %while3A_698 to %while3A_704 step %while3A_705  : i32 {
      %jit3A_765 = arith.constant 11 : i32
      %eq3A = arith.constant 0 : i32
      %eq3A_766 = arith.cmpi eq, %jit3A_765, %eq3A : i32
      %jit3A_767 = arith.constant 1 : i32
      %select_n3A_768 = arith.select %eq3A_766, %jit3A_767, %jit3A_765 : i32
      %rem3A = arith.remsi %while3A_764, %select_n3A_768 : i32
      %ne3A = arith.constant 0 : i32
      %ne3A_769 = arith.cmpi ne, %rem3A, %ne3A : i32
      %lt3A_770 = arith.constant 0 : i32
      %lt3A_771 = arith.cmpi slt, %rem3A, %lt3A_770 : i32
      %lt3A_772 = arith.constant 0 : i32
      %lt3A_773 = arith.cmpi slt, %select_n3A_768, %lt3A_772 : i32
      %ne3A_774 = arith.xori %lt3A_771, %lt3A_773 : i1
      %and3A = arith.andi %ne3A_774, %ne3A_769 : i1
      %add3A_775 = arith.addi %rem3A, %select_n3A_768 : i32
      %select_n3A_776 = arith.select %and3A, %add3A_775, %rem3A : i32
      %jit3A_777 = arith.constant 16 : i32
      %eq3A_778 = arith.constant 0 : i32
      %eq3A_779 = arith.cmpi eq, %jit3A_777, %eq3A_778 : i32
      %jit3A_780 = arith.constant 1 : i32
      %select_n3A_781 = arith.select %eq3A_779, %jit3A_780, %jit3A_777 : i32
      %rem3A_782 = arith.remsi %while3A_764, %select_n3A_781 : i32
      %ne3A_783 = arith.constant 0 : i32
      %ne3A_784 = arith.cmpi ne, %rem3A_782, %ne3A_783 : i32
      %lt3A_785 = arith.constant 0 : i32
      %lt3A_786 = arith.cmpi slt, %rem3A_782, %lt3A_785 : i32
      %lt3A_787 = arith.constant 0 : i32
      %lt3A_788 = arith.cmpi slt, %select_n3A_781, %lt3A_787 : i32
      %ne3A_789 = arith.xori %lt3A_786, %lt3A_788 : i1
      %and3A_790 = arith.andi %ne3A_789, %ne3A_784 : i1
      %add3A_791 = arith.addi %rem3A_782, %select_n3A_781 : i32
      %select_n3A_792 = arith.select %and3A_790, %add3A_791, %rem3A_782 : i32
      %dma_wait3A_793 = arith.constant 0 : i32
      %dma_wait3A_794 = arith.constant 0 : i32
      %dma_wait3A_795 = arith.constant 0 : i32
      %dma_wait3A_796 = tpu.memref_slice %arg7[%select_n3A_776, %dma_wait3A_794, %dma_wait3A_795] : memref<11x32x128xf32, #tpu.memory_space<vmem>> -> memref<1x32x128xf32, #tpu.memory_space<vmem>>
      %dma_wait3A_797 = tpu.memref_squeeze %dma_wait3A_796 : memref<1x32x128xf32, #tpu.memory_space<vmem>> -> memref<32x128xf32, #tpu.memory_space<vmem>>
      %dma_wait3A_798 = arith.constant 0 : i32
      %dma_wait3A_799 = tpu.memref_slice %arg6[%select_n3A_792, %dma_wait3A_793, %dma_wait3A_798] : memref<16x2x32xi32, #tpu.memory_space<vmem>> -> memref<1x1x32xi32, #tpu.memory_space<vmem>>
      %dma_wait3A_800 = tpu.memref_squeeze %dma_wait3A_799 : memref<1x1x32xi32, #tpu.memory_space<vmem>> -> memref<32xi32, #tpu.memory_space<vmem>>
      %dma_wait3A_801 = arith.constant 0 : i32
      %dma_wait3A_802 = arith.constant 0 : i32
      %dma_wait3A_803 = tpu.memref_slice %arg2[%dma_wait3A_801, %dma_wait3A_802] : memref<10240x128xf32, #tpu.memory_space<hbm>> -> memref<10240x128xf32, #tpu.memory_space<hbm>>
      tpu.wait_indirect_dma semaphore(%arg10 : memref<!tpu.dma_semaphore, #tpu.memory_space<semaphore_mem>>) src(%dma_wait3A_803 : memref<10240x128xf32, #tpu.memory_space<hbm>>) dst(%dma_wait3A_797 : memref<32x128xf32, #tpu.memory_space<vmem>>)
      %ge3A = arith.constant 4 : i32
      %ge3A_804 = arith.cmpi sge, %while3A_764, %ge3A : i32
      %convert_element_type3A = arith.extui %ge3A_804 : i1 to i32
      %cond3A = arith.constant 0 : i32
      %cond3A_805 = arith.cmpi ne, %convert_element_type3A, %cond3A : i32
      scf.if %cond3A_805 {
        %sub3A = arith.constant 4 : i32
        %sub3A_829 = arith.subi %while3A_764, %sub3A : i32
        %jit3A_830 = arith.constant 11 : i32
        %eq3A_831 = arith.constant 0 : i32
        %eq3A_832 = arith.cmpi eq, %jit3A_830, %eq3A_831 : i32
        %jit3A_833 = arith.constant 1 : i32
        %select_n3A_834 = arith.select %eq3A_832, %jit3A_833, %jit3A_830 : i32
        %rem3A_835 = arith.remsi %sub3A_829, %select_n3A_834 : i32
        %ne3A_836 = arith.constant 0 : i32
        %ne3A_837 = arith.cmpi ne, %rem3A_835, %ne3A_836 : i32
        %lt3A_838 = arith.constant 0 : i32
        %lt3A_839 = arith.cmpi slt, %rem3A_835, %lt3A_838 : i32
        %lt3A_840 = arith.constant 0 : i32
        %lt3A_841 = arith.cmpi slt, %select_n3A_834, %lt3A_840 : i32
        %ne3A_842 = arith.xori %lt3A_839, %lt3A_841 : i1
        %and3A_843 = arith.andi %ne3A_842, %ne3A_837 : i1
        %add3A_844 = arith.addi %rem3A_835, %select_n3A_834 : i32
        %select_n3A_845 = arith.select %and3A_843, %add3A_844, %rem3A_835 : i32
        %dma_wait3A_846 = arith.constant 1 : i32
        %dma_wait3A_847 = arith.constant 0 : i32
        %dma_wait3A_848 = arith.constant 0 : i32
        %dma_wait3A_849 = tpu.memref_slice %arg7[%select_n3A_845, %dma_wait3A_847, %dma_wait3A_848] : memref<11x32x128xf32, #tpu.memory_space<vmem>> -> memref<1x32x128xf32, #tpu.memory_space<vmem>>
        %dma_wait3A_850 = tpu.memref_squeeze %dma_wait3A_849 : memref<1x32x128xf32, #tpu.memory_space<vmem>> -> memref<32x128xf32, #tpu.memory_space<vmem>>
        %dma_wait3A_851 = arith.constant 0 : i32
        %dma_wait3A_852 = tpu.memref_slice %arg6[%select_n3A_792, %dma_wait3A_846, %dma_wait3A_851] : memref<16x2x32xi32, #tpu.memory_space<vmem>> -> memref<1x1x32xi32, #tpu.memory_space<vmem>>
        %dma_wait3A_853 = tpu.memref_squeeze %dma_wait3A_852 : memref<1x1x32xi32, #tpu.memory_space<vmem>> -> memref<32xi32, #tpu.memory_space<vmem>>
        %dma_wait3A_854 = arith.constant 0 : i32
        %dma_wait3A_855 = arith.constant 0 : i32
        %dma_wait3A_856 = tpu.memref_slice %arg8[%dma_wait3A_854, %dma_wait3A_855] : memref<10240x128xf32, #tpu.memory_space<vmem_shared>> -> memref<10240x128xf32, #tpu.memory_space<vmem_shared>>
        tpu.wait_indirect_dma semaphore(%arg11 : memref<!tpu.dma_semaphore, #tpu.memory_space<semaphore_mem>>) src(%dma_wait3A_850 : memref<32x128xf32, #tpu.memory_space<vmem>>) dst(%dma_wait3A_856 : memref<10240x128xf32, #tpu.memory_space<vmem_shared>>)
      } else {
      }
      %dma_start3A_806 = arith.constant 1 : i32
      %dma_start3A_807 = arith.constant 0 : i32
      %dma_start3A_808 = arith.constant 0 : i32
      %dma_start3A_809 = tpu.memref_slice %arg7[%select_n3A_776, %dma_start3A_807, %dma_start3A_808] : memref<11x32x128xf32, #tpu.memory_space<vmem>> -> memref<1x32x128xf32, #tpu.memory_space<vmem>>
      %dma_start3A_810 = tpu.memref_squeeze %dma_start3A_809 : memref<1x32x128xf32, #tpu.memory_space<vmem>> -> memref<32x128xf32, #tpu.memory_space<vmem>>
      %dma_start3A_811 = arith.constant 0 : i32
      %dma_start3A_812 = tpu.memref_slice %arg6[%select_n3A_792, %dma_start3A_806, %dma_start3A_811] : memref<16x2x32xi32, #tpu.memory_space<vmem>> -> memref<1x1x32xi32, #tpu.memory_space<vmem>>
      %dma_start3A_813 = tpu.memref_squeeze %dma_start3A_812 : memref<1x1x32xi32, #tpu.memory_space<vmem>> -> memref<32xi32, #tpu.memory_space<vmem>>
      %dma_start3A_814 = arith.constant 0 : i32
      %dma_start3A_815 = arith.constant 0 : i32
      %dma_start3A_816 = tpu.memref_slice %arg8[%dma_start3A_814, %dma_start3A_815] : memref<10240x128xf32, #tpu.memory_space<vmem_shared>> -> memref<10240x128xf32, #tpu.memory_space<vmem_shared>>
      tpu.enqueue_indirect_dma source(%dma_start3A_810 : memref<32x128xf32, #tpu.memory_space<vmem>>) target(%dma_start3A_816 : memref<10240x128xf32, #tpu.memory_space<vmem_shared>>) offsets(%dma_start3A_813 : memref<32xi32, #tpu.memory_space<vmem>>) semaphore(%arg11 : memref<!tpu.dma_semaphore, #tpu.memory_space<semaphore_mem>>) {add = true}
      %add3A_817 = arith.constant 7 : i32
      %add3A_818 = arith.addi %while3A_764, %add3A_817 : i32
      %lt3A_819 = arith.cmpi slt, %add3A_818, %add3A_8 : i32
      %convert_element_type3A_820 = arith.extui %lt3A_819 : i1 to i32
      %cond3A_821 = arith.constant 0 : i32
      %cond3A_822 = arith.cmpi ne, %convert_element_type3A_820, %cond3A_821 : i32
      scf.if %cond3A_822 {
        %add3A_829 = arith.constant 7 : i32
        %add3A_830 = arith.addi %while3A_764, %add3A_829 : i32
        %jit3A_831 = arith.constant 16 : i32
        %eq3A_832 = arith.constant 0 : i32
        %eq3A_833 = arith.cmpi eq, %jit3A_831, %eq3A_832 : i32
        %jit3A_834 = arith.constant 1 : i32
        %select_n3A_835 = arith.select %eq3A_833, %jit3A_834, %jit3A_831 : i32
        %rem3A_836 = arith.remsi %add3A_830, %select_n3A_835 : i32
        %ne3A_837 = arith.constant 0 : i32
        %ne3A_838 = arith.cmpi ne, %rem3A_836, %ne3A_837 : i32
        %lt3A_839 = arith.constant 0 : i32
        %lt3A_840 = arith.cmpi slt, %rem3A_836, %lt3A_839 : i32
        %lt3A_841 = arith.constant 0 : i32
        %lt3A_842 = arith.cmpi slt, %select_n3A_835, %lt3A_841 : i32
        %ne3A_843 = arith.xori %lt3A_840, %lt3A_842 : i1
        %and3A_844 = arith.andi %ne3A_843, %ne3A_838 : i1
        %add3A_845 = arith.addi %rem3A_836, %select_n3A_835 : i32
        %select_n3A_846 = arith.select %and3A_844, %add3A_845, %rem3A_836 : i32
        %add3A_847 = arith.constant 7 : i32
        %add3A_848 = arith.addi %while3A_764, %add3A_847 : i32
        %add3A_849 = arith.addi %add3A_4, %add3A_848 : i32
        %mul3A_850 = arith.constant 32 : i32
        %mul3A_851 = arith.muli %add3A_849, %mul3A_850 : i32
        %dma_wait3A_852 = arith.constant 0 : i32
        %dma_wait3A_853 = arith.constant 0 : i32
        %dma_wait3A_854 = tpu.memref_slice %arg6[%select_n3A_846, %dma_wait3A_852, %dma_wait3A_853] : memref<16x2x32xi32, #tpu.memory_space<vmem>> -> memref<1x1x32xi32, #tpu.memory_space<vmem>>
        %dma_wait3A_855 = tpu.memref_squeeze %dma_wait3A_854 : memref<1x1x32xi32, #tpu.memory_space<vmem>> -> memref<32xi32, #tpu.memory_space<vmem>>
        %dma_wait3A_856 = tpu.memref_slice %arg3[%mul3A_851] : memref<640000xi32, #tpu.memory_space<hbm>> -> memref<32xi32, #tpu.memory_space<hbm>>
        %dma_wait3A_857 = arith.constant 0 : i32
        %dma_wait3A_858 = tpu.memref_slice %arg6[%select_n3A_846, %dma_wait3A_852, %dma_wait3A_857] : memref<16x2x32xi32, #tpu.memory_space<vmem>> -> memref<1x1x32xi32, #tpu.memory_space<vmem>>
        %dma_wait3A_859 = tpu.memref_squeeze %dma_wait3A_858 : memref<1x1x32xi32, #tpu.memory_space<vmem>> -> memref<32xi32, #tpu.memory_space<vmem>>
        %dma_wait3A_860 = tpu.memref_slice %arg3[%mul3A_851] : memref<640000xi32, #tpu.memory_space<hbm>> -> memref<32xi32, #tpu.memory_space<hbm>>
        tpu.wait_dma2 semaphore(%arg9 : memref<!tpu.dma_semaphore, #tpu.memory_space<semaphore_mem>>) src(%dma_wait3A_860 : memref<32xi32, #tpu.memory_space<hbm>>) dst(%dma_wait3A_859 : memref<32xi32, #tpu.memory_space<vmem>>)
        %add3A_861 = arith.constant 320000 : i32
        %add3A_862 = arith.addi %add3A_861, %mul3A_851 : i32
        %dma_wait3A_863 = arith.constant 1 : i32
        %dma_wait3A_864 = arith.constant 0 : i32
        %dma_wait3A_865 = tpu.memref_slice %arg6[%select_n3A_846, %dma_wait3A_863, %dma_wait3A_864] : memref<16x2x32xi32, #tpu.memory_space<vmem>> -> memref<1x1x32xi32, #tpu.memory_space<vmem>>
        %dma_wait3A_866 = tpu.memref_squeeze %dma_wait3A_865 : memref<1x1x32xi32, #tpu.memory_space<vmem>> -> memref<32xi32, #tpu.memory_space<vmem>>
        %dma_wait3A_867 = tpu.memref_slice %arg3[%add3A_862] : memref<640000xi32, #tpu.memory_space<hbm>> -> memref<32xi32, #tpu.memory_space<hbm>>
        %dma_wait3A_868 = arith.constant 0 : i32
        %dma_wait3A_869 = tpu.memref_slice %arg6[%select_n3A_846, %dma_wait3A_863, %dma_wait3A_868] : memref<16x2x32xi32, #tpu.memory_space<vmem>> -> memref<1x1x32xi32, #tpu.memory_space<vmem>>
        %dma_wait3A_870 = tpu.memref_squeeze %dma_wait3A_869 : memref<1x1x32xi32, #tpu.memory_space<vmem>> -> memref<32xi32, #tpu.memory_space<vmem>>
        %dma_wait3A_871 = tpu.memref_slice %arg3[%add3A_862] : memref<640000xi32, #tpu.memory_space<hbm>> -> memref<32xi32, #tpu.memory_space<hbm>>
        tpu.wait_dma2 semaphore(%arg9 : memref<!tpu.dma_semaphore, #tpu.memory_space<semaphore_mem>>) src(%dma_wait3A_871 : memref<32xi32, #tpu.memory_space<hbm>>) dst(%dma_wait3A_870 : memref<32xi32, #tpu.memory_space<vmem>>)
        %add3A_872 = arith.constant 7 : i32
        %add3A_873 = arith.addi %while3A_764, %add3A_872 : i32
        %jit3A_874 = arith.constant 11 : i32
        %eq3A_875 = arith.constant 0 : i32
        %eq3A_876 = arith.cmpi eq, %jit3A_874, %eq3A_875 : i32
        %jit3A_877 = arith.constant 1 : i32
        %select_n3A_878 = arith.select %eq3A_876, %jit3A_877, %jit3A_874 : i32
        %rem3A_879 = arith.remsi %add3A_873, %select_n3A_878 : i32
        %ne3A_880 = arith.constant 0 : i32
        %ne3A_881 = arith.cmpi ne, %rem3A_879, %ne3A_880 : i32
        %lt3A_882 = arith.constant 0 : i32
        %lt3A_883 = arith.cmpi slt, %rem3A_879, %lt3A_882 : i32
        %lt3A_884 = arith.constant 0 : i32
        %lt3A_885 = arith.cmpi slt, %select_n3A_878, %lt3A_884 : i32
        %ne3A_886 = arith.xori %lt3A_883, %lt3A_885 : i1
        %and3A_887 = arith.andi %ne3A_886, %ne3A_881 : i1
        %add3A_888 = arith.addi %rem3A_879, %select_n3A_878 : i32
        %select_n3A_889 = arith.select %and3A_887, %add3A_888, %rem3A_879 : i32
        %dma_start3A_890 = arith.constant 0 : i32
        %dma_start3A_891 = arith.constant 0 : i32
        %dma_start3A_892 = arith.constant 0 : i32
        %dma_start3A_893 = tpu.memref_slice %arg7[%select_n3A_889, %dma_start3A_891, %dma_start3A_892] : memref<11x32x128xf32, #tpu.memory_space<vmem>> -> memref<1x32x128xf32, #tpu.memory_space<vmem>>
        %dma_start3A_894 = tpu.memref_squeeze %dma_start3A_893 : memref<1x32x128xf32, #tpu.memory_space<vmem>> -> memref<32x128xf32, #tpu.memory_space<vmem>>
        %dma_start3A_895 = arith.constant 0 : i32
        %dma_start3A_896 = tpu.memref_slice %arg6[%select_n3A_846, %dma_start3A_890, %dma_start3A_895] : memref<16x2x32xi32, #tpu.memory_space<vmem>> -> memref<1x1x32xi32, #tpu.memory_space<vmem>>
        %dma_start3A_897 = tpu.memref_squeeze %dma_start3A_896 : memref<1x1x32xi32, #tpu.memory_space<vmem>> -> memref<32xi32, #tpu.memory_space<vmem>>
        %dma_start3A_898 = arith.constant 0 : i32
        %dma_start3A_899 = arith.constant 0 : i32
        %dma_start3A_900 = tpu.memref_slice %arg2[%dma_start3A_898, %dma_start3A_899] : memref<10240x128xf32, #tpu.memory_space<hbm>> -> memref<10240x128xf32, #tpu.memory_space<hbm>>
        tpu.enqueue_indirect_dma source(%dma_start3A_900 : memref<10240x128xf32, #tpu.memory_space<hbm>>) target(%dma_start3A_894 : memref<32x128xf32, #tpu.memory_space<vmem>>) offsets(%dma_start3A_897 : memref<32xi32, #tpu.memory_space<vmem>>) semaphore(%arg10 : memref<!tpu.dma_semaphore, #tpu.memory_space<semaphore_mem>>)
      } else {
      }
      %add3A_823 = arith.constant 16 : i32
      %add3A_824 = arith.addi %while3A_764, %add3A_823 : i32
      %lt3A_825 = arith.cmpi slt, %add3A_824, %add3A_8 : i32
      %convert_element_type3A_826 = arith.extui %lt3A_825 : i1 to i32
      %cond3A_827 = arith.constant 0 : i32
      %cond3A_828 = arith.cmpi ne, %convert_element_type3A_826, %cond3A_827 : i32
      scf.if %cond3A_828 {
        %add3A_829 = arith.constant 16 : i32
        %add3A_830 = arith.addi %while3A_764, %add3A_829 : i32
        %add3A_831 = arith.constant 16 : i32
        %add3A_832 = arith.addi %while3A_764, %add3A_831 : i32
        %jit3A_833 = arith.constant 16 : i32
        %eq3A_834 = arith.constant 0 : i32
        %eq3A_835 = arith.cmpi eq, %jit3A_833, %eq3A_834 : i32
        %jit3A_836 = arith.constant 1 : i32
        %select_n3A_837 = arith.select %eq3A_835, %jit3A_836, %jit3A_833 : i32
        %rem3A_838 = arith.remsi %add3A_832, %select_n3A_837 : i32
        %ne3A_839 = arith.constant 0 : i32
        %ne3A_840 = arith.cmpi ne, %rem3A_838, %ne3A_839 : i32
        %lt3A_841 = arith.constant 0 : i32
        %lt3A_842 = arith.cmpi slt, %rem3A_838, %lt3A_841 : i32
        %lt3A_843 = arith.constant 0 : i32
        %lt3A_844 = arith.cmpi slt, %select_n3A_837, %lt3A_843 : i32
        %ne3A_845 = arith.xori %lt3A_842, %lt3A_844 : i1
        %and3A_846 = arith.andi %ne3A_845, %ne3A_840 : i1
        %add3A_847 = arith.addi %rem3A_838, %select_n3A_837 : i32
        %select_n3A_848 = arith.select %and3A_846, %add3A_847, %rem3A_838 : i32
        %add3A_849 = arith.addi %add3A_4, %add3A_830 : i32
        %mul3A_850 = arith.constant 32 : i32
        %mul3A_851 = arith.muli %add3A_849, %mul3A_850 : i32
        %dma_start3A_852 = arith.constant 0 : i32
        %dma_start3A_853 = arith.constant 0 : i32
        %dma_start3A_854 = tpu.memref_slice %arg6[%select_n3A_848, %dma_start3A_852, %dma_start3A_853] : memref<16x2x32xi32, #tpu.memory_space<vmem>> -> memref<1x1x32xi32, #tpu.memory_space<vmem>>
        %dma_start3A_855 = tpu.memref_squeeze %dma_start3A_854 : memref<1x1x32xi32, #tpu.memory_space<vmem>> -> memref<32xi32, #tpu.memory_space<vmem>>
        %dma_start3A_856 = tpu.memref_slice %arg3[%mul3A_851] : memref<640000xi32, #tpu.memory_space<hbm>> -> memref<32xi32, #tpu.memory_space<hbm>>
        %dma_start3A_857 = arith.constant 0 : i32
        %dma_start3A_858 = tpu.memref_slice %arg6[%select_n3A_848, %dma_start3A_852, %dma_start3A_857] : memref<16x2x32xi32, #tpu.memory_space<vmem>> -> memref<1x1x32xi32, #tpu.memory_space<vmem>>
        %dma_start3A_859 = tpu.memref_squeeze %dma_start3A_858 : memref<1x1x32xi32, #tpu.memory_space<vmem>> -> memref<32xi32, #tpu.memory_space<vmem>>
        %dma_start3A_860 = tpu.memref_slice %arg3[%mul3A_851] : memref<640000xi32, #tpu.memory_space<hbm>> -> memref<32xi32, #tpu.memory_space<hbm>>
        tpu.enqueue_dma source(%dma_start3A_860 : memref<32xi32, #tpu.memory_space<hbm>>) target(%dma_start3A_859 : memref<32xi32, #tpu.memory_space<vmem>>) target_semaphore(%arg9 : memref<!tpu.dma_semaphore, #tpu.memory_space<semaphore_mem>>)
        %add3A_861 = arith.constant 320000 : i32
        %add3A_862 = arith.addi %add3A_861, %mul3A_851 : i32
        %dma_start3A_863 = arith.constant 1 : i32
        %dma_start3A_864 = arith.constant 0 : i32
        %dma_start3A_865 = tpu.memref_slice %arg6[%select_n3A_848, %dma_start3A_863, %dma_start3A_864] : memref<16x2x32xi32, #tpu.memory_space<vmem>> -> memref<1x1x32xi32, #tpu.memory_space<vmem>>
        %dma_start3A_866 = tpu.memref_squeeze %dma_start3A_865 : memref<1x1x32xi32, #tpu.memory_space<vmem>> -> memref<32xi32, #tpu.memory_space<vmem>>
        %dma_start3A_867 = tpu.memref_slice %arg3[%add3A_862] : memref<640000xi32, #tpu.memory_space<hbm>> -> memref<32xi32, #tpu.memory_space<hbm>>
        %dma_start3A_868 = arith.constant 0 : i32
        %dma_start3A_869 = tpu.memref_slice %arg6[%select_n3A_848, %dma_start3A_863, %dma_start3A_868] : memref<16x2x32xi32, #tpu.memory_space<vmem>> -> memref<1x1x32xi32, #tpu.memory_space<vmem>>
        %dma_start3A_870 = tpu.memref_squeeze %dma_start3A_869 : memref<1x1x32xi32, #tpu.memory_space<vmem>> -> memref<32xi32, #tpu.memory_space<vmem>>
        %dma_start3A_871 = tpu.memref_slice %arg3[%add3A_862] : memref<640000xi32, #tpu.memory_space<hbm>> -> memref<32xi32, #tpu.memory_space<hbm>>
        tpu.enqueue_dma source(%dma_start3A_871 : memref<32xi32, #tpu.memory_space<hbm>>) target(%dma_start3A_870 : memref<32xi32, #tpu.memory_space<vmem>>) target_semaphore(%arg9 : memref<!tpu.dma_semaphore, #tpu.memory_space<semaphore_mem>>)
      } else {
      }
    }
    %while3A_706 = arith.constant 1 : i32
    scf.for %while3A_764 = %while3A_704 to %while3A_700 step %while3A_706  : i32 {
      %jit3A_765 = arith.constant 11 : i32
      %eq3A = arith.constant 0 : i32
      %eq3A_766 = arith.cmpi eq, %jit3A_765, %eq3A : i32
      %jit3A_767 = arith.constant 1 : i32
      %select_n3A_768 = arith.select %eq3A_766, %jit3A_767, %jit3A_765 : i32
      %rem3A = arith.remsi %while3A_764, %select_n3A_768 : i32
      %ne3A = arith.constant 0 : i32
      %ne3A_769 = arith.cmpi ne, %rem3A, %ne3A : i32
      %lt3A_770 = arith.constant 0 : i32
      %lt3A_771 = arith.cmpi slt, %rem3A, %lt3A_770 : i32
      %lt3A_772 = arith.constant 0 : i32
      %lt3A_773 = arith.cmpi slt, %select_n3A_768, %lt3A_772 : i32
      %ne3A_774 = arith.xori %lt3A_771, %lt3A_773 : i1
      %and3A = arith.andi %ne3A_774, %ne3A_769 : i1
      %add3A_775 = arith.addi %rem3A, %select_n3A_768 : i32
      %select_n3A_776 = arith.select %and3A, %add3A_775, %rem3A : i32
      %jit3A_777 = arith.constant 16 : i32
      %eq3A_778 = arith.constant 0 : i32
      %eq3A_779 = arith.cmpi eq, %jit3A_777, %eq3A_778 : i32
      %jit3A_780 = arith.constant 1 : i32
      %select_n3A_781 = arith.select %eq3A_779, %jit3A_780, %jit3A_777 : i32
      %rem3A_782 = arith.remsi %while3A_764, %select_n3A_781 : i32
      %ne3A_783 = arith.constant 0 : i32
      %ne3A_784 = arith.cmpi ne, %rem3A_782, %ne3A_783 : i32
      %lt3A_785 = arith.constant 0 : i32
      %lt3A_786 = arith.cmpi slt, %rem3A_782, %lt3A_785 : i32
      %lt3A_787 = arith.constant 0 : i32
      %lt3A_788 = arith.cmpi slt, %select_n3A_781, %lt3A_787 : i32
      %ne3A_789 = arith.xori %lt3A_786, %lt3A_788 : i1
      %and3A_790 = arith.andi %ne3A_789, %ne3A_784 : i1
      %add3A_791 = arith.addi %rem3A_782, %select_n3A_781 : i32
      %select_n3A_792 = arith.select %and3A_790, %add3A_791, %rem3A_782 : i32
      %dma_wait3A_793 = arith.constant 0 : i32
      %dma_wait3A_794 = arith.constant 0 : i32
      %dma_wait3A_795 = arith.constant 0 : i32
      %dma_wait3A_796 = tpu.memref_slice %arg7[%select_n3A_776, %dma_wait3A_794, %dma_wait3A_795] : memref<11x32x128xf32, #tpu.memory_space<vmem>> -> memref<1x32x128xf32, #tpu.memory_space<vmem>>
      %dma_wait3A_797 = tpu.memref_squeeze %dma_wait3A_796 : memref<1x32x128xf32, #tpu.memory_space<vmem>> -> memref<32x128xf32, #tpu.memory_space<vmem>>
      %dma_wait3A_798 = arith.constant 0 : i32
      %dma_wait3A_799 = tpu.memref_slice %arg6[%select_n3A_792, %dma_wait3A_793, %dma_wait3A_798] : memref<16x2x32xi32, #tpu.memory_space<vmem>> -> memref<1x1x32xi32, #tpu.memory_space<vmem>>
      %dma_wait3A_800 = tpu.memref_squeeze %dma_wait3A_799 : memref<1x1x32xi32, #tpu.memory_space<vmem>> -> memref<32xi32, #tpu.memory_space<vmem>>
      %dma_wait3A_801 = arith.constant 0 : i32
      %dma_wait3A_802 = arith.constant 0 : i32
      %dma_wait3A_803 = tpu.memref_slice %arg2[%dma_wait3A_801, %dma_wait3A_802] : memref<10240x128xf32, #tpu.memory_space<hbm>> -> memref<10240x128xf32, #tpu.memory_space<hbm>>
      tpu.wait_indirect_dma semaphore(%arg10 : memref<!tpu.dma_semaphore, #tpu.memory_space<semaphore_mem>>) src(%dma_wait3A_803 : memref<10240x128xf32, #tpu.memory_space<hbm>>) dst(%dma_wait3A_797 : memref<32x128xf32, #tpu.memory_space<vmem>>)
      %ge3A = arith.constant 4 : i32
      %ge3A_804 = arith.cmpi sge, %while3A_764, %ge3A : i32
      %convert_element_type3A = arith.extui %ge3A_804 : i1 to i32
      %cond3A = arith.constant 0 : i32
      %cond3A_805 = arith.cmpi ne, %convert_element_type3A, %cond3A : i32
      scf.if %cond3A_805 {
        %sub3A = arith.constant 4 : i32
        %sub3A_829 = arith.subi %while3A_764, %sub3A : i32
        %jit3A_830 = arith.constant 11 : i32
        %eq3A_831 = arith.constant 0 : i32
        %eq3A_832 = arith.cmpi eq, %jit3A_830, %eq3A_831 : i32
        %jit3A_833 = arith.constant 1 : i32
        %select_n3A_834 = arith.select %eq3A_832, %jit3A_833, %jit3A_830 : i32
        %rem3A_835 = arith.remsi %sub3A_829, %select_n3A_834 : i32
        %ne3A_836 = arith.constant 0 : i32
        %ne3A_837 = arith.cmpi ne, %rem3A_835, %ne3A_836 : i32
        %lt3A_838 = arith.constant 0 : i32
        %lt3A_839 = arith.cmpi slt, %rem3A_835, %lt3A_838 : i32
        %lt3A_840 = arith.constant 0 : i32
        %lt3A_841 = arith.cmpi slt, %select_n3A_834, %lt3A_840 : i32
        %ne3A_842 = arith.xori %lt3A_839, %lt3A_841 : i1
        %and3A_843 = arith.andi %ne3A_842, %ne3A_837 : i1
        %add3A_844 = arith.addi %rem3A_835, %select_n3A_834 : i32
        %select_n3A_845 = arith.select %and3A_843, %add3A_844, %rem3A_835 : i32
        %dma_wait3A_846 = arith.constant 1 : i32
        %dma_wait3A_847 = arith.constant 0 : i32
        %dma_wait3A_848 = arith.constant 0 : i32
        %dma_wait3A_849 = tpu.memref_slice %arg7[%select_n3A_845, %dma_wait3A_847, %dma_wait3A_848] : memref<11x32x128xf32, #tpu.memory_space<vmem>> -> memref<1x32x128xf32, #tpu.memory_space<vmem>>
        %dma_wait3A_850 = tpu.memref_squeeze %dma_wait3A_849 : memref<1x32x128xf32, #tpu.memory_space<vmem>> -> memref<32x128xf32, #tpu.memory_space<vmem>>
        %dma_wait3A_851 = arith.constant 0 : i32
        %dma_wait3A_852 = tpu.memref_slice %arg6[%select_n3A_792, %dma_wait3A_846, %dma_wait3A_851] : memref<16x2x32xi32, #tpu.memory_space<vmem>> -> memref<1x1x32xi32, #tpu.memory_space<vmem>>
        %dma_wait3A_853 = tpu.memref_squeeze %dma_wait3A_852 : memref<1x1x32xi32, #tpu.memory_space<vmem>> -> memref<32xi32, #tpu.memory_space<vmem>>
        %dma_wait3A_854 = arith.constant 0 : i32
        %dma_wait3A_855 = arith.constant 0 : i32
        %dma_wait3A_856 = tpu.memref_slice %arg8[%dma_wait3A_854, %dma_wait3A_855] : memref<10240x128xf32, #tpu.memory_space<vmem_shared>> -> memref<10240x128xf32, #tpu.memory_space<vmem_shared>>
        tpu.wait_indirect_dma semaphore(%arg11 : memref<!tpu.dma_semaphore, #tpu.memory_space<semaphore_mem>>) src(%dma_wait3A_850 : memref<32x128xf32, #tpu.memory_space<vmem>>) dst(%dma_wait3A_856 : memref<10240x128xf32, #tpu.memory_space<vmem_shared>>)
      } else {
      }
      %dma_start3A_806 = arith.constant 1 : i32
      %dma_start3A_807 = arith.constant 0 : i32
      %dma_start3A_808 = arith.constant 0 : i32
      %dma_start3A_809 = tpu.memref_slice %arg7[%select_n3A_776, %dma_start3A_807, %dma_start3A_808] : memref<11x32x128xf32, #tpu.memory_space<vmem>> -> memref<1x32x128xf32, #tpu.memory_space<vmem>>
      %dma_start3A_810 = tpu.memref_squeeze %dma_start3A_809 : memref<1x32x128xf32, #tpu.memory_space<vmem>> -> memref<32x128xf32, #tpu.memory_space<vmem>>
      %dma_start3A_811 = arith.constant 0 : i32
      %dma_start3A_812 = tpu.memref_slice %arg6[%select_n3A_792, %dma_start3A_806, %dma_start3A_811] : memref<16x2x32xi32, #tpu.memory_space<vmem>> -> memref<1x1x32xi32, #tpu.memory_space<vmem>>
      %dma_start3A_813 = tpu.memref_squeeze %dma_start3A_812 : memref<1x1x32xi32, #tpu.memory_space<vmem>> -> memref<32xi32, #tpu.memory_space<vmem>>
      %dma_start3A_814 = arith.constant 0 : i32
      %dma_start3A_815 = arith.constant 0 : i32
      %dma_start3A_816 = tpu.memref_slice %arg8[%dma_start3A_814, %dma_start3A_815] : memref<10240x128xf32, #tpu.memory_space<vmem_shared>> -> memref<10240x128xf32, #tpu.memory_space<vmem_shared>>
      tpu.enqueue_indirect_dma source(%dma_start3A_810 : memref<32x128xf32, #tpu.memory_space<vmem>>) target(%dma_start3A_816 : memref<10240x128xf32, #tpu.memory_space<vmem_shared>>) offsets(%dma_start3A_813 : memref<32xi32, #tpu.memory_space<vmem>>) semaphore(%arg11 : memref<!tpu.dma_semaphore, #tpu.memory_space<semaphore_mem>>) {add = true}
      %add3A_817 = arith.constant 7 : i32
      %add3A_818 = arith.addi %while3A_764, %add3A_817 : i32
      %lt3A_819 = arith.cmpi slt, %add3A_818, %add3A_8 : i32
      %convert_element_type3A_820 = arith.extui %lt3A_819 : i1 to i32
      %cond3A_821 = arith.constant 0 : i32
      %cond3A_822 = arith.cmpi ne, %convert_element_type3A_820, %cond3A_821 : i32
      scf.if %cond3A_822 {
        %add3A_829 = arith.constant 7 : i32
        %add3A_830 = arith.addi %while3A_764, %add3A_829 : i32
        %jit3A_831 = arith.constant 16 : i32
        %eq3A_832 = arith.constant 0 : i32
        %eq3A_833 = arith.cmpi eq, %jit3A_831, %eq3A_832 : i32
        %jit3A_834 = arith.constant 1 : i32
        %select_n3A_835 = arith.select %eq3A_833, %jit3A_834, %jit3A_831 : i32
        %rem3A_836 = arith.remsi %add3A_830, %select_n3A_835 : i32
        %ne3A_837 = arith.constant 0 : i32
        %ne3A_838 = arith.cmpi ne, %rem3A_836, %ne3A_837 : i32
        %lt3A_839 = arith.constant 0 : i32
        %lt3A_840 = arith.cmpi slt, %rem3A_836, %lt3A_839 : i32
        %lt3A_841 = arith.constant 0 : i32
        %lt3A_842 = arith.cmpi slt, %select_n3A_835, %lt3A_841 : i32
        %ne3A_843 = arith.xori %lt3A_840, %lt3A_842 : i1
        %and3A_844 = arith.andi %ne3A_843, %ne3A_838 : i1
        %add3A_845 = arith.addi %rem3A_836, %select_n3A_835 : i32
        %select_n3A_846 = arith.select %and3A_844, %add3A_845, %rem3A_836 : i32
        %add3A_847 = arith.constant 7 : i32
        %add3A_848 = arith.addi %while3A_764, %add3A_847 : i32
        %add3A_849 = arith.addi %add3A_4, %add3A_848 : i32
        %mul3A_850 = arith.constant 32 : i32
        %mul3A_851 = arith.muli %add3A_849, %mul3A_850 : i32
        %dma_wait3A_852 = arith.constant 0 : i32
        %dma_wait3A_853 = arith.constant 0 : i32
        %dma_wait3A_854 = tpu.memref_slice %arg6[%select_n3A_846, %dma_wait3A_852, %dma_wait3A_853] : memref<16x2x32xi32, #tpu.memory_space<vmem>> -> memref<1x1x32xi32, #tpu.memory_space<vmem>>
        %dma_wait3A_855 = tpu.memref_squeeze %dma_wait3A_854 : memref<1x1x32xi32, #tpu.memory_space<vmem>> -> memref<32xi32, #tpu.memory_space<vmem>>
        %dma_wait3A_856 = tpu.memref_slice %arg3[%mul3A_851] : memref<640000xi32, #tpu.memory_space<hbm>> -> memref<32xi32, #tpu.memory_space<hbm>>
        %dma_wait3A_857 = arith.constant 0 : i32
        %dma_wait3A_858 = tpu.memref_slice %arg6[%select_n3A_846, %dma_wait3A_852, %dma_wait3A_857] : memref<16x2x32xi32, #tpu.memory_space<vmem>> -> memref<1x1x32xi32, #tpu.memory_space<vmem>>
        %dma_wait3A_859 = tpu.memref_squeeze %dma_wait3A_858 : memref<1x1x32xi32, #tpu.memory_space<vmem>> -> memref<32xi32, #tpu.memory_space<vmem>>
        %dma_wait3A_860 = tpu.memref_slice %arg3[%mul3A_851] : memref<640000xi32, #tpu.memory_space<hbm>> -> memref<32xi32, #tpu.memory_space<hbm>>
        tpu.wait_dma2 semaphore(%arg9 : memref<!tpu.dma_semaphore, #tpu.memory_space<semaphore_mem>>) src(%dma_wait3A_860 : memref<32xi32, #tpu.memory_space<hbm>>) dst(%dma_wait3A_859 : memref<32xi32, #tpu.memory_space<vmem>>)
        %add3A_861 = arith.constant 320000 : i32
        %add3A_862 = arith.addi %add3A_861, %mul3A_851 : i32
        %dma_wait3A_863 = arith.constant 1 : i32
        %dma_wait3A_864 = arith.constant 0 : i32
        %dma_wait3A_865 = tpu.memref_slice %arg6[%select_n3A_846, %dma_wait3A_863, %dma_wait3A_864] : memref<16x2x32xi32, #tpu.memory_space<vmem>> -> memref<1x1x32xi32, #tpu.memory_space<vmem>>
        %dma_wait3A_866 = tpu.memref_squeeze %dma_wait3A_865 : memref<1x1x32xi32, #tpu.memory_space<vmem>> -> memref<32xi32, #tpu.memory_space<vmem>>
        %dma_wait3A_867 = tpu.memref_slice %arg3[%add3A_862] : memref<640000xi32, #tpu.memory_space<hbm>> -> memref<32xi32, #tpu.memory_space<hbm>>
        %dma_wait3A_868 = arith.constant 0 : i32
        %dma_wait3A_869 = tpu.memref_slice %arg6[%select_n3A_846, %dma_wait3A_863, %dma_wait3A_868] : memref<16x2x32xi32, #tpu.memory_space<vmem>> -> memref<1x1x32xi32, #tpu.memory_space<vmem>>
        %dma_wait3A_870 = tpu.memref_squeeze %dma_wait3A_869 : memref<1x1x32xi32, #tpu.memory_space<vmem>> -> memref<32xi32, #tpu.memory_space<vmem>>
        %dma_wait3A_871 = tpu.memref_slice %arg3[%add3A_862] : memref<640000xi32, #tpu.memory_space<hbm>> -> memref<32xi32, #tpu.memory_space<hbm>>
        tpu.wait_dma2 semaphore(%arg9 : memref<!tpu.dma_semaphore, #tpu.memory_space<semaphore_mem>>) src(%dma_wait3A_871 : memref<32xi32, #tpu.memory_space<hbm>>) dst(%dma_wait3A_870 : memref<32xi32, #tpu.memory_space<vmem>>)
        %add3A_872 = arith.constant 7 : i32
        %add3A_873 = arith.addi %while3A_764, %add3A_872 : i32
        %jit3A_874 = arith.constant 11 : i32
        %eq3A_875 = arith.constant 0 : i32
        %eq3A_876 = arith.cmpi eq, %jit3A_874, %eq3A_875 : i32
        %jit3A_877 = arith.constant 1 : i32
        %select_n3A_878 = arith.select %eq3A_876, %jit3A_877, %jit3A_874 : i32
        %rem3A_879 = arith.remsi %add3A_873, %select_n3A_878 : i32
        %ne3A_880 = arith.constant 0 : i32
        %ne3A_881 = arith.cmpi ne, %rem3A_879, %ne3A_880 : i32
        %lt3A_882 = arith.constant 0 : i32
        %lt3A_883 = arith.cmpi slt, %rem3A_879, %lt3A_882 : i32
        %lt3A_884 = arith.constant 0 : i32
        %lt3A_885 = arith.cmpi slt, %select_n3A_878, %lt3A_884 : i32
        %ne3A_886 = arith.xori %lt3A_883, %lt3A_885 : i1
        %and3A_887 = arith.andi %ne3A_886, %ne3A_881 : i1
        %add3A_888 = arith.addi %rem3A_879, %select_n3A_878 : i32
        %select_n3A_889 = arith.select %and3A_887, %add3A_888, %rem3A_879 : i32
        %dma_start3A_890 = arith.constant 0 : i32
        %dma_start3A_891 = arith.constant 0 : i32
        %dma_start3A_892 = arith.constant 0 : i32
        %dma_start3A_893 = tpu.memref_slice %arg7[%select_n3A_889, %dma_start3A_891, %dma_start3A_892] : memref<11x32x128xf32, #tpu.memory_space<vmem>> -> memref<1x32x128xf32, #tpu.memory_space<vmem>>
        %dma_start3A_894 = tpu.memref_squeeze %dma_start3A_893 : memref<1x32x128xf32, #tpu.memory_space<vmem>> -> memref<32x128xf32, #tpu.memory_space<vmem>>
        %dma_start3A_895 = arith.constant 0 : i32
        %dma_start3A_896 = tpu.memref_slice %arg6[%select_n3A_846, %dma_start3A_890, %dma_start3A_895] : memref<16x2x32xi32, #tpu.memory_space<vmem>> -> memref<1x1x32xi32, #tpu.memory_space<vmem>>
        %dma_start3A_897 = tpu.memref_squeeze %dma_start3A_896 : memref<1x1x32xi32, #tpu.memory_space<vmem>> -> memref<32xi32, #tpu.memory_space<vmem>>
        %dma_start3A_898 = arith.constant 0 : i32
        %dma_start3A_899 = arith.constant 0 : i32
        %dma_start3A_900 = tpu.memref_slice %arg2[%dma_start3A_898, %dma_start3A_899] : memref<10240x128xf32, #tpu.memory_space<hbm>> -> memref<10240x128xf32, #tpu.memory_space<hbm>>
        tpu.enqueue_indirect_dma source(%dma_start3A_900 : memref<10240x128xf32, #tpu.memory_space<hbm>>) target(%dma_start3A_894 : memref<32x128xf32, #tpu.memory_space<vmem>>) offsets(%dma_start3A_897 : memref<32xi32, #tpu.memory_space<vmem>>) semaphore(%arg10 : memref<!tpu.dma_semaphore, #tpu.memory_space<semaphore_mem>>)
      } else {
      }
      %add3A_823 = arith.constant 16 : i32
      %add3A_824 = arith.addi %while3A_764, %add3A_823 : i32
      %lt3A_825 = arith.cmpi slt, %add3A_824, %add3A_8 : i32
      %convert_element_type3A_826 = arith.extui %lt3A_825 : i1 to i32
      %cond3A_827 = arith.constant 0 : i32
      %cond3A_828 = arith.cmpi ne, %convert_element_type3A_826, %cond3A_827 : i32
      scf.if %cond3A_828 {
        %add3A_829 = arith.constant 16 : i32
        %add3A_830 = arith.addi %while3A_764, %add3A_829 : i32
        %add3A_831 = arith.constant 16 : i32
        %add3A_832 = arith.addi %while3A_764, %add3A_831 : i32
        %jit3A_833 = arith.constant 16 : i32
        %eq3A_834 = arith.constant 0 : i32
        %eq3A_835 = arith.cmpi eq, %jit3A_833, %eq3A_834 : i32
        %jit3A_836 = arith.constant 1 : i32
        %select_n3A_837 = arith.select %eq3A_835, %jit3A_836, %jit3A_833 : i32
        %rem3A_838 = arith.remsi %add3A_832, %select_n3A_837 : i32
        %ne3A_839 = arith.constant 0 : i32
        %ne3A_840 = arith.cmpi ne, %rem3A_838, %ne3A_839 : i32
        %lt3A_841 = arith.constant 0 : i32
        %lt3A_842 = arith.cmpi slt, %rem3A_838, %lt3A_841 : i32
        %lt3A_843 = arith.constant 0 : i32
        %lt3A_844 = arith.cmpi slt, %select_n3A_837, %lt3A_843 : i32
        %ne3A_845 = arith.xori %lt3A_842, %lt3A_844 : i1
        %and3A_846 = arith.andi %ne3A_845, %ne3A_840 : i1
        %add3A_847 = arith.addi %rem3A_838, %select_n3A_837 : i32
        %select_n3A_848 = arith.select %and3A_846, %add3A_847, %rem3A_838 : i32
        %add3A_849 = arith.addi %add3A_4, %add3A_830 : i32
        %mul3A_850 = arith.constant 32 : i32
        %mul3A_851 = arith.muli %add3A_849, %mul3A_850 : i32
        %dma_start3A_852 = arith.constant 0 : i32
        %dma_start3A_853 = arith.constant 0 : i32
        %dma_start3A_854 = tpu.memref_slice %arg6[%select_n3A_848, %dma_start3A_852, %dma_start3A_853] : memref<16x2x32xi32, #tpu.memory_space<vmem>> -> memref<1x1x32xi32, #tpu.memory_space<vmem>>
        %dma_start3A_855 = tpu.memref_squeeze %dma_start3A_854 : memref<1x1x32xi32, #tpu.memory_space<vmem>> -> memref<32xi32, #tpu.memory_space<vmem>>
        %dma_start3A_856 = tpu.memref_slice %arg3[%mul3A_851] : memref<640000xi32, #tpu.memory_space<hbm>> -> memref<32xi32, #tpu.memory_space<hbm>>
        %dma_start3A_857 = arith.constant 0 : i32
        %dma_start3A_858 = tpu.memref_slice %arg6[%select_n3A_848, %dma_start3A_852, %dma_start3A_857] : memref<16x2x32xi32, #tpu.memory_space<vmem>> -> memref<1x1x32xi32, #tpu.memory_space<vmem>>
        %dma_start3A_859 = tpu.memref_squeeze %dma_start3A_858 : memref<1x1x32xi32, #tpu.memory_space<vmem>> -> memref<32xi32, #tpu.memory_space<vmem>>
        %dma_start3A_860 = tpu.memref_slice %arg3[%mul3A_851] : memref<640000xi32, #tpu.memory_space<hbm>> -> memref<32xi32, #tpu.memory_space<hbm>>
        tpu.enqueue_dma source(%dma_start3A_860 : memref<32xi32, #tpu.memory_space<hbm>>) target(%dma_start3A_859 : memref<32xi32, #tpu.memory_space<vmem>>) target_semaphore(%arg9 : memref<!tpu.dma_semaphore, #tpu.memory_space<semaphore_mem>>)
        %add3A_861 = arith.constant 320000 : i32
        %add3A_862 = arith.addi %add3A_861, %mul3A_851 : i32
        %dma_start3A_863 = arith.constant 1 : i32
        %dma_start3A_864 = arith.constant 0 : i32
        %dma_start3A_865 = tpu.memref_slice %arg6[%select_n3A_848, %dma_start3A_863, %dma_start3A_864] : memref<16x2x32xi32, #tpu.memory_space<vmem>> -> memref<1x1x32xi32, #tpu.memory_space<vmem>>
        %dma_start3A_866 = tpu.memref_squeeze %dma_start3A_865 : memref<1x1x32xi32, #tpu.memory_space<vmem>> -> memref<32xi32, #tpu.memory_space<vmem>>
        %dma_start3A_867 = tpu.memref_slice %arg3[%add3A_862] : memref<640000xi32, #tpu.memory_space<hbm>> -> memref<32xi32, #tpu.memory_space<hbm>>
        %dma_start3A_868 = arith.constant 0 : i32
        %dma_start3A_869 = tpu.memref_slice %arg6[%select_n3A_848, %dma_start3A_863, %dma_start3A_868] : memref<16x2x32xi32, #tpu.memory_space<vmem>> -> memref<1x1x32xi32, #tpu.memory_space<vmem>>
        %dma_start3A_870 = tpu.memref_squeeze %dma_start3A_869 : memref<1x1x32xi32, #tpu.memory_space<vmem>> -> memref<32xi32, #tpu.memory_space<vmem>>
        %dma_start3A_871 = tpu.memref_slice %arg3[%add3A_862] : memref<640000xi32, #tpu.memory_space<hbm>> -> memref<32xi32, #tpu.memory_space<hbm>>
        tpu.enqueue_dma source(%dma_start3A_871 : memref<32xi32, #tpu.memory_space<hbm>>) target(%dma_start3A_870 : memref<32xi32, #tpu.memory_space<vmem>>) target_semaphore(%arg9 : memref<!tpu.dma_semaphore, #tpu.memory_space<semaphore_mem>>)
      } else {
      }
    }
    %dma_wait3A_707 = arith.constant 0 : i32
    %dma_wait3A_708 = arith.constant 0 : i32
    %dma_wait3A_709 = arith.constant 1 : i32
    %dma_wait3A_710 = arith.constant 0 : i32
    %dma_wait3A_711 = arith.constant 0 : i32
    %dma_wait3A_712 = tpu.memref_slice %arg7[%dma_wait3A_707, %dma_wait3A_710, %dma_wait3A_711] : memref<11x32x128xf32, #tpu.memory_space<vmem>> -> memref<1x32x128xf32, #tpu.memory_space<vmem>>
    %dma_wait3A_713 = tpu.memref_squeeze %dma_wait3A_712 : memref<1x32x128xf32, #tpu.memory_space<vmem>> -> memref<32x128xf32, #tpu.memory_space<vmem>>
    %dma_wait3A_714 = arith.constant 0 : i32
    %dma_wait3A_715 = tpu.memref_slice %arg6[%dma_wait3A_708, %dma_wait3A_709, %dma_wait3A_714] : memref<16x2x32xi32, #tpu.memory_space<vmem>> -> memref<1x1x32xi32, #tpu.memory_space<vmem>>
    %dma_wait3A_716 = tpu.memref_squeeze %dma_wait3A_715 : memref<1x1x32xi32, #tpu.memory_space<vmem>> -> memref<32xi32, #tpu.memory_space<vmem>>
    %dma_wait3A_717 = arith.constant 0 : i32
    %dma_wait3A_718 = arith.constant 0 : i32
    %dma_wait3A_719 = tpu.memref_slice %arg8[%dma_wait3A_717, %dma_wait3A_718] : memref<10240x128xf32, #tpu.memory_space<vmem_shared>> -> memref<10240x128xf32, #tpu.memory_space<vmem_shared>>
    tpu.wait_indirect_dma semaphore(%arg11 : memref<!tpu.dma_semaphore, #tpu.memory_space<semaphore_mem>>) src(%dma_wait3A_713 : memref<32x128xf32, #tpu.memory_space<vmem>>) dst(%dma_wait3A_719 : memref<10240x128xf32, #tpu.memory_space<vmem_shared>>)
    %dma_wait3A_720 = arith.constant 0 : i32
    %dma_wait3A_721 = arith.constant 0 : i32
    %dma_wait3A_722 = arith.constant 1 : i32
    %dma_wait3A_723 = arith.constant 0 : i32
    %dma_wait3A_724 = arith.constant 0 : i32
    %dma_wait3A_725 = tpu.memref_slice %arg7[%dma_wait3A_720, %dma_wait3A_723, %dma_wait3A_724] : memref<11x32x128xf32, #tpu.memory_space<vmem>> -> memref<1x32x128xf32, #tpu.memory_space<vmem>>
    %dma_wait3A_726 = tpu.memref_squeeze %dma_wait3A_725 : memref<1x32x128xf32, #tpu.memory_space<vmem>> -> memref<32x128xf32, #tpu.memory_space<vmem>>
    %dma_wait3A_727 = arith.constant 0 : i32
    %dma_wait3A_728 = tpu.memref_slice %arg6[%dma_wait3A_721, %dma_wait3A_722, %dma_wait3A_727] : memref<16x2x32xi32, #tpu.memory_space<vmem>> -> memref<1x1x32xi32, #tpu.memory_space<vmem>>
    %dma_wait3A_729 = tpu.memref_squeeze %dma_wait3A_728 : memref<1x1x32xi32, #tpu.memory_space<vmem>> -> memref<32xi32, #tpu.memory_space<vmem>>
    %dma_wait3A_730 = arith.constant 0 : i32
    %dma_wait3A_731 = arith.constant 0 : i32
    %dma_wait3A_732 = tpu.memref_slice %arg8[%dma_wait3A_730, %dma_wait3A_731] : memref<10240x128xf32, #tpu.memory_space<vmem_shared>> -> memref<10240x128xf32, #tpu.memory_space<vmem_shared>>
    tpu.wait_indirect_dma semaphore(%arg11 : memref<!tpu.dma_semaphore, #tpu.memory_space<semaphore_mem>>) src(%dma_wait3A_726 : memref<32x128xf32, #tpu.memory_space<vmem>>) dst(%dma_wait3A_732 : memref<10240x128xf32, #tpu.memory_space<vmem_shared>>)
    %dma_wait3A_733 = arith.constant 0 : i32
    %dma_wait3A_734 = arith.constant 0 : i32
    %dma_wait3A_735 = arith.constant 1 : i32
    %dma_wait3A_736 = arith.constant 0 : i32
    %dma_wait3A_737 = arith.constant 0 : i32
    %dma_wait3A_738 = tpu.memref_slice %arg7[%dma_wait3A_733, %dma_wait3A_736, %dma_wait3A_737] : memref<11x32x128xf32, #tpu.memory_space<vmem>> -> memref<1x32x128xf32, #tpu.memory_space<vmem>>
    %dma_wait3A_739 = tpu.memref_squeeze %dma_wait3A_738 : memref<1x32x128xf32, #tpu.memory_space<vmem>> -> memref<32x128xf32, #tpu.memory_space<vmem>>
    %dma_wait3A_740 = arith.constant 0 : i32
    %dma_wait3A_741 = tpu.memref_slice %arg6[%dma_wait3A_734, %dma_wait3A_735, %dma_wait3A_740] : memref<16x2x32xi32, #tpu.memory_space<vmem>> -> memref<1x1x32xi32, #tpu.memory_space<vmem>>
    %dma_wait3A_742 = tpu.memref_squeeze %dma_wait3A_741 : memref<1x1x32xi32, #tpu.memory_space<vmem>> -> memref<32xi32, #tpu.memory_space<vmem>>
    %dma_wait3A_743 = arith.constant 0 : i32
    %dma_wait3A_744 = arith.constant 0 : i32
    %dma_wait3A_745 = tpu.memref_slice %arg8[%dma_wait3A_743, %dma_wait3A_744] : memref<10240x128xf32, #tpu.memory_space<vmem_shared>> -> memref<10240x128xf32, #tpu.memory_space<vmem_shared>>
    tpu.wait_indirect_dma semaphore(%arg11 : memref<!tpu.dma_semaphore, #tpu.memory_space<semaphore_mem>>) src(%dma_wait3A_739 : memref<32x128xf32, #tpu.memory_space<vmem>>) dst(%dma_wait3A_745 : memref<10240x128xf32, #tpu.memory_space<vmem_shared>>)
    %dma_wait3A_746 = arith.constant 0 : i32
    %dma_wait3A_747 = arith.constant 0 : i32
    %dma_wait3A_748 = arith.constant 1 : i32
    %dma_wait3A_749 = arith.constant 0 : i32
    %dma_wait3A_750 = arith.constant 0 : i32
    %dma_wait3A_751 = tpu.memref_slice %arg7[%dma_wait3A_746, %dma_wait3A_749, %dma_wait3A_750] : memref<11x32x128xf32, #tpu.memory_space<vmem>> -> memref<1x32x128xf32, #tpu.memory_space<vmem>>
    %dma_wait3A_752 = tpu.memref_squeeze %dma_wait3A_751 : memref<1x32x128xf32, #tpu.memory_space<vmem>> -> memref<32x128xf32, #tpu.memory_space<vmem>>
    %dma_wait3A_753 = arith.constant 0 : i32
    %dma_wait3A_754 = tpu.memref_slice %arg6[%dma_wait3A_747, %dma_wait3A_748, %dma_wait3A_753] : memref<16x2x32xi32, #tpu.memory_space<vmem>> -> memref<1x1x32xi32, #tpu.memory_space<vmem>>
    %dma_wait3A_755 = tpu.memref_squeeze %dma_wait3A_754 : memref<1x1x32xi32, #tpu.memory_space<vmem>> -> memref<32xi32, #tpu.memory_space<vmem>>
    %dma_wait3A_756 = arith.constant 0 : i32
    %dma_wait3A_757 = arith.constant 0 : i32
    %dma_wait3A_758 = tpu.memref_slice %arg8[%dma_wait3A_756, %dma_wait3A_757] : memref<10240x128xf32, #tpu.memory_space<vmem_shared>> -> memref<10240x128xf32, #tpu.memory_space<vmem_shared>>
    tpu.wait_indirect_dma semaphore(%arg11 : memref<!tpu.dma_semaphore, #tpu.memory_space<semaphore_mem>>) src(%dma_wait3A_752 : memref<32x128xf32, #tpu.memory_space<vmem>>) dst(%dma_wait3A_758 : memref<10240x128xf32, #tpu.memory_space<vmem_shared>>)
    %barrier3A_759 = arith.constant 0 : index
    tpu.barrier barrier_id(%barrier3A_759)
    %mul3A_760 = arith.constant 640 : i32
    %mul3A_761 = arith.muli %arg1, %mul3A_760 : i32
    %mul3A_762 = arith.constant 640 : i32
    %mul3A_763 = arith.muli %arg1, %mul3A_762 : i32
    "tpu.region"() ({
      %run_scoped3A = tpu.sem_alloc : memref<!tpu.dma_semaphore, #tpu.memory_space<semaphore_mem>>
      %dma_start3A_764 = arith.constant 0 : i32
      %dma_start3A_765 = tpu.memref_slice %arg5[%arg0, %mul3A_763, %dma_start3A_764] : memref<2x10240x128xf32, #tpu.memory_space<hbm>> -> memref<1x640x128xf32, #tpu.memory_space<hbm>>
      %dma_start3A_766 = tpu.memref_squeeze %dma_start3A_765 : memref<1x640x128xf32, #tpu.memory_space<hbm>> -> memref<640x128xf32, #tpu.memory_space<hbm>>
      %dma_start3A_767 = arith.constant 0 : i32
      %dma_start3A_768 = tpu.memref_slice %arg8[%mul3A_761, %dma_start3A_767] : memref<10240x128xf32, #tpu.memory_space<vmem_shared>> -> memref<640x128xf32, #tpu.memory_space<vmem_shared>>
      tpu.enqueue_dma source(%dma_start3A_768 : memref<640x128xf32, #tpu.memory_space<vmem_shared>>) target(%dma_start3A_766 : memref<640x128xf32, #tpu.memory_space<hbm>>) target_semaphore(%run_scoped3A : memref<!tpu.dma_semaphore, #tpu.memory_space<semaphore_mem>>)
      %dma_wait3A_769 = arith.constant 0 : i32
      %dma_wait3A_770 = tpu.memref_slice %arg5[%arg0, %mul3A_763, %dma_wait3A_769] : memref<2x10240x128xf32, #tpu.memory_space<hbm>> -> memref<1x640x128xf32, #tpu.memory_space<hbm>>
      %dma_wait3A_771 = tpu.memref_squeeze %dma_wait3A_770 : memref<1x640x128xf32, #tpu.memory_space<hbm>> -> memref<640x128xf32, #tpu.memory_space<hbm>>
      %dma_wait3A_772 = arith.constant 0 : i32
      %dma_wait3A_773 = tpu.memref_slice %arg8[%mul3A_761, %dma_wait3A_772] : memref<10240x128xf32, #tpu.memory_space<vmem_shared>> -> memref<640x128xf32, #tpu.memory_space<vmem_shared>>
      tpu.wait_dma2 semaphore(%run_scoped3A : memref<!tpu.dma_semaphore, #tpu.memory_space<semaphore_mem>>) src(%dma_wait3A_773 : memref<640x128xf32, #tpu.memory_space<vmem_shared>>) dst(%dma_wait3A_771 : memref<640x128xf32, #tpu.memory_space<hbm>>)
      tpu.yield
    }) : () -> ()
    return
  }
}

module attributes {stable_mosaic.version = 14 : i64} {
  func.func @_mm0_body(%arg0: i32, %arg1: memref<2048x128xf32, #tpu.memory_space<vmem>>, %arg2: memref<128x128xf32, #tpu.memory_space<vmem>>, %arg3: memref<2048x128xf32, #tpu.memory_space<vmem>>) attributes {dimension_semantics = [#tpu.dimension_semantics<arbitrary>], iteration_bounds = array<i64: 5>, scalar_prefetch = 0 : i64, scratch_operands = 0 : i64, tpu.core_type = #tpu.core_type<tc>, window_params = [{transform_indices = @transform_0, window_bounds = array<i64: 2048, 128>}, {pipeline_mode = #tpu.pipeline_mode<synchronous>, transform_indices = @transform_1, window_bounds = array<i64: 128, 128>}, {transform_indices = @transform_2, window_bounds = array<i64: 2048, 128>}]} {
    %get3A = arith.constant 0 : index
    %get3A_0 = arith.constant 0 : index
    %get3A_1 = vector.load %arg1[%get3A, %get3A_0] : memref<2048x128xf32, #tpu.memory_space<vmem>>, vector<2048x128xf32>
    %get3A_2 = arith.constant 0 : index
    %get3A_3 = arith.constant 0 : index
    %get3A_4 = vector.load %arg2[%get3A_2, %get3A_3] : memref<128x128xf32, #tpu.memory_space<vmem>>, vector<128x128xf32>
    %dot_general3A = arith.constant dense<0.000000e+00> : vector<2048x128xf32>
    %dot_general3A_5 = tpu.matmul %get3A_1, %get3A_4, %dot_general3A {dimension_numbers = #tpu.dot_dimension_numbers<[1], [0], [0], [1], [0, 0, 1, 1], [], []>, transpose_lhs_hint = false} : vector<2048x128xf32>, vector<128x128xf32>, vector<2048x128xf32> -> vector<2048x128xf32>
    %swap3A = arith.constant 0 : index
    %swap3A_6 = arith.constant 0 : index
    %swap3A_7 = vector.load %arg3[%swap3A, %swap3A_6] : memref<2048x128xf32, #tpu.memory_space<vmem>>, vector<2048x128xf32>
    tpu.vector_store %arg3[%swap3A, %swap3A_6], %dot_general3A_5 {strides = array<i32>} : memref<2048x128xf32, #tpu.memory_space<vmem>>, vector<2048x128xf32>,
    return
  }
  func.func @transform_0(%arg0: i32) -> (i32, i32) {
    %c0_i32 = arith.constant 0 : i32
    %c0_i32_0 = arith.constant 0 : i32
    return %arg0, %c0_i32 : i32, i32
  }
  func.func @transform_1(%arg0: i32) -> (i32, i32) {
    %c0_i32 = arith.constant 0 : i32
    %c0_i32_0 = arith.constant 0 : i32
    %c0_i32_1 = arith.constant 0 : i32
    return %c0_i32, %c0_i32_0 : i32, i32
  }
  func.func @transform_2(%arg0: i32) -> (i32, i32) {
    %c0_i32 = arith.constant 0 : i32
    %c0_i32_0 = arith.constant 0 : i32
    return %arg0, %c0_i32 : i32, i32
  }
}

module attributes {stable_mosaic.version = 14 : i64} {
  func.func @_scale_body(%arg0: i32, %arg1: memref<32x2048xf32, #tpu.memory_space<vmem>>, %arg2: memref<2048x128xf32, #tpu.memory_space<vmem>>, %arg3: memref<2048x128xf32, #tpu.memory_space<vmem>>, %arg4: memref<2048xf32, #tpu.memory_space<vmem>>) attributes {dimension_semantics = [#tpu.dimension_semantics<arbitrary>], iteration_bounds = array<i64: 5>, scalar_prefetch = 0 : i64, scratch_operands = 0 : i64, tpu.core_type = #tpu.core_type<tc>, window_params = [{transform_indices = @transform_0, window_bounds = array<i64: 32, 2048>}, {transform_indices = @transform_1, window_bounds = array<i64: 2048, 128>}, {transform_indices = @transform_2, window_bounds = array<i64: 2048, 128>}, {transform_indices = @transform_3, window_bounds = array<i64: 2048>}]} {
    %get3A = arith.constant 0 : index
    %get3A_0 = arith.constant 0 : index
    %get3A_1 = vector.load %arg1[%get3A, %get3A_0] : memref<32x2048xf32, #tpu.memory_space<vmem>>, vector<32x2048xf32>
    %reduce_sum3A = arith.constant dense<0.000000e+00> : vector<2048xf32>
    %reduce_sum3A_2 = vector.multi_reduction <add>, %get3A_1, %reduce_sum3A [0] : vector<32x2048xf32> to vector<2048xf32>
    %add3A = arith.constant 1.000000e+00 : f32
    %add3A_3 = vector.broadcast %add3A : f32 to vector<2048xf32>
    %add3A_4 = arith.addf %reduce_sum3A_2, %add3A_3 : vector<2048xf32>
    %rsqrt3A = math.rsqrt %add3A_4 : vector<2048xf32>
    %get3A_5 = arith.constant 0 : index
    %get3A_6 = arith.constant 0 : index
    %get3A_7 = vector.load %arg2[%get3A_5, %get3A_6] : memref<2048x128xf32, #tpu.memory_space<vmem>>, vector<2048x128xf32>
    %broadcast_in_dim3A = vector.shape_cast %rsqrt3A : vector<2048xf32> to vector<2048x1xf32>
    %mul3A = vector.broadcast %broadcast_in_dim3A : vector<2048x1xf32> to vector<2048x128xf32>
    %mul3A_8 = arith.mulf %get3A_7, %mul3A : vector<2048x128xf32>
    %swap3A = arith.constant 0 : index
    %swap3A_9 = arith.constant 0 : index
    %swap3A_10 = vector.load %arg3[%swap3A, %swap3A_9] : memref<2048x128xf32, #tpu.memory_space<vmem>>, vector<2048x128xf32>
    tpu.vector_store %arg3[%swap3A, %swap3A_9], %mul3A_8 {strides = array<i32>} : memref<2048x128xf32, #tpu.memory_space<vmem>>, vector<2048x128xf32>,
    %swap3A_11 = arith.constant 0 : index
    %swap3A_12 = vector.load %arg4[%swap3A_11] : memref<2048xf32, #tpu.memory_space<vmem>>, vector<2048xf32>
    tpu.vector_store %arg4[%swap3A_11], %rsqrt3A {strides = array<i32>} : memref<2048xf32, #tpu.memory_space<vmem>>, vector<2048xf32>,
    return
  }
  func.func @transform_0(%arg0: i32) -> (i32, i32) {
    %c0_i32 = arith.constant 0 : i32
    %c0_i32_0 = arith.constant 0 : i32
    return %c0_i32, %arg0 : i32, i32
  }
  func.func @transform_1(%arg0: i32) -> (i32, i32) {
    %c0_i32 = arith.constant 0 : i32
    %c0_i32_0 = arith.constant 0 : i32
    return %arg0, %c0_i32 : i32, i32
  }
  func.func @transform_2(%arg0: i32) -> (i32, i32) {
    %c0_i32 = arith.constant 0 : i32
    %c0_i32_0 = arith.constant 0 : i32
    return %arg0, %c0_i32 : i32, i32
  }
  func.func @transform_3(%arg0: i32) -> i32 {
    %c0_i32 = arith.constant 0 : i32
    return %arg0 : i32
  }
}

module attributes {stable_mosaic.version = 14 : i64} {
  func.func @_mid_body(%arg0: i32, %arg1: memref<2x2048x128xf32, #tpu.memory_space<vmem>>, %arg2: memref<2048x128xf32, #tpu.memory_space<vmem>>, %arg3: memref<2048xf32, #tpu.memory_space<vmem>>, %arg4: memref<128xf32, #tpu.memory_space<vmem>>, %arg5: memref<128x128xf32, #tpu.memory_space<vmem>>, %arg6: memref<2048x128xf32, #tpu.memory_space<vmem>>) attributes {dimension_semantics = [#tpu.dimension_semantics<arbitrary>], iteration_bounds = array<i64: 5>, scalar_prefetch = 0 : i64, scratch_operands = 0 : i64, tpu.core_type = #tpu.core_type<tc>, window_params = [{transform_indices = @transform_0, window_bounds = array<i64: 2, 2048, 128>}, {transform_indices = @transform_1, window_bounds = array<i64: 2048, 128>}, {transform_indices = @transform_2, window_bounds = array<i64: 2048>}, {pipeline_mode = #tpu.pipeline_mode<synchronous>, transform_indices = @transform_3, window_bounds = array<i64: 128>}, {pipeline_mode = #tpu.pipeline_mode<synchronous>, transform_indices = @transform_4, window_bounds = array<i64: 128, 128>}, {transform_indices = @transform_5, window_bounds = array<i64: 2048, 128>}]} {
    %get3A = arith.constant 0 : index
    %get3A_0 = arith.constant 0 : index
    %get3A_1 = arith.constant 0 : index
    %get3A_2 = vector.load %arg1[%get3A, %get3A_0, %get3A_1] : memref<2x2048x128xf32, #tpu.memory_space<vmem>>, vector<1x2048x128xf32>
    %get3A_3 = vector.shape_cast %get3A_2 : vector<1x2048x128xf32> to vector<2048x128xf32>
    %get3A_4 = arith.constant 1 : index
    %get3A_5 = arith.constant 0 : index
    %get3A_6 = arith.constant 0 : index
    %get3A_7 = vector.load %arg1[%get3A_4, %get3A_5, %get3A_6] : memref<2x2048x128xf32, #tpu.memory_space<vmem>>, vector<1x2048x128xf32>
    %get3A_8 = vector.shape_cast %get3A_7 : vector<1x2048x128xf32> to vector<2048x128xf32>
    %add3A = arith.addf %get3A_3, %get3A_8 : vector<2048x128xf32>
    %get3A_9 = arith.constant 0 : index
    %get3A_10 = arith.constant 0 : index
    %get3A_11 = vector.load %arg2[%get3A_9, %get3A_10] : memref<2048x128xf32, #tpu.memory_space<vmem>>, vector<2048x128xf32>
    %add3A_12 = arith.addf %add3A, %get3A_11 : vector<2048x128xf32>
    %get3A_13 = arith.constant 0 : index
    %get3A_14 = vector.load %arg3[%get3A_13] : memref<2048xf32, #tpu.memory_space<vmem>>, vector<2048xf32>
    %broadcast_in_dim3A = vector.shape_cast %get3A_14 : vector<2048xf32> to vector<2048x1xf32>
    %mul3A = vector.broadcast %broadcast_in_dim3A : vector<2048x1xf32> to vector<2048x128xf32>
    %mul3A_15 = arith.mulf %add3A_12, %mul3A : vector<2048x128xf32>
    %get3A_16 = arith.constant 0 : index
    %get3A_17 = vector.load %arg4[%get3A_16] : memref<128xf32, #tpu.memory_space<vmem>>, vector<128xf32>
    %broadcast_in_dim3A_18 = vector.shape_cast %get3A_17 : vector<128xf32> to vector<1x128xf32>
    %add3A_19 = vector.broadcast %broadcast_in_dim3A_18 : vector<1x128xf32> to vector<2048x128xf32>
    %add3A_20 = arith.addf %mul3A_15, %add3A_19 : vector<2048x128xf32>
    %max3A = arith.constant 0.000000e+00 : f32
    %max3A_21 = vector.broadcast %max3A : f32 to vector<2048x128xf32>
    %max3A_22 = arith.maximumf %add3A_20, %max3A_21 : vector<2048x128xf32>
    %broadcast_in_dim3A_23 = vector.shape_cast %get3A_14 : vector<2048xf32> to vector<2048x1xf32>
    %mul3A_24 = vector.broadcast %broadcast_in_dim3A_23 : vector<2048x1xf32> to vector<2048x128xf32>
    %mul3A_25 = arith.mulf %max3A_22, %mul3A_24 : vector<2048x128xf32>
    %get3A_26 = arith.constant 0 : index
    %get3A_27 = arith.constant 0 : index
    %get3A_28 = vector.load %arg5[%get3A_26, %get3A_27] : memref<128x128xf32, #tpu.memory_space<vmem>>, vector<128x128xf32>
    %dot_general3A = arith.constant dense<0.000000e+00> : vector<2048x128xf32>
    %dot_general3A_29 = tpu.matmul %mul3A_25, %get3A_28, %dot_general3A {dimension_numbers = #tpu.dot_dimension_numbers<[1], [0], [0], [1], [0, 0, 1, 1], [], []>, transpose_lhs_hint = false} : vector<2048x128xf32>, vector<128x128xf32>, vector<2048x128xf32> -> vector<2048x128xf32>
    %swap3A = arith.constant 0 : index
    %swap3A_30 = arith.constant 0 : index
    %swap3A_31 = vector.load %arg6[%swap3A, %swap3A_30] : memref<2048x128xf32, #tpu.memory_space<vmem>>, vector<2048x128xf32>
    tpu.vector_store %arg6[%swap3A, %swap3A_30], %dot_general3A_29 {strides = array<i32>} : memref<2048x128xf32, #tpu.memory_space<vmem>>, vector<2048x128xf32>,
    return
  }
  func.func @transform_0(%arg0: i32) -> (i32, i32, i32) {
    %c0_i32 = arith.constant 0 : i32
    %c0_i32_0 = arith.constant 0 : i32
    %c0_i32_1 = arith.constant 0 : i32
    return %c0_i32, %arg0, %c0_i32_0 : i32, i32, i32
  }
  func.func @transform_1(%arg0: i32) -> (i32, i32) {
    %c0_i32 = arith.constant 0 : i32
    %c0_i32_0 = arith.constant 0 : i32
    return %arg0, %c0_i32 : i32, i32
  }
  func.func @transform_2(%arg0: i32) -> i32 {
    %c0_i32 = arith.constant 0 : i32
    return %arg0 : i32
  }
  func.func @transform_3(%arg0: i32) -> i32 {
    %c0_i32 = arith.constant 0 : i32
    %c0_i32_0 = arith.constant 0 : i32
    return %c0_i32 : i32
  }
  func.func @transform_4(%arg0: i32) -> (i32, i32) {
    %c0_i32 = arith.constant 0 : i32
    %c0_i32_0 = arith.constant 0 : i32
    %c0_i32_1 = arith.constant 0 : i32
    return %c0_i32, %c0_i32_0 : i32, i32
  }
  func.func @transform_5(%arg0: i32) -> (i32, i32) {
    %c0_i32 = arith.constant 0 : i32
    %c0_i32_0 = arith.constant 0 : i32
    return %arg0, %c0_i32 : i32, i32
  }
}

module attributes {stable_mosaic.version = 14 : i64} {
  func.func @_fin_body(%arg0: i32, %arg1: memref<2x2048x128xf32, #tpu.memory_space<vmem>>, %arg2: memref<2048x128xf32, #tpu.memory_space<vmem>>, %arg3: memref<2048xf32, #tpu.memory_space<vmem>>, %arg4: memref<128xf32, #tpu.memory_space<vmem>>, %arg5: memref<128x128xf32, #tpu.memory_space<vmem>>, %arg6: memref<128xf32, #tpu.memory_space<vmem>>, %arg7: memref<2048x128xf32, #tpu.memory_space<vmem>>) attributes {dimension_semantics = [#tpu.dimension_semantics<arbitrary>], iteration_bounds = array<i64: 5>, scalar_prefetch = 0 : i64, scratch_operands = 0 : i64, tpu.core_type = #tpu.core_type<tc>, window_params = [{transform_indices = @transform_0, window_bounds = array<i64: 2, 2048, 128>}, {transform_indices = @transform_1, window_bounds = array<i64: 2048, 128>}, {transform_indices = @transform_2, window_bounds = array<i64: 2048>}, {pipeline_mode = #tpu.pipeline_mode<synchronous>, transform_indices = @transform_3, window_bounds = array<i64: 128>}, {pipeline_mode = #tpu.pipeline_mode<synchronous>, transform_indices = @transform_4, window_bounds = array<i64: 128, 128>}, {pipeline_mode = #tpu.pipeline_mode<synchronous>, transform_indices = @transform_5, window_bounds = array<i64: 128>}, {transform_indices = @transform_6, window_bounds = array<i64: 2048, 128>}]} {
    %get3A = arith.constant 0 : index
    %get3A_0 = arith.constant 0 : index
    %get3A_1 = arith.constant 0 : index
    %get3A_2 = vector.load %arg1[%get3A, %get3A_0, %get3A_1] : memref<2x2048x128xf32, #tpu.memory_space<vmem>>, vector<1x2048x128xf32>
    %get3A_3 = vector.shape_cast %get3A_2 : vector<1x2048x128xf32> to vector<2048x128xf32>
    %get3A_4 = arith.constant 1 : index
    %get3A_5 = arith.constant 0 : index
    %get3A_6 = arith.constant 0 : index
    %get3A_7 = vector.load %arg1[%get3A_4, %get3A_5, %get3A_6] : memref<2x2048x128xf32, #tpu.memory_space<vmem>>, vector<1x2048x128xf32>
    %get3A_8 = vector.shape_cast %get3A_7 : vector<1x2048x128xf32> to vector<2048x128xf32>
    %add3A = arith.addf %get3A_3, %get3A_8 : vector<2048x128xf32>
    %get3A_9 = arith.constant 0 : index
    %get3A_10 = arith.constant 0 : index
    %get3A_11 = vector.load %arg2[%get3A_9, %get3A_10] : memref<2048x128xf32, #tpu.memory_space<vmem>>, vector<2048x128xf32>
    %add3A_12 = arith.addf %add3A, %get3A_11 : vector<2048x128xf32>
    %get3A_13 = arith.constant 0 : index
    %get3A_14 = vector.load %arg3[%get3A_13] : memref<2048xf32, #tpu.memory_space<vmem>>, vector<2048xf32>
    %broadcast_in_dim3A = vector.shape_cast %get3A_14 : vector<2048xf32> to vector<2048x1xf32>
    %mul3A = vector.broadcast %broadcast_in_dim3A : vector<2048x1xf32> to vector<2048x128xf32>
    %mul3A_15 = arith.mulf %add3A_12, %mul3A : vector<2048x128xf32>
    %get3A_16 = arith.constant 0 : index
    %get3A_17 = vector.load %arg4[%get3A_16] : memref<128xf32, #tpu.memory_space<vmem>>, vector<128xf32>
    %broadcast_in_dim3A_18 = vector.shape_cast %get3A_17 : vector<128xf32> to vector<1x128xf32>
    %add3A_19 = vector.broadcast %broadcast_in_dim3A_18 : vector<1x128xf32> to vector<2048x128xf32>
    %add3A_20 = arith.addf %mul3A_15, %add3A_19 : vector<2048x128xf32>
    %max3A = arith.constant 0.000000e+00 : f32
    %max3A_21 = vector.broadcast %max3A : f32 to vector<2048x128xf32>
    %max3A_22 = arith.maximumf %add3A_20, %max3A_21 : vector<2048x128xf32>
    %get3A_23 = arith.constant 0 : index
    %get3A_24 = arith.constant 0 : index
    %get3A_25 = vector.load %arg5[%get3A_23, %get3A_24] : memref<128x128xf32, #tpu.memory_space<vmem>>, vector<128x128xf32>
    %dot_general3A = arith.constant dense<0.000000e+00> : vector<2048x128xf32>
    %dot_general3A_26 = tpu.matmul %max3A_22, %get3A_25, %dot_general3A {dimension_numbers = #tpu.dot_dimension_numbers<[1], [0], [0], [1], [0, 0, 1, 1], [], []>, transpose_lhs_hint = false} : vector<2048x128xf32>, vector<128x128xf32>, vector<2048x128xf32> -> vector<2048x128xf32>
    %get3A_27 = arith.constant 0 : index
    %get3A_28 = vector.load %arg6[%get3A_27] : memref<128xf32, #tpu.memory_space<vmem>>, vector<128xf32>
    %broadcast_in_dim3A_29 = vector.shape_cast %get3A_28 : vector<128xf32> to vector<1x128xf32>
    %add3A_30 = vector.broadcast %broadcast_in_dim3A_29 : vector<1x128xf32> to vector<2048x128xf32>
    %add3A_31 = arith.addf %dot_general3A_26, %add3A_30 : vector<2048x128xf32>
    %swap3A = arith.constant 0 : index
    %swap3A_32 = arith.constant 0 : index
    %swap3A_33 = vector.load %arg7[%swap3A, %swap3A_32] : memref<2048x128xf32, #tpu.memory_space<vmem>>, vector<2048x128xf32>
    tpu.vector_store %arg7[%swap3A, %swap3A_32], %add3A_31 {strides = array<i32>} : memref<2048x128xf32, #tpu.memory_space<vmem>>, vector<2048x128xf32>,
    return
  }
  func.func @transform_0(%arg0: i32) -> (i32, i32, i32) {
    %c0_i32 = arith.constant 0 : i32
    %c0_i32_0 = arith.constant 0 : i32
    %c0_i32_1 = arith.constant 0 : i32
    return %c0_i32, %arg0, %c0_i32_0 : i32, i32, i32
  }
  func.func @transform_1(%arg0: i32) -> (i32, i32) {
    %c0_i32 = arith.constant 0 : i32
    %c0_i32_0 = arith.constant 0 : i32
    return %arg0, %c0_i32 : i32, i32
  }
  func.func @transform_2(%arg0: i32) -> i32 {
    %c0_i32 = arith.constant 0 : i32
    return %arg0 : i32
  }
  func.func @transform_3(%arg0: i32) -> i32 {
    %c0_i32 = arith.constant 0 : i32
    %c0_i32_0 = arith.constant 0 : i32
    return %c0_i32 : i32
  }
  func.func @transform_4(%arg0: i32) -> (i32, i32) {
    %c0_i32 = arith.constant 0 : i32
    %c0_i32_0 = arith.constant 0 : i32
    %c0_i32_1 = arith.constant 0 : i32
    return %c0_i32, %c0_i32_0 : i32, i32
  }
  func.func @transform_5(%arg0: i32) -> i32 {
    %c0_i32 = arith.constant 0 : i32
    %c0_i32_0 = arith.constant 0 : i32
    return %c0_i32 : i32
  }
  func.func @transform_6(%arg0: i32) -> (i32, i32) {
    %c0_i32 = arith.constant 0 : i32
    %c0_i32_0 = arith.constant 0 : i32
    return %arg0, %c0_i32 : i32, i32
  }
}

</mosaic_0001>

<sc_bundles>
// kernel: kernel.12.cloned.1.call-start
scs
__scs_entry_jumppad:
0x0: {  	(pc) =	sbr.rel $0x88, $3  }
0x1: {  	(tag) =	ssettag $0x0;
	lr =	simm.s32 $0x1  }
0x2: {  	[smem:$0x3F99] =	sst lr;
	_ =	strace $0xD0000000  }
0x3: {  	_ = 	snop  }
0x4: {  	_ = 	snop  }
0x5: {  	_ = 	snop  }
0x6: {  	_ = 	snop  }
0x7: {  	_ = 	snop  }
__scs_overlays_trampoline_lowered:
0x8: {  	[smem:$0x3FA8] =	sst s0  }
0x9: {  	[smem:$0x3FA9] =	sst s1  }
0xa: {  	[smem:$0x3FAA] =	sst s2  }
0xb: {  	[smem:$0x3FAB] =	sst s3  }
0xc: {  	[smem:$0x3FAC] =	sst s4  }
0xd: {  	[smem:$0x3FAD] =	sst s5  }
0xe: {  	[smem:$0x3FAE] =	sst s6  }
0xf: {  	[smem:$0x3FAF] =	sst s7  }
0x10: {  	[smem:$0x3FB0] =	sst s8  }
0x11: {  	[smem:$0x3FB1] =	sst s9;
	s0 =	simm.s32 @!p0 $0x0  }
0x12: {  	s1 =	sld [smem:$0x3F97];
	s0 =	simm.s32 @p0 $0x1  }
0x13: {  	[smem:$0x3FB2] =	sst s0;
	s0 =	simm.s32 @!p1 $0x0  }
0x14: {  	s2 =	sld [smem:$0x3F96];
	s0 =	simm.s32 @p1 $0x1  }
0x15: {  	[smem:$0x3FB3] =	sst s0;
	s0 =	simm.s32 @!p2 $0x0  }
0x16: {  	s3 =	sld [smem:$0x3FDB];
	s0 =	simm.s32 @p2 $0x1  }
0x17: {  	s4 =	simm.s32 $0x1BF5;
	[smem:$0x3FB5] =	sst s0  }
0x18: {  	s0 =	sld [smem:$0x3F98];
	_ =	swait.ge [sflag:s4], $0x0  }
0x19: {  	s7 =	sld [smem:$0x3F99]  }
0x1a: {  	s8 =	sadd.s32 $0xFFFFE003, lr  }
0x1b: {  	s9 =	sadd.s32 $0xFFFFFEF7, lr;
	s5 =	simm.s32 $0xFFFFFFFF;
	p2 =	slt.u32 s8, $0xFFFFF086  }
0x1c: {  	p1 =	slt.u32 s9, $0xF7A;
	s5 =	simm.s32 @!p2 $0x0  }
0x1d: {  	s5 =	simm.s32 @p1 $0x1;
	p0 =	seq.s32 s7, s2  }
0x1e: {  	s7 =	smul.u32 @!p0 $0xF7A, s2;
	p2 =	seq.s32 @!p0 s5, $0x0  }
0x1f: {  	s9 =	smul.u32 $0xF7A, s1;
	s8 =	simm.s32 @!p0 $0x1BF5;
	p2 =	por !p2, p0  }
0x20: {  	[sflag:s8] =	ssyncset.s32 @!p0 $0xFFFFF086;
	s6 =	sadd.s32 @!p0 s3, s7;
	s7 =	simm.s32 @!p0 $0x108  }
0x21: {  	s3 =	sadd.s32 s3, s9;
	s6 =	sadd.s32 @!p0 $0x88, s6;
	s7 =	simm.s32 @p2 $0x1082  }
0x22: {  	[simem:s7], [sflag:s8] =	dma.local @!p0 [hbm:s6], $0xF7A  }
0x23: {  	s9 =	sor.u32 $0xD0000000, s2;
	s6 =	simm.s32 $0x108;
	_ =	swait.ge @!p0 [sflag:s8], $0x0  }
0x24: {  	s3 =	sadd.s32 $0x88, s3;
	s6 =	simm.s32 @!p1 $0x1082;
	[sflag:s4] =	ssyncset.s32 $0xFFFFF086  }
0x25: {  	[simem:s6], [sflag:s4] =	dma.local [hbm:s3], $0xF7A  }
0x26: {  	[smem:$0x3F99] =	sst s1;
	(tag) =	ssettag s2;
	_ =	strace s9  }
0x27: {  	s1 =	sld [smem:$0x3FA9]  }
0x28: {  	s2 =	sld [smem:$0x3FAA]  }
0x29: {  	s4 =	sld [smem:$0x3FAC]  }
0x2a: {  	p0 =	seq.s32 s5, $0x0;
	s5 =	sld [smem:$0x3FAD]  }
0x2b: {  	s6 =	sld [smem:$0x3FAE]  }
0x2c: {  	s7 =	sld [smem:$0x3FAF]  }
0x2d: {  	s3 =	simm.s32 $0x108;
	s8 =	sld [smem:$0x3FB0]  }
0x2e: {  	s3 =	simm.s32 @!p0 $0x1082;
	s9 =	sld [smem:$0x3FB1]  }
0x2f: {  	lr =	sadd.s32 s0, s3;
	s0 =	sld [smem:$0x3FA8]  }
0x30: {  	s3 =	sld [smem:$0x3FAB]  }
0x31: {  	[smem:$0x3FB4] =	sst s10  }
0x32: {  	s10 =	sld [smem:$0x3FB2];
	_ =	sdelay $0x3  }
0x33: {  	p0 =	seq.s32 s10, $0x1;
	s10 =	sld [smem:$0x3FB4];
	_ =	sdelay $0x3  }
0x34: {  	[smem:$0x3FB4] =	sst s10  }
0x35: {  	s10 =	sld [smem:$0x3FB3];
	_ =	sdelay $0x3  }
0x36: {  	p1 =	seq.s32 s10, $0x1;
	s10 =	sld [smem:$0x3FB4];
	_ =	sdelay $0x3  }
0x37: {  	[smem:$0x3FB4] =	sst s10  }
0x38: {  	s10 =	sld [smem:$0x3FB5]  }
0x39: {  	_ = 	snop;
	(pc) =	sbr.ind lr, $3  }
0x3a: {  	_ = 	snop  }
0x3b: {  	_ = 	snop  }
0x3c: {  	p2 =	seq.s32 s10, $0x1;
	s10 =	sld [smem:$0x3FB4]  }
0x3d: {  	_ =	shalt  }
0x3e: {  	_ =	shalt  }
0x3f: {  	_ =	shalt  }
0x40: {  	_ =	shalt  }
0x41: {  	_ =	shalt  }
0x42: {  	_ =	shalt  }
0x43: {  	_ =	shalt  }
0x44: {  	_ =	shalt  }
0x45: {  	_ =	shalt  }
0x46: {  	_ =	shalt  }
0x47: {  	_ =	shalt  }
0x48: {  	_ =	shalt  }
0x49: {  	_ =	shalt  }
0x4a: {  	_ =	shalt  }
0x4b: {  	_ =	shalt  }
0x4c: {  	_ =	shalt  }
0x4d: {  	_ =	shalt  }
0x4e: {  	_ =	shalt  }
0x4f: {  	_ =	shalt  }
0x50: {  	_ =	shalt  }
0x51: {  	_ =	shalt  }
0x52: {  	_ =	shalt  }
0x53: {  	_ =	shalt  }
0x54: {  	_ =	shalt  }
0x55: {  	_ =	shalt  }
0x56: {  	_ =	shalt  }
0x57: {  	_ =	shalt  }
0x58: {  	_ =	shalt  }
0x59: {  	_ =	shalt  }
0x5a: {  	_ =	shalt  }
0x5b: {  	_ =	shalt  }
0x5c: {  	_ =	shalt  }
0x5d: {  	_ =	shalt  }
0x5e: {  	_ =	shalt  }
0x5f: {  	_ =	shalt  }
0x60: {  	_ =	shalt  }
0x61: {  	_ =	shalt  }
0x62: {  	_ =	shalt  }
0x63: {  	_ =	shalt  }
0x64: {  	_ =	shalt  }
0x65: {  	_ =	shalt  }
0x66: {  	_ =	shalt  }
0x67: {  	_ =	shalt  }
0x68: {  	_ =	shalt  }
0x69: {  	_ =	shalt  }
0x6a: {  	_ =	shalt  }
0x6b: {  	_ =	shalt  }
0x6c: {  	_ =	shalt  }
0x6d: {  	_ =	shalt  }
0x6e: {  	_ =	shalt  }
0x6f: {  	_ =	shalt  }
0x70: {  	_ =	shalt  }
0x71: {  	_ =	shalt  }
0x72: {  	_ =	shalt  }
0x73: {  	_ =	shalt  }
0x74: {  	_ =	shalt  }
0x75: {  	_ =	shalt  }
0x76: {  	_ =	shalt  }
0x77: {  	_ =	shalt  }
0x78: {  	_ =	shalt  }
0x79: {  	_ =	shalt  }
0x7a: {  	_ =	shalt  }
0x7b: {  	_ =	shalt  }
0x7c: {  	_ =	shalt  }
0x7d: {  	_ =	shalt  }
0x7e: {  	_ =	shalt  }
0x7f: {  	_ =	shalt  }
0x80: {  	_ =	shalt  }
0x81: {  	_ =	shalt  }
0x82: {  	_ =	shalt  }
0x83: {  	_ =	shalt  }
0x84: {  	_ =	shalt  }
0x85: {  	_ =	shalt  }
0x86: {  	_ =	shalt  }
0x87: {  	_ =	shalt  }
.Lfunc_end0:
.L_simem_size_0:
called_computation.1_lowered:
.L_overlay_start_0:
0x88: {  	s2 =	sld [smem:$0x3FD9]  }
0x89: {  	s3 =	sld [smem:$0x3FFE];
	_ =	sdelay $0x1  }
0x8a: {  	s1 =	srdreg.scid  }
0x8b: {  	s0 =	sand.u32 $0x1, s1  }
0x8c: {  	s17 =	sshll.u32 s0, $0xA;
	s2 =	sadd.s32 s3, s2  }
0x8d: {  	s2 =	sadd.s32 s2, s17  }
0x8e: {  	[smem:$0x3FC0] =	sst s2  }
0x8f: {  	_ = 	snop  }
0x90: {  	s2 =	sld [smem:$0x3FD0];
	(tm) =	ssettm $0x1  }
0x91: {  	s18 =	sld [smem:$0x3FFB];
	_ =	sdelay $0x3  }
0x92: {  	_ =	strace s18  }
0x93: {  	s3 =	sld [smem:$0x3FFC];
	_ =	sdelay $0x3  }
0x94: {  	_ =	strace s3  }
0x95: {  	s3 =	sld [smem:$0x3FFD];
	_ =	sdelay $0x3  }
0x96: {  	_ =	strace s3  }
0x97: {  	_ =	strace $0x8FFFFFFF  }
0x98: {  	s19 =	sld [smem:$0x3FDB];
	_ =	sdelay $0x1  }
0x99: {  	s4 =	simm.s32 $_scs_section_size  }
0x9a: {  	s5 =	simm.s32 $_size__tile_overlayer_lowered;
	s6 =	simm.s32 $_tile_overlayer_lowered  }
0x9b: {  	s22 =	simm.s32 $0x1BFF;
	s21 =	sshll.u32 s6, $0x1;
	s3 =	sadd.s32 s4, s19  }
0x9c: {  	s7 =	simm.s32 $0x0;
	s20 =	sshll.u32 s5, $0x1;
	s5 =	sadd.s32 s21, s3  }
0x9d: {  	[timem:s7], [sflag:s22] =	dma.local [hbm:s5], s20  }
0x9e: {  	_ =	swait.ge [sflag:s22], s20  }
0x9f: {  	s4 =	ssub.s32 $0x0, s20;
	[sflag:s22] =	ssyncset.done $0x0  }
0xa0: {  	[sflag:s22] =	ssyncadd.s32 s4;
	_ =	sdelay $0x1  }
0xa1: {  	s23 =	simm.s32 $0x1B8B  }
0xa2: {  	_ =	swait.ge [sflag:s23], $0x1  }
0xa3: {  	[sflag:s23] =	ssyncset.done $0x0  }
0xa4: {  	s25 =	simm.s32 $0x1B8E;
	s24 =	sld [smem:$0x3FFE];
	[sflag:s23] =	ssyncadd.s32 $0xFFFFFFFF  }
0xa5: {  	s26 =	simm.s32 $execute0_lowered;
	[smem:$0x3FD2] =	sst s25  }
0xa6: {  	s5 =	sshll.u32 s26, $0x1;
	_ =	strace $0x80000049;
	[dreg:$0x1] =	wrdreg $0xFFFFFFFF  }
0xa7: {  	s28 =	simm.s32 $_size_execute0_lowered;
	s3 =	sadd.s32 s3, s5;
	[dreg:$0x0] =	wrdreg $0x0  }
0xa8: {  	s5 =	sshll.u32 s28, $0x1;
	[dreg:$0x2] =	wrdreg s3  }
0xa9: {  	[dreg:$0x3] =	wrdreg s5  }
0xaa: {  	[dreg:$0x4] =	wrdreg $0xC0  }
0xab: {  	_ =	task [dreg:s7], $0x5FFFF  }
0xac: {  	[dreg:$0x1] =	wrdreg $0xFFFFFFFF  }
0xad: {  	[dreg:$0x0] =	wrdreg $0x60  }
0xae: {  	[dreg:$0x2] =	wrdreg s24  }
0xaf: {  	[dreg:$0x3] =	wrdreg s2  }
0xb0: {  	[dreg:$0x4] =	wrdreg $0xC0000  }
0xb1: {  	[dreg:$0x5] =	wrdreg $0x9  }
0xb2: {  	_ =	task.clear_ibuf [dreg:s7], $0x6FFFF;
	_ =	strace $0x90000049  }
0xb3: {  	s29 =	simm.s32 $0x9;
	_ =	strace $0x8000004B  }
0xb4: {  	_ =	swait.ge [sflag:s29], $0x1  }
0xb5: {  	[sflag:s29] =	ssyncadd.s32 $0xFFFFFFFF  }
0xb6: {  	_ =	strace $0x9000004B  }
0xb7: {  	_ =	sfence  }
0xb8: {  	s30 =	sld [smem:$0x0];
	_ =	sdelay $0x2  }
0xb9: {  	s31 =	sshll.u32 s1, $0xD;
	s1 =	sshrl.u32 s1, $0x2  }
0xba: {  	s3 =	sand.u32 $0x4000, s31;
	s1 =	sadd.s32 s1, s30  }
0xbb: {  	s0 =	sor.u32 s3, s0;
	s1 =	sshll.u32 s1, $0x11  }
0xbc: {  	s0 =	sor.u32 s1, s0  }
0xbd: {  	s0 =	sadd.s32 $0x8F2B, s0  }
0xbe: {  	[sflag:s0] =	ssyncadd.remote.s32 $0x1  }
0xbf: {  	_ =	sfence.sel $0xFFFF  }
0xc0: {  	[dreg:$0x0] =	wrdreg $0xFFFFFFFF;
	(pc) =	sbr.abs _section_cstart, $3  }
0xc1: {  	[dreg:$0x1] =	wrdreg $0xFFFFFFFF  }
0xc2: {  	_ =	task.clear_ibuf [dreg:s7], $0x2FFFF;
	_ =	strace $0x9FFFFFFF  }
0xc3: {  	(tm) =	ssettm $0x7FFFFFFF  }
tec
execute0_lowered:
.L_overlay_start_1:
0x0: {  	(tag) =	ssettag $0x1  }
0x1: {  	s0 =	rddreg [dreg:$0x0]  }
0x2: {  	s1 =	rddreg [dreg:$0x1];
	s3 =	srdreg.scid  }
0x3: {  	s2 =	rddreg [dreg:$0x2];
	s13 =	stileid.u32;
	s5 =	sand.u32 $0x1, s3  }
0x4: {  	s3 =	simm.s32 $0x0;
	s7 =	smul.u32 $0x14000, s13;
	s4 =	sadd.s32 $0x3000, s0  }
0x5: {  	s22 =	sadd.s32 $0x2B000, s0;
	s23 =	sshll.u32 s13, $0x1;
	s11 =	smul.u32 $0x50000, s13  }
0x6: {  	p0 =	slt.u32 s13, $0x8;
	s6 =	smul.u32 $0x140000, s5;
	[smem:$0x7FF] =	sst s3  }
0x7: {  	s29 =	sshll.u32 s13, $0x6;
	s24 =	sor.u32 s5, s23;
	_ =	strace $0x8000004A  }
0x8: {  	[dreg:$0x4] =	wrdreg s22;
	s9 =	smul.u32 $0x138, s24;
	s6 =	sadd.s32 s7, s6  }
0x9: {  	s10 =	smin.u32 s24, $0x10;
	s28 =	sshrl.u32 s11, $0x2;
	s6 =	sshrl.u32 s6, $0x3  }
0xa: {  	s26 =	sadd.s32 s10, s9;
	s9 =	sadd.s32 s28, s2;
	s0 =	sadd.s32 s6, s0  }
0xb: {  	s12 =	sshll.u32 s26, $0x2;
	[dreg:$0x5] =	wrdreg s9;
	s0 =	sadd.s32 $0x2D800, s0  }
0xc: {  	s15 =	smul.u32 $0x9C0, s13;
	s9 =	sadd.s32 s1, s12;
	[dreg:$0x13] =	wrdreg s0  }
0xd: {  	s8 =	ssub.s32 $0x2, s5;
	s12 =	sadd.s32 $0x9C40, s9;
	[dreg:$0x6] =	wrdreg s9  }
0xe: {  	s20 =	smul.u32 $0x2700, s5;
	s14 =	sadd.s32 $0x4, s9;
	[dreg:$0x7] =	wrdreg s12  }
0xf: {  	s5 =	smul.u32 $0x4E0, s5;
	s16 =	sadd.s32 $0x8, s9;
	[dreg:$0x8] =	wrdreg s14  }
0x10: {  	s25 =	sshrl.u32 s8, $0x1;
	s18 =	sadd.s32 $0x9C48, s9;
	[dreg:$0xa] =	wrdreg s16  }
0x11: {  	s11 =	sadd.s32 s15, s1;
	s19 =	sadd.s32 $0xC, s9;
	[dreg:$0xb] =	wrdreg s18  }
0x12: {  	s7 =	ssub.s32 s8, s25;
	s21 =	sadd.s32 $0x10, s9;
	[dreg:$0xc] =	wrdreg s19  }
0x13: {  	s8 =	sor.u32 $0x1C04, s29;
	s23 =	sadd.s32 $0x9C50, s9;
	[dreg:$0xe] =	wrdreg s21  }
0x14: {  	s22 =	sshll.u32 s10, $0x5;
	s25 =	sadd.s32 $0x14, s9;
	[dreg:$0xf] =	wrdreg s23  }
0x15: {  	s5 =	sadd.s32 s5, s11;
	s26 =	sadd.s32 $0x9C54, s9;
	[dreg:$0x10] =	wrdreg s25  }
0x16: {  	s10 =	sshll.u32 s10, $0x2;
	s29 =	sadd.s32 $0x18, s9;
	[dreg:$0x11] =	wrdreg s26  }
0x17: {  	s5 =	sadd.s32 s10, s5;
	s10 =	sadd.s32 $0x9C5C, s9;
	[dreg:$0x12] =	wrdreg s29  }
0x18: {  	s17 =	smul.u32 $0x4E00, s13;
	s13 =	sadd.s32 $0x24, s9;
	[dreg:$0x17] =	wrdreg s10  }
0x19: {  	s15 =	sadd.s32 $0x28, s9;
	[dreg:$0x1a] =	wrdreg s13  }
0x1a: {  	s12 =	sadd.s32 $0x9C44, s9;
	[dreg:$0x1c] =	wrdreg s15  }
0x1b: {  	s14 =	sadd.s32 $0x9C4C, s9;
	[dreg:$0x9] =	wrdreg s12  }
0x1c: {  	s18 =	sadd.s32 $0x40, s5;
	s5 =	sadd.s32 $0x9C58, s9;
	[dreg:$0xd] =	wrdreg s14  }
0x1d: {  	s16 =	sadd.s32 $0x9C68, s9;
	[dreg:$0x15] =	wrdreg s5  }
0x1e: {  	s21 =	sadd.s32 $0x30, s9;
	[dreg:$0x1d] =	wrdreg s16  }
0x1f: {  	s23 =	sadd.s32 $0x34, s9;
	[smem:$0x7F6] =	sst s21  }
0x20: {  	s25 =	sadd.s32 $0x38, s9;
	[smem:$0x7F8] =	sst s23  }
0x21: {  	s26 =	sadd.s32 $0x9C78, s9;
	[smem:$0x7FA] =	sst s25  }
0x22: {  	s30 =	simm.s32 $0x1;
	s29 =	sadd.s32 $0x9C7C, s9;
	[smem:$0x7FB] =	sst s26  }
0x23: {  	s31 =	simm.s32 $0x20;
	s14 =	sadd.s32 $0x9C64, s9;
	[smem:$0x7FD] =	sst s29  }
0x24: {  	s12 =	sadd.s32 s20, s17;
	s17 =	sadd.s32 $0x2C, s9;
	[dreg:$0x1b] =	wrdreg s14  }
0x25: {  	s6 =	simm.s32 $0x139;
	s20 =	sadd.s32 $0x9C6C, s9;
	[dreg:$0x1e] =	wrdreg s17  }
0x26: {  	s24 =	sadd.s32 s22, s12;
	s12 =	sadd.s32 $0x9C60, s9;
	[dreg:$0x1f] =	wrdreg s20  }
0x27: {  	s6 =	simm.s32 @!p0 $0x138;
	s22 =	sadd.s32 $0x9C70, s9;
	[dreg:$0x19] =	wrdreg s12  }
0x28: {  	s11 =	sadd.s32 $0x4E400, s24;
	[smem:$0x7F7] =	sst s22;
	s24 =	sadd.s32 $0x9C74, s9  }
0x29: {  	s28 =	sshrl.u32 s11, $0x3;
	s11 =	sadd.s32 $0x20, s9;
	[smem:$0x7F9] =	sst s24  }
0x2a: {  	s19 =	sadd.s32 s28, s1;
	s1 =	smax.u32 s7, $0x1;
	[dreg:$0x18] =	wrdreg s11  }
0x2b: {  	s0 =	simm.s32 $0x2;
	s7 =	sadd.s32 $0x1C, s9;
	[dreg:$0x14] =	wrdreg s1  }
0x2c: {  	s5 =	simm.s32 $0x0;
	s28 =	sadd.s32 $0x3C, s9;
	[dreg:$0x16] =	wrdreg s7  }
0x2d: {  	s20 =	simm.s32 $0x4;
	[smem:$0x7FC] =	sst s28;
	s1 =	simm.s32 $0x3  }
.LBB2_1:
0x2e: {  	s7 =	rddreg [dreg:$0x5]  }
0x2f: {  	s9 =	rddreg [dreg:$0x4];
	s7 =	sshrl.u32 s7, $0x3  }
0x30: {  	[spmem:s7], [sflag:s8] =	dma.local [hbm:s9], $0x2800  }
0x31: {  	_ =	swait.ge [sflag:s20], $0x2800  }
0x32: {  	[sflag:s20] =	ssyncset.done $0x0  }
0x33: {  	[sflag:s20] =	ssyncadd.s32 $0xFFFFD800  }
0x34: {  	[bflag:$0x0] =	sbarrier.arrive $0xFFFF  }
0x35: {  	s15 =	rddreg [dreg:$0x6]  }
0x36: {  	s16 =	rddreg [dreg:$0x7]  }
0x37: {  	[tilespmem:s3], [sflag:$0x1] =	stream.linear.gather [hbm4b:s15+s3], $0x20, $0x38;
	v63 =	vld [tilespmem:$0x0]  }
0x38: {  	s10 =	simm.s32 $0x80;
	s17 =	rddreg [dreg:$0x8]  }
0x39: {  	[tilespmem:s10], [sflag:$0x1] =	stream.linear.gather [hbm4b:s16+s3], $0x20, $0x38;
	v63 =	vld [tilespmem:$0x0]  }
0x3a: {  	s12 =	simm.s32 $0x100;
	s21 =	rddreg [dreg:$0x9]  }
0x3b: {  	[tilespmem:s12], [sflag:$0x1] =	stream.linear.gather [hbm4b:s17+s3], $0x20, $0x38;
	v63 =	vld [tilespmem:$0x0]  }
0x3c: {  	s22 =	simm.s32 $0x180;
	s23 =	rddreg [dreg:$0xa]  }
0x3d: {  	[tilespmem:s22], [sflag:$0x1] =	stream.linear.gather [hbm4b:s21+s3], $0x20, $0x38;
	v63 =	vld [tilespmem:$0x0]  }
0x3e: {  	s13 =	simm.s32 $0x200;
	s24 =	rddreg [dreg:$0xb]  }
0x3f: {  	[tilespmem:s13], [sflag:$0x1] =	stream.linear.gather [hbm4b:s23+s3], $0x20, $0x38;
	v63 =	vld [tilespmem:$0x0]  }
0x40: {  	s25 =	simm.s32 $0x280;
	s26 =	rddreg [dreg:$0xc]  }
0x41: {  	[tilespmem:s25], [sflag:$0x1] =	stream.linear.gather [hbm4b:s24+s3], $0x20, $0x38;
	v63 =	vld [tilespmem:$0x0]  }
0x42: {  	s14 =	simm.s32 $0x300;
	s28 =	rddreg [dreg:$0xd]  }
0x43: {  	[tilespmem:s14], [sflag:$0x1] =	stream.linear.gather [hbm4b:s26+s3], $0x20, $0x38;
	v63 =	vld [tilespmem:$0x0]  }
0x44: {  	s29 =	simm.s32 $0x380;
	s11 =	rddreg [dreg:$0xe]  }
0x45: {  	[tilespmem:s29], [sflag:$0x1] =	stream.linear.gather [hbm4b:s28+s3], $0x20, $0x38;
	v63 =	vld [tilespmem:$0x0]  }
0x46: {  	s15 =	simm.s32 $0x400;
	s16 =	rddreg [dreg:$0xf]  }
0x47: {  	[tilespmem:s15], [sflag:$0x1] =	stream.linear.gather [hbm4b:s11+s3], $0x20, $0x38;
	v63 =	vld [tilespmem:$0x0]  }
0x48: {  	s17 =	simm.s32 $0x480;
	s21 =	rddreg [dreg:$0x10]  }
0x49: {  	[tilespmem:s17], [sflag:$0x1] =	stream.linear.gather [hbm4b:s16+s3], $0x20, $0x38;
	v63 =	vld [tilespmem:$0x0]  }
0x4a: {  	s22 =	rddreg [dreg:$0x11];
	s16 =	simm.s32 $0x500  }
0x4b: {  	[tilespmem:s16], [sflag:$0x1] =	stream.linear.gather [hbm4b:s21+s3], $0x20, $0x38;
	v63 =	vld [tilespmem:$0x0]  }
0x4c: {  	s23 =	simm.s32 $0x580;
	s24 =	rddreg [dreg:$0x12]  }
0x4d: {  	[tilespmem:s23], [sflag:$0x1] =	stream.linear.gather [hbm4b:s22+s3], $0x20, $0x38;
	v63 =	vld [tilespmem:$0x0]  }
0x4e: {  	s25 =	rddreg [dreg:$0x15];
	s17 =	simm.s32 $0x600  }
0x4f: {  	[tilespmem:s17], [sflag:$0x1] =	stream.linear.gather [hbm4b:s24+s3], $0x20, $0x38;
	v63 =	vld [tilespmem:$0x0]  }
0x50: {  	s26 =	simm.s32 $0x680;
	s28 =	rddreg [dreg:$0x16]  }
0x51: {  	[tilespmem:s26], [sflag:$0x1] =	stream.linear.gather [hbm4b:s25+s3], $0x20, $0x38;
	v63 =	vld [tilespmem:$0x0]  }
0x52: {  	s10 =	simm.s32 $0x700;
	s29 =	rddreg [dreg:$0x17]  }
0x53: {  	[tilespmem:s10], [sflag:$0x1] =	stream.linear.gather [hbm4b:s28+s3], $0x20, $0x38;
	v63 =	vld [tilespmem:$0x0]  }
0x54: {  	s11 =	simm.s32 $0x780;
	s21 =	rddreg [dreg:$0x18]  }
0x55: {  	[tilespmem:s11], [sflag:$0x1] =	stream.linear.gather [hbm4b:s29+s3], $0x20, $0x38;
	v63 =	vld [tilespmem:$0x0]  }
0x56: {  	s22 =	simm.s32 $0x800;
	s23 =	rddreg [dreg:$0x19]  }
0x57: {  	[tilespmem:s22], [sflag:$0x1] =	stream.linear.gather [hbm4b:s21+s3], $0x20, $0x38;
	v63 =	vld [tilespmem:$0x0]  }
0x58: {  	s24 =	simm.s32 $0x880;
	s25 =	rddreg [dreg:$0x1a]  }
0x59: {  	[tilespmem:s24], [sflag:$0x1] =	stream.linear.gather [hbm4b:s23+s3], $0x20, $0x38;
	v63 =	vld [tilespmem:$0x0]  }
0x5a: {  	s26 =	simm.s32 $0x900;
	s28 =	rddreg [dreg:$0x1b]  }
0x5b: {  	[tilespmem:s26], [sflag:$0x1] =	stream.linear.gather [hbm4b:s25+s3], $0x20, $0x38;
	v63 =	vld [tilespmem:$0x0]  }
0x5c: {  	s29 =	simm.s32 $0x980;
	s21 =	rddreg [dreg:$0x1c]  }
0x5d: {  	[tilespmem:s29], [sflag:$0x1] =	stream.linear.gather [hbm4b:s28+s3], $0x20, $0x38;
	v63 =	vld [tilespmem:$0x0]  }
0x5e: {  	s22 =	simm.s32 $0xA00;
	s23 =	rddreg [dreg:$0x1d]  }
0x5f: {  	[tilespmem:s22], [sflag:$0x1] =	stream.linear.gather [hbm4b:s21+s3], $0x20, $0x38;
	v63 =	vld [tilespmem:$0x0]  }
0x60: {  	s24 =	simm.s32 $0xA80;
	s25 =	rddreg [dreg:$0x1e]  }
0x61: {  	[tilespmem:s24], [sflag:$0x1] =	stream.linear.gather [hbm4b:s23+s3], $0x20, $0x38;
	v63 =	vld [tilespmem:$0x0]  }
0x62: {  	s26 =	simm.s32 $0xB00;
	s28 =	rddreg [dreg:$0x1f]  }
0x63: {  	[tilespmem:s26], [sflag:$0x1] =	stream.linear.gather [hbm4b:s25+s3], $0x20, $0x38;
	v63 =	vld [tilespmem:$0x0]  }
0x64: {  	s29 =	simm.s32 $0xB80;
	s21 =	sld [smem:$0x7F6]  }
0x65: {  	[tilespmem:s29], [sflag:$0x1] =	stream.linear.gather [hbm4b:s28+s3], $0x20, $0x38;
	v63 =	vld [tilespmem:$0x0]  }
0x66: {  	s22 =	simm.s32 $0xC00;
	s23 =	sld [smem:$0x7F7]  }
0x67: {  	[tilespmem:s22], [sflag:$0x1] =	stream.linear.gather [hbm4b:s21+s3], $0x20, $0x38;
	v63 =	vld [tilespmem:$0x0]  }
0x68: {  	s24 =	simm.s32 $0xC80;
	s25 =	sld [smem:$0x7F8]  }
0x69: {  	[tilespmem:s24], [sflag:$0x1] =	stream.linear.gather [hbm4b:s23+s3], $0x20, $0x38;
	v63 =	vld [tilespmem:$0x0]  }
0x6a: {  	s26 =	simm.s32 $0xD00;
	s28 =	sld [smem:$0x7F9]  }
0x6b: {  	[tilespmem:s26], [sflag:$0x1] =	stream.linear.gather [hbm4b:s25+s3], $0x20, $0x38;
	v63 =	vld [tilespmem:$0x0]  }
0x6c: {  	s29 =	simm.s32 $0xD80;
	s21 =	sld [smem:$0x7FA]  }
0x6d: {  	[tilespmem:s29], [sflag:$0x1] =	stream.linear.gather [hbm4b:s28+s3], $0x20, $0x38;
	v63 =	vld [tilespmem:$0x0]  }
0x6e: {  	s22 =	simm.s32 $0xE00;
	s23 =	sld [smem:$0x7FB]  }
0x6f: {  	[tilespmem:s22], [sflag:$0x1] =	stream.linear.gather [hbm4b:s21+s3], $0x20, $0x38;
	v63 =	vld [tilespmem:$0x0]  }
0x70: {  	s24 =	simm.s32 $0xE80;
	s25 =	sld [smem:$0x7FC]  }
0x71: {  	[tilespmem:s24], [sflag:$0x1] =	stream.linear.gather [hbm4b:s23+s3], $0x20, $0x38;
	v63 =	vld [tilespmem:$0x0]  }
0x72: {  	s26 =	simm.s32 $0xF00;
	s28 =	sld [smem:$0x7FD]  }
0x73: {  	[tilespmem:s26], [sflag:$0x1] =	stream.linear.gather [hbm4b:s25+s3], $0x20, $0x38;
	v63 =	vld [tilespmem:$0x0]  }
0x74: {  	s29 =	simm.s32 $0xF80  }
0x75: {  	[tilespmem:s29], [sflag:$0x1] =	stream.linear.gather [hbm4b:s28+s3], $0x20, $0x38;
	v63 =	vld [tilespmem:$0x0]  }
0x76: {  	_ =	swait.ge [sflag:s30], $0x20  }
0x77: {  	[sflag:s30] =	ssyncset.done $0x0  }
0x78: {  	[sflag:s30] =	ssyncadd.s32 $0xFFFFFFE0  }
0x79: {  	_ =	swait.ge [sflag:s30], $0x20  }
0x7a: {  	[sflag:s30] =	ssyncset.done $0x0  }
0x7b: {  	s9 =	simm.s32 $0x1000;
	[sflag:s30] =	ssyncadd.s32 $0xFFFFFFE0  }
0x7c: {  	[tilespmem:s9], [sflag:$0x2] =	stream.indirect.gather [hbm4b:s4+s31], $0x80, s3, s31, $0xb8;
	v63 =	vld [tilespmem:$0x0]  }
0x7d: {  	_ =	swait.ge [sflag:s30], $0x20  }
0x7e: {  	[sflag:s30] =	ssyncset.done $0x0  }
0x7f: {  	[sflag:s30] =	ssyncadd.s32 $0xFFFFFFE0  }
0x80: {  	_ =	swait.ge [sflag:s30], $0x20  }
0x81: {  	[sflag:s30] =	ssyncset.done $0x0  }
0x82: {  	s11 =	simm.s32 $0x2000;
	[sflag:s30] =	ssyncadd.s32 $0xFFFFFFE0  }
0x83: {  	[tilespmem:s11], [sflag:$0x2] =	stream.indirect.gather [hbm4b:s4+s31], $0x80, s12, s31, $0xb8;
	v63 =	vld [tilespmem:$0x0]  }
0x84: {  	_ =	swait.ge [sflag:s30], $0x20  }
0x85: {  	[sflag:s30] =	ssyncset.done $0x0  }
0x86: {  	[sflag:s30] =	ssyncadd.s32 $0xFFFFFFE0  }
0x87: {  	_ =	swait.ge [sflag:s30], $0x20  }
0x88: {  	[sflag:s30] =	ssyncset.done $0x0  }
0x89: {  	s12 =	simm.s32 $0x3000;
	[sflag:s30] =	ssyncadd.s32 $0xFFFFFFE0  }
0x8a: {  	[tilespmem:s12], [sflag:$0x2] =	stream.indirect.gather [hbm4b:s4+s31], $0x80, s13, s31, $0xb8;
	v63 =	vld [tilespmem:$0x0]  }
0x8b: {  	_ =	swait.ge [sflag:s30], $0x20  }
0x8c: {  	[sflag:s30] =	ssyncset.done $0x0  }
0x8d: {  	[sflag:s30] =	ssyncadd.s32 $0xFFFFFFE0  }
0x8e: {  	_ =	swait.ge [sflag:s30], $0x20  }
0x8f: {  	[sflag:s30] =	ssyncset.done $0x0  }
0x90: {  	s13 =	simm.s32 $0x4000;
	[sflag:s30] =	ssyncadd.s32 $0xFFFFFFE0  }
0x91: {  	[tilespmem:s13], [sflag:$0x2] =	stream.indirect.gather [hbm4b:s4+s31], $0x80, s14, s31, $0xb8;
	v63 =	vld [tilespmem:$0x0]  }
0x92: {  	_ =	swait.ge [sflag:s30], $0x20  }
0x93: {  	[sflag:s30] =	ssyncset.done $0x0  }
0x94: {  	[sflag:s30] =	ssyncadd.s32 $0xFFFFFFE0  }
0x95: {  	_ =	swait.ge [sflag:s30], $0x20  }
0x96: {  	[sflag:s30] =	ssyncset.done $0x0  }
0x97: {  	s21 =	simm.s32 $0x5000;
	[sflag:s30] =	ssyncadd.s32 $0xFFFFFFE0  }
0x98: {  	[tilespmem:s21], [sflag:$0x2] =	stream.indirect.gather [hbm4b:s4+s31], $0x80, s15, s31, $0xb8;
	v63 =	vld [tilespmem:$0x0]  }
0x99: {  	_ =	swait.ge [sflag:s30], $0x20  }
0x9a: {  	[sflag:s30] =	ssyncset.done $0x0  }
0x9b: {  	[sflag:s30] =	ssyncadd.s32 $0xFFFFFFE0  }
0x9c: {  	_ =	swait.ge [sflag:s30], $0x20  }
0x9d: {  	[sflag:s30] =	ssyncset.done $0x0  }
0x9e: {  	s22 =	simm.s32 $0x6000;
	[sflag:s30] =	ssyncadd.s32 $0xFFFFFFE0  }
0x9f: {  	[tilespmem:s22], [sflag:$0x2] =	stream.indirect.gather [hbm4b:s4+s31], $0x80, s16, s31, $0xb8;
	v63 =	vld [tilespmem:$0x0]  }
0xa0: {  	_ =	swait.ge [sflag:s30], $0x20  }
0xa1: {  	[sflag:s30] =	ssyncset.done $0x0  }
0xa2: {  	p0 =	por $0x1, $0x1;
	[sflag:s30] =	ssyncadd.s32 $0xFFFFFFE0  }
0xa3: {  	p2 =	sle.u32 s6, $0x7;
	s24 =	smulhi.u32 $0xBA2E8BA3, s3;
	_ =	swait.ge [sflag:s30], $0x20  }
0xa4: {  	p1 =	sne.s32 s6, $0x1;
	s10 =	sand.u32 @!p2 $0xF00, s10;
	[sflag:s30] =	ssyncset.done $0x0  }
0xa5: {  	s23 =	simm.s32 $0x7000;
	s11 =	sshrl.u32 s24, $0x3;
	[sflag:s30] =	ssyncadd.s32 $0xFFFFFFE0  }
0xa6: {  	[tilespmem:s23], [sflag:$0x2] =	stream.indirect.gather [hbm4b:s4+s31], $0x80, s17, s31, $0xb8;
	v63 =	vld [tilespmem:$0x0]  }
0xa7: {  	s25 =	simm.s32 $0x7;
	s11 =	smul.u32 $0xFFFD4000, s11;
	_ =	swait.ge [sflag:s0], $0x1000  }
0xa8: {  	s26 =	simm.s32 $0x0;
	s28 =	smulhi.u32 $0xBA2E8BA3, s25;
	[sflag:s0] =	ssyncset.done $0x0  }
0xa9: {  	s11 =	sshra.s32 s11, $0x2;
	s13 =	simm.s32 @!p0 $0x3;
	[sflag:s0] =	ssyncadd.s32 $0xFFFFF000  }
0xaa: {  	s25 =	smov.u32 s18;
	s11 =	sadd.s32 $0x1000, s11;
	_ =	swait.ge @!p0 [sflag:s13], $0x1000  }
0xab: {  	s12 =	sand.u32 $0xF00, s26;
	s14 =	simm.s32 @!p2 $0x1;
	[sflag:s13] =	ssyncset.done @!p0 $0x0  }
0xac: {  	s21 =	smov.u32 s19;
	[sflag:s13] =	ssyncadd.s32 @!p0 $0xFFFFF000;
	s13 =	sor.u32 $0x80, s12  }
0xad: {  	[spmem:s2] =	stream.indirect.scatter.add.f32 [tilespmem:s11], [sflag:$0x3], $0x80, s13, s31, $0xb8;
	v63 =	vld [tilespmem:$0x0]  }
0xae: {  	s16 =	simm.s32 @!p2 $0x20;
	s22 =	simm.s32 $0x800;
	_ =	swait.ge @!p2 [sflag:s14], $0x20  }
0xaf: {  	s17 =	simm.s32 $0x1;
	s11 =	sshrl.u32 s28, $0x3;
	[sflag:s14] =	ssyncset.done @!p2 $0x0  }
0xb0: {  	p0 =	sle.u32 s6, $0x10;
	s11 =	smul.u32 $0xFFFD4000, s11;
	[sflag:s14] =	ssyncadd.s32 @!p2 $0xFFFFFFE0  }
.Ltmp0:
0xb1: {  	s23 =	simm.s32 @!p0 $0x0;
	_ =	swait.ge @!p2 [sflag:s14], $0x20;
	(pc) =	sbr.rel @!p1 .LBB2_3-.Ltmp0, $4  }
0xb2: {  	s29 =	sshra.s32 s11, $0x2;
	s11 =	simm.s32 $0x2000;
	[sflag:s14] =	ssyncset.done @!p2 $0x0  }
0xb3: {  	s15 =	sadd.s32 $0x8000, s29;
	[sflag:s14] =	ssyncadd.s32 @!p2 $0xFFFFFFE0;
	s14 =	simm.s32 $0x9000  }
0xb4: {  	[tilespmem:s15], [sflag:$0x2] =	stream.indirect.gather @!p2 [hbm4b:s4+s16], $0x80, s10, s16, $0xb8;
	v63 =	vld [tilespmem:$0x0]  }
0xb5: {  	s10 =	simm.s32 $0x8;
	s15 =	sadd.s32 $0x4, s18;
	s16 =	sadd.s32 $0x4, s19  }
.LBB2_2:
0xb6: {  	[tilespmem:s12], [sflag:$0x1] =	stream.linear.gather @!p0 [hbm4b:s25+s23], $0x20, $0x38;
	v63 =	vld [tilespmem:$0x0]  }
0xb7: {  	s12 =	smulhi.u32 $0xBA2E8BA3, s17;
	s25 =	smov.u32 s15  }
0xb8: {  	[tilespmem:s13], [sflag:$0x1] =	stream.linear.gather @!p0 [hbm4b:s21+s23], $0x20, $0x38;
	v63 =	vld [tilespmem:$0x0]  }
0xb9: {  	s23 =	smulhi.u32 $0xBA2E8BA3, s10;
	s21 =	smov.u32 s16;
	_ =	swait.ge [sflag:s0], $0x1000  }
0xba: {  	s12 =	sshrl.u32 s12, $0x3;
	p0 =	slt.u32 s17, $0x4;
	[sflag:s0] =	ssyncset.done $0x0  }
0xbb: {  	s12 =	smul.u32 $0xFFFD4000, s12;
	s13 =	simm.s32 @!p0 $0x3;
	[sflag:s0] =	ssyncadd.s32 $0xFFFFF000  }
0xbc: {  	s24 =	sadd.s32 $0xFFFFF900, s22;
	s17 =	sadd.s32 $0x7, s17;
	_ =	swait.ge @!p0 [sflag:s13], $0x1000  }
0xbd: {  	s26 =	sshra.s32 s12, $0x2;
	s12 =	sand.u32 $0xF00, s24;
	[sflag:s13] =	ssyncset.done @!p0 $0x0  }
0xbe: {  	s24 =	sadd.s32 s26, s11;
	[sflag:s13] =	ssyncadd.s32 @!p0 $0xFFFFF000;
	s13 =	sor.u32 $0x80, s12  }
0xbf: {  	[spmem:s2] =	stream.indirect.scatter.add.f32 [tilespmem:s24], [sflag:$0x3], $0x80, s13, s31, $0xb8;
	v63 =	vld [tilespmem:$0x0]  }
0xc0: {  	p1 =	sge.u32 s17, s6;
	s23 =	sshrl.u32 s23, $0x3;
	s24 =	sadd.s32 $0x9, s17  }
0xc1: {  	s23 =	smul.u32 $0xFFFD4000, s23;
	s26 =	simm.s32 @!p1 $0x1;
	s17 =	sadd.s32 $0xFFFFFFF1, s24  }
0xc2: {  	p2 =	sne.s32 s17, s6;
	_ =	swait.ge @!p1 [sflag:s26], $0x20  }
0xc3: {  	s11 =	sadd.s32 $0x1000, s11;
	s23 =	sshra.s32 s23, $0x2;
	[sflag:s26] =	ssyncset.done @!p1 $0x0  }
0xc4: {  	s29 =	simm.s32 @!p1 $0x20;
	s28 =	sadd.s32 s23, s14;
	[sflag:s26] =	ssyncadd.s32 @!p1 $0xFFFFFFE0  }
.Ltmp1:
0xc5: {  	s9 =	sand.u32 @!p1 $0xF00, s22;
	_ =	swait.ge @!p1 [sflag:s26], $0x20;
	(pc) =	sbr.rel @p2 .LBB2_2-.Ltmp1, $4  }
0xc6: {  	s10 =	sadd.s32 $0x1, s10;
	p0 =	sge.u32 s24, s6;
	[sflag:s26] =	ssyncset.done @!p1 $0x0  }
0xc7: {  	s14 =	sadd.s32 $0x1000, s14;
	s23 =	simm.s32 @!p0 $0x0;
	[sflag:s26] =	ssyncadd.s32 @!p1 $0xFFFFFFE0  }
0xc8: {  	[tilespmem:s28], [sflag:$0x2] =	stream.indirect.gather @!p1 [hbm4b:s4+s29], $0x80, s9, s29, $0xb8;
	v63 =	vld [tilespmem:$0x0]  }
0xc9: {  	s15 =	sadd.s32 $0x4, s15;
	s16 =	sadd.s32 $0x4, s16;
	s22 =	sadd.s32 $0x100, s22  }
.LBB2_3:
0xca: {  	[tilespmem:s12], [sflag:$0x1] =	stream.linear.gather @!p0 [hbm4b:s25+s23], $0x20, $0x38;
	v63 =	vld [tilespmem:$0x0]  }
0xcb: {  	_ = 	snop  }
0xcc: {  	[tilespmem:s13], [sflag:$0x1] =	stream.linear.gather @!p0 [hbm4b:s21+s23], $0x20, $0x38;
	v63 =	vld [tilespmem:$0x0]  }
0xcd: {  	_ =	swait.ge [sflag:s1], $0x1000  }
0xce: {  	[sflag:s1] =	ssyncset.done $0x0  }
0xcf: {  	[sflag:s1] =	ssyncadd.s32 $0xFFFFF000  }
0xd0: {  	_ =	swait.ge [sflag:s1], $0x1000  }
0xd1: {  	[sflag:s1] =	ssyncset.done $0x0  }
0xd2: {  	[sflag:s1] =	ssyncadd.s32 $0xFFFFF000  }
0xd3: {  	_ =	swait.ge [sflag:s1], $0x1000  }
0xd4: {  	[sflag:s1] =	ssyncset.done $0x0  }
0xd5: {  	[sflag:s1] =	ssyncadd.s32 $0xFFFFF000  }
0xd6: {  	_ =	swait.ge [sflag:s1], $0x1000  }
0xd7: {  	[sflag:s1] =	ssyncset.done $0x0  }
0xd8: {  	[sflag:s1] =	ssyncadd.s32 $0xFFFFF000  }
0xd9: {  	[bflag:$0x0] =	sbarrier.arrive $0xFFFF  }
0xda: {  	s9 =	rddreg [dreg:$0x13]  }
0xdb: {  	[hbm:s9], [sflag:s8] =	dma.local [spmem:s7], $0x2800  }
0xdc: {  	_ =	swait.ge [sflag:s20], $0x2800  }
0xdd: {  	s5 =	sadd.s32 $0x1, s5;
	s29 =	rddreg [dreg:$0x14]  }
0xde: {  	p0 =	sne.s32 s5, s29  }
.Ltmp2:
0xdf: {  	_ = 	snop;
	(pc) =	sbr.rel @p0 .LBB2_1-.Ltmp2, $3  }
0xe0: {  	_ =	sdelay $0x1  }
0xe1: {  	[sflag:s20] =	ssyncset.done $0x0  }
0xe2: {  	[sflag:s20] =	ssyncadd.s32 $0xFFFFD800  }
0xe3: {  	_ =	sfence.sel $0x180000  }
0xe4: {  	[bflag:$0x0] =	sbarrier.arrive $0xFFFF  }
0xe5: {  	_ =	strace $0x9000004A  }
0xe6: {  	s0 =	stileid.u32;
	[bflag:$0x2] =	sbarrier.arrive $0xFFFF  }
0xe7: {  	p0 =	sne.s32 s0, $0x0;
	s0 =	rddreg [dreg:$0x3]  }
0xe8: {  	s0 =	sadd.s32 @!p0 $0x100000, s0  }
0xe9: {  	[sflag:s0] =	ssyncadd.tile.s32 @!p0 $0x1;
	_ =	shalt  }
.Lfunc_end2:
_tile_overlayer_lowered:
.L_overlay_start_2:
0xea: {  	(tag) =	ssettag $0x2  }
0xeb: {  	s0 =	rddreg [dreg:$0x0];
	s2 =	stileid.u32  }
0xec: {  	s1 =	rddreg [dreg:$0x1];
	p0 =	sne.s32 s2, $0x0  }
0xed: {  	s3 =	rddreg [dreg:$0x2];
	[bflag:$0x3] =	sbarrier.arrive $0xFFFF;
	s2 =	simm.s32 @!p0 $0x1C04  }
0xee: {  	[timem:s3], [sflag:s2] =	dma.local @!p0 [hbm:s0], s1  }
0xef: {  	s0 =	simm.s32 @!p0 $0x4  }
0xf0: {  	_ =	swait.ge @!p0 [sflag:s0], s1  }
0xf1: {  	s1 =	ssub.s32 @!p0 $0x0, s1;
	[sflag:s0] =	ssyncset.done @!p0 $0x0  }
0xf2: {  	[sflag:s0] =	ssyncadd.s32 @!p0 s1  }
0xf3: {  	[bflag:$0x3] =	sbarrier.arrive $0xFFFF  }
0xf4: {  	_ =	shalt  }

// kernel: kernel.15.cloned.1.call-start
scs
__scs_entry_jumppad:
0x0: {  	(pc) =	sbr.rel $0x88, $3  }
0x1: {  	(tag) =	ssettag $0x0;
	lr =	simm.s32 $0x1  }
0x2: {  	[smem:$0x3F99] =	sst lr;
	_ =	strace $0xD0000000  }
0x3: {  	_ = 	snop  }
0x4: {  	_ = 	snop  }
0x5: {  	_ = 	snop  }
0x6: {  	_ = 	snop  }
0x7: {  	_ = 	snop  }
__scs_overlays_trampoline_lowered:
0x8: {  	[smem:$0x3FA8] =	sst s0  }
0x9: {  	[smem:$0x3FA9] =	sst s1  }
0xa: {  	[smem:$0x3FAA] =	sst s2  }
0xb: {  	[smem:$0x3FAB] =	sst s3  }
0xc: {  	[smem:$0x3FAC] =	sst s4  }
0xd: {  	[smem:$0x3FAD] =	sst s5  }
0xe: {  	[smem:$0x3FAE] =	sst s6  }
0xf: {  	[smem:$0x3FAF] =	sst s7  }
0x10: {  	[smem:$0x3FB0] =	sst s8  }
0x11: {  	[smem:$0x3FB1] =	sst s9;
	s0 =	simm.s32 @!p0 $0x0  }
0x12: {  	s1 =	sld [smem:$0x3F97];
	s0 =	simm.s32 @p0 $0x1  }
0x13: {  	[smem:$0x3FB2] =	sst s0;
	s0 =	simm.s32 @!p1 $0x0  }
0x14: {  	s2 =	sld [smem:$0x3F96];
	s0 =	simm.s32 @p1 $0x1  }
0x15: {  	[smem:$0x3FB3] =	sst s0;
	s0 =	simm.s32 @!p2 $0x0  }
0x16: {  	s3 =	sld [smem:$0x3FDB];
	s0 =	simm.s32 @p2 $0x1  }
0x17: {  	s4 =	simm.s32 $0x1BF5;
	[smem:$0x3FB5] =	sst s0  }
0x18: {  	s0 =	sld [smem:$0x3F98];
	_ =	swait.ge [sflag:s4], $0x0  }
0x19: {  	s7 =	sld [smem:$0x3F99]  }
0x1a: {  	s8 =	sadd.s32 $0xFFFFE003, lr  }
0x1b: {  	s9 =	sadd.s32 $0xFFFFFEF7, lr;
	s5 =	simm.s32 $0xFFFFFFFF;
	p2 =	slt.u32 s8, $0xFFFFF086  }
0x1c: {  	p1 =	slt.u32 s9, $0xF7A;
	s5 =	simm.s32 @!p2 $0x0  }
0x1d: {  	s5 =	simm.s32 @p1 $0x1;
	p0 =	seq.s32 s7, s2  }
0x1e: {  	s7 =	smul.u32 @!p0 $0xF7A, s2;
	p2 =	seq.s32 @!p0 s5, $0x0  }
0x1f: {  	s9 =	smul.u32 $0xF7A, s1;
	s8 =	simm.s32 @!p0 $0x1BF5;
	p2 =	por !p2, p0  }
0x20: {  	[sflag:s8] =	ssyncset.s32 @!p0 $0xFFFFF086;
	s6 =	sadd.s32 @!p0 s3, s7;
	s7 =	simm.s32 @!p0 $0x108  }
0x21: {  	s3 =	sadd.s32 s3, s9;
	s6 =	sadd.s32 @!p0 $0x88, s6;
	s7 =	simm.s32 @p2 $0x1082  }
0x22: {  	[simem:s7], [sflag:s8] =	dma.local @!p0 [hbm:s6], $0xF7A  }
0x23: {  	s9 =	sor.u32 $0xD0000000, s2;
	s6 =	simm.s32 $0x108;
	_ =	swait.ge @!p0 [sflag:s8], $0x0  }
0x24: {  	s3 =	sadd.s32 $0x88, s3;
	s6 =	simm.s32 @!p1 $0x1082;
	[sflag:s4] =	ssyncset.s32 $0xFFFFF086  }
0x25: {  	[simem:s6], [sflag:s4] =	dma.local [hbm:s3], $0xF7A  }
0x26: {  	[smem:$0x3F99] =	sst s1;
	(tag) =	ssettag s2;
	_ =	strace s9  }
0x27: {  	s1 =	sld [smem:$0x3FA9]  }
0x28: {  	s2 =	sld [smem:$0x3FAA]  }
0x29: {  	s4 =	sld [smem:$0x3FAC]  }
0x2a: {  	p0 =	seq.s32 s5, $0x0;
	s5 =	sld [smem:$0x3FAD]  }
0x2b: {  	s6 =	sld [smem:$0x3FAE]  }
0x2c: {  	s7 =	sld [smem:$0x3FAF]  }
0x2d: {  	s3 =	simm.s32 $0x108;
	s8 =	sld [smem:$0x3FB0]  }
0x2e: {  	s3 =	simm.s32 @!p0 $0x1082;
	s9 =	sld [smem:$0x3FB1]  }
0x2f: {  	lr =	sadd.s32 s0, s3;
	s0 =	sld [smem:$0x3FA8]  }
0x30: {  	s3 =	sld [smem:$0x3FAB]  }
0x31: {  	[smem:$0x3FB4] =	sst s10  }
0x32: {  	s10 =	sld [smem:$0x3FB2];
	_ =	sdelay $0x3  }
0x33: {  	p0 =	seq.s32 s10, $0x1;
	s10 =	sld [smem:$0x3FB4];
	_ =	sdelay $0x3  }
0x34: {  	[smem:$0x3FB4] =	sst s10  }
0x35: {  	s10 =	sld [smem:$0x3FB3];
	_ =	sdelay $0x3  }
0x36: {  	p1 =	seq.s32 s10, $0x1;
	s10 =	sld [smem:$0x3FB4];
	_ =	sdelay $0x3  }
0x37: {  	[smem:$0x3FB4] =	sst s10  }
0x38: {  	s10 =	sld [smem:$0x3FB5]  }
0x39: {  	_ = 	snop;
	(pc) =	sbr.ind lr, $3  }
0x3a: {  	_ = 	snop  }
0x3b: {  	_ = 	snop  }
0x3c: {  	p2 =	seq.s32 s10, $0x1;
	s10 =	sld [smem:$0x3FB4]  }
0x3d: {  	_ =	shalt  }
0x3e: {  	_ =	shalt  }
0x3f: {  	_ =	shalt  }
0x40: {  	_ =	shalt  }
0x41: {  	_ =	shalt  }
0x42: {  	_ =	shalt  }
0x43: {  	_ =	shalt  }
0x44: {  	_ =	shalt  }
0x45: {  	_ =	shalt  }
0x46: {  	_ =	shalt  }
0x47: {  	_ =	shalt  }
0x48: {  	_ =	shalt  }
0x49: {  	_ =	shalt  }
0x4a: {  	_ =	shalt  }
0x4b: {  	_ =	shalt  }
0x4c: {  	_ =	shalt  }
0x4d: {  	_ =	shalt  }
0x4e: {  	_ =	shalt  }
0x4f: {  	_ =	shalt  }
0x50: {  	_ =	shalt  }
0x51: {  	_ =	shalt  }
0x52: {  	_ =	shalt  }
0x53: {  	_ =	shalt  }
0x54: {  	_ =	shalt  }
0x55: {  	_ =	shalt  }
0x56: {  	_ =	shalt  }
0x57: {  	_ =	shalt  }
0x58: {  	_ =	shalt  }
0x59: {  	_ =	shalt  }
0x5a: {  	_ =	shalt  }
0x5b: {  	_ =	shalt  }
0x5c: {  	_ =	shalt  }
0x5d: {  	_ =	shalt  }
0x5e: {  	_ =	shalt  }
0x5f: {  	_ =	shalt  }
0x60: {  	_ =	shalt  }
0x61: {  	_ =	shalt  }
0x62: {  	_ =	shalt  }
0x63: {  	_ =	shalt  }
0x64: {  	_ =	shalt  }
0x65: {  	_ =	shalt  }
0x66: {  	_ =	shalt  }
0x67: {  	_ =	shalt  }
0x68: {  	_ =	shalt  }
0x69: {  	_ =	shalt  }
0x6a: {  	_ =	shalt  }
0x6b: {  	_ =	shalt  }
0x6c: {  	_ =	shalt  }
0x6d: {  	_ =	shalt  }
0x6e: {  	_ =	shalt  }
0x6f: {  	_ =	shalt  }
0x70: {  	_ =	shalt  }
0x71: {  	_ =	shalt  }
0x72: {  	_ =	shalt  }
0x73: {  	_ =	shalt  }
0x74: {  	_ =	shalt  }
0x75: {  	_ =	shalt  }
0x76: {  	_ =	shalt  }
0x77: {  	_ =	shalt  }
0x78: {  	_ =	shalt  }
0x79: {  	_ =	shalt  }
0x7a: {  	_ =	shalt  }
0x7b: {  	_ =	shalt  }
0x7c: {  	_ =	shalt  }
0x7d: {  	_ =	shalt  }
0x7e: {  	_ =	shalt  }
0x7f: {  	_ =	shalt  }
0x80: {  	_ =	shalt  }
0x81: {  	_ =	shalt  }
0x82: {  	_ =	shalt  }
0x83: {  	_ =	shalt  }
0x84: {  	_ =	shalt  }
0x85: {  	_ =	shalt  }
0x86: {  	_ =	shalt  }
0x87: {  	_ =	shalt  }
.Lfunc_end0:
.L_simem_size_0:
called_computation.2_lowered:
.L_overlay_start_0:
0x88: {  	s2 =	sld [smem:$0x3FD9]  }
0x89: {  	s3 =	sld [smem:$0x3FFE];
	_ =	sdelay $0x1  }
0x8a: {  	s1 =	srdreg.scid  }
0x8b: {  	s0 =	sand.u32 $0x1, s1  }
0x8c: {  	s17 =	sshll.u32 s0, $0xA;
	s2 =	sadd.s32 s3, s2  }
0x8d: {  	s2 =	sadd.s32 s2, s17  }
0x8e: {  	[smem:$0x3FC0] =	sst s2  }
0x8f: {  	_ = 	snop  }
0x90: {  	s2 =	sld [smem:$0x3FD0];
	(tm) =	ssettm $0x1  }
0x91: {  	s18 =	sld [smem:$0x3FFB];
	_ =	sdelay $0x3  }
0x92: {  	_ =	strace s18  }
0x93: {  	s3 =	sld [smem:$0x3FFC];
	_ =	sdelay $0x3  }
0x94: {  	_ =	strace s3  }
0x95: {  	s3 =	sld [smem:$0x3FFD];
	_ =	sdelay $0x3  }
0x96: {  	_ =	strace s3  }
0x97: {  	_ =	strace $0x8FFFFFFF  }
0x98: {  	s19 =	sld [smem:$0x3FDB];
	_ =	sdelay $0x1  }
0x99: {  	s4 =	simm.s32 $_scs_section_size  }
0x9a: {  	s5 =	simm.s32 $_size__tile_overlayer_lowered;
	s6 =	simm.s32 $_tile_overlayer_lowered  }
0x9b: {  	s22 =	simm.s32 $0x1BFF;
	s21 =	sshll.u32 s6, $0x1;
	s3 =	sadd.s32 s4, s19  }
0x9c: {  	s7 =	simm.s32 $0x0;
	s20 =	sshll.u32 s5, $0x1;
	s5 =	sadd.s32 s21, s3  }
0x9d: {  	[timem:s7], [sflag:s22] =	dma.local [hbm:s5], s20  }
0x9e: {  	_ =	swait.ge [sflag:s22], s20  }
0x9f: {  	s4 =	ssub.s32 $0x0, s20;
	[sflag:s22] =	ssyncset.done $0x0  }
0xa0: {  	[sflag:s22] =	ssyncadd.s32 s4;
	_ =	sdelay $0x1  }
0xa1: {  	s23 =	simm.s32 $0x1B8B  }
0xa2: {  	_ =	swait.ge [sflag:s23], $0x1  }
0xa3: {  	[sflag:s23] =	ssyncset.done $0x0  }
0xa4: {  	s25 =	simm.s32 $0x1B8E;
	s24 =	sld [smem:$0x3FFE];
	[sflag:s23] =	ssyncadd.s32 $0xFFFFFFFF  }
0xa5: {  	s26 =	simm.s32 $execute0_lowered;
	[smem:$0x3FD2] =	sst s25  }
0xa6: {  	s5 =	sshll.u32 s26, $0x1;
	_ =	strace $0x8000004C;
	[dreg:$0x1] =	wrdreg $0xFFFFFFFF  }
0xa7: {  	s28 =	simm.s32 $_size_execute0_lowered;
	s3 =	sadd.s32 s3, s5;
	[dreg:$0x0] =	wrdreg $0x0  }
0xa8: {  	s5 =	sshll.u32 s28, $0x1;
	[dreg:$0x2] =	wrdreg s3  }
0xa9: {  	[dreg:$0x3] =	wrdreg s5  }
0xaa: {  	[dreg:$0x4] =	wrdreg $0xC0  }
0xab: {  	_ =	task [dreg:s7], $0x5FFFF  }
0xac: {  	[dreg:$0x1] =	wrdreg $0xFFFFFFFF  }
0xad: {  	[dreg:$0x0] =	wrdreg $0x60  }
0xae: {  	[dreg:$0x2] =	wrdreg s24  }
0xaf: {  	[dreg:$0x3] =	wrdreg s2  }
0xb0: {  	[dreg:$0x4] =	wrdreg $0xC0000  }
0xb1: {  	[dreg:$0x5] =	wrdreg $0x9  }
0xb2: {  	_ =	task.clear_ibuf [dreg:s7], $0x6FFFF;
	_ =	strace $0x9000004C  }
0xb3: {  	s29 =	simm.s32 $0x9;
	_ =	strace $0x8000004E  }
0xb4: {  	_ =	swait.ge [sflag:s29], $0x1  }
0xb5: {  	[sflag:s29] =	ssyncadd.s32 $0xFFFFFFFF  }
0xb6: {  	_ =	strace $0x9000004E  }
0xb7: {  	_ =	sfence  }
0xb8: {  	s30 =	sld [smem:$0x0];
	_ =	sdelay $0x2  }
0xb9: {  	s31 =	sshll.u32 s1, $0xD;
	s1 =	sshrl.u32 s1, $0x2  }
0xba: {  	s3 =	sand.u32 $0x4000, s31;
	s1 =	sadd.s32 s1, s30  }
0xbb: {  	s0 =	sor.u32 s3, s0;
	s1 =	sshll.u32 s1, $0x11  }
0xbc: {  	s0 =	sor.u32 s1, s0  }
0xbd: {  	s0 =	sadd.s32 $0x8F2B, s0  }
0xbe: {  	[sflag:s0] =	ssyncadd.remote.s32 $0x1  }
0xbf: {  	_ =	sfence.sel $0xFFFF  }
0xc0: {  	[dreg:$0x0] =	wrdreg $0xFFFFFFFF;
	(pc) =	sbr.abs _section_cstart, $3  }
0xc1: {  	[dreg:$0x1] =	wrdreg $0xFFFFFFFF  }
0xc2: {  	_ =	task.clear_ibuf [dreg:s7], $0x2FFFF;
	_ =	strace $0x9FFFFFFF  }
0xc3: {  	(tm) =	ssettm $0x7FFFFFFF  }
tec
execute0_lowered:
.L_overlay_start_1:
0x0: {  	(tag) =	ssettag $0x1  }
0x1: {  	s0 =	rddreg [dreg:$0x0]  }
0x2: {  	s1 =	rddreg [dreg:$0x1];
	s3 =	srdreg.scid  }
0x3: {  	s2 =	rddreg [dreg:$0x2];
	s13 =	stileid.u32;
	s5 =	sand.u32 $0x1, s3  }
0x4: {  	s3 =	simm.s32 $0x0;
	s7 =	smul.u32 $0x14000, s13;
	s4 =	sadd.s32 $0x3000, s0  }
0x5: {  	s22 =	sadd.s32 $0x2B000, s0;
	s23 =	sshll.u32 s13, $0x1;
	s11 =	smul.u32 $0x50000, s13  }
0x6: {  	p0 =	slt.u32 s13, $0x8;
	s6 =	smul.u32 $0x140000, s5;
	[smem:$0x7FF] =	sst s3  }
0x7: {  	s29 =	sshll.u32 s13, $0x6;
	s24 =	sor.u32 s5, s23;
	_ =	strace $0x8000004D  }
0x8: {  	[dreg:$0x4] =	wrdreg s22;
	s9 =	smul.u32 $0x138, s24;
	s6 =	sadd.s32 s7, s6  }
0x9: {  	s10 =	smin.u32 s24, $0x10;
	s28 =	sshrl.u32 s11, $0x2;
	s6 =	sshrl.u32 s6, $0x3  }
0xa: {  	s26 =	sadd.s32 s10, s9;
	s9 =	sadd.s32 s28, s2;
	s0 =	sadd.s32 s6, s0  }
0xb: {  	s12 =	sshll.u32 s26, $0x2;
	[dreg:$0x5] =	wrdreg s9;
	s0 =	sadd.s32 $0x2D800, s0  }
0xc: {  	s15 =	smul.u32 $0x9C0, s13;
	s9 =	sadd.s32 s1, s12;
	[dreg:$0x13] =	wrdreg s0  }
0xd: {  	s8 =	ssub.s32 $0x2, s5;
	s12 =	sadd.s32 $0x9C40, s9;
	[dreg:$0x6] =	wrdreg s9  }
0xe: {  	s20 =	smul.u32 $0x2700, s5;
	s14 =	sadd.s32 $0x4, s9;
	[dreg:$0x7] =	wrdreg s12  }
0xf: {  	s5 =	smul.u32 $0x4E0, s5;
	s16 =	sadd.s32 $0x8, s9;
	[dreg:$0x8] =	wrdreg s14  }
0x10: {  	s25 =	sshrl.u32 s8, $0x1;
	s18 =	sadd.s32 $0x9C48, s9;
	[dreg:$0xa] =	wrdreg s16  }
0x11: {  	s11 =	sadd.s32 s15, s1;
	s19 =	sadd.s32 $0xC, s9;
	[dreg:$0xb] =	wrdreg s18  }
0x12: {  	s7 =	ssub.s32 s8, s25;
	s21 =	sadd.s32 $0x10, s9;
	[dreg:$0xc] =	wrdreg s19  }
0x13: {  	s8 =	sor.u32 $0x1C04, s29;
	s23 =	sadd.s32 $0x9C50, s9;
	[dreg:$0xe] =	wrdreg s21  }
0x14: {  	s22 =	sshll.u32 s10, $0x5;
	s25 =	sadd.s32 $0x14, s9;
	[dreg:$0xf] =	wrdreg s23  }
0x15: {  	s5 =	sadd.s32 s5, s11;
	s26 =	sadd.s32 $0x9C54, s9;
	[dreg:$0x10] =	wrdreg s25  }
0x16: {  	s10 =	sshll.u32 s10, $0x2;
	s29 =	sadd.s32 $0x18, s9;
	[dreg:$0x11] =	wrdreg s26  }
0x17: {  	s5 =	sadd.s32 s10, s5;
	s10 =	sadd.s32 $0x9C5C, s9;
	[dreg:$0x12] =	wrdreg s29  }
0x18: {  	s17 =	smul.u32 $0x4E00, s13;
	s13 =	sadd.s32 $0x24, s9;
	[dreg:$0x17] =	wrdreg s10  }
0x19: {  	s15 =	sadd.s32 $0x28, s9;
	[dreg:$0x1a] =	wrdreg s13  }
0x1a: {  	s12 =	sadd.s32 $0x9C44, s9;
	[dreg:$0x1c] =	wrdreg s15  }
0x1b: {  	s14 =	sadd.s32 $0x9C4C, s9;
	[dreg:$0x9] =	wrdreg s12  }
0x1c: {  	s18 =	sadd.s32 $0x40, s5;
	s5 =	sadd.s32 $0x9C58, s9;
	[dreg:$0xd] =	wrdreg s14  }
0x1d: {  	s16 =	sadd.s32 $0x9C68, s9;
	[dreg:$0x15] =	wrdreg s5  }
0x1e: {  	s21 =	sadd.s32 $0x30, s9;
	[dreg:$0x1d] =	wrdreg s16  }
0x1f: {  	s23 =	sadd.s32 $0x34, s9;
	[smem:$0x7F6] =	sst s21  }
0x20: {  	s25 =	sadd.s32 $0x38, s9;
	[smem:$0x7F8] =	sst s23  }
0x21: {  	s26 =	sadd.s32 $0x9C78, s9;
	[smem:$0x7FA] =	sst s25  }
0x22: {  	s30 =	simm.s32 $0x1;
	s29 =	sadd.s32 $0x9C7C, s9;
	[smem:$0x7FB] =	sst s26  }
0x23: {  	s31 =	simm.s32 $0x20;
	s14 =	sadd.s32 $0x9C64, s9;
	[smem:$0x7FD] =	sst s29  }
0x24: {  	s12 =	sadd.s32 s20, s17;
	s17 =	sadd.s32 $0x2C, s9;
	[dreg:$0x1b] =	wrdreg s14  }
0x25: {  	s6 =	simm.s32 $0x139;
	s20 =	sadd.s32 $0x9C6C, s9;
	[dreg:$0x1e] =	wrdreg s17  }
0x26: {  	s24 =	sadd.s32 s22, s12;
	s12 =	sadd.s32 $0x9C60, s9;
	[dreg:$0x1f] =	wrdreg s20  }
0x27: {  	s6 =	simm.s32 @!p0 $0x138;
	s22 =	sadd.s32 $0x9C70, s9;
	[dreg:$0x19] =	wrdreg s12  }
0x28: {  	s11 =	sadd.s32 $0x4E400, s24;
	[smem:$0x7F7] =	sst s22;
	s24 =	sadd.s32 $0x9C74, s9  }
0x29: {  	s28 =	sshrl.u32 s11, $0x3;
	s11 =	sadd.s32 $0x20, s9;
	[smem:$0x7F9] =	sst s24  }
0x2a: {  	s19 =	sadd.s32 s28, s1;
	s1 =	smax.u32 s7, $0x1;
	[dreg:$0x18] =	wrdreg s11  }
0x2b: {  	s0 =	simm.s32 $0x2;
	s7 =	sadd.s32 $0x1C, s9;
	[dreg:$0x14] =	wrdreg s1  }
0x2c: {  	s5 =	simm.s32 $0x0;
	s28 =	sadd.s32 $0x3C, s9;
	[dreg:$0x16] =	wrdreg s7  }
0x2d: {  	s20 =	simm.s32 $0x4;
	[smem:$0x7FC] =	sst s28;
	s1 =	simm.s32 $0x3  }
.LBB2_1:
0x2e: {  	s7 =	rddreg [dreg:$0x5]  }
0x2f: {  	s9 =	rddreg [dreg:$0x4];
	s7 =	sshrl.u32 s7, $0x3  }
0x30: {  	[spmem:s7], [sflag:s8] =	dma.local [hbm:s9], $0x2800  }
0x31: {  	_ =	swait.ge [sflag:s20], $0x2800  }
0x32: {  	[sflag:s20] =	ssyncset.done $0x0  }
0x33: {  	[sflag:s20] =	ssyncadd.s32 $0xFFFFD800  }
0x34: {  	[bflag:$0x0] =	sbarrier.arrive $0xFFFF  }
0x35: {  	s15 =	rddreg [dreg:$0x6]  }
0x36: {  	s16 =	rddreg [dreg:$0x7]  }
0x37: {  	[tilespmem:s3], [sflag:$0x1] =	stream.linear.gather [hbm4b:s15+s3], $0x20, $0x38;
	v63 =	vld [tilespmem:$0x0]  }
0x38: {  	s10 =	simm.s32 $0x80;
	s17 =	rddreg [dreg:$0x8]  }
0x39: {  	[tilespmem:s10], [sflag:$0x1] =	stream.linear.gather [hbm4b:s16+s3], $0x20, $0x38;
	v63 =	vld [tilespmem:$0x0]  }
0x3a: {  	s12 =	simm.s32 $0x100;
	s21 =	rddreg [dreg:$0x9]  }
0x3b: {  	[tilespmem:s12], [sflag:$0x1] =	stream.linear.gather [hbm4b:s17+s3], $0x20, $0x38;
	v63 =	vld [tilespmem:$0x0]  }
0x3c: {  	s22 =	simm.s32 $0x180;
	s23 =	rddreg [dreg:$0xa]  }
0x3d: {  	[tilespmem:s22], [sflag:$0x1] =	stream.linear.gather [hbm4b:s21+s3], $0x20, $0x38;
	v63 =	vld [tilespmem:$0x0]  }
0x3e: {  	s13 =	simm.s32 $0x200;
	s24 =	rddreg [dreg:$0xb]  }
0x3f: {  	[tilespmem:s13], [sflag:$0x1] =	stream.linear.gather [hbm4b:s23+s3], $0x20, $0x38;
	v63 =	vld [tilespmem:$0x0]  }
0x40: {  	s25 =	simm.s32 $0x280;
	s26 =	rddreg [dreg:$0xc]  }
0x41: {  	[tilespmem:s25], [sflag:$0x1] =	stream.linear.gather [hbm4b:s24+s3], $0x20, $0x38;
	v63 =	vld [tilespmem:$0x0]  }
0x42: {  	s14 =	simm.s32 $0x300;
	s28 =	rddreg [dreg:$0xd]  }
0x43: {  	[tilespmem:s14], [sflag:$0x1] =	stream.linear.gather [hbm4b:s26+s3], $0x20, $0x38;
	v63 =	vld [tilespmem:$0x0]  }
0x44: {  	s29 =	simm.s32 $0x380;
	s11 =	rddreg [dreg:$0xe]  }
0x45: {  	[tilespmem:s29], [sflag:$0x1] =	stream.linear.gather [hbm4b:s28+s3], $0x20, $0x38;
	v63 =	vld [tilespmem:$0x0]  }
0x46: {  	s15 =	simm.s32 $0x400;
	s16 =	rddreg [dreg:$0xf]  }
0x47: {  	[tilespmem:s15], [sflag:$0x1] =	stream.linear.gather [hbm4b:s11+s3], $0x20, $0x38;
	v63 =	vld [tilespmem:$0x0]  }
0x48: {  	s17 =	simm.s32 $0x480;
	s21 =	rddreg [dreg:$0x10]  }
0x49: {  	[tilespmem:s17], [sflag:$0x1] =	stream.linear.gather [hbm4b:s16+s3], $0x20, $0x38;
	v63 =	vld [tilespmem:$0x0]  }
0x4a: {  	s22 =	rddreg [dreg:$0x11];
	s16 =	simm.s32 $0x500  }
0x4b: {  	[tilespmem:s16], [sflag:$0x1] =	stream.linear.gather [hbm4b:s21+s3], $0x20, $0x38;
	v63 =	vld [tilespmem:$0x0]  }
0x4c: {  	s23 =	simm.s32 $0x580;
	s24 =	rddreg [dreg:$0x12]  }
0x4d: {  	[tilespmem:s23], [sflag:$0x1] =	stream.linear.gather [hbm4b:s22+s3], $0x20, $0x38;
	v63 =	vld [tilespmem:$0x0]  }
0x4e: {  	s25 =	rddreg [dreg:$0x15];
	s17 =	simm.s32 $0x600  }
0x4f: {  	[tilespmem:s17], [sflag:$0x1] =	stream.linear.gather [hbm4b:s24+s3], $0x20, $0x38;
	v63 =	vld [tilespmem:$0x0]  }
0x50: {  	s26 =	simm.s32 $0x680;
	s28 =	rddreg [dreg:$0x16]  }
0x51: {  	[tilespmem:s26], [sflag:$0x1] =	stream.linear.gather [hbm4b:s25+s3], $0x20, $0x38;
	v63 =	vld [tilespmem:$0x0]  }
0x52: {  	s10 =	simm.s32 $0x700;
	s29 =	rddreg [dreg:$0x17]  }
0x53: {  	[tilespmem:s10], [sflag:$0x1] =	stream.linear.gather [hbm4b:s28+s3], $0x20, $0x38;
	v63 =	vld [tilespmem:$0x0]  }
0x54: {  	s11 =	simm.s32 $0x780;
	s21 =	rddreg [dreg:$0x18]  }
0x55: {  	[tilespmem:s11], [sflag:$0x1] =	stream.linear.gather [hbm4b:s29+s3], $0x20, $0x38;
	v63 =	vld [tilespmem:$0x0]  }
0x56: {  	s22 =	simm.s32 $0x800;
	s23 =	rddreg [dreg:$0x19]  }
0x57: {  	[tilespmem:s22], [sflag:$0x1] =	stream.linear.gather [hbm4b:s21+s3], $0x20, $0x38;
	v63 =	vld [tilespmem:$0x0]  }
0x58: {  	s24 =	simm.s32 $0x880;
	s25 =	rddreg [dreg:$0x1a]  }
0x59: {  	[tilespmem:s24], [sflag:$0x1] =	stream.linear.gather [hbm4b:s23+s3], $0x20, $0x38;
	v63 =	vld [tilespmem:$0x0]  }
0x5a: {  	s26 =	simm.s32 $0x900;
	s28 =	rddreg [dreg:$0x1b]  }
0x5b: {  	[tilespmem:s26], [sflag:$0x1] =	stream.linear.gather [hbm4b:s25+s3], $0x20, $0x38;
	v63 =	vld [tilespmem:$0x0]  }
0x5c: {  	s29 =	simm.s32 $0x980;
	s21 =	rddreg [dreg:$0x1c]  }
0x5d: {  	[tilespmem:s29], [sflag:$0x1] =	stream.linear.gather [hbm4b:s28+s3], $0x20, $0x38;
	v63 =	vld [tilespmem:$0x0]  }
0x5e: {  	s22 =	simm.s32 $0xA00;
	s23 =	rddreg [dreg:$0x1d]  }
0x5f: {  	[tilespmem:s22], [sflag:$0x1] =	stream.linear.gather [hbm4b:s21+s3], $0x20, $0x38;
	v63 =	vld [tilespmem:$0x0]  }
0x60: {  	s24 =	simm.s32 $0xA80;
	s25 =	rddreg [dreg:$0x1e]  }
0x61: {  	[tilespmem:s24], [sflag:$0x1] =	stream.linear.gather [hbm4b:s23+s3], $0x20, $0x38;
	v63 =	vld [tilespmem:$0x0]  }
0x62: {  	s26 =	simm.s32 $0xB00;
	s28 =	rddreg [dreg:$0x1f]  }
0x63: {  	[tilespmem:s26], [sflag:$0x1] =	stream.linear.gather [hbm4b:s25+s3], $0x20, $0x38;
	v63 =	vld [tilespmem:$0x0]  }
0x64: {  	s29 =	simm.s32 $0xB80;
	s21 =	sld [smem:$0x7F6]  }
0x65: {  	[tilespmem:s29], [sflag:$0x1] =	stream.linear.gather [hbm4b:s28+s3], $0x20, $0x38;
	v63 =	vld [tilespmem:$0x0]  }
0x66: {  	s22 =	simm.s32 $0xC00;
	s23 =	sld [smem:$0x7F7]  }
0x67: {  	[tilespmem:s22], [sflag:$0x1] =	stream.linear.gather [hbm4b:s21+s3], $0x20, $0x38;
	v63 =	vld [tilespmem:$0x0]  }
0x68: {  	s24 =	simm.s32 $0xC80;
	s25 =	sld [smem:$0x7F8]  }
0x69: {  	[tilespmem:s24], [sflag:$0x1] =	stream.linear.gather [hbm4b:s23+s3], $0x20, $0x38;
	v63 =	vld [tilespmem:$0x0]  }
0x6a: {  	s26 =	simm.s32 $0xD00;
	s28 =	sld [smem:$0x7F9]  }
0x6b: {  	[tilespmem:s26], [sflag:$0x1] =	stream.linear.gather [hbm4b:s25+s3], $0x20, $0x38;
	v63 =	vld [tilespmem:$0x0]  }
0x6c: {  	s29 =	simm.s32 $0xD80;
	s21 =	sld [smem:$0x7FA]  }
0x6d: {  	[tilespmem:s29], [sflag:$0x1] =	stream.linear.gather [hbm4b:s28+s3], $0x20, $0x38;
	v63 =	vld [tilespmem:$0x0]  }
0x6e: {  	s22 =	simm.s32 $0xE00;
	s23 =	sld [smem:$0x7FB]  }
0x6f: {  	[tilespmem:s22], [sflag:$0x1] =	stream.linear.gather [hbm4b:s21+s3], $0x20, $0x38;
	v63 =	vld [tilespmem:$0x0]  }
0x70: {  	s24 =	simm.s32 $0xE80;
	s25 =	sld [smem:$0x7FC]  }
0x71: {  	[tilespmem:s24], [sflag:$0x1] =	stream.linear.gather [hbm4b:s23+s3], $0x20, $0x38;
	v63 =	vld [tilespmem:$0x0]  }
0x72: {  	s26 =	simm.s32 $0xF00;
	s28 =	sld [smem:$0x7FD]  }
0x73: {  	[tilespmem:s26], [sflag:$0x1] =	stream.linear.gather [hbm4b:s25+s3], $0x20, $0x38;
	v63 =	vld [tilespmem:$0x0]  }
0x74: {  	s29 =	simm.s32 $0xF80  }
0x75: {  	[tilespmem:s29], [sflag:$0x1] =	stream.linear.gather [hbm4b:s28+s3], $0x20, $0x38;
	v63 =	vld [tilespmem:$0x0]  }
0x76: {  	_ =	swait.ge [sflag:s30], $0x20  }
0x77: {  	[sflag:s30] =	ssyncset.done $0x0  }
0x78: {  	[sflag:s30] =	ssyncadd.s32 $0xFFFFFFE0  }
0x79: {  	_ =	swait.ge [sflag:s30], $0x20  }
0x7a: {  	[sflag:s30] =	ssyncset.done $0x0  }
0x7b: {  	s9 =	simm.s32 $0x1000;
	[sflag:s30] =	ssyncadd.s32 $0xFFFFFFE0  }
0x7c: {  	[tilespmem:s9], [sflag:$0x2] =	stream.indirect.gather [hbm4b:s4+s31], $0x80, s3, s31, $0xb8;
	v63 =	vld [tilespmem:$0x0]  }
0x7d: {  	_ =	swait.ge [sflag:s30], $0x20  }
0x7e: {  	[sflag:s30] =	ssyncset.done $0x0  }
0x7f: {  	[sflag:s30] =	ssyncadd.s32 $0xFFFFFFE0  }
0x80: {  	_ =	swait.ge [sflag:s30], $0x20  }
0x81: {  	[sflag:s30] =	ssyncset.done $0x0  }
0x82: {  	s11 =	simm.s32 $0x2000;
	[sflag:s30] =	ssyncadd.s32 $0xFFFFFFE0  }
0x83: {  	[tilespmem:s11], [sflag:$0x2] =	stream.indirect.gather [hbm4b:s4+s31], $0x80, s12, s31, $0xb8;
	v63 =	vld [tilespmem:$0x0]  }
0x84: {  	_ =	swait.ge [sflag:s30], $0x20  }
0x85: {  	[sflag:s30] =	ssyncset.done $0x0  }
0x86: {  	[sflag:s30] =	ssyncadd.s32 $0xFFFFFFE0  }
0x87: {  	_ =	swait.ge [sflag:s30], $0x20  }
0x88: {  	[sflag:s30] =	ssyncset.done $0x0  }
0x89: {  	s12 =	simm.s32 $0x3000;
	[sflag:s30] =	ssyncadd.s32 $0xFFFFFFE0  }
0x8a: {  	[tilespmem:s12], [sflag:$0x2] =	stream.indirect.gather [hbm4b:s4+s31], $0x80, s13, s31, $0xb8;
	v63 =	vld [tilespmem:$0x0]  }
0x8b: {  	_ =	swait.ge [sflag:s30], $0x20  }
0x8c: {  	[sflag:s30] =	ssyncset.done $0x0  }
0x8d: {  	[sflag:s30] =	ssyncadd.s32 $0xFFFFFFE0  }
0x8e: {  	_ =	swait.ge [sflag:s30], $0x20  }
0x8f: {  	[sflag:s30] =	ssyncset.done $0x0  }
0x90: {  	s13 =	simm.s32 $0x4000;
	[sflag:s30] =	ssyncadd.s32 $0xFFFFFFE0  }
0x91: {  	[tilespmem:s13], [sflag:$0x2] =	stream.indirect.gather [hbm4b:s4+s31], $0x80, s14, s31, $0xb8;
	v63 =	vld [tilespmem:$0x0]  }
0x92: {  	_ =	swait.ge [sflag:s30], $0x20  }
0x93: {  	[sflag:s30] =	ssyncset.done $0x0  }
0x94: {  	[sflag:s30] =	ssyncadd.s32 $0xFFFFFFE0  }
0x95: {  	_ =	swait.ge [sflag:s30], $0x20  }
0x96: {  	[sflag:s30] =	ssyncset.done $0x0  }
0x97: {  	s21 =	simm.s32 $0x5000;
	[sflag:s30] =	ssyncadd.s32 $0xFFFFFFE0  }
0x98: {  	[tilespmem:s21], [sflag:$0x2] =	stream.indirect.gather [hbm4b:s4+s31], $0x80, s15, s31, $0xb8;
	v63 =	vld [tilespmem:$0x0]  }
0x99: {  	_ =	swait.ge [sflag:s30], $0x20  }
0x9a: {  	[sflag:s30] =	ssyncset.done $0x0  }
0x9b: {  	[sflag:s30] =	ssyncadd.s32 $0xFFFFFFE0  }
0x9c: {  	_ =	swait.ge [sflag:s30], $0x20  }
0x9d: {  	[sflag:s30] =	ssyncset.done $0x0  }
0x9e: {  	s22 =	simm.s32 $0x6000;
	[sflag:s30] =	ssyncadd.s32 $0xFFFFFFE0  }
0x9f: {  	[tilespmem:s22], [sflag:$0x2] =	stream.indirect.gather [hbm4b:s4+s31], $0x80, s16, s31, $0xb8;
	v63 =	vld [tilespmem:$0x0]  }
0xa0: {  	_ =	swait.ge [sflag:s30], $0x20  }
0xa1: {  	[sflag:s30] =	ssyncset.done $0x0  }
0xa2: {  	p0 =	por $0x1, $0x1;
	[sflag:s30] =	ssyncadd.s32 $0xFFFFFFE0  }
0xa3: {  	p2 =	sle.u32 s6, $0x7;
	s24 =	smulhi.u32 $0xBA2E8BA3, s3;
	_ =	swait.ge [sflag:s30], $0x20  }
0xa4: {  	p1 =	sne.s32 s6, $0x1;
	s10 =	sand.u32 @!p2 $0xF00, s10;
	[sflag:s30] =	ssyncset.done $0x0  }
0xa5: {  	s23 =	simm.s32 $0x7000;
	s11 =	sshrl.u32 s24, $0x3;
	[sflag:s30] =	ssyncadd.s32 $0xFFFFFFE0  }
0xa6: {  	[tilespmem:s23], [sflag:$0x2] =	stream.indirect.gather [hbm4b:s4+s31], $0x80, s17, s31, $0xb8;
	v63 =	vld [tilespmem:$0x0]  }
0xa7: {  	s25 =	simm.s32 $0x7;
	s11 =	smul.u32 $0xFFFD4000, s11;
	_ =	swait.ge [sflag:s0], $0x1000  }
0xa8: {  	s26 =	simm.s32 $0x0;
	s28 =	smulhi.u32 $0xBA2E8BA3, s25;
	[sflag:s0] =	ssyncset.done $0x0  }
0xa9: {  	s11 =	sshra.s32 s11, $0x2;
	s13 =	simm.s32 @!p0 $0x3;
	[sflag:s0] =	ssyncadd.s32 $0xFFFFF000  }
0xaa: {  	s25 =	smov.u32 s18;
	s11 =	sadd.s32 $0x1000, s11;
	_ =	swait.ge @!p0 [sflag:s13], $0x1000  }
0xab: {  	s12 =	sand.u32 $0xF00, s26;
	s14 =	simm.s32 @!p2 $0x1;
	[sflag:s13] =	ssyncset.done @!p0 $0x0  }
0xac: {  	s21 =	smov.u32 s19;
	[sflag:s13] =	ssyncadd.s32 @!p0 $0xFFFFF000;
	s13 =	sor.u32 $0x80, s12  }
0xad: {  	[spmem:s2] =	stream.indirect.scatter.add.f32 [tilespmem:s11], [sflag:$0x3], $0x80, s13, s31, $0xb8;
	v63 =	vld [tilespmem:$0x0]  }
0xae: {  	s16 =	simm.s32 @!p2 $0x20;
	s22 =	simm.s32 $0x800;
	_ =	swait.ge @!p2 [sflag:s14], $0x20  }
0xaf: {  	s17 =	simm.s32 $0x1;
	s11 =	sshrl.u32 s28, $0x3;
	[sflag:s14] =	ssyncset.done @!p2 $0x0  }
0xb0: {  	p0 =	sle.u32 s6, $0x10;
	s11 =	smul.u32 $0xFFFD4000, s11;
	[sflag:s14] =	ssyncadd.s32 @!p2 $0xFFFFFFE0  }
.Ltmp0:
0xb1: {  	s23 =	simm.s32 @!p0 $0x0;
	_ =	swait.ge @!p2 [sflag:s14], $0x20;
	(pc) =	sbr.rel @!p1 .LBB2_3-.Ltmp0, $4  }
0xb2: {  	s29 =	sshra.s32 s11, $0x2;
	s11 =	simm.s32 $0x2000;
	[sflag:s14] =	ssyncset.done @!p2 $0x0  }
0xb3: {  	s15 =	sadd.s32 $0x8000, s29;
	[sflag:s14] =	ssyncadd.s32 @!p2 $0xFFFFFFE0;
	s14 =	simm.s32 $0x9000  }
0xb4: {  	[tilespmem:s15], [sflag:$0x2] =	stream.indirect.gather @!p2 [hbm4b:s4+s16], $0x80, s10, s16, $0xb8;
	v63 =	vld [tilespmem:$0x0]  }
0xb5: {  	s10 =	simm.s32 $0x8;
	s15 =	sadd.s32 $0x4, s18;
	s16 =	sadd.s32 $0x4, s19  }
.LBB2_2:
0xb6: {  	[tilespmem:s12], [sflag:$0x1] =	stream.linear.gather @!p0 [hbm4b:s25+s23], $0x20, $0x38;
	v63 =	vld [tilespmem:$0x0]  }
0xb7: {  	s12 =	smulhi.u32 $0xBA2E8BA3, s17;
	s25 =	smov.u32 s15  }
0xb8: {  	[tilespmem:s13], [sflag:$0x1] =	stream.linear.gather @!p0 [hbm4b:s21+s23], $0x20, $0x38;
	v63 =	vld [tilespmem:$0x0]  }
0xb9: {  	s23 =	smulhi.u32 $0xBA2E8BA3, s10;
	s21 =	smov.u32 s16;
	_ =	swait.ge [sflag:s0], $0x1000  }
0xba: {  	s12 =	sshrl.u32 s12, $0x3;
	p0 =	slt.u32 s17, $0x4;
	[sflag:s0] =	ssyncset.done $0x0  }
0xbb: {  	s12 =	smul.u32 $0xFFFD4000, s12;
	s13 =	simm.s32 @!p0 $0x3;
	[sflag:s0] =	ssyncadd.s32 $0xFFFFF000  }
0xbc: {  	s24 =	sadd.s32 $0xFFFFF900, s22;
	s17 =	sadd.s32 $0x7, s17;
	_ =	swait.ge @!p0 [sflag:s13], $0x1000  }
0xbd: {  	s26 =	sshra.s32 s12, $0x2;
	s12 =	sand.u32 $0xF00, s24;
	[sflag:s13] =	ssyncset.done @!p0 $0x0  }
0xbe: {  	s24 =	sadd.s32 s26, s11;
	[sflag:s13] =	ssyncadd.s32 @!p0 $0xFFFFF000;
	s13 =	sor.u32 $0x80, s12  }
0xbf: {  	[spmem:s2] =	stream.indirect.scatter.add.f32 [tilespmem:s24], [sflag:$0x3], $0x80, s13, s31, $0xb8;
	v63 =	vld [tilespmem:$0x0]  }
0xc0: {  	p1 =	sge.u32 s17, s6;
	s23 =	sshrl.u32 s23, $0x3;
	s24 =	sadd.s32 $0x9, s17  }
0xc1: {  	s23 =	smul.u32 $0xFFFD4000, s23;
	s26 =	simm.s32 @!p1 $0x1;
	s17 =	sadd.s32 $0xFFFFFFF1, s24  }
0xc2: {  	p2 =	sne.s32 s17, s6;
	_ =	swait.ge @!p1 [sflag:s26], $0x20  }
0xc3: {  	s11 =	sadd.s32 $0x1000, s11;
	s23 =	sshra.s32 s23, $0x2;
	[sflag:s26] =	ssyncset.done @!p1 $0x0  }
0xc4: {  	s29 =	simm.s32 @!p1 $0x20;
	s28 =	sadd.s32 s23, s14;
	[sflag:s26] =	ssyncadd.s32 @!p1 $0xFFFFFFE0  }
.Ltmp1:
0xc5: {  	s9 =	sand.u32 @!p1 $0xF00, s22;
	_ =	swait.ge @!p1 [sflag:s26], $0x20;
	(pc) =	sbr.rel @p2 .LBB2_2-.Ltmp1, $4  }
0xc6: {  	s10 =	sadd.s32 $0x1, s10;
	p0 =	sge.u32 s24, s6;
	[sflag:s26] =	ssyncset.done @!p1 $0x0  }
0xc7: {  	s14 =	sadd.s32 $0x1000, s14;
	s23 =	simm.s32 @!p0 $0x0;
	[sflag:s26] =	ssyncadd.s32 @!p1 $0xFFFFFFE0  }
0xc8: {  	[tilespmem:s28], [sflag:$0x2] =	stream.indirect.gather @!p1 [hbm4b:s4+s29], $0x80, s9, s29, $0xb8;
	v63 =	vld [tilespmem:$0x0]  }
0xc9: {  	s15 =	sadd.s32 $0x4, s15;
	s16 =	sadd.s32 $0x4, s16;
	s22 =	sadd.s32 $0x100, s22  }
.LBB2_3:
0xca: {  	[tilespmem:s12], [sflag:$0x1] =	stream.linear.gather @!p0 [hbm4b:s25+s23], $0x20, $0x38;
	v63 =	vld [tilespmem:$0x0]  }
0xcb: {  	_ = 	snop  }
0xcc: {  	[tilespmem:s13], [sflag:$0x1] =	stream.linear.gather @!p0 [hbm4b:s21+s23], $0x20, $0x38;
	v63 =	vld [tilespmem:$0x0]  }
0xcd: {  	_ =	swait.ge [sflag:s1], $0x1000  }
0xce: {  	[sflag:s1] =	ssyncset.done $0x0  }
0xcf: {  	[sflag:s1] =	ssyncadd.s32 $0xFFFFF000  }
0xd0: {  	_ =	swait.ge [sflag:s1], $0x1000  }
0xd1: {  	[sflag:s1] =	ssyncset.done $0x0  }
0xd2: {  	[sflag:s1] =	ssyncadd.s32 $0xFFFFF000  }
0xd3: {  	_ =	swait.ge [sflag:s1], $0x1000  }
0xd4: {  	[sflag:s1] =	ssyncset.done $0x0  }
0xd5: {  	[sflag:s1] =	ssyncadd.s32 $0xFFFFF000  }
0xd6: {  	_ =	swait.ge [sflag:s1], $0x1000  }
0xd7: {  	[sflag:s1] =	ssyncset.done $0x0  }
0xd8: {  	[sflag:s1] =	ssyncadd.s32 $0xFFFFF000  }
0xd9: {  	[bflag:$0x0] =	sbarrier.arrive $0xFFFF  }
0xda: {  	s9 =	rddreg [dreg:$0x13]  }
0xdb: {  	[hbm:s9], [sflag:s8] =	dma.local [spmem:s7], $0x2800  }
0xdc: {  	_ =	swait.ge [sflag:s20], $0x2800  }
0xdd: {  	s5 =	sadd.s32 $0x1, s5;
	s29 =	rddreg [dreg:$0x14]  }
0xde: {  	p0 =	sne.s32 s5, s29  }
.Ltmp2:
0xdf: {  	_ = 	snop;
	(pc) =	sbr.rel @p0 .LBB2_1-.Ltmp2, $3  }
0xe0: {  	_ =	sdelay $0x1  }
0xe1: {  	[sflag:s20] =	ssyncset.done $0x0  }
0xe2: {  	[sflag:s20] =	ssyncadd.s32 $0xFFFFD800  }
0xe3: {  	_ =	sfence.sel $0x180000  }
0xe4: {  	[bflag:$0x0] =	sbarrier.arrive $0xFFFF  }
0xe5: {  	_ =	strace $0x9000004D  }
0xe6: {  	s0 =	stileid.u32;
	[bflag:$0x2] =	sbarrier.arrive $0xFFFF  }
0xe7: {  	p0 =	sne.s32 s0, $0x0;
	s0 =	rddreg [dreg:$0x3]  }
0xe8: {  	s0 =	sadd.s32 @!p0 $0x100000, s0  }
0xe9: {  	[sflag:s0] =	ssyncadd.tile.s32 @!p0 $0x1;
	_ =	shalt  }
.Lfunc_end2:
_tile_overlayer_lowered:
.L_overlay_start_2:
0xea: {  	(tag) =	ssettag $0x2  }
0xeb: {  	s0 =	rddreg [dreg:$0x0];
	s2 =	stileid.u32  }
0xec: {  	s1 =	rddreg [dreg:$0x1];
	p0 =	sne.s32 s2, $0x0  }
0xed: {  	s3 =	rddreg [dreg:$0x2];
	[bflag:$0x3] =	sbarrier.arrive $0xFFFF;
	s2 =	simm.s32 @!p0 $0x1C04  }
0xee: {  	[timem:s3], [sflag:s2] =	dma.local @!p0 [hbm:s0], s1  }
0xef: {  	s0 =	simm.s32 @!p0 $0x4  }
0xf0: {  	_ =	swait.ge @!p0 [sflag:s0], s1  }
0xf1: {  	s1 =	ssub.s32 @!p0 $0x0, s1;
	[sflag:s0] =	ssyncset.done @!p0 $0x0  }
0xf2: {  	[sflag:s0] =	ssyncadd.s32 @!p0 s1  }
0xf3: {  	[bflag:$0x3] =	sbarrier.arrive $0xFFFF  }
0xf4: {  	_ =	shalt  }

// kernel: kernel.9.cloned.1.call-start
scs
__scs_entry_jumppad:
0x0: {  	(pc) =	sbr.rel $0x88, $3  }
0x1: {  	(tag) =	ssettag $0x0;
	lr =	simm.s32 $0x1  }
0x2: {  	[smem:$0x3F99] =	sst lr;
	_ =	strace $0xD0000000  }
0x3: {  	_ = 	snop  }
0x4: {  	_ = 	snop  }
0x5: {  	_ = 	snop  }
0x6: {  	_ = 	snop  }
0x7: {  	_ = 	snop  }
__scs_overlays_trampoline_lowered:
0x8: {  	[smem:$0x3FA8] =	sst s0  }
0x9: {  	[smem:$0x3FA9] =	sst s1  }
0xa: {  	[smem:$0x3FAA] =	sst s2  }
0xb: {  	[smem:$0x3FAB] =	sst s3  }
0xc: {  	[smem:$0x3FAC] =	sst s4  }
0xd: {  	[smem:$0x3FAD] =	sst s5  }
0xe: {  	[smem:$0x3FAE] =	sst s6  }
0xf: {  	[smem:$0x3FAF] =	sst s7  }
0x10: {  	[smem:$0x3FB0] =	sst s8  }
0x11: {  	[smem:$0x3FB1] =	sst s9;
	s0 =	simm.s32 @!p0 $0x0  }
0x12: {  	s1 =	sld [smem:$0x3F97];
	s0 =	simm.s32 @p0 $0x1  }
0x13: {  	[smem:$0x3FB2] =	sst s0;
	s0 =	simm.s32 @!p1 $0x0  }
0x14: {  	s2 =	sld [smem:$0x3F96];
	s0 =	simm.s32 @p1 $0x1  }
0x15: {  	[smem:$0x3FB3] =	sst s0;
	s0 =	simm.s32 @!p2 $0x0  }
0x16: {  	s3 =	sld [smem:$0x3FDB];
	s0 =	simm.s32 @p2 $0x1  }
0x17: {  	s4 =	simm.s32 $0x1BF5;
	[smem:$0x3FB5] =	sst s0  }
0x18: {  	s0 =	sld [smem:$0x3F98];
	_ =	swait.ge [sflag:s4], $0x0  }
0x19: {  	s7 =	sld [smem:$0x3F99]  }
0x1a: {  	s8 =	sadd.s32 $0xFFFFE003, lr  }
0x1b: {  	s9 =	sadd.s32 $0xFFFFFEF7, lr;
	s5 =	simm.s32 $0xFFFFFFFF;
	p2 =	slt.u32 s8, $0xFFFFF086  }
0x1c: {  	p1 =	slt.u32 s9, $0xF7A;
	s5 =	simm.s32 @!p2 $0x0  }
0x1d: {  	s5 =	simm.s32 @p1 $0x1;
	p0 =	seq.s32 s7, s2  }
0x1e: {  	s7 =	smul.u32 @!p0 $0xF7A, s2;
	p2 =	seq.s32 @!p0 s5, $0x0  }
0x1f: {  	s9 =	smul.u32 $0xF7A, s1;
	s8 =	simm.s32 @!p0 $0x1BF5;
	p2 =	por !p2, p0  }
0x20: {  	[sflag:s8] =	ssyncset.s32 @!p0 $0xFFFFF086;
	s6 =	sadd.s32 @!p0 s3, s7;
	s7 =	simm.s32 @!p0 $0x108  }
0x21: {  	s3 =	sadd.s32 s3, s9;
	s6 =	sadd.s32 @!p0 $0x88, s6;
	s7 =	simm.s32 @p2 $0x1082  }
0x22: {  	[simem:s7], [sflag:s8] =	dma.local @!p0 [hbm:s6], $0xF7A  }
0x23: {  	s9 =	sor.u32 $0xD0000000, s2;
	s6 =	simm.s32 $0x108;
	_ =	swait.ge @!p0 [sflag:s8], $0x0  }
0x24: {  	s3 =	sadd.s32 $0x88, s3;
	s6 =	simm.s32 @!p1 $0x1082;
	[sflag:s4] =	ssyncset.s32 $0xFFFFF086  }
0x25: {  	[simem:s6], [sflag:s4] =	dma.local [hbm:s3], $0xF7A  }
0x26: {  	[smem:$0x3F99] =	sst s1;
	(tag) =	ssettag s2;
	_ =	strace s9  }
0x27: {  	s1 =	sld [smem:$0x3FA9]  }
0x28: {  	s2 =	sld [smem:$0x3FAA]  }
0x29: {  	s4 =	sld [smem:$0x3FAC]  }
0x2a: {  	p0 =	seq.s32 s5, $0x0;
	s5 =	sld [smem:$0x3FAD]  }
0x2b: {  	s6 =	sld [smem:$0x3FAE]  }
0x2c: {  	s7 =	sld [smem:$0x3FAF]  }
0x2d: {  	s3 =	simm.s32 $0x108;
	s8 =	sld [smem:$0x3FB0]  }
0x2e: {  	s3 =	simm.s32 @!p0 $0x1082;
	s9 =	sld [smem:$0x3FB1]  }
0x2f: {  	lr =	sadd.s32 s0, s3;
	s0 =	sld [smem:$0x3FA8]  }
0x30: {  	s3 =	sld [smem:$0x3FAB]  }
0x31: {  	[smem:$0x3FB4] =	sst s10  }
0x32: {  	s10 =	sld [smem:$0x3FB2];
	_ =	sdelay $0x3  }
0x33: {  	p0 =	seq.s32 s10, $0x1;
	s10 =	sld [smem:$0x3FB4];
	_ =	sdelay $0x3  }
0x34: {  	[smem:$0x3FB4] =	sst s10  }
0x35: {  	s10 =	sld [smem:$0x3FB3];
	_ =	sdelay $0x3  }
0x36: {  	p1 =	seq.s32 s10, $0x1;
	s10 =	sld [smem:$0x3FB4];
	_ =	sdelay $0x3  }
0x37: {  	[smem:$0x3FB4] =	sst s10  }
0x38: {  	s10 =	sld [smem:$0x3FB5]  }
0x39: {  	_ = 	snop;
	(pc) =	sbr.ind lr, $3  }
0x3a: {  	_ = 	snop  }
0x3b: {  	_ = 	snop  }
0x3c: {  	p2 =	seq.s32 s10, $0x1;
	s10 =	sld [smem:$0x3FB4]  }
0x3d: {  	_ =	shalt  }
0x3e: {  	_ =	shalt  }
0x3f: {  	_ =	shalt  }
0x40: {  	_ =	shalt  }
0x41: {  	_ =	shalt  }
0x42: {  	_ =	shalt  }
0x43: {  	_ =	shalt  }
0x44: {  	_ =	shalt  }
0x45: {  	_ =	shalt  }
0x46: {  	_ =	shalt  }
0x47: {  	_ =	shalt  }
0x48: {  	_ =	shalt  }
0x49: {  	_ =	shalt  }
0x4a: {  	_ =	shalt  }
0x4b: {  	_ =	shalt  }
0x4c: {  	_ =	shalt  }
0x4d: {  	_ =	shalt  }
0x4e: {  	_ =	shalt  }
0x4f: {  	_ =	shalt  }
0x50: {  	_ =	shalt  }
0x51: {  	_ =	shalt  }
0x52: {  	_ =	shalt  }
0x53: {  	_ =	shalt  }
0x54: {  	_ =	shalt  }
0x55: {  	_ =	shalt  }
0x56: {  	_ =	shalt  }
0x57: {  	_ =	shalt  }
0x58: {  	_ =	shalt  }
0x59: {  	_ =	shalt  }
0x5a: {  	_ =	shalt  }
0x5b: {  	_ =	shalt  }
0x5c: {  	_ =	shalt  }
0x5d: {  	_ =	shalt  }
0x5e: {  	_ =	shalt  }
0x5f: {  	_ =	shalt  }
0x60: {  	_ =	shalt  }
0x61: {  	_ =	shalt  }
0x62: {  	_ =	shalt  }
0x63: {  	_ =	shalt  }
0x64: {  	_ =	shalt  }
0x65: {  	_ =	shalt  }
0x66: {  	_ =	shalt  }
0x67: {  	_ =	shalt  }
0x68: {  	_ =	shalt  }
0x69: {  	_ =	shalt  }
0x6a: {  	_ =	shalt  }
0x6b: {  	_ =	shalt  }
0x6c: {  	_ =	shalt  }
0x6d: {  	_ =	shalt  }
0x6e: {  	_ =	shalt  }
0x6f: {  	_ =	shalt  }
0x70: {  	_ =	shalt  }
0x71: {  	_ =	shalt  }
0x72: {  	_ =	shalt  }
0x73: {  	_ =	shalt  }
0x74: {  	_ =	shalt  }
0x75: {  	_ =	shalt  }
0x76: {  	_ =	shalt  }
0x77: {  	_ =	shalt  }
0x78: {  	_ =	shalt  }
0x79: {  	_ =	shalt  }
0x7a: {  	_ =	shalt  }
0x7b: {  	_ =	shalt  }
0x7c: {  	_ =	shalt  }
0x7d: {  	_ =	shalt  }
0x7e: {  	_ =	shalt  }
0x7f: {  	_ =	shalt  }
0x80: {  	_ =	shalt  }
0x81: {  	_ =	shalt  }
0x82: {  	_ =	shalt  }
0x83: {  	_ =	shalt  }
0x84: {  	_ =	shalt  }
0x85: {  	_ =	shalt  }
0x86: {  	_ =	shalt  }
0x87: {  	_ =	shalt  }
.Lfunc_end0:
.L_simem_size_0:
called_computation_lowered:
.L_overlay_start_0:
0x88: {  	s2 =	sld [smem:$0x3FD9]  }
0x89: {  	s3 =	sld [smem:$0x3FFE];
	_ =	sdelay $0x1  }
0x8a: {  	s1 =	srdreg.scid  }
0x8b: {  	s0 =	sand.u32 $0x1, s1  }
0x8c: {  	s17 =	sshll.u32 s0, $0xA;
	s2 =	sadd.s32 s3, s2  }
0x8d: {  	s2 =	sadd.s32 s2, s17  }
0x8e: {  	[smem:$0x3FC0] =	sst s2  }
0x8f: {  	_ = 	snop  }
0x90: {  	s2 =	sld [smem:$0x3FD0];
	(tm) =	ssettm $0x1  }
0x91: {  	s18 =	sld [smem:$0x3FFB];
	_ =	sdelay $0x3  }
0x92: {  	_ =	strace s18  }
0x93: {  	s3 =	sld [smem:$0x3FFC];
	_ =	sdelay $0x3  }
0x94: {  	_ =	strace s3  }
0x95: {  	s3 =	sld [smem:$0x3FFD];
	_ =	sdelay $0x3  }
0x96: {  	_ =	strace s3  }
0x97: {  	_ =	strace $0x8FFFFFFF  }
0x98: {  	s19 =	sld [smem:$0x3FDB];
	_ =	sdelay $0x1  }
0x99: {  	s4 =	simm.s32 $_scs_section_size  }
0x9a: {  	s5 =	simm.s32 $_size__tile_overlayer_lowered;
	s6 =	simm.s32 $_tile_overlayer_lowered  }
0x9b: {  	s22 =	simm.s32 $0x1BFF;
	s21 =	sshll.u32 s6, $0x1;
	s3 =	sadd.s32 s4, s19  }
0x9c: {  	s7 =	simm.s32 $0x0;
	s20 =	sshll.u32 s5, $0x1;
	s5 =	sadd.s32 s21, s3  }
0x9d: {  	[timem:s7], [sflag:s22] =	dma.local [hbm:s5], s20  }
0x9e: {  	_ =	swait.ge [sflag:s22], s20  }
0x9f: {  	s4 =	ssub.s32 $0x0, s20;
	[sflag:s22] =	ssyncset.done $0x0  }
0xa0: {  	[sflag:s22] =	ssyncadd.s32 s4;
	_ =	sdelay $0x1  }
0xa1: {  	s23 =	simm.s32 $0x1B8B  }
0xa2: {  	_ =	swait.ge [sflag:s23], $0x1  }
0xa3: {  	[sflag:s23] =	ssyncset.done $0x0  }
0xa4: {  	s25 =	simm.s32 $0x1B8E;
	s24 =	sld [smem:$0x3FFE];
	[sflag:s23] =	ssyncadd.s32 $0xFFFFFFFF  }
0xa5: {  	s26 =	simm.s32 $execute0_lowered;
	[smem:$0x3FD2] =	sst s25  }
0xa6: {  	s5 =	sshll.u32 s26, $0x1;
	_ =	strace $0x80000046;
	[dreg:$0x1] =	wrdreg $0xFFFFFFFF  }
0xa7: {  	s28 =	simm.s32 $_size_execute0_lowered;
	s3 =	sadd.s32 s3, s5;
	[dreg:$0x0] =	wrdreg $0x0  }
0xa8: {  	s5 =	sshll.u32 s28, $0x1;
	[dreg:$0x2] =	wrdreg s3  }
0xa9: {  	[dreg:$0x3] =	wrdreg s5  }
0xaa: {  	[dreg:$0x4] =	wrdreg $0xC0  }
0xab: {  	_ =	task [dreg:s7], $0x5FFFF  }
0xac: {  	[dreg:$0x1] =	wrdreg $0xFFFFFFFF  }
0xad: {  	[dreg:$0x0] =	wrdreg $0x60  }
0xae: {  	[dreg:$0x2] =	wrdreg s2  }
0xaf: {  	[dreg:$0x3] =	wrdreg s24  }
0xb0: {  	[dreg:$0x4] =	wrdreg $0x9  }
0xb1: {  	_ =	task.clear_ibuf [dreg:s7], $0x5FFFF;
	_ =	strace $0x90000046  }
0xb2: {  	s29 =	simm.s32 $0x9;
	_ =	strace $0x80000048  }
0xb3: {  	_ =	swait.ge [sflag:s29], $0x1  }
0xb4: {  	[sflag:s29] =	ssyncadd.s32 $0xFFFFFFFF  }
0xb5: {  	_ =	strace $0x90000048  }
0xb6: {  	_ =	sfence  }
0xb7: {  	s30 =	sld [smem:$0x0];
	_ =	sdelay $0x2  }
0xb8: {  	s31 =	sshll.u32 s1, $0xD;
	s1 =	sshrl.u32 s1, $0x2  }
0xb9: {  	s3 =	sand.u32 $0x4000, s31;
	s1 =	sadd.s32 s1, s30  }
0xba: {  	s0 =	sor.u32 s3, s0;
	s1 =	sshll.u32 s1, $0x11  }
0xbb: {  	s0 =	sor.u32 s1, s0  }
0xbc: {  	s0 =	sadd.s32 $0x8F2B, s0  }
0xbd: {  	[sflag:s0] =	ssyncadd.remote.s32 $0x1  }
0xbe: {  	_ =	sfence.sel $0xFFFF  }
0xbf: {  	[dreg:$0x0] =	wrdreg $0xFFFFFFFF;
	(pc) =	sbr.abs _section_cstart, $3  }
0xc0: {  	[dreg:$0x1] =	wrdreg $0xFFFFFFFF  }
0xc1: {  	_ =	task.clear_ibuf [dreg:s7], $0x2FFFF;
	_ =	strace $0x9FFFFFFF  }
0xc2: {  	(tm) =	ssettm $0x7FFFFFFF  }
0xc3: {  	_ =	shalt  }
tec
execute0_lowered:
.L_overlay_start_1:
0x0: {  	(tag) =	ssettag $0x1  }
0x1: {  	s3 =	rddreg [dreg:$0x0];
	s1 =	srdreg.scid  }
0x2: {  	s0 =	stileid.u32;
	s4 =	rddreg [dreg:$0x1];
	s9 =	simm.s32 $0x400  }
0x3: {  	s10 =	simm.s32 $0x0;
	s5 =	sand.u32 $0x1, s1;
	s2 =	sshll.u32 s0, $0x1  }
0x4: {  	s1 =	rddreg [dreg:$0x2];
	s7 =	sshrl.u32 s0, $0x2;
	s6 =	sor.u32 s5, s2  }
0x5: {  	s2 =	simm.s32 $0x0;
	s7 =	smul.u32 $0x14000, s7;
	s5 =	ssub.s32 $0x2, s5  }
0x6: {  	s8 =	sshll.u32 s6, $0x7;
	[smem:$0x7FF] =	sst s2;
	s6 =	smul.u32 $0x2710, s6  }
0x7: {  	s31 =	sshrl.u32 s5, $0x1;
	s8 =	sand.u32 $0x380, s8;
	_ =	strace $0x80000047  }
0x8: {  	s5 =	ssub.s32 s5, s31;
	s7 =	sor.u32 s7, s8;
	s6 =	sshrl.u32 s6, $0x3  }
0x9: {  	s5 =	smax.u32 s5, $0x1;
	s8 =	simm.s32 $0x80;
	s7 =	sshrl.u32 s7, $0x3  }
0xa: {  	s3 =	sadd.s32 s3, s6;
	s6 =	simm.s32 $0x1;
	s4 =	sadd.s32 s7, s4  }
0xb: {  	v0 =	vimm.f32 $0.0e+00;
	v1 =	vimm.f32 $1.000000000e+00;
	s3 =	sadd.s32 $0x9C40, s3;
	s7 =	simm.s32 $0x2780;
	s4 =	sadd.s32 $0x3000, s4  }
.LBB2_1:
0xc: {  	[tilespmem:s2], [sflag:$0x1] =	stream.linear.gather [hbm4b:s3+s2], $0x2710, $0x38;
	[tilespmem:$0x4F80] =	vst v63  }
0xd: {  	_ =	swait.ge [sflag:s6], $0x2710  }
0xe: {  	[sflag:s6] =	ssyncset.done $0x0  }
0xf: {  	s11 =	simm.s32 $0x0;
	[sflag:s6] =	ssyncadd.s32 $0xFFFFD8F0  }
.LBB2_2:
0x10: {  	p0 =	sne.s32 s11, $0x9FC0  }
.Ltmp0:
0x11: {  	_ = 	snop;
	(pc) =	sbr.rel @p0 .LBB2_2-.Ltmp0, $3  }
0x12: {  	_ =	sdelay $0x1  }
0x13: {  	s12 =	sshra.s32 s11, $0x2  }
0x14: {  	s11 =	sadd.s32 $0x40, s11;
	[tilespmem:s12+$0x2780] =	vst v0  }
0x15: {  	s12 =	simm.s32 $0x0;
	s11 =	simm.s32 $0x40  }
.LBB2_4:
0x16: {  	p0 =	sne.s32 s11, $0x9C00;
	v2 =	vld [tilespmem:s12+$0x0];
	_ =	sdelay $0x3  }
.Ltmp1:
0x17: {  	(pc) =	sbr.rel @p0 .LBB2_4-.Ltmp1, $2  }
0x18: {  	_ =	sdelay $0x2  }
0x19: {  	s12 =	sshra.s32 s11, $0x2;
	s11 =	sadd.s32 $0x40, s11;
	[tilespmem:v2+s7+$0x0] =	vst.idx.add.f32.msk $0xffff, v1  }
0x1a: {  	v2 =	vld [tilespmem:s12+$0x0];
	_ =	sdelay $0x5  }
0x1b: {  	s10 =	sadd.s32 $0x1, s10  }
0x1c: {  	p0 =	sne.s32 s10, s5  }
.Ltmp2:
0x1d: {  	[tilespmem:v2+s7+$0x0] =	vst.idx.add.f32.msk $0xffff, v1;
	(pc) =	sbr.rel @p0 .LBB2_1-.Ltmp2, $4  }
0x1e: {  	[hbm4b:s4+s8] =	stream.strided.scatter [tilespmem:s7], [sflag:$0x1], $0x2800, s9, s8, $0x38;
	[tilespmem:$0x4F80] =	vst v63  }
0x1f: {  	_ =	swait.ge [sflag:s6], $0x2800  }
0x20: {  	[sflag:s6] =	ssyncset.done $0x0  }
0x21: {  	[sflag:s6] =	ssyncadd.s32 $0xFFFFD800  }
0x22: {  	_ =	sfence.sel $0x180000  }
0x23: {  	[bflag:$0x0] =	sbarrier.arrive $0xFFFF  }
0x24: {  	p0 =	sne.s32 s0, $0x0;
	_ =	strace $0x90000047  }
0x25: {  	s0 =	sadd.s32 @!p0 $0x100000, s1;
	[bflag:$0x2] =	sbarrier.arrive $0xFFFF  }
0x26: {  	[sflag:s0] =	ssyncadd.tile.s32 @!p0 $0x1;
	_ =	shalt  }
.Lfunc_end2:
_tile_overlayer_lowered:
.L_overlay_start_2:
0x27: {  	(tag) =	ssettag $0x2  }
0x28: {  	s0 =	rddreg [dreg:$0x0];
	s2 =	stileid.u32  }
0x29: {  	s1 =	rddreg [dreg:$0x1];
	p0 =	sne.s32 s2, $0x0  }
0x2a: {  	s3 =	rddreg [dreg:$0x2];
	[bflag:$0x3] =	sbarrier.arrive $0xFFFF;
	s2 =	simm.s32 @!p0 $0x1C01  }
0x2b: {  	[timem:s3], [sflag:s2] =	dma.local @!p0 [hbm:s0], s1  }
0x2c: {  	s0 =	simm.s32 @!p0 $0x1  }
0x2d: {  	_ =	swait.ge @!p0 [sflag:s0], s1  }
0x2e: {  	s1 =	ssub.s32 @!p0 $0x0, s1;
	[sflag:s0] =	ssyncset.done @!p0 $0x0  }
0x2f: {  	[sflag:s0] =	ssyncadd.s32 @!p0 s1  }
0x30: {  	[bflag:$0x3] =	sbarrier.arrive $0xFFFF  }
0x31: {  	_ =	shalt  }

</sc_bundles>
